<compile_context>
chip_gen: v7x
topology: tpu7x:2x2x1
jax: 0.10.2.dev20260603
libtpu: 0.0.44.dev20260713+nightly
codegen_flags: <defaults>
</compile_context>

<pallas_src>
import functools

import jax
import jax.numpy as jnp
import numpy as np
from jax import lax
from jax.experimental import pallas as pl
from jax.experimental.pallas import tpu as pltpu
from jax.experimental.pallas import tpu_sc as plsc

N = 20000
C = 81
NCLS = C - 1
SCORE_THRESH = 0.05
NMS_THRESH = 0.5
DET_PER_IMG = 100
K = 200
IMG_W, IMG_H = 1333, 800
CLIP = float(np.log(1000.0 / 16.0))

NEG = np.float32(-3e38)
NCHUNK = N // 16


_B = 512
_GRID = (N + _B - 1) // _B


def _prep_body(lg_ref, rx_ref, ry_ref, rw_ref, rh_ref, prop_ref,
               probs_ref, x1_ref, y1_ref, x2_ref, y2_ref):
    lg = lg_ref[...]
    m = jnp.max(lg, axis=0, keepdims=True)
    e = jnp.exp(lg - m)
    s = jnp.sum(e, axis=0, keepdims=True)
    probs_ref[...] = (e / s)[1:, :]

    px1 = prop_ref[0:1, :]
    py1 = prop_ref[1:2, :]
    px2 = prop_ref[2:3, :]
    py2 = prop_ref[3:4, :]
    w = px2 - px1 + 1.0
    h = py2 - py1 + 1.0
    cx = px1 + 0.5 * w
    cy = py1 + 0.5 * h
    dx = rx_ref[...] / 10.0
    dy = ry_ref[...] / 10.0
    dw = jnp.minimum(rw_ref[...] / 5.0, CLIP)
    dh = jnp.minimum(rh_ref[...] / 5.0, CLIP)
    pcx = dx * w + cx
    pcy = dy * h + cy
    pw = jnp.exp(dw) * w
    ph = jnp.exp(dh) * h
    x1_ref[...] = jnp.clip(pcx - 0.5 * pw, 0.0, IMG_W - 1.0)
    y1_ref[...] = jnp.clip(pcy - 0.5 * ph, 0.0, IMG_H - 1.0)
    x2_ref[...] = jnp.clip(pcx + 0.5 * pw - 1.0, 0.0, IMG_W - 1.0)
    y2_ref[...] = jnp.clip(pcy + 0.5 * ph - 1.0, 0.0, IMG_H - 1.0)


def _tc_prep(logits_t, rx, ry, rw, rh, prop_t):
    spec81 = pl.BlockSpec((C, _B), lambda i: (0, i))
    return pl.pallas_call(
        _prep_body,
        grid=(_GRID,),
        in_specs=[spec81, spec81, spec81, spec81, spec81,
                  pl.BlockSpec((4, _B), lambda i: (0, i))],
        out_specs=[pl.BlockSpec((C - 1, _B), lambda i: (0, i)),
                   spec81, spec81, spec81, spec81],
        out_shape=[jax.ShapeDtypeStruct((C - 1, N), jnp.float32)] +
                  [jax.ShapeDtypeStruct((C, N), jnp.float32)] * 4,
    )(logits_t, rx, ry, rw, rh, prop_t)



def _iota16():
    return lax.broadcasted_iota(jnp.int32, (16,), 0)


def _splat_f(x):
    return jnp.broadcast_to(jnp.float32(x), (16,))


def _splat_i(x):
    return jnp.broadcast_to(jnp.int32(x), (16,))


def _lane0():
    return _iota16() == 0


def _count(mask):
    return jnp.sum(mask.astype(jnp.int32))


def _cstore2(ref_a, x_a, ref_b, x_b, base, mask):
    off_a = base + plsc.cumsum(mask.astype(jnp.int32)) - 1
    plsc.store_scatter(ref_a, [off_a], x_a, mask=mask)
    off_b = base + plsc.cumsum(mask.astype(jnp.int32)) - 1
    plsc.store_scatter(ref_b, [off_b], x_b, mask=mask)
    return _count(mask)


def _store1(ref, pos, val):
    cur = ref[pl.ds(pos, 16)]
    ref[pl.ds(pos, 16)] = jnp.where(_lane0(), jnp.broadcast_to(val, (16,)), cur)


def _bisect_bits(val_ref, n, rank):
    iota = _iota16()
    nv = (n + 15) >> 4

    def count_ge(cand):
        def body(kk, acc):
            v = val_ref[pl.ds(kk * 16, 16)]
            bits = plsc.bitcast(v, jnp.int32)
            m = (bits >= cand) & ((kk * 16 + iota) < n)
            return acc + _count(m)
        return lax.fori_loop(0, nv, body, jnp.int32(0))

    def bit_body(b, t):
        cand = t | jnp.left_shift(jnp.int32(1), 30 - b)
        cnt = count_ge(cand)
        return jnp.where(cnt >= rank, cand, t)

    return lax.fori_loop(0, 31, bit_body, jnp.int32(0))



def _sc_classes_body(probs_hbm, x1_hbm, y1_hbm, x2_hbm, y2_hbm,
                     scores_hbm, boxes_hbm,
                     probs_v, surv_val, surv_idx, nonsurv_idx,
                     sel_val, sel_idx, cand_idx, cand_score,
                     bx1, by1, bx2, by2, area, alive, score_out,
                     box4, idx2, sem):
    iota = _iota16()
    wid = lax.axis_index("s") * 2 + lax.axis_index("c")
    start = jnp.where(wid < 16, 3 * wid, 2 * wid + 16)
    cnt_cls = jnp.where(wid < 16, 3, 2)

    def per_class(jj, _):
        j = start + jj
        a = j + 1
        pltpu.sync_copy(probs_hbm.at[pl.ds(j * N, N)], probs_v.at[pl.ds(0, N)])

        def comp_body(kk, ptr):
            v = probs_v[pl.ds(kk * 16, 16)]
            m = v > SCORE_THRESH
            return ptr + _cstore2(surv_val, v, surv_idx, kk * 16 + iota, ptr, m)
        n05 = lax.fori_loop(0, NCHUNK, comp_body, jnp.int32(0))

        t_bits = lax.cond(n05 > K,
                          lambda: _bisect_bits(surv_val, n05, K),
                          lambda: jnp.int32(0))

        def init_body(kk, _):
            sel_val[pl.ds(kk * 16, 16)] = _splat_f(NEG)
            return 0
        lax.fori_loop(0, 15, init_body, 0)

        def initc_body(kk, _):
            cand_idx[pl.ds(kk * 16, 16)] = _splat_i(0)
            cand_score[pl.ds(kk * 16, 16)] = _splat_f(-1.0)
            return 0
        lax.fori_loop(0, 14, initc_body, 0)

        nv = (n05 + 15) >> 4

        def sel_body(kk, ptr):
            v = surv_val[pl.ds(kk * 16, 16)]
            bits = plsc.bitcast(v, jnp.int32)
            m = (bits >= t_bits) & ((kk * 16 + iota) < n05)
            w = jnp.minimum(ptr, 208)
            return ptr + _cstore2(sel_val, v, sel_idx,
                                  surv_idx[pl.ds(kk * 16, 16)], w, m)
        sptr = lax.fori_loop(0, nv, sel_body, jnp.int32(0))
        sel_n = jnp.minimum(sptr, K)

        def rank_body(r, _):
            @pl.when(r < sel_n)
            def _():
                def maxb(kk, m):
                    return jnp.maximum(m, jnp.max(sel_val[pl.ds(kk * 16, 16)]))
                mx = lax.fori_loop(0, 15, maxb, jnp.float32(NEG))

                def posb(kk, pm):
                    v = sel_val[pl.ds(kk * 16, 16)]
                    pos = jnp.where(v == mx, kk * 16 + iota, 240)
                    return jnp.minimum(pm, jnp.min(pos))
                p = lax.fori_loop(0, 15, posb, jnp.int32(240))

                idx_p = sel_idx[pl.ds(p, 16)][0]
                _store1(cand_score, r, mx)
                _store1(cand_idx, r, idx_p)
                _store1(sel_val, p, jnp.float32(NEG))
            return 0
        lax.fori_loop(0, K, rank_body, 0)

        @pl.when(sel_n < K)
        def _():
            def nons_body(kk, ptr):
                v = probs_v[pl.ds(kk * 16, 16)]
                m = ~(v > SCORE_THRESH)
                w = jnp.minimum(ptr, 208)
                off = plsc.cumsum(m.astype(jnp.int32)) - 1
                plsc.store_scatter(nonsurv_idx, [w + off],
                                   kk * 16 + iota, mask=m)
                return ptr + _count(m)
            lax.fori_loop(0, NCHUNK, nons_body, jnp.int32(0))

            def fill_body(t, _):
                g = t * 16 + iota
                m_fill = (g >= sel_n) & (g < K)
                fpos = jnp.clip(g - sel_n, 0, 223)
                vals = plsc.load_gather(nonsurv_idx, [fpos], mask=m_fill)
                plsc.store_scatter(cand_idx, [g], vals, mask=m_fill)
                return 0
            lax.fori_loop(0, 13, fill_body, 0)

        def hidx_body(t, _):
            g = t * 16 + iota
            ci = cand_idx[pl.ds(t * 16, 16)]
            plsc.store_scatter(idx2, [g // 112, g % 112], a * N + ci)
            return 0
        lax.fori_loop(0, 14, hidx_body, 0)

        copies = []
        for part in range(2):
            dst = pl.ds(part * 112, 112)
            copies.append(pltpu.async_copy(x1_hbm.at[idx2.at[part]], bx1.at[dst], sem))
            copies.append(pltpu.async_copy(y1_hbm.at[idx2.at[part]], by1.at[dst], sem))
            copies.append(pltpu.async_copy(x2_hbm.at[idx2.at[part]], bx2.at[dst], sem))
            copies.append(pltpu.async_copy(y2_hbm.at[idx2.at[part]], by2.at[dst], sem))
        for cp in copies:
            cp.wait()

        def area_body(t, _):
            d = pl.ds(t * 16, 16)
            area[d] = (bx2[d] - bx1[d] + 1.0) * (by2[d] - by1[d] + 1.0)
            alive[d] = (cand_score[d] > SCORE_THRESH).astype(jnp.int32)
            return 0
        lax.fori_loop(0, 14, area_body, 0)

        def nms_body(i, _):
            @pl.when(alive[pl.ds(i, 16)][0] != 0)
            def _():
                x1i = bx1[pl.ds(i, 16)][0]
                y1i = by1[pl.ds(i, 16)][0]
                x2i = bx2[pl.ds(i, 16)][0]
                y2i = by2[pl.ds(i, 16)][0]
                ai = area[pl.ds(i, 16)][0]

                def row_body(t, _):
                    d = pl.ds(t * 16, 16)
                    xx1 = jnp.maximum(x1i, bx1[d])
                    yy1 = jnp.maximum(y1i, by1[d])
                    xx2 = jnp.minimum(x2i, bx2[d])
                    yy2 = jnp.minimum(y2i, by2[d])
                    ww = jnp.maximum(xx2 - xx1 + 1.0, 0.0)
                    hh = jnp.maximum(yy2 - yy1 + 1.0, 0.0)
                    inter = ww * hh
                    iou = inter / (ai + area[d] - inter)
                    sup = (iou > NMS_THRESH) & ((t * 16 + iota) > i)
                    alive[d] = jnp.where(sup, 0, alive[d])
                    return 0
                lax.fori_loop(0, 14, row_body, 0)
            return 0
        lax.fori_loop(0, K, nms_body, 0)

        def out_body(t, _):
            d = pl.ds(t * 16, 16)
            g = t * 16 + iota
            score_out[d] = jnp.where(alive[d] != 0, cand_score[d], -1.0)
            plsc.store_scatter(box4, [g, _splat_i(0)], bx1[d])
            plsc.store_scatter(box4, [g, _splat_i(1)], by1[d])
            plsc.store_scatter(box4, [g, _splat_i(2)], bx2[d])
            plsc.store_scatter(box4, [g, _splat_i(3)], by2[d])
            return 0
        lax.fori_loop(0, 14, out_body, 0)

        pltpu.sync_copy(score_out.at[pl.ds(0, K)], scores_hbm.at[pl.ds(j * K, K)])
        pltpu.sync_copy(box4.at[pl.ds(0, K)], boxes_hbm.at[pl.ds(j * K, K)])
        return 0

    lax.fori_loop(0, cnt_cls, per_class, 0)


def _sc_classes(probs_flat, x1f, y1f, x2f, y2f):
    mesh = plsc.VectorSubcoreMesh(core_axis_name="c", subcore_axis_name="s")
    f32 = jnp.float32
    i32 = jnp.int32
    return pl.kernel(
        _sc_classes_body,
        out_type=[jax.ShapeDtypeStruct((NCLS * K,), f32),
                  jax.ShapeDtypeStruct((NCLS * K, 4), f32)],
        mesh=mesh,
        compiler_params=pltpu.CompilerParams(needs_layout_passes=False, use_tc_tiling_on_sc=False),
        scratch_types=[
            pltpu.VMEM((20016,), f32),
            pltpu.VMEM((20016,), f32),
            pltpu.VMEM((20016,), i32),
            pltpu.VMEM((240,), i32),
            pltpu.VMEM((240,), f32),
            pltpu.VMEM((240,), i32),
            pltpu.VMEM((224,), i32),
            pltpu.VMEM((224,), f32),
            pltpu.VMEM((224,), f32),
            pltpu.VMEM((224,), f32),
            pltpu.VMEM((224,), f32),
            pltpu.VMEM((224,), f32),
            pltpu.VMEM((224,), f32),
            pltpu.VMEM((224,), i32),
            pltpu.VMEM((224,), f32),
            pltpu.VMEM((224, 4), f32),
            pltpu.VMEM((2, 112), i32),
            pltpu.SemaphoreType.DMA,
        ],
    )(probs_flat, x1f, y1f, x2f, y2f)


def _tc_bounce(x):
    def body(x_ref, o_ref):
        o_ref[...] = x_ref[...]
    return pl.pallas_call(
        body,
        out_shape=jax.ShapeDtypeStruct((NCLS * K,), jnp.float32),
    )(x)



def _sc_final_body(scores_hbm, boxes1d_hbm, dets_hbm, labels_hbm,
                   sc_v, surv_val, surv_idx, nonsurv_idx,
                   sel_val, sel_idx, fidx, fscore,
                   box_cols, idx4, dets_v, lab_v, sem):
    iota = _iota16()
    wid = lax.axis_index("s") * 2 + lax.axis_index("c")
    total = NCLS * K
    nch = total // 16

    @pl.when(wid == 0)
    def _():
        pltpu.sync_copy(scores_hbm, sc_v.at[pl.ds(0, total)])

        def comp_body(kk, ptr):
            v = sc_v[pl.ds(kk * 16, 16)]
            m = v > 0.0
            return ptr + _cstore2(surv_val, v, surv_idx, kk * 16 + iota, ptr, m)
        pcnt = lax.fori_loop(0, nch, comp_body, jnp.int32(0))

        t_bits = lax.cond(pcnt > DET_PER_IMG,
                          lambda: _bisect_bits(surv_val, pcnt, DET_PER_IMG),
                          lambda: jnp.int32(0))

        def init_body(kk, _):
            sel_val[pl.ds(kk * 16, 16)] = _splat_f(NEG)
            return 0
        lax.fori_loop(0, 8, init_body, 0)

        def initf_body(kk, _):
            fidx[pl.ds(kk * 16, 16)] = _splat_i(0)
            fscore[pl.ds(kk * 16, 16)] = _splat_f(-1.0)
            return 0
        lax.fori_loop(0, 7, initf_body, 0)

        nv = (pcnt + 15) >> 4

        def sel_body(kk, ptr):
            v = surv_val[pl.ds(kk * 16, 16)]
            bits = plsc.bitcast(v, jnp.int32)
            m = (bits >= t_bits) & ((kk * 16 + iota) < pcnt)
            w = jnp.minimum(ptr, 112)
            return ptr + _cstore2(sel_val, v, sel_idx,
                                  surv_idx[pl.ds(kk * 16, 16)], w, m)
        sptr = lax.fori_loop(0, nv, sel_body, jnp.int32(0))
        sel_n = jnp.minimum(sptr, DET_PER_IMG)

        def rank_body(r, _):
            @pl.when(r < sel_n)
            def _():
                def maxb(kk, m):
                    return jnp.maximum(m, jnp.max(sel_val[pl.ds(kk * 16, 16)]))
                mx = lax.fori_loop(0, 8, maxb, jnp.float32(NEG))

                def posb(kk, pm):
                    v = sel_val[pl.ds(kk * 16, 16)]
                    pos = jnp.where(v == mx, kk * 16 + iota, 128)
                    return jnp.minimum(pm, jnp.min(pos))
                p = lax.fori_loop(0, 8, posb, jnp.int32(128))

                idx_p = sel_idx[pl.ds(p, 16)][0]
                _store1(fscore, r, mx)
                _store1(fidx, r, idx_p)
                _store1(sel_val, p, jnp.float32(NEG))
            return 0
        lax.fori_loop(0, DET_PER_IMG, rank_body, 0)

        @pl.when(sel_n < DET_PER_IMG)
        def _():
            def nons_body(kk, ptr):
                v = sc_v[pl.ds(kk * 16, 16)]
                m = ~(v > 0.0)
                w = jnp.minimum(ptr, 112)
                off = plsc.cumsum(m.astype(jnp.int32)) - 1
                plsc.store_scatter(nonsurv_idx, [w + off],
                                   kk * 16 + iota, mask=m)
                return ptr + _count(m)
            lax.fori_loop(0, nch, nons_body, jnp.int32(0))

            def fill_body(t, _):
                g = t * 16 + iota
                m_fill = (g >= sel_n) & (g < DET_PER_IMG)
                fpos = jnp.clip(g - sel_n, 0, 127)
                vals = plsc.load_gather(nonsurv_idx, [fpos], mask=m_fill)
                plsc.store_scatter(fidx, [g], vals, mask=m_fill)
                return 0
            lax.fori_loop(0, 7, fill_body, 0)

        def lab_body(t, _):
            d = pl.ds(t * 16, 16)
            g = t * 16 + iota
            fi = fidx[d]
            lab_v[d] = fi // K + 1
            for col in range(4):
                plsc.store_scatter(idx4, [_splat_i(col), g], fi * 4 + col)
            return 0
        lax.fori_loop(0, 7, lab_body, 0)

        copies = [pltpu.async_copy(boxes1d_hbm.at[idx4.at[col]],
                                   box_cols.at[col], sem)
                  for col in range(4)]
        for cp in copies:
            cp.wait()

        def det_body(t, _):
            g = t * 16 + iota
            for col in range(4):
                v = box_cols[col, pl.ds(t * 16, 16)]
                plsc.store_scatter(dets_v, [g, _splat_i(col)], v)
            plsc.store_scatter(dets_v, [g, _splat_i(4)], fscore[pl.ds(t * 16, 16)])
            return 0
        lax.fori_loop(0, 7, det_body, 0)

        pltpu.sync_copy(dets_v.at[pl.ds(0, DET_PER_IMG)], dets_hbm)
        pltpu.sync_copy(lab_v.at[pl.ds(0, DET_PER_IMG)], labels_hbm)


def _sc_final(scores_flat, boxes_flat):
    mesh = plsc.VectorSubcoreMesh(core_axis_name="c", subcore_axis_name="s")
    f32 = jnp.float32
    i32 = jnp.int32
    return pl.kernel(
        _sc_final_body,
        out_type=[jax.ShapeDtypeStruct((DET_PER_IMG, 5), f32),
                  jax.ShapeDtypeStruct((DET_PER_IMG,), i32)],
        mesh=mesh,
        compiler_params=pltpu.CompilerParams(needs_layout_passes=False, use_tc_tiling_on_sc=False),
        scratch_types=[
            pltpu.VMEM((16000,), f32),
            pltpu.VMEM((16016,), f32),
            pltpu.VMEM((16016,), i32),
            pltpu.VMEM((128,), i32),
            pltpu.VMEM((144,), f32),
            pltpu.VMEM((144,), i32),
            pltpu.VMEM((128,), i32),
            pltpu.VMEM((128,), f32),
            pltpu.VMEM((4, 112), f32),
            pltpu.VMEM((4, 112), i32),
            pltpu.VMEM((112, 5), f32),
            pltpu.VMEM((112,), i32),
            pltpu.SemaphoreType.DMA,
        ],
    )(scores_flat, boxes_flat)



def kernel(class_logits, box_regression, proposals):
    logits_t = class_logits.T
    reg = box_regression.reshape(N, C, 4)
    rx = reg[:, :, 0].T
    ry = reg[:, :, 1].T
    rw = reg[:, :, 2].T
    rh = reg[:, :, 3].T
    prop_t = proposals.T

    probs_t, x1_t, y1_t, x2_t, y2_t = _tc_prep(logits_t, rx, ry, rw, rh, prop_t)

    scores_flat, boxes_flat = _sc_classes(
        probs_t.reshape(-1), x1_t.reshape(-1), y1_t.reshape(-1),
        x2_t.reshape(-1), y2_t.reshape(-1))

    dets, labels = _sc_final(scores_flat, boxes_flat.reshape(-1))
    return dets, labels

# --- scband reference (transcript-rebuilt; emitter-appended) ---
"""Pipeline reference for scband-post-processor-28939489641231 (READ-ONLY COPY).

The authoritative reference and input builder live on the scoring server;
editing this copy changes nothing except your own understanding.
"""

import jax, jax.numpy as jnp
import numpy as np

N = 20000
C = 81
SCORE_THRESH = 0.05
NMS_THRESH = 0.5
DET_PER_IMG = 100
K = 200  # pre-NMS candidates per class
IMG_W, IMG_H = 1333, 800
CLIP = float(np.log(1000.0 / 16.0))
WX, WY, WW, WH = 10.0, 10.0, 5.0, 5.0


def setup_inputs(seed: int = 0):
    key = jax.random.key(seed)
    k1, k2, k3, k4 = jax.random.split(key, 4)
    class_logits = jax.random.normal(k1, (N, C), dtype=jnp.float32) * 2.0
    box_regression = jax.random.normal(k2, (N, 4 * C), dtype=jnp.float32) * 0.5
    xy = jax.random.uniform(k3, (N, 2), dtype=jnp.float32) * jnp.array([IMG_W * 0.8, IMG_H * 0.8], dtype=jnp.float32)
    wh = jax.random.uniform(k4, (N, 2), dtype=jnp.float32) * jnp.array([IMG_W * 0.2, IMG_H * 0.2], dtype=jnp.float32) + 4.0
    proposals = jnp.concatenate([xy, xy + wh], axis=1)
    return {"class_logits": class_logits, "box_regression": box_regression, "proposals": proposals}


def _decode(rel_codes, boxes):
    # maskrcnn_benchmark BoxCoder.decode with weights (10,10,5,5), TO_REMOVE=1
    widths = boxes[:, 2] - boxes[:, 0] + 1.0
    heights = boxes[:, 3] - boxes[:, 1] + 1.0
    ctr_x = boxes[:, 0] + 0.5 * widths
    ctr_y = boxes[:, 1] + 0.5 * heights
    dx = rel_codes[:, 0::4] / WX
    dy = rel_codes[:, 1::4] / WY
    dw = jnp.minimum(rel_codes[:, 2::4] / WW, CLIP)
    dh = jnp.minimum(rel_codes[:, 3::4] / WH, CLIP)
    pred_ctr_x = dx * widths[:, None] + ctr_x[:, None]
    pred_ctr_y = dy * heights[:, None] + ctr_y[:, None]
    pred_w = jnp.exp(dw) * widths[:, None]
    pred_h = jnp.exp(dh) * heights[:, None]
    x1 = pred_ctr_x - 0.5 * pred_w
    y1 = pred_ctr_y - 0.5 * pred_h
    x2 = pred_ctr_x + 0.5 * pred_w - 1.0
    y2 = pred_ctr_y + 0.5 * pred_h - 1.0
    return jnp.stack([x1, y1, x2, y2], axis=2)  # [N, C, 4]


def _box_iou(b1, b2):
    area1 = (b1[:, 2] - b1[:, 0] + 1.0) * (b1[:, 3] - b1[:, 1] + 1.0)
    area2 = (b2[:, 2] - b2[:, 0] + 1.0) * (b2[:, 3] - b2[:, 1] + 1.0)
    lt = jnp.maximum(b1[:, None, :2], b2[None, :, :2])
    rb = jnp.minimum(b1[:, None, 2:], b2[None, :, 2:])
    wh = jnp.maximum(rb - lt + 1.0, 0.0)
    inter = wh[..., 0] * wh[..., 1]
    return inter / (area1[:, None] + area2[None, :] - inter)


def _nms_keep(boxes, valid):
    # greedy hard NMS on score-sorted candidates
    iou = _box_iou(boxes, boxes)
    idxs = jnp.arange(K)

    def body(i, keep):
        row = jax.lax.dynamic_slice_in_dim(iou, i, 1, axis=0)[0]
        alive_i = jax.lax.dynamic_slice_in_dim(keep, i, 1, axis=0)[0]
        sup = (row > NMS_THRESH) & alive_i & (idxs > i)
        return keep & (~sup)

    return jax.lax.fori_loop(0, K, body, valid)


def reference(class_logits, box_regression, proposals):
    prob = jax.nn.softmax(class_logits, axis=-1)
    boxes = _decode(box_regression, proposals)  # [N, C, 4]
    # clip_to_image (TO_REMOVE=1)
    x1 = jnp.clip(boxes[..., 0], 0.0, IMG_W - 1.0)
    y1 = jnp.clip(boxes[..., 1], 0.0, IMG_H - 1.0)
    x2 = jnp.clip(boxes[..., 2], 0.0, IMG_W - 1.0)
    y2 = jnp.clip(boxes[..., 3], 0.0, IMG_H - 1.0)
    boxes = jnp.stack([x1, y1, x2, y2], axis=-1)

    def per_class(scores_j, boxes_j):
        masked = jnp.where(scores_j > SCORE_THRESH, scores_j, -1.0)
        top_scores, idx = jax.lax.top_k(masked, K)
        top_boxes = jnp.take(boxes_j, idx, axis=0)
        valid = top_scores > SCORE_THRESH
        keep = _nms_keep(top_boxes, valid)
        out_scores = jnp.where(keep, top_scores, -1.0)
        return top_boxes, out_scores

    scores_t = jnp.transpose(prob[:, 1:])              # [C-1, N] (skip background, softmax mode)
    boxes_t = jnp.transpose(boxes[:, 1:, :], (1, 0, 2))  # [C-1, N, 4]
    cls_boxes, cls_scores = jax.vmap(per_class)(scores_t, boxes_t)

    all_scores = cls_scores.reshape(-1)
    all_boxes = cls_boxes.reshape(-1, 4)
    labels = jnp.repeat(jnp.arange(1, C, dtype=jnp.int64), K)

    final_scores, fidx = jax.lax.top_k(all_scores, DET_PER_IMG)
    final_boxes = jnp.take(all_boxes, fidx, axis=0)
    final_labels = jnp.take(labels, fidx, axis=0)
    dets = jnp.concatenate([final_boxes, final_scores[:, None]], axis=1)  # [100, 5]
    return dets, final_labels

if __name__ == "__main__":
    import jax
    _d = setup_inputs()
    print(jax.jit(kernel)(*tuple(_d.values())))

</pallas_src>

<mosaic_0001>
#map = affine_map<(d0, d1) -> (0)>
#map1 = affine_map<(d0, d1) -> (0, 0)>
module attributes {stable_mosaic.version = 14 : i64} {
  func.func @_sc_final_body(%arg0: i32, %arg1: i32, %arg2: memref<16000xf32, #tpu.memory_space<hbm>>, %arg3: memref<64000xf32, #tpu.memory_space<hbm>>, %arg4: memref<100x5xf32, #tpu.memory_space<hbm>>, %arg5: memref<100xi32, #tpu.memory_space<hbm>>, %arg6: memref<16000xf32, #tpu.memory_space<vmem>>, %arg7: memref<16016xf32, #tpu.memory_space<vmem>>, %arg8: memref<16016xi32, #tpu.memory_space<vmem>>, %arg9: memref<128xi32, #tpu.memory_space<vmem>>, %arg10: memref<144xf32, #tpu.memory_space<vmem>>, %arg11: memref<144xi32, #tpu.memory_space<vmem>>, %arg12: memref<128xi32, #tpu.memory_space<vmem>>, %arg13: memref<128xf32, #tpu.memory_space<vmem>>, %arg14: memref<4x112xf32, #tpu.memory_space<vmem>>, %arg15: memref<4x112xi32, #tpu.memory_space<vmem>>, %arg16: memref<112x5xf32, #tpu.memory_space<vmem>>, %arg17: memref<112xi32, #tpu.memory_space<vmem>>, %arg18: memref<!tpu.dma_semaphore, #tpu.memory_space<semaphore_mem>>) attributes {dimension_semantics = [#tpu.dimension_semantics<core_parallel>, #tpu.dimension_semantics<subcore_parallel>], iteration_bounds = array<i64: 2, 16>, scalar_prefetch = 0 : i64, scratch_operands = 13 : i64, tpu.core_type = #tpu.core_type<sc_vector_subcore>, window_params = [{transform_indices = #map}, {transform_indices = #map}, {transform_indices = #map1}, {transform_indices = #map}]} {
    %iota3A = tpu.iota {dimensions = array<i32: 0>} : vector<16xi32>
    %mul3A = arith.constant 2 : i32
    %mul3A_0 = arith.muli %arg1, %mul3A : i32
    %add3A = arith.addi %mul3A_0, %arg0 : i32
    %eq3A = arith.constant 0 : i32
    %eq3A_1 = arith.cmpi eq, %add3A, %eq3A : i32
    %convert_element_type3A = arith.extui %eq3A_1 : i1 to i32
    %cond3A = arith.constant 0 : i32
    %cond3A_2 = arith.cmpi ne, %convert_element_type3A, %cond3A : i32
    scf.if %cond3A_2 {
      "tpu.region"() ({
        %run_scoped3A = tpu.sem_alloc : memref<!tpu.dma_semaphore, #tpu.memory_space<semaphore_mem>>
        %dma_start3A_146 = arith.constant 0 : i32
        %dma_start3A_147 = tpu.memref_slice %arg6[%dma_start3A_146] : memref<16000xf32, #tpu.memory_space<vmem>> -> memref<16000xf32, #tpu.memory_space<vmem>>
        %dma_start3A_148 = arith.constant 0 : i32
        %dma_start3A_149 = tpu.memref_slice %arg6[%dma_start3A_148] : memref<16000xf32, #tpu.memory_space<vmem>> -> memref<16000xf32, #tpu.memory_space<vmem>>
        tpu.enqueue_dma source(%arg2 : memref<16000xf32, #tpu.memory_space<hbm>>) target(%dma_start3A_149 : memref<16000xf32, #tpu.memory_space<vmem>>) target_semaphore(%run_scoped3A : memref<!tpu.dma_semaphore, #tpu.memory_space<semaphore_mem>>)
        %dma_wait3A_150 = arith.constant 0 : i32
        %dma_wait3A_151 = tpu.memref_slice %arg6[%dma_wait3A_150] : memref<16000xf32, #tpu.memory_space<vmem>> -> memref<16000xf32, #tpu.memory_space<vmem>>
        %dma_wait3A_152 = arith.constant 0 : i32
        %dma_wait3A_153 = tpu.memref_slice %arg6[%dma_wait3A_152] : memref<16000xf32, #tpu.memory_space<vmem>> -> memref<16000xf32, #tpu.memory_space<vmem>>
        tpu.wait_dma2 semaphore(%run_scoped3A : memref<!tpu.dma_semaphore, #tpu.memory_space<semaphore_mem>>) src(%arg2 : memref<16000xf32, #tpu.memory_space<hbm>>) dst(%dma_wait3A_153 : memref<16000xf32, #tpu.memory_space<vmem>>)
        tpu.yield
      }) : () -> ()
      %scan3A = arith.constant 0 : i32
      %scan3A_3 = arith.constant 0 : i32
      %scan3A_4 = arith.constant 1000 : i32
      %scan3A_5 = arith.addi %scan3A_3, %scan3A_4 : i32
      %scan3A_6 = arith.constant 1 : i32
      %scan3A_7 = scf.for %scan3A_146 = %scan3A_3 to %scan3A_5 step %scan3A_6 iter_args(%scan3A_147 = %scan3A) -> (i32)  : i32 {
        %mul3A_148 = arith.constant 16 : i32
        %mul3A_149 = arith.muli %scan3A_146, %mul3A_148 : i32
        %get3A = arith.index_cast %mul3A_149 : i32 to index
        %get3A_150 = tpu.vector_load %arg6[%get3A] {strides = array<i32>} : memref<16000xf32, #tpu.memory_space<vmem>>, vector<16xf32>,
        %gt3A_151 = arith.constant 0.000000e+00 : f32
        %gt3A_152 = vector.broadcast %gt3A_151 : f32 to vector<16xf32>
        %gt3A_153 = arith.cmpf ogt, %get3A_150, %gt3A_152 : vector<16xf32>
        %mul3A_154 = arith.constant 16 : i32
        %mul3A_155 = arith.muli %scan3A_146, %mul3A_154 : i32
        %add3A_156 = vector.broadcast %mul3A_155 : i32 to vector<16xi32>
        %add3A_157 = arith.addi %add3A_156, %iota3A : vector<16xi32>
        %convert_element_type3A_158 = arith.extui %gt3A_153 : vector<16xi1> to vector<16xi32>
        %broadcast_in_dim3A = arith.constant true
        %broadcast_in_dim3A_159 = vector.broadcast %broadcast_in_dim3A : i1 to vector<16xi1>
        %masked_cumsum3A = tpu.scan <sum>, %convert_element_type3A_158 masked %broadcast_in_dim3A_159 : vector<16xi32>, vector<16xi1> -> vector<16xi32>
        %add3A_160 = vector.broadcast %scan3A_147 : i32 to vector<16xi32>
        %add3A_161 = arith.addi %add3A_160, %masked_cumsum3A : vector<16xi32>
        %sub3A = arith.constant 1 : i32
        %sub3A_162 = vector.broadcast %sub3A : i32 to vector<16xi32>
        %sub3A_163 = arith.subi %add3A_161, %sub3A_162 : vector<16xi32>
        tpu.vector_store_idx %arg7[%sub3A_163], %get3A_150 masked %gt3A_153 : memref<16016xf32, #tpu.memory_space<vmem>>[vector<16xi32>], vector<16xf32>, vector<16xi1>
        %convert_element_type3A_164 = arith.extui %gt3A_153 : vector<16xi1> to vector<16xi32>
        %broadcast_in_dim3A_165 = arith.constant true
        %broadcast_in_dim3A_166 = vector.broadcast %broadcast_in_dim3A_165 : i1 to vector<16xi1>
        %masked_cumsum3A_167 = tpu.scan <sum>, %convert_element_type3A_164 masked %broadcast_in_dim3A_166 : vector<16xi32>, vector<16xi1> -> vector<16xi32>
        %add3A_168 = vector.broadcast %scan3A_147 : i32 to vector<16xi32>
        %add3A_169 = arith.addi %add3A_168, %masked_cumsum3A_167 : vector<16xi32>
        %sub3A_170 = arith.constant 1 : i32
        %sub3A_171 = vector.broadcast %sub3A_170 : i32 to vector<16xi32>
        %sub3A_172 = arith.subi %add3A_169, %sub3A_171 : vector<16xi32>
        tpu.vector_store_idx %arg8[%sub3A_172], %add3A_157 masked %gt3A_153 : memref<16016xi32, #tpu.memory_space<vmem>>[vector<16xi32>], vector<16xi32>, vector<16xi1>
        %convert_element_type3A_173 = arith.extui %gt3A_153 : vector<16xi1> to vector<16xi32>
        %reduce_sum3A = arith.constant true
        %reduce_sum3A_174 = vector.broadcast %reduce_sum3A : i1 to vector<16xi1>
        %reduce_sum3A_175 = tpu.scan <sum>, %convert_element_type3A_173 masked %reduce_sum3A_174 : vector<16xi32>, vector<16xi1> -> vector<16xi32>
        %reduce_sum3A_176 = vector.extract %reduce_sum3A_175[15] : i32 from vector<16xi32>
        %add3A_177 = arith.addi %scan3A_147, %reduce_sum3A_176 : i32
        scf.yield %add3A_177 : i32
      }
      %scan3A_8 = arith.constant 1000 : i32
      %gt3A = arith.constant 100 : i32
      %gt3A_9 = arith.cmpi sgt, %scan3A_7, %gt3A : i32
      %convert_element_type3A_10 = arith.extui %gt3A_9 : i1 to i32
      %cond3A_11 = arith.constant 0 : i32
      %cond3A_12 = arith.cmpi ne, %convert_element_type3A_10, %cond3A_11 : i32
      %cond3A_13 = scf.if %cond3A_12 -> (i32) {
        %iota3A_146 = tpu.iota {dimensions = array<i32: 0>} : vector<16xi32>
        %add3A_147 = arith.constant 15 : i32
        %add3A_148 = arith.addi %scan3A_7, %add3A_147 : i32
        %shift_right_arithmetic3A_149 = arith.constant 4 : i32
        %shift_right_arithmetic3A_150 = arith.shrsi %add3A_148, %shift_right_arithmetic3A_149 : i32
        %scan3A_151 = arith.constant 0 : i32
        %scan3A_152 = arith.constant 0 : i32
        %scan3A_153 = arith.constant 31 : i32
        %scan3A_154 = arith.addi %scan3A_152, %scan3A_153 : i32
        %scan3A_155 = arith.constant 1 : i32
        %scan3A_156 = scf.for %scan3A_158 = %scan3A_152 to %scan3A_154 step %scan3A_155 iter_args(%scan3A_159 = %scan3A_151) -> (i32)  : i32 {
          %sub3A = arith.constant 30 : i32
          %sub3A_160 = arith.subi %sub3A, %scan3A_158 : i32
          %shift_left3A = arith.constant 1 : i32
          %shift_left3A_161 = arith.shli %shift_left3A, %sub3A_160 : i32
          %or3A = arith.ori %scan3A_159, %shift_left3A_161 : i32
          %while3A_162 = arith.constant 0 : i32
          %while3A_163 = arith.constant 0 : i32
          %while3A_164 = arith.subi %shift_right_arithmetic3A_150, %while3A_162 : i32
          %while3A_165 = arith.addi %while3A_162, %while3A_164 : i32
          %while3A_166 = arith.constant 1 : i32
          %while3A_167 = arith.divsi %while3A_164, %while3A_166 : i32
          %while3A_168 = arith.muli %while3A_167, %while3A_166 : i32
          %while3A_169 = arith.addi %while3A_162, %while3A_168 : i32
          %while3A_170 = arith.constant 1 : i32
          %while3A_171 = scf.for %while3A_175 = %while3A_162 to %while3A_169 step %while3A_170 iter_args(%while3A_176 = %while3A_163) -> (i32)  : i32 {
            %mul3A_177 = arith.constant 16 : i32
            %mul3A_178 = arith.muli %while3A_175, %mul3A_177 : i32
            %get3A = arith.index_cast %mul3A_178 : i32 to index
            %get3A_179 = tpu.vector_load %arg7[%get3A] {strides = array<i32>} : memref<16016xf32, #tpu.memory_space<vmem>>, vector<16xf32>,
            %bitcast3A = vector.bitcast %get3A_179 : vector<16xf32> to vector<16xi32>
            %ge3A_180 = vector.broadcast %or3A : i32 to vector<16xi32>
            %ge3A_181 = arith.cmpi sge, %bitcast3A, %ge3A_180 : vector<16xi32>
            %mul3A_182 = arith.constant 16 : i32
            %mul3A_183 = arith.muli %while3A_175, %mul3A_182 : i32
            %add3A_184 = vector.broadcast %mul3A_183 : i32 to vector<16xi32>
            %add3A_185 = arith.addi %add3A_184, %iota3A_146 : vector<16xi32>
            %lt3A_186 = vector.broadcast %scan3A_7 : i32 to vector<16xi32>
            %lt3A_187 = arith.cmpi slt, %add3A_185, %lt3A_186 : vector<16xi32>
            %and3A = arith.andi %ge3A_181, %lt3A_187 : vector<16xi1>
            %convert_element_type3A_188 = arith.extui %and3A : vector<16xi1> to vector<16xi32>
            %reduce_sum3A = arith.constant true
            %reduce_sum3A_189 = vector.broadcast %reduce_sum3A : i1 to vector<16xi1>
            %reduce_sum3A_190 = tpu.scan <sum>, %convert_element_type3A_188 masked %reduce_sum3A_189 : vector<16xi32>, vector<16xi1> -> vector<16xi32>
            %reduce_sum3A_191 = vector.extract %reduce_sum3A_190[15] : i32 from vector<16xi32>
            %add3A_192 = arith.addi %while3A_176, %reduce_sum3A_191 : i32
            scf.yield %add3A_192 : i32
          }
          %while3A_172 = arith.constant 1 : i32
          %while3A_173 = scf.for %while3A_175 = %while3A_169 to %while3A_165 step %while3A_172 iter_args(%while3A_176 = %while3A_171) -> (i32)  : i32 {
            %mul3A_177 = arith.constant 16 : i32
            %mul3A_178 = arith.muli %while3A_175, %mul3A_177 : i32
            %get3A = arith.index_cast %mul3A_178 : i32 to index
            %get3A_179 = tpu.vector_load %arg7[%get3A] {strides = array<i32>} : memref<16016xf32, #tpu.memory_space<vmem>>, vector<16xf32>,
            %bitcast3A = vector.bitcast %get3A_179 : vector<16xf32> to vector<16xi32>
            %ge3A_180 = vector.broadcast %or3A : i32 to vector<16xi32>
            %ge3A_181 = arith.cmpi sge, %bitcast3A, %ge3A_180 : vector<16xi32>
            %mul3A_182 = arith.constant 16 : i32
            %mul3A_183 = arith.muli %while3A_175, %mul3A_182 : i32
            %add3A_184 = vector.broadcast %mul3A_183 : i32 to vector<16xi32>
            %add3A_185 = arith.addi %add3A_184, %iota3A_146 : vector<16xi32>
            %lt3A_186 = vector.broadcast %scan3A_7 : i32 to vector<16xi32>
            %lt3A_187 = arith.cmpi slt, %add3A_185, %lt3A_186 : vector<16xi32>
            %and3A = arith.andi %ge3A_181, %lt3A_187 : vector<16xi1>
            %convert_element_type3A_188 = arith.extui %and3A : vector<16xi1> to vector<16xi32>
            %reduce_sum3A = arith.constant true
            %reduce_sum3A_189 = vector.broadcast %reduce_sum3A : i1 to vector<16xi1>
            %reduce_sum3A_190 = tpu.scan <sum>, %convert_element_type3A_188 masked %reduce_sum3A_189 : vector<16xi32>, vector<16xi1> -> vector<16xi32>
            %reduce_sum3A_191 = vector.extract %reduce_sum3A_190[15] : i32 from vector<16xi32>
            %add3A_192 = arith.addi %while3A_176, %reduce_sum3A_191 : i32
            scf.yield %add3A_192 : i32
          }
          %ge3A = arith.constant 100 : i32
          %ge3A_174 = arith.cmpi sge, %while3A_173, %ge3A : i32
          %select_n3A = arith.select %ge3A_174, %or3A, %scan3A_159 : i32
          scf.yield %select_n3A : i32
        }
        %scan3A_157 = arith.constant 31 : i32
        scf.yield %scan3A_156 : i32
      } else {
        %cond3A_146 = arith.constant 0 : i32
        scf.yield %cond3A_146 : i32
      }
      %scan3A_14 = arith.constant 0 : i32
      %scan3A_15 = arith.constant 0 : i32
      %scan3A_16 = arith.constant 8 : i32
      %scan3A_17 = arith.addi %scan3A_15, %scan3A_16 : i32
      %scan3A_18 = arith.constant 1 : i32
      %scan3A_19 = scf.for %scan3A_146 = %scan3A_15 to %scan3A_17 step %scan3A_18 iter_args(%scan3A_147 = %scan3A_14) -> (i32)  : i32 {
        %broadcast_in_dim3A = arith.constant -3.000000e+38 : f32
        %broadcast_in_dim3A_148 = vector.broadcast %broadcast_in_dim3A : f32 to vector<16xf32>
        %mul3A_149 = arith.constant 16 : i32
        %mul3A_150 = arith.muli %scan3A_146, %mul3A_149 : i32
        %swap3A = arith.index_cast %mul3A_150 : i32 to index
        %swap3A_151 = tpu.vector_load %arg10[%swap3A] {strides = array<i32>} : memref<144xf32, #tpu.memory_space<vmem>>, vector<16xf32>,
        tpu.vector_store %arg10[%swap3A], %broadcast_in_dim3A_148 {strides = array<i32>} : memref<144xf32, #tpu.memory_space<vmem>>, vector<16xf32>,
        %scan3A_152 = arith.constant 0 : i32
        scf.yield %scan3A_152 : i32
      }
      %scan3A_20 = arith.constant 8 : i32
      %scan3A_21 = arith.constant 0 : i32
      %scan3A_22 = arith.constant 0 : i32
      %scan3A_23 = arith.constant 7 : i32
      %scan3A_24 = arith.addi %scan3A_22, %scan3A_23 : i32
      %scan3A_25 = arith.constant 1 : i32
      %scan3A_26 = scf.for %scan3A_146 = %scan3A_22 to %scan3A_24 step %scan3A_25 iter_args(%scan3A_147 = %scan3A_21) -> (i32)  : i32 {
        %broadcast_in_dim3A = arith.constant 0 : i32
        %broadcast_in_dim3A_148 = vector.broadcast %broadcast_in_dim3A : i32 to vector<16xi32>
        %mul3A_149 = arith.constant 16 : i32
        %mul3A_150 = arith.muli %scan3A_146, %mul3A_149 : i32
        %swap3A = arith.index_cast %mul3A_150 : i32 to index
        %swap3A_151 = tpu.vector_load %arg12[%swap3A] {strides = array<i32>} : memref<128xi32, #tpu.memory_space<vmem>>, vector<16xi32>,
        tpu.vector_store %arg12[%swap3A], %broadcast_in_dim3A_148 {strides = array<i32>} : memref<128xi32, #tpu.memory_space<vmem>>, vector<16xi32>,
        %broadcast_in_dim3A_152 = arith.constant -1.000000e+00 : f32
        %broadcast_in_dim3A_153 = vector.broadcast %broadcast_in_dim3A_152 : f32 to vector<16xf32>
        %mul3A_154 = arith.constant 16 : i32
        %mul3A_155 = arith.muli %scan3A_146, %mul3A_154 : i32
        %swap3A_156 = arith.index_cast %mul3A_155 : i32 to index
        %swap3A_157 = tpu.vector_load %arg13[%swap3A_156] {strides = array<i32>} : memref<128xf32, #tpu.memory_space<vmem>>, vector<16xf32>,
        tpu.vector_store %arg13[%swap3A_156], %broadcast_in_dim3A_153 {strides = array<i32>} : memref<128xf32, #tpu.memory_space<vmem>>, vector<16xf32>,
        %scan3A_158 = arith.constant 0 : i32
        scf.yield %scan3A_158 : i32
      }
      %scan3A_27 = arith.constant 7 : i32
      %add3A_28 = arith.constant 15 : i32
      %add3A_29 = arith.addi %scan3A_7, %add3A_28 : i32
      %shift_right_arithmetic3A = arith.constant 4 : i32
      %shift_right_arithmetic3A_30 = arith.shrsi %add3A_29, %shift_right_arithmetic3A : i32
      %while3A = arith.constant 0 : i32
      %while3A_31 = arith.constant 0 : i32
      %while3A_32 = arith.subi %shift_right_arithmetic3A_30, %while3A : i32
      %while3A_33 = arith.addi %while3A, %while3A_32 : i32
      %while3A_34 = arith.constant 1 : i32
      %while3A_35 = arith.divsi %while3A_32, %while3A_34 : i32
      %while3A_36 = arith.muli %while3A_35, %while3A_34 : i32
      %while3A_37 = arith.addi %while3A, %while3A_36 : i32
      %while3A_38 = arith.constant 1 : i32
      %while3A_39 = scf.for %while3A_146 = %while3A to %while3A_37 step %while3A_38 iter_args(%while3A_147 = %while3A_31) -> (i32)  : i32 {
        %mul3A_148 = arith.constant 16 : i32
        %mul3A_149 = arith.muli %while3A_146, %mul3A_148 : i32
        %get3A = arith.index_cast %mul3A_149 : i32 to index
        %get3A_150 = tpu.vector_load %arg7[%get3A] {strides = array<i32>} : memref<16016xf32, #tpu.memory_space<vmem>>, vector<16xf32>,
        %bitcast3A = vector.bitcast %get3A_150 : vector<16xf32> to vector<16xi32>
        %ge3A = vector.broadcast %cond3A_13 : i32 to vector<16xi32>
        %ge3A_151 = arith.cmpi sge, %bitcast3A, %ge3A : vector<16xi32>
        %mul3A_152 = arith.constant 16 : i32
        %mul3A_153 = arith.muli %while3A_146, %mul3A_152 : i32
        %add3A_154 = vector.broadcast %mul3A_153 : i32 to vector<16xi32>
        %add3A_155 = arith.addi %add3A_154, %iota3A : vector<16xi32>
        %lt3A_156 = vector.broadcast %scan3A_7 : i32 to vector<16xi32>
        %lt3A_157 = arith.cmpi slt, %add3A_155, %lt3A_156 : vector<16xi32>
        %and3A = arith.andi %ge3A_151, %lt3A_157 : vector<16xi1>
        %min3A_158 = arith.constant 112 : i32
        %min3A_159 = arith.minsi %while3A_147, %min3A_158 : i32
        %mul3A_160 = arith.constant 16 : i32
        %mul3A_161 = arith.muli %while3A_146, %mul3A_160 : i32
        %get3A_162 = arith.index_cast %mul3A_161 : i32 to index
        %get3A_163 = tpu.vector_load %arg8[%get3A_162] {strides = array<i32>} : memref<16016xi32, #tpu.memory_space<vmem>>, vector<16xi32>,
        %convert_element_type3A_164 = arith.extui %and3A : vector<16xi1> to vector<16xi32>
        %broadcast_in_dim3A = arith.constant true
        %broadcast_in_dim3A_165 = vector.broadcast %broadcast_in_dim3A : i1 to vector<16xi1>
        %masked_cumsum3A = tpu.scan <sum>, %convert_element_type3A_164 masked %broadcast_in_dim3A_165 : vector<16xi32>, vector<16xi1> -> vector<16xi32>
        %add3A_166 = vector.broadcast %min3A_159 : i32 to vector<16xi32>
        %add3A_167 = arith.addi %add3A_166, %masked_cumsum3A : vector<16xi32>
        %sub3A = arith.constant 1 : i32
        %sub3A_168 = vector.broadcast %sub3A : i32 to vector<16xi32>
        %sub3A_169 = arith.subi %add3A_167, %sub3A_168 : vector<16xi32>
        tpu.vector_store_idx %arg10[%sub3A_169], %get3A_150 masked %and3A : memref<144xf32, #tpu.memory_space<vmem>>[vector<16xi32>], vector<16xf32>, vector<16xi1>
        %convert_element_type3A_170 = arith.extui %and3A : vector<16xi1> to vector<16xi32>
        %broadcast_in_dim3A_171 = arith.constant true
        %broadcast_in_dim3A_172 = vector.broadcast %broadcast_in_dim3A_171 : i1 to vector<16xi1>
        %masked_cumsum3A_173 = tpu.scan <sum>, %convert_element_type3A_170 masked %broadcast_in_dim3A_172 : vector<16xi32>, vector<16xi1> -> vector<16xi32>
        %add3A_174 = vector.broadcast %min3A_159 : i32 to vector<16xi32>
        %add3A_175 = arith.addi %add3A_174, %masked_cumsum3A_173 : vector<16xi32>
        %sub3A_176 = arith.constant 1 : i32
        %sub3A_177 = vector.broadcast %sub3A_176 : i32 to vector<16xi32>
        %sub3A_178 = arith.subi %add3A_175, %sub3A_177 : vector<16xi32>
        tpu.vector_store_idx %arg11[%sub3A_178], %get3A_163 masked %and3A : memref<144xi32, #tpu.memory_space<vmem>>[vector<16xi32>], vector<16xi32>, vector<16xi1>
        %convert_element_type3A_179 = arith.extui %and3A : vector<16xi1> to vector<16xi32>
        %reduce_sum3A = arith.constant true
        %reduce_sum3A_180 = vector.broadcast %reduce_sum3A : i1 to vector<16xi1>
        %reduce_sum3A_181 = tpu.scan <sum>, %convert_element_type3A_179 masked %reduce_sum3A_180 : vector<16xi32>, vector<16xi1> -> vector<16xi32>
        %reduce_sum3A_182 = vector.extract %reduce_sum3A_181[15] : i32 from vector<16xi32>
        %add3A_183 = arith.addi %while3A_147, %reduce_sum3A_182 : i32
        scf.yield %add3A_183 : i32
      }
      %while3A_40 = arith.constant 1 : i32
      %while3A_41 = scf.for %while3A_146 = %while3A_37 to %while3A_33 step %while3A_40 iter_args(%while3A_147 = %while3A_39) -> (i32)  : i32 {
        %mul3A_148 = arith.constant 16 : i32
        %mul3A_149 = arith.muli %while3A_146, %mul3A_148 : i32
        %get3A = arith.index_cast %mul3A_149 : i32 to index
        %get3A_150 = tpu.vector_load %arg7[%get3A] {strides = array<i32>} : memref<16016xf32, #tpu.memory_space<vmem>>, vector<16xf32>,
        %bitcast3A = vector.bitcast %get3A_150 : vector<16xf32> to vector<16xi32>
        %ge3A = vector.broadcast %cond3A_13 : i32 to vector<16xi32>
        %ge3A_151 = arith.cmpi sge, %bitcast3A, %ge3A : vector<16xi32>
        %mul3A_152 = arith.constant 16 : i32
        %mul3A_153 = arith.muli %while3A_146, %mul3A_152 : i32
        %add3A_154 = vector.broadcast %mul3A_153 : i32 to vector<16xi32>
        %add3A_155 = arith.addi %add3A_154, %iota3A : vector<16xi32>
        %lt3A_156 = vector.broadcast %scan3A_7 : i32 to vector<16xi32>
        %lt3A_157 = arith.cmpi slt, %add3A_155, %lt3A_156 : vector<16xi32>
        %and3A = arith.andi %ge3A_151, %lt3A_157 : vector<16xi1>
        %min3A_158 = arith.constant 112 : i32
        %min3A_159 = arith.minsi %while3A_147, %min3A_158 : i32
        %mul3A_160 = arith.constant 16 : i32
        %mul3A_161 = arith.muli %while3A_146, %mul3A_160 : i32
        %get3A_162 = arith.index_cast %mul3A_161 : i32 to index
        %get3A_163 = tpu.vector_load %arg8[%get3A_162] {strides = array<i32>} : memref<16016xi32, #tpu.memory_space<vmem>>, vector<16xi32>,
        %convert_element_type3A_164 = arith.extui %and3A : vector<16xi1> to vector<16xi32>
        %broadcast_in_dim3A = arith.constant true
        %broadcast_in_dim3A_165 = vector.broadcast %broadcast_in_dim3A : i1 to vector<16xi1>
        %masked_cumsum3A = tpu.scan <sum>, %convert_element_type3A_164 masked %broadcast_in_dim3A_165 : vector<16xi32>, vector<16xi1> -> vector<16xi32>
        %add3A_166 = vector.broadcast %min3A_159 : i32 to vector<16xi32>
        %add3A_167 = arith.addi %add3A_166, %masked_cumsum3A : vector<16xi32>
        %sub3A = arith.constant 1 : i32
        %sub3A_168 = vector.broadcast %sub3A : i32 to vector<16xi32>
        %sub3A_169 = arith.subi %add3A_167, %sub3A_168 : vector<16xi32>
        tpu.vector_store_idx %arg10[%sub3A_169], %get3A_150 masked %and3A : memref<144xf32, #tpu.memory_space<vmem>>[vector<16xi32>], vector<16xf32>, vector<16xi1>
        %convert_element_type3A_170 = arith.extui %and3A : vector<16xi1> to vector<16xi32>
        %broadcast_in_dim3A_171 = arith.constant true
        %broadcast_in_dim3A_172 = vector.broadcast %broadcast_in_dim3A_171 : i1 to vector<16xi1>
        %masked_cumsum3A_173 = tpu.scan <sum>, %convert_element_type3A_170 masked %broadcast_in_dim3A_172 : vector<16xi32>, vector<16xi1> -> vector<16xi32>
        %add3A_174 = vector.broadcast %min3A_159 : i32 to vector<16xi32>
        %add3A_175 = arith.addi %add3A_174, %masked_cumsum3A_173 : vector<16xi32>
        %sub3A_176 = arith.constant 1 : i32
        %sub3A_177 = vector.broadcast %sub3A_176 : i32 to vector<16xi32>
        %sub3A_178 = arith.subi %add3A_175, %sub3A_177 : vector<16xi32>
        tpu.vector_store_idx %arg11[%sub3A_178], %get3A_163 masked %and3A : memref<144xi32, #tpu.memory_space<vmem>>[vector<16xi32>], vector<16xi32>, vector<16xi1>
        %convert_element_type3A_179 = arith.extui %and3A : vector<16xi1> to vector<16xi32>
        %reduce_sum3A = arith.constant true
        %reduce_sum3A_180 = vector.broadcast %reduce_sum3A : i1 to vector<16xi1>
        %reduce_sum3A_181 = tpu.scan <sum>, %convert_element_type3A_179 masked %reduce_sum3A_180 : vector<16xi32>, vector<16xi1> -> vector<16xi32>
        %reduce_sum3A_182 = vector.extract %reduce_sum3A_181[15] : i32 from vector<16xi32>
        %add3A_183 = arith.addi %while3A_147, %reduce_sum3A_182 : i32
        scf.yield %add3A_183 : i32
      }
      %min3A = arith.constant 100 : i32
      %min3A_42 = arith.minsi %while3A_41, %min3A : i32
      %scan3A_43 = arith.constant 0 : i32
      %scan3A_44 = arith.constant 0 : i32
      %scan3A_45 = arith.constant 100 : i32
      %scan3A_46 = arith.addi %scan3A_44, %scan3A_45 : i32
      %scan3A_47 = arith.constant 1 : i32
      %scan3A_48 = scf.for %scan3A_146 = %scan3A_44 to %scan3A_46 step %scan3A_47 iter_args(%scan3A_147 = %scan3A_43) -> (i32)  : i32 {
        %lt3A_148 = arith.cmpi slt, %scan3A_146, %min3A_42 : i32
        %convert_element_type3A_149 = arith.extui %lt3A_148 : i1 to i32
        %cond3A_150 = arith.constant 0 : i32
        %cond3A_151 = arith.cmpi ne, %convert_element_type3A_149, %cond3A_150 : i32
        scf.if %cond3A_151 {
          %scan3A_153 = arith.constant -3.000000e+38 : f32
          %scan3A_154 = arith.constant 0 : i32
          %scan3A_155 = arith.constant 8 : i32
          %scan3A_156 = arith.addi %scan3A_154, %scan3A_155 : i32
          %scan3A_157 = arith.constant 1 : i32
          %scan3A_158 = scf.for %scan3A_196 = %scan3A_154 to %scan3A_156 step %scan3A_157 iter_args(%scan3A_197 = %scan3A_153) -> (f32)  : i32 {
            %mul3A_198 = arith.constant 16 : i32
            %mul3A_199 = arith.muli %scan3A_196, %mul3A_198 : i32
            %get3A_200 = arith.index_cast %mul3A_199 : i32 to index
            %get3A_201 = tpu.vector_load %arg10[%get3A_200] {strides = array<i32>} : memref<144xf32, #tpu.memory_space<vmem>>, vector<16xf32>,
            %reduce_max3A = arith.constant true
            %reduce_max3A_202 = vector.broadcast %reduce_max3A : i1 to vector<16xi1>
            %reduce_max3A_203 = tpu.scan <max>, %get3A_201 masked %reduce_max3A_202 : vector<16xf32>, vector<16xi1> -> vector<16xf32>
            %reduce_max3A_204 = vector.extract %reduce_max3A_203[15] : f32 from vector<16xf32>
            %max3A = arith.maximumf %scan3A_197, %reduce_max3A_204 : f32
            scf.yield %max3A : f32
          }
          %scan3A_159 = arith.constant 8 : i32
          %scan3A_160 = arith.constant 128 : i32
          %scan3A_161 = arith.constant 0 : i32
          %scan3A_162 = arith.constant 8 : i32
          %scan3A_163 = arith.addi %scan3A_161, %scan3A_162 : i32
          %scan3A_164 = arith.constant 1 : i32
          %scan3A_165 = scf.for %scan3A_196 = %scan3A_161 to %scan3A_163 step %scan3A_164 iter_args(%scan3A_197 = %scan3A_160) -> (i32)  : i32 {
            %mul3A_198 = arith.constant 16 : i32
            %mul3A_199 = arith.muli %scan3A_196, %mul3A_198 : i32
            %get3A_200 = arith.index_cast %mul3A_199 : i32 to index
            %get3A_201 = tpu.vector_load %arg10[%get3A_200] {strides = array<i32>} : memref<144xf32, #tpu.memory_space<vmem>>, vector<16xf32>,
            %eq3A_202 = vector.broadcast %scan3A_158 : f32 to vector<16xf32>
            %eq3A_203 = arith.cmpf oeq, %get3A_201, %eq3A_202 : vector<16xf32>
            %mul3A_204 = arith.constant 16 : i32
            %mul3A_205 = arith.muli %scan3A_196, %mul3A_204 : i32
            %add3A_206 = vector.broadcast %mul3A_205 : i32 to vector<16xi32>
            %add3A_207 = arith.addi %add3A_206, %iota3A : vector<16xi32>
            %jit3A = arith.constant 128 : i32
            %broadcast_in_dim3A_208 = vector.broadcast %jit3A : i32 to vector<16xi32>
            %select_n3A_209 = arith.select %eq3A_203, %add3A_207, %broadcast_in_dim3A_208 : vector<16xi1>, vector<16xi32>
            %reduce_min3A = arith.constant true
            %reduce_min3A_210 = vector.broadcast %reduce_min3A : i1 to vector<16xi1>
            %reduce_min3A_211 = arith.constant -2147483648 : i32
            %reduce_min3A_212 = vector.broadcast %reduce_min3A_211 : i32 to vector<16xi32>
            %reduce_min3A_213 = arith.xori %select_n3A_209, %reduce_min3A_212 : vector<16xi32>
            %reduce_min3A_214 = tpu.scan <min>, %reduce_min3A_213 masked %reduce_min3A_210 : vector<16xi32>, vector<16xi1> -> vector<16xi32>
            %reduce_min3A_215 = arith.xori %reduce_min3A_214, %reduce_min3A_212 : vector<16xi32>
            %reduce_min3A_216 = vector.extract %reduce_min3A_215[15] : i32 from vector<16xi32>
            %min3A_217 = arith.minsi %scan3A_197, %reduce_min3A_216 : i32
            scf.yield %min3A_217 : i32
          }
          %scan3A_166 = arith.constant 8 : i32
          %get3A = arith.index_cast %scan3A_165 : i32 to index
          %get3A_167 = tpu.vector_load %arg11[%get3A] {strides = array<i32>} : memref<144xi32, #tpu.memory_space<vmem>>, vector<16xi32>,
          %slice3A = vector.extract_strided_slice %get3A_167 {offsets = [0], sizes = [1], strides = [1]} : vector<16xi32> to vector<1xi32>
          %squeeze3A = vector.extract %slice3A[0] : i32 from vector<1xi32>
          %get3A_168 = arith.index_cast %scan3A_146 : i32 to index
          %get3A_169 = tpu.vector_load %arg13[%get3A_168] {strides = array<i32>} : memref<128xf32, #tpu.memory_space<vmem>>, vector<16xf32>,
          %iota3A_170 = tpu.iota {dimensions = array<i32: 0>} : vector<16xi32>
          %eq3A_171 = arith.constant 0 : i32
          %eq3A_172 = vector.broadcast %eq3A_171 : i32 to vector<16xi32>
          %eq3A_173 = arith.cmpi eq, %iota3A_170, %eq3A_172 : vector<16xi32>
          %broadcast_in_dim3A = vector.broadcast %scan3A_158 : f32 to vector<16xf32>
          %select_n3A = arith.select %eq3A_173, %broadcast_in_dim3A, %get3A_169 : vector<16xi1>, vector<16xf32>
          %swap3A = arith.index_cast %scan3A_146 : i32 to index
          %swap3A_174 = tpu.vector_load %arg13[%swap3A] {strides = array<i32>} : memref<128xf32, #tpu.memory_space<vmem>>, vector<16xf32>,
          tpu.vector_store %arg13[%swap3A], %select_n3A {strides = array<i32>} : memref<128xf32, #tpu.memory_space<vmem>>, vector<16xf32>,
          %get3A_175 = arith.index_cast %scan3A_146 : i32 to index
          %get3A_176 = tpu.vector_load %arg12[%get3A_175] {strides = array<i32>} : memref<128xi32, #tpu.memory_space<vmem>>, vector<16xi32>,
          %iota3A_177 = tpu.iota {dimensions = array<i32: 0>} : vector<16xi32>
          %eq3A_178 = arith.constant 0 : i32
          %eq3A_179 = vector.broadcast %eq3A_178 : i32 to vector<16xi32>
          %eq3A_180 = arith.cmpi eq, %iota3A_177, %eq3A_179 : vector<16xi32>
          %broadcast_in_dim3A_181 = vector.broadcast %squeeze3A : i32 to vector<16xi32>
          %select_n3A_182 = arith.select %eq3A_180, %broadcast_in_dim3A_181, %get3A_176 : vector<16xi1>, vector<16xi32>
          %swap3A_183 = arith.index_cast %scan3A_146 : i32 to index
          %swap3A_184 = tpu.vector_load %arg12[%swap3A_183] {strides = array<i32>} : memref<128xi32, #tpu.memory_space<vmem>>, vector<16xi32>,
          tpu.vector_store %arg12[%swap3A_183], %select_n3A_182 {strides = array<i32>} : memref<128xi32, #tpu.memory_space<vmem>>, vector<16xi32>,
          %get3A_185 = arith.index_cast %scan3A_165 : i32 to index
          %get3A_186 = tpu.vector_load %arg10[%get3A_185] {strides = array<i32>} : memref<144xf32, #tpu.memory_space<vmem>>, vector<16xf32>,
          %iota3A_187 = tpu.iota {dimensions = array<i32: 0>} : vector<16xi32>
          %eq3A_188 = arith.constant 0 : i32
          %eq3A_189 = vector.broadcast %eq3A_188 : i32 to vector<16xi32>
          %eq3A_190 = arith.cmpi eq, %iota3A_187, %eq3A_189 : vector<16xi32>
          %broadcast_in_dim3A_191 = arith.constant -3.000000e+38 : f32
          %broadcast_in_dim3A_192 = vector.broadcast %broadcast_in_dim3A_191 : f32 to vector<16xf32>
          %select_n3A_193 = arith.select %eq3A_190, %broadcast_in_dim3A_192, %get3A_186 : vector<16xi1>, vector<16xf32>
          %swap3A_194 = arith.index_cast %scan3A_165 : i32 to index
          %swap3A_195 = tpu.vector_load %arg10[%swap3A_194] {strides = array<i32>} : memref<144xf32, #tpu.memory_space<vmem>>, vector<16xf32>,
          tpu.vector_store %arg10[%swap3A_194], %select_n3A_193 {strides = array<i32>} : memref<144xf32, #tpu.memory_space<vmem>>, vector<16xf32>,
        } else {
        }
        %scan3A_152 = arith.constant 0 : i32
        scf.yield %scan3A_152 : i32
      }
      %scan3A_49 = arith.constant 100 : i32
      %lt3A = arith.constant 100 : i32
      %lt3A_50 = arith.cmpi slt, %min3A_42, %lt3A : i32
      %convert_element_type3A_51 = arith.extui %lt3A_50 : i1 to i32
      %cond3A_52 = arith.constant 0 : i32
      %cond3A_53 = arith.cmpi ne, %convert_element_type3A_51, %cond3A_52 : i32
      scf.if %cond3A_53 {
        %scan3A_146 = arith.constant 0 : i32
        %scan3A_147 = arith.constant 0 : i32
        %scan3A_148 = arith.constant 1000 : i32
        %scan3A_149 = arith.addi %scan3A_147, %scan3A_148 : i32
        %scan3A_150 = arith.constant 1 : i32
        %scan3A_151 = scf.for %scan3A_160 = %scan3A_147 to %scan3A_149 step %scan3A_150 iter_args(%scan3A_161 = %scan3A_146) -> (i32)  : i32 {
          %mul3A_162 = arith.constant 16 : i32
          %mul3A_163 = arith.muli %scan3A_160, %mul3A_162 : i32
          %get3A = arith.index_cast %mul3A_163 : i32 to index
          %get3A_164 = tpu.vector_load %arg6[%get3A] {strides = array<i32>} : memref<16000xf32, #tpu.memory_space<vmem>>, vector<16xf32>,
          %gt3A_165 = arith.constant 0.000000e+00 : f32
          %gt3A_166 = vector.broadcast %gt3A_165 : f32 to vector<16xf32>
          %gt3A_167 = arith.cmpf ogt, %get3A_164, %gt3A_166 : vector<16xf32>
          %not3A = arith.constant dense<true> : vector<16xi1>
          %not3A_168 = arith.xori %gt3A_167, %not3A : vector<16xi1>
          %min3A_169 = arith.constant 112 : i32
          %min3A_170 = arith.minsi %scan3A_161, %min3A_169 : i32
          %convert_element_type3A_171 = arith.extui %not3A_168 : vector<16xi1> to vector<16xi32>
          %broadcast_in_dim3A = arith.constant true
          %broadcast_in_dim3A_172 = vector.broadcast %broadcast_in_dim3A : i1 to vector<16xi1>
          %masked_cumsum3A = tpu.scan <sum>, %convert_element_type3A_171 masked %broadcast_in_dim3A_172 : vector<16xi32>, vector<16xi1> -> vector<16xi32>
          %sub3A = arith.constant 1 : i32
          %sub3A_173 = vector.broadcast %sub3A : i32 to vector<16xi32>
          %sub3A_174 = arith.subi %masked_cumsum3A, %sub3A_173 : vector<16xi32>
          %add3A_175 = vector.broadcast %min3A_170 : i32 to vector<16xi32>
          %add3A_176 = arith.addi %add3A_175, %sub3A_174 : vector<16xi32>
          %mul3A_177 = arith.constant 16 : i32
          %mul3A_178 = arith.muli %scan3A_160, %mul3A_177 : i32
          %add3A_179 = vector.broadcast %mul3A_178 : i32 to vector<16xi32>
          %add3A_180 = arith.addi %add3A_179, %iota3A : vector<16xi32>
          tpu.vector_store_idx %arg9[%add3A_176], %add3A_180 masked %not3A_168 : memref<128xi32, #tpu.memory_space<vmem>>[vector<16xi32>], vector<16xi32>, vector<16xi1>
          %convert_element_type3A_181 = arith.extui %not3A_168 : vector<16xi1> to vector<16xi32>
          %reduce_sum3A = arith.constant true
          %reduce_sum3A_182 = vector.broadcast %reduce_sum3A : i1 to vector<16xi1>
          %reduce_sum3A_183 = tpu.scan <sum>, %convert_element_type3A_181 masked %reduce_sum3A_182 : vector<16xi32>, vector<16xi1> -> vector<16xi32>
          %reduce_sum3A_184 = vector.extract %reduce_sum3A_183[15] : i32 from vector<16xi32>
          %add3A_185 = arith.addi %scan3A_161, %reduce_sum3A_184 : i32
          scf.yield %add3A_185 : i32
        }
        %scan3A_152 = arith.constant 1000 : i32
        %scan3A_153 = arith.constant 0 : i32
        %scan3A_154 = arith.constant 0 : i32
        %scan3A_155 = arith.constant 7 : i32
        %scan3A_156 = arith.addi %scan3A_154, %scan3A_155 : i32
        %scan3A_157 = arith.constant 1 : i32
        %scan3A_158 = scf.for %scan3A_160 = %scan3A_154 to %scan3A_156 step %scan3A_157 iter_args(%scan3A_161 = %scan3A_153) -> (i32)  : i32 {
          %mul3A_162 = arith.constant 16 : i32
          %mul3A_163 = arith.muli %scan3A_160, %mul3A_162 : i32
          %add3A_164 = vector.broadcast %mul3A_163 : i32 to vector<16xi32>
          %add3A_165 = arith.addi %add3A_164, %iota3A : vector<16xi32>
          %ge3A = vector.broadcast %min3A_42 : i32 to vector<16xi32>
          %ge3A_166 = arith.cmpi sge, %add3A_165, %ge3A : vector<16xi32>
          %lt3A_167 = arith.constant 100 : i32
          %lt3A_168 = vector.broadcast %lt3A_167 : i32 to vector<16xi32>
          %lt3A_169 = arith.cmpi slt, %add3A_165, %lt3A_168 : vector<16xi32>
          %and3A = arith.andi %ge3A_166, %lt3A_169 : vector<16xi1>
          %sub3A = vector.broadcast %min3A_42 : i32 to vector<16xi32>
          %sub3A_170 = arith.subi %add3A_165, %sub3A : vector<16xi32>
          %jit3A = arith.constant 0 : i32
          %jit3A_171 = arith.constant 127 : i32
          %max3A = vector.broadcast %jit3A : i32 to vector<16xi32>
          %max3A_172 = arith.maxsi %max3A, %sub3A_170 : vector<16xi32>
          %min3A_173 = vector.broadcast %jit3A_171 : i32 to vector<16xi32>
          %min3A_174 = arith.minsi %min3A_173, %max3A_172 : vector<16xi32>
          %gather3A = tpu.vector_load_idx %arg9[%min3A_174] masked %and3A : memref<128xi32, #tpu.memory_space<vmem>>[vector<16xi32>], vector<16xi32>, vector<16xi1>
          tpu.vector_store_idx %arg12[%add3A_165], %gather3A masked %and3A : memref<128xi32, #tpu.memory_space<vmem>>[vector<16xi32>], vector<16xi32>, vector<16xi1>
          %scan3A_175 = arith.constant 0 : i32
          scf.yield %scan3A_175 : i32
        }
        %scan3A_159 = arith.constant 7 : i32
      } else {
      }
      %scan3A_54 = arith.constant 0 : i32
      %scan3A_55 = arith.constant 0 : i32
      %scan3A_56 = arith.constant 7 : i32
      %scan3A_57 = arith.addi %scan3A_55, %scan3A_56 : i32
      %scan3A_58 = arith.constant 1 : i32
      %scan3A_59 = scf.for %scan3A_146 = %scan3A_55 to %scan3A_57 step %scan3A_58 iter_args(%scan3A_147 = %scan3A_54) -> (i32)  : i32 {
        %mul3A_148 = arith.constant 16 : i32
        %mul3A_149 = arith.muli %scan3A_146, %mul3A_148 : i32
        %mul3A_150 = arith.constant 16 : i32
        %mul3A_151 = arith.muli %scan3A_146, %mul3A_150 : i32
        %add3A_152 = vector.broadcast %mul3A_151 : i32 to vector<16xi32>
        %add3A_153 = arith.addi %add3A_152, %iota3A : vector<16xi32>
        %get3A = arith.index_cast %mul3A_149 : i32 to index
        %get3A_154 = tpu.vector_load %arg12[%get3A] {strides = array<i32>} : memref<128xi32, #tpu.memory_space<vmem>>, vector<16xi32>,
        %jit3A = arith.constant 200 : i32
        %div3A = vector.broadcast %jit3A : i32 to vector<16xi32>
        %div3A_155 = arith.divsi %get3A_154, %div3A : vector<16xi32>
        %sign3A = arith.constant 0 : i32
        %sign3A_156 = vector.broadcast %sign3A : i32 to vector<16xi32>
        %sign3A_157 = arith.cmpi sgt, %get3A_154, %sign3A_156 : vector<16xi32>
        %sign3A_158 = arith.extui %sign3A_157 : vector<16xi1> to vector<16xi32>
        %sign3A_159 = arith.constant 0 : i32
        %sign3A_160 = vector.broadcast %sign3A_159 : i32 to vector<16xi32>
        %sign3A_161 = arith.cmpi slt, %get3A_154, %sign3A_160 : vector<16xi32>
        %sign3A_162 = arith.extui %sign3A_161 : vector<16xi1> to vector<16xi32>
        %sign3A_163 = arith.subi %sign3A_158, %sign3A_162 : vector<16xi32>
        %sign3A_164 = arith.constant 0 : i32
        %sign3A_165 = arith.cmpi sgt, %jit3A, %sign3A_164 : i32
        %sign3A_166 = arith.extui %sign3A_165 : i1 to i32
        %sign3A_167 = arith.constant 0 : i32
        %sign3A_168 = arith.cmpi slt, %jit3A, %sign3A_167 : i32
        %sign3A_169 = arith.extui %sign3A_168 : i1 to i32
        %sign3A_170 = arith.subi %sign3A_166, %sign3A_169 : i32
        %ne3A = vector.broadcast %sign3A_170 : i32 to vector<16xi32>
        %ne3A_171 = arith.cmpi ne, %sign3A_163, %ne3A : vector<16xi32>
        %rem3A = vector.broadcast %jit3A : i32 to vector<16xi32>
        %rem3A_172 = arith.remsi %get3A_154, %rem3A : vector<16xi32>
        %ne3A_173 = arith.constant 0 : i32
        %ne3A_174 = vector.broadcast %ne3A_173 : i32 to vector<16xi32>
        %ne3A_175 = arith.cmpi ne, %rem3A_172, %ne3A_174 : vector<16xi32>
        %and3A = arith.andi %ne3A_171, %ne3A_175 : vector<16xi1>
        %sub3A = arith.constant 1 : i32
        %sub3A_176 = vector.broadcast %sub3A : i32 to vector<16xi32>
        %sub3A_177 = arith.subi %div3A_155, %sub3A_176 : vector<16xi32>
        %select_n3A = arith.select %and3A, %sub3A_177, %div3A_155 : vector<16xi1>, vector<16xi32>
        %add3A_178 = arith.constant 1 : i32
        %add3A_179 = vector.broadcast %add3A_178 : i32 to vector<16xi32>
        %add3A_180 = arith.addi %select_n3A, %add3A_179 : vector<16xi32>
        %swap3A = arith.index_cast %mul3A_149 : i32 to index
        %swap3A_181 = tpu.vector_load %arg17[%swap3A] {strides = array<i32>} : memref<112xi32, #tpu.memory_space<vmem>>, vector<16xi32>,
        tpu.vector_store %arg17[%swap3A], %add3A_180 {strides = array<i32>} : memref<112xi32, #tpu.memory_space<vmem>>, vector<16xi32>,
        %broadcast_in_dim3A = arith.constant 0 : i32
        %broadcast_in_dim3A_182 = vector.broadcast %broadcast_in_dim3A : i32 to vector<16xi32>
        %mul3A_183 = arith.constant 4 : i32
        %mul3A_184 = vector.broadcast %mul3A_183 : i32 to vector<16xi32>
        %mul3A_185 = arith.muli %get3A_154, %mul3A_184 : vector<16xi32>
        %add3A_186 = arith.constant 0 : i32
        %add3A_187 = vector.broadcast %add3A_186 : i32 to vector<16xi32>
        %add3A_188 = arith.addi %mul3A_185, %add3A_187 : vector<16xi32>
        tpu.vector_store_idx %arg15[%broadcast_in_dim3A_182, %add3A_153], %add3A_188 : memref<4x112xi32, #tpu.memory_space<vmem>>[vector<16xi32>, vector<16xi32>], vector<16xi32>,
        %broadcast_in_dim3A_189 = arith.constant 1 : i32
        %broadcast_in_dim3A_190 = vector.broadcast %broadcast_in_dim3A_189 : i32 to vector<16xi32>
        %mul3A_191 = arith.constant 4 : i32
        %mul3A_192 = vector.broadcast %mul3A_191 : i32 to vector<16xi32>
        %mul3A_193 = arith.muli %get3A_154, %mul3A_192 : vector<16xi32>
        %add3A_194 = arith.constant 1 : i32
        %add3A_195 = vector.broadcast %add3A_194 : i32 to vector<16xi32>
        %add3A_196 = arith.addi %mul3A_193, %add3A_195 : vector<16xi32>
        tpu.vector_store_idx %arg15[%broadcast_in_dim3A_190, %add3A_153], %add3A_196 : memref<4x112xi32, #tpu.memory_space<vmem>>[vector<16xi32>, vector<16xi32>], vector<16xi32>,
        %broadcast_in_dim3A_197 = arith.constant 2 : i32
        %broadcast_in_dim3A_198 = vector.broadcast %broadcast_in_dim3A_197 : i32 to vector<16xi32>
        %mul3A_199 = arith.constant 4 : i32
        %mul3A_200 = vector.broadcast %mul3A_199 : i32 to vector<16xi32>
        %mul3A_201 = arith.muli %get3A_154, %mul3A_200 : vector<16xi32>
        %add3A_202 = arith.constant 2 : i32
        %add3A_203 = vector.broadcast %add3A_202 : i32 to vector<16xi32>
        %add3A_204 = arith.addi %mul3A_201, %add3A_203 : vector<16xi32>
        tpu.vector_store_idx %arg15[%broadcast_in_dim3A_198, %add3A_153], %add3A_204 : memref<4x112xi32, #tpu.memory_space<vmem>>[vector<16xi32>, vector<16xi32>], vector<16xi32>,
        %broadcast_in_dim3A_205 = arith.constant 3 : i32
        %broadcast_in_dim3A_206 = vector.broadcast %broadcast_in_dim3A_205 : i32 to vector<16xi32>
        %mul3A_207 = arith.constant 4 : i32
        %mul3A_208 = vector.broadcast %mul3A_207 : i32 to vector<16xi32>
        %mul3A_209 = arith.muli %get3A_154, %mul3A_208 : vector<16xi32>
        %add3A_210 = arith.constant 3 : i32
        %add3A_211 = vector.broadcast %add3A_210 : i32 to vector<16xi32>
        %add3A_212 = arith.addi %mul3A_209, %add3A_211 : vector<16xi32>
        tpu.vector_store_idx %arg15[%broadcast_in_dim3A_206, %add3A_153], %add3A_212 : memref<4x112xi32, #tpu.memory_space<vmem>>[vector<16xi32>, vector<16xi32>], vector<16xi32>,
        %scan3A_213 = arith.constant 0 : i32
        scf.yield %scan3A_213 : i32
      }
      %scan3A_60 = arith.constant 7 : i32
      %dma_start3A = arith.constant 0 : i32
      %dma_start3A_61 = arith.constant 0 : i32
      %dma_start3A_62 = arith.constant 0 : i32
      %dma_start3A_63 = tpu.memref_slice %arg14[%dma_start3A_61, %dma_start3A_62] : memref<4x112xf32, #tpu.memory_space<vmem>> -> memref<1x112xf32, #tpu.memory_space<vmem>>
      %dma_start3A_64 = tpu.memref_squeeze %dma_start3A_63 : memref<1x112xf32, #tpu.memory_space<vmem>> -> memref<112xf32, #tpu.memory_space<vmem>>
      %dma_start3A_65 = arith.constant 0 : i32
      %dma_start3A_66 = tpu.memref_slice %arg15[%dma_start3A, %dma_start3A_65] : memref<4x112xi32, #tpu.memory_space<vmem>> -> memref<1x112xi32, #tpu.memory_space<vmem>>
      %dma_start3A_67 = tpu.memref_squeeze %dma_start3A_66 : memref<1x112xi32, #tpu.memory_space<vmem>> -> memref<112xi32, #tpu.memory_space<vmem>>
      %dma_start3A_68 = arith.constant 0 : i32
      %dma_start3A_69 = tpu.memref_slice %arg3[%dma_start3A_68] : memref<64000xf32, #tpu.memory_space<hbm>> -> memref<64000xf32, #tpu.memory_space<hbm>>
      tpu.enqueue_indirect_dma source(%dma_start3A_69 : memref<64000xf32, #tpu.memory_space<hbm>>) target(%dma_start3A_64 : memref<112xf32, #tpu.memory_space<vmem>>) offsets(%dma_start3A_67 : memref<112xi32, #tpu.memory_space<vmem>>) semaphore(%arg18 : memref<!tpu.dma_semaphore, #tpu.memory_space<semaphore_mem>>)
      %dma_start3A_70 = arith.constant 1 : i32
      %dma_start3A_71 = arith.constant 1 : i32
      %dma_start3A_72 = arith.constant 0 : i32
      %dma_start3A_73 = tpu.memref_slice %arg14[%dma_start3A_71, %dma_start3A_72] : memref<4x112xf32, #tpu.memory_space<vmem>> -> memref<1x112xf32, #tpu.memory_space<vmem>>
      %dma_start3A_74 = tpu.memref_squeeze %dma_start3A_73 : memref<1x112xf32, #tpu.memory_space<vmem>> -> memref<112xf32, #tpu.memory_space<vmem>>
      %dma_start3A_75 = arith.constant 0 : i32
      %dma_start3A_76 = tpu.memref_slice %arg15[%dma_start3A_70, %dma_start3A_75] : memref<4x112xi32, #tpu.memory_space<vmem>> -> memref<1x112xi32, #tpu.memory_space<vmem>>
      %dma_start3A_77 = tpu.memref_squeeze %dma_start3A_76 : memref<1x112xi32, #tpu.memory_space<vmem>> -> memref<112xi32, #tpu.memory_space<vmem>>
      %dma_start3A_78 = arith.constant 0 : i32
      %dma_start3A_79 = tpu.memref_slice %arg3[%dma_start3A_78] : memref<64000xf32, #tpu.memory_space<hbm>> -> memref<64000xf32, #tpu.memory_space<hbm>>
      tpu.enqueue_indirect_dma source(%dma_start3A_79 : memref<64000xf32, #tpu.memory_space<hbm>>) target(%dma_start3A_74 : memref<112xf32, #tpu.memory_space<vmem>>) offsets(%dma_start3A_77 : memref<112xi32, #tpu.memory_space<vmem>>) semaphore(%arg18 : memref<!tpu.dma_semaphore, #tpu.memory_space<semaphore_mem>>)
      %dma_start3A_80 = arith.constant 2 : i32
      %dma_start3A_81 = arith.constant 2 : i32
      %dma_start3A_82 = arith.constant 0 : i32
      %dma_start3A_83 = tpu.memref_slice %arg14[%dma_start3A_81, %dma_start3A_82] : memref<4x112xf32, #tpu.memory_space<vmem>> -> memref<1x112xf32, #tpu.memory_space<vmem>>
      %dma_start3A_84 = tpu.memref_squeeze %dma_start3A_83 : memref<1x112xf32, #tpu.memory_space<vmem>> -> memref<112xf32, #tpu.memory_space<vmem>>
      %dma_start3A_85 = arith.constant 0 : i32
      %dma_start3A_86 = tpu.memref_slice %arg15[%dma_start3A_80, %dma_start3A_85] : memref<4x112xi32, #tpu.memory_space<vmem>> -> memref<1x112xi32, #tpu.memory_space<vmem>>
      %dma_start3A_87 = tpu.memref_squeeze %dma_start3A_86 : memref<1x112xi32, #tpu.memory_space<vmem>> -> memref<112xi32, #tpu.memory_space<vmem>>
      %dma_start3A_88 = arith.constant 0 : i32
      %dma_start3A_89 = tpu.memref_slice %arg3[%dma_start3A_88] : memref<64000xf32, #tpu.memory_space<hbm>> -> memref<64000xf32, #tpu.memory_space<hbm>>
      tpu.enqueue_indirect_dma source(%dma_start3A_89 : memref<64000xf32, #tpu.memory_space<hbm>>) target(%dma_start3A_84 : memref<112xf32, #tpu.memory_space<vmem>>) offsets(%dma_start3A_87 : memref<112xi32, #tpu.memory_space<vmem>>) semaphore(%arg18 : memref<!tpu.dma_semaphore, #tpu.memory_space<semaphore_mem>>)
      %dma_start3A_90 = arith.constant 3 : i32
      %dma_start3A_91 = arith.constant 3 : i32
      %dma_start3A_92 = arith.constant 0 : i32
      %dma_start3A_93 = tpu.memref_slice %arg14[%dma_start3A_91, %dma_start3A_92] : memref<4x112xf32, #tpu.memory_space<vmem>> -> memref<1x112xf32, #tpu.memory_space<vmem>>
      %dma_start3A_94 = tpu.memref_squeeze %dma_start3A_93 : memref<1x112xf32, #tpu.memory_space<vmem>> -> memref<112xf32, #tpu.memory_space<vmem>>
      %dma_start3A_95 = arith.constant 0 : i32
      %dma_start3A_96 = tpu.memref_slice %arg15[%dma_start3A_90, %dma_start3A_95] : memref<4x112xi32, #tpu.memory_space<vmem>> -> memref<1x112xi32, #tpu.memory_space<vmem>>
      %dma_start3A_97 = tpu.memref_squeeze %dma_start3A_96 : memref<1x112xi32, #tpu.memory_space<vmem>> -> memref<112xi32, #tpu.memory_space<vmem>>
      %dma_start3A_98 = arith.constant 0 : i32
      %dma_start3A_99 = tpu.memref_slice %arg3[%dma_start3A_98] : memref<64000xf32, #tpu.memory_space<hbm>> -> memref<64000xf32, #tpu.memory_space<hbm>>
      tpu.enqueue_indirect_dma source(%dma_start3A_99 : memref<64000xf32, #tpu.memory_space<hbm>>) target(%dma_start3A_94 : memref<112xf32, #tpu.memory_space<vmem>>) offsets(%dma_start3A_97 : memref<112xi32, #tpu.memory_space<vmem>>) semaphore(%arg18 : memref<!tpu.dma_semaphore, #tpu.memory_space<semaphore_mem>>)
      %dma_wait3A = arith.constant 0 : i32
      %dma_wait3A_100 = arith.constant 0 : i32
      %dma_wait3A_101 = arith.constant 0 : i32
      %dma_wait3A_102 = tpu.memref_slice %arg14[%dma_wait3A_100, %dma_wait3A_101] : memref<4x112xf32, #tpu.memory_space<vmem>> -> memref<1x112xf32, #tpu.memory_space<vmem>>
      %dma_wait3A_103 = tpu.memref_squeeze %dma_wait3A_102 : memref<1x112xf32, #tpu.memory_space<vmem>> -> memref<112xf32, #tpu.memory_space<vmem>>
      %dma_wait3A_104 = arith.constant 0 : i32
      %dma_wait3A_105 = tpu.memref_slice %arg15[%dma_wait3A, %dma_wait3A_104] : memref<4x112xi32, #tpu.memory_space<vmem>> -> memref<1x112xi32, #tpu.memory_space<vmem>>
      %dma_wait3A_106 = tpu.memref_squeeze %dma_wait3A_105 : memref<1x112xi32, #tpu.memory_space<vmem>> -> memref<112xi32, #tpu.memory_space<vmem>>
      %dma_wait3A_107 = arith.constant 0 : i32
      %dma_wait3A_108 = tpu.memref_slice %arg3[%dma_wait3A_107] : memref<64000xf32, #tpu.memory_space<hbm>> -> memref<64000xf32, #tpu.memory_space<hbm>>
      tpu.wait_indirect_dma semaphore(%arg18 : memref<!tpu.dma_semaphore, #tpu.memory_space<semaphore_mem>>) src(%dma_wait3A_108 : memref<64000xf32, #tpu.memory_space<hbm>>) dst(%dma_wait3A_103 : memref<112xf32, #tpu.memory_space<vmem>>)
      %dma_wait3A_109 = arith.constant 1 : i32
      %dma_wait3A_110 = arith.constant 1 : i32
      %dma_wait3A_111 = arith.constant 0 : i32
      %dma_wait3A_112 = tpu.memref_slice %arg14[%dma_wait3A_110, %dma_wait3A_111] : memref<4x112xf32, #tpu.memory_space<vmem>> -> memref<1x112xf32, #tpu.memory_space<vmem>>
      %dma_wait3A_113 = tpu.memref_squeeze %dma_wait3A_112 : memref<1x112xf32, #tpu.memory_space<vmem>> -> memref<112xf32, #tpu.memory_space<vmem>>
      %dma_wait3A_114 = arith.constant 0 : i32
      %dma_wait3A_115 = tpu.memref_slice %arg15[%dma_wait3A_109, %dma_wait3A_114] : memref<4x112xi32, #tpu.memory_space<vmem>> -> memref<1x112xi32, #tpu.memory_space<vmem>>
      %dma_wait3A_116 = tpu.memref_squeeze %dma_wait3A_115 : memref<1x112xi32, #tpu.memory_space<vmem>> -> memref<112xi32, #tpu.memory_space<vmem>>
      %dma_wait3A_117 = arith.constant 0 : i32
      %dma_wait3A_118 = tpu.memref_slice %arg3[%dma_wait3A_117] : memref<64000xf32, #tpu.memory_space<hbm>> -> memref<64000xf32, #tpu.memory_space<hbm>>
      tpu.wait_indirect_dma semaphore(%arg18 : memref<!tpu.dma_semaphore, #tpu.memory_space<semaphore_mem>>) src(%dma_wait3A_118 : memref<64000xf32, #tpu.memory_space<hbm>>) dst(%dma_wait3A_113 : memref<112xf32, #tpu.memory_space<vmem>>)
      %dma_wait3A_119 = arith.constant 2 : i32
      %dma_wait3A_120 = arith.constant 2 : i32
      %dma_wait3A_121 = arith.constant 0 : i32
      %dma_wait3A_122 = tpu.memref_slice %arg14[%dma_wait3A_120, %dma_wait3A_121] : memref<4x112xf32, #tpu.memory_space<vmem>> -> memref<1x112xf32, #tpu.memory_space<vmem>>
      %dma_wait3A_123 = tpu.memref_squeeze %dma_wait3A_122 : memref<1x112xf32, #tpu.memory_space<vmem>> -> memref<112xf32, #tpu.memory_space<vmem>>
      %dma_wait3A_124 = arith.constant 0 : i32
      %dma_wait3A_125 = tpu.memref_slice %arg15[%dma_wait3A_119, %dma_wait3A_124] : memref<4x112xi32, #tpu.memory_space<vmem>> -> memref<1x112xi32, #tpu.memory_space<vmem>>
      %dma_wait3A_126 = tpu.memref_squeeze %dma_wait3A_125 : memref<1x112xi32, #tpu.memory_space<vmem>> -> memref<112xi32, #tpu.memory_space<vmem>>
      %dma_wait3A_127 = arith.constant 0 : i32
      %dma_wait3A_128 = tpu.memref_slice %arg3[%dma_wait3A_127] : memref<64000xf32, #tpu.memory_space<hbm>> -> memref<64000xf32, #tpu.memory_space<hbm>>
      tpu.wait_indirect_dma semaphore(%arg18 : memref<!tpu.dma_semaphore, #tpu.memory_space<semaphore_mem>>) src(%dma_wait3A_128 : memref<64000xf32, #tpu.memory_space<hbm>>) dst(%dma_wait3A_123 : memref<112xf32, #tpu.memory_space<vmem>>)
      %dma_wait3A_129 = arith.constant 3 : i32
      %dma_wait3A_130 = arith.constant 3 : i32
      %dma_wait3A_131 = arith.constant 0 : i32
      %dma_wait3A_132 = tpu.memref_slice %arg14[%dma_wait3A_130, %dma_wait3A_131] : memref<4x112xf32, #tpu.memory_space<vmem>> -> memref<1x112xf32, #tpu.memory_space<vmem>>
      %dma_wait3A_133 = tpu.memref_squeeze %dma_wait3A_132 : memref<1x112xf32, #tpu.memory_space<vmem>> -> memref<112xf32, #tpu.memory_space<vmem>>
      %dma_wait3A_134 = arith.constant 0 : i32
      %dma_wait3A_135 = tpu.memref_slice %arg15[%dma_wait3A_129, %dma_wait3A_134] : memref<4x112xi32, #tpu.memory_space<vmem>> -> memref<1x112xi32, #tpu.memory_space<vmem>>
      %dma_wait3A_136 = tpu.memref_squeeze %dma_wait3A_135 : memref<1x112xi32, #tpu.memory_space<vmem>> -> memref<112xi32, #tpu.memory_space<vmem>>
      %dma_wait3A_137 = arith.constant 0 : i32
      %dma_wait3A_138 = tpu.memref_slice %arg3[%dma_wait3A_137] : memref<64000xf32, #tpu.memory_space<hbm>> -> memref<64000xf32, #tpu.memory_space<hbm>>
      tpu.wait_indirect_dma semaphore(%arg18 : memref<!tpu.dma_semaphore, #tpu.memory_space<semaphore_mem>>) src(%dma_wait3A_138 : memref<64000xf32, #tpu.memory_space<hbm>>) dst(%dma_wait3A_133 : memref<112xf32, #tpu.memory_space<vmem>>)
      %scan3A_139 = arith.constant 0 : i32
      %scan3A_140 = arith.constant 0 : i32
      %scan3A_141 = arith.constant 7 : i32
      %scan3A_142 = arith.addi %scan3A_140, %scan3A_141 : i32
      %scan3A_143 = arith.constant 1 : i32
      %scan3A_144 = scf.for %scan3A_146 = %scan3A_140 to %scan3A_142 step %scan3A_143 iter_args(%scan3A_147 = %scan3A_139) -> (i32)  : i32 {
        %mul3A_148 = arith.constant 16 : i32
        %mul3A_149 = arith.muli %scan3A_146, %mul3A_148 : i32
        %add3A_150 = vector.broadcast %mul3A_149 : i32 to vector<16xi32>
        %add3A_151 = arith.addi %add3A_150, %iota3A : vector<16xi32>
        %mul3A_152 = arith.constant 16 : i32
        %mul3A_153 = arith.muli %scan3A_146, %mul3A_152 : i32
        %get3A = arith.constant 0 : i32
        %get3A_154 = arith.index_cast %get3A : i32 to index
        %get3A_155 = arith.index_cast %mul3A_153 : i32 to index
        %get3A_156 = tpu.vector_load %arg14[%get3A_154, %get3A_155] {strides = array<i32>} : memref<4x112xf32, #tpu.memory_space<vmem>>, vector<16xf32>,
        %broadcast_in_dim3A = arith.constant 0 : i32
        %broadcast_in_dim3A_157 = vector.broadcast %broadcast_in_dim3A : i32 to vector<16xi32>
        tpu.vector_store_idx %arg16[%add3A_151, %broadcast_in_dim3A_157], %get3A_156 : memref<112x5xf32, #tpu.memory_space<vmem>>[vector<16xi32>, vector<16xi32>], vector<16xf32>,
        %mul3A_158 = arith.constant 16 : i32
        %mul3A_159 = arith.muli %scan3A_146, %mul3A_158 : i32
        %get3A_160 = arith.constant 1 : i32
        %get3A_161 = arith.index_cast %get3A_160 : i32 to index
        %get3A_162 = arith.index_cast %mul3A_159 : i32 to index
        %get3A_163 = tpu.vector_load %arg14[%get3A_161, %get3A_162] {strides = array<i32>} : memref<4x112xf32, #tpu.memory_space<vmem>>, vector<16xf32>,
        %broadcast_in_dim3A_164 = arith.constant 1 : i32
        %broadcast_in_dim3A_165 = vector.broadcast %broadcast_in_dim3A_164 : i32 to vector<16xi32>
        tpu.vector_store_idx %arg16[%add3A_151, %broadcast_in_dim3A_165], %get3A_163 : memref<112x5xf32, #tpu.memory_space<vmem>>[vector<16xi32>, vector<16xi32>], vector<16xf32>,
        %mul3A_166 = arith.constant 16 : i32
        %mul3A_167 = arith.muli %scan3A_146, %mul3A_166 : i32
        %get3A_168 = arith.constant 2 : i32
        %get3A_169 = arith.index_cast %get3A_168 : i32 to index
        %get3A_170 = arith.index_cast %mul3A_167 : i32 to index
        %get3A_171 = tpu.vector_load %arg14[%get3A_169, %get3A_170] {strides = array<i32>} : memref<4x112xf32, #tpu.memory_space<vmem>>, vector<16xf32>,
        %broadcast_in_dim3A_172 = arith.constant 2 : i32
        %broadcast_in_dim3A_173 = vector.broadcast %broadcast_in_dim3A_172 : i32 to vector<16xi32>
        tpu.vector_store_idx %arg16[%add3A_151, %broadcast_in_dim3A_173], %get3A_171 : memref<112x5xf32, #tpu.memory_space<vmem>>[vector<16xi32>, vector<16xi32>], vector<16xf32>,
        %mul3A_174 = arith.constant 16 : i32
        %mul3A_175 = arith.muli %scan3A_146, %mul3A_174 : i32
        %get3A_176 = arith.constant 3 : i32
        %get3A_177 = arith.index_cast %get3A_176 : i32 to index
        %get3A_178 = arith.index_cast %mul3A_175 : i32 to index
        %get3A_179 = tpu.vector_load %arg14[%get3A_177, %get3A_178] {strides = array<i32>} : memref<4x112xf32, #tpu.memory_space<vmem>>, vector<16xf32>,
        %broadcast_in_dim3A_180 = arith.constant 3 : i32
        %broadcast_in_dim3A_181 = vector.broadcast %broadcast_in_dim3A_180 : i32 to vector<16xi32>
        tpu.vector_store_idx %arg16[%add3A_151, %broadcast_in_dim3A_181], %get3A_179 : memref<112x5xf32, #tpu.memory_space<vmem>>[vector<16xi32>, vector<16xi32>], vector<16xf32>,
        %broadcast_in_dim3A_182 = arith.constant 4 : i32
        %broadcast_in_dim3A_183 = vector.broadcast %broadcast_in_dim3A_182 : i32 to vector<16xi32>
        %mul3A_184 = arith.constant 16 : i32
        %mul3A_185 = arith.muli %scan3A_146, %mul3A_184 : i32
        %get3A_186 = arith.index_cast %mul3A_185 : i32 to index
        %get3A_187 = tpu.vector_load %arg13[%get3A_186] {strides = array<i32>} : memref<128xf32, #tpu.memory_space<vmem>>, vector<16xf32>,
        tpu.vector_store_idx %arg16[%add3A_151, %broadcast_in_dim3A_183], %get3A_187 : memref<112x5xf32, #tpu.memory_space<vmem>>[vector<16xi32>, vector<16xi32>], vector<16xf32>,
        %scan3A_188 = arith.constant 0 : i32
        scf.yield %scan3A_188 : i32
      }
      %scan3A_145 = arith.constant 7 : i32
      "tpu.region"() ({
        %run_scoped3A = tpu.sem_alloc : memref<!tpu.dma_semaphore, #tpu.memory_space<semaphore_mem>>
        %dma_start3A_146 = arith.constant 0 : i32
        %dma_start3A_147 = arith.constant 0 : i32
        %dma_start3A_148 = tpu.memref_slice %arg16[%dma_start3A_146, %dma_start3A_147] : memref<112x5xf32, #tpu.memory_space<vmem>> -> memref<100x5xf32, #tpu.memory_space<vmem>>
        %dma_start3A_149 = arith.constant 0 : i32
        %dma_start3A_150 = arith.constant 0 : i32
        %dma_start3A_151 = tpu.memref_slice %arg16[%dma_start3A_149, %dma_start3A_150] : memref<112x5xf32, #tpu.memory_space<vmem>> -> memref<100x5xf32, #tpu.memory_space<vmem>>
        tpu.enqueue_dma source(%dma_start3A_151 : memref<100x5xf32, #tpu.memory_space<vmem>>) target(%arg4 : memref<100x5xf32, #tpu.memory_space<hbm>>) target_semaphore(%run_scoped3A : memref<!tpu.dma_semaphore, #tpu.memory_space<semaphore_mem>>)
        %dma_wait3A_152 = arith.constant 0 : i32
        %dma_wait3A_153 = arith.constant 0 : i32
        %dma_wait3A_154 = tpu.memref_slice %arg16[%dma_wait3A_152, %dma_wait3A_153] : memref<112x5xf32, #tpu.memory_space<vmem>> -> memref<100x5xf32, #tpu.memory_space<vmem>>
        %dma_wait3A_155 = arith.constant 0 : i32
        %dma_wait3A_156 = arith.constant 0 : i32
        %dma_wait3A_157 = tpu.memref_slice %arg16[%dma_wait3A_155, %dma_wait3A_156] : memref<112x5xf32, #tpu.memory_space<vmem>> -> memref<100x5xf32, #tpu.memory_space<vmem>>
        tpu.wait_dma2 semaphore(%run_scoped3A : memref<!tpu.dma_semaphore, #tpu.memory_space<semaphore_mem>>) src(%dma_wait3A_157 : memref<100x5xf32, #tpu.memory_space<vmem>>) dst(%arg4 : memref<100x5xf32, #tpu.memory_space<hbm>>)
        tpu.yield
      }) : () -> ()
      "tpu.region"() ({
        %run_scoped3A = tpu.sem_alloc : memref<!tpu.dma_semaphore, #tpu.memory_space<semaphore_mem>>
        %dma_start3A_146 = arith.constant 0 : i32
        %dma_start3A_147 = tpu.memref_slice %arg17[%dma_start3A_146] : memref<112xi32, #tpu.memory_space<vmem>> -> memref<100xi32, #tpu.memory_space<vmem>>
        %dma_start3A_148 = arith.constant 0 : i32
        %dma_start3A_149 = tpu.memref_slice %arg17[%dma_start3A_148] : memref<112xi32, #tpu.memory_space<vmem>> -> memref<100xi32, #tpu.memory_space<vmem>>
        tpu.enqueue_dma source(%dma_start3A_149 : memref<100xi32, #tpu.memory_space<vmem>>) target(%arg5 : memref<100xi32, #tpu.memory_space<hbm>>) target_semaphore(%run_scoped3A : memref<!tpu.dma_semaphore, #tpu.memory_space<semaphore_mem>>)
        %dma_wait3A_150 = arith.constant 0 : i32
        %dma_wait3A_151 = tpu.memref_slice %arg17[%dma_wait3A_150] : memref<112xi32, #tpu.memory_space<vmem>> -> memref<100xi32, #tpu.memory_space<vmem>>
        %dma_wait3A_152 = arith.constant 0 : i32
        %dma_wait3A_153 = tpu.memref_slice %arg17[%dma_wait3A_152] : memref<112xi32, #tpu.memory_space<vmem>> -> memref<100xi32, #tpu.memory_space<vmem>>
        tpu.wait_dma2 semaphore(%run_scoped3A : memref<!tpu.dma_semaphore, #tpu.memory_space<semaphore_mem>>) src(%dma_wait3A_153 : memref<100xi32, #tpu.memory_space<vmem>>) dst(%arg5 : memref<100xi32, #tpu.memory_space<hbm>>)
        tpu.yield
      }) : () -> ()
    } else {
    }
    return
  }
}

#map = affine_map<(d0, d1) -> (0)>
#map1 = affine_map<(d0, d1) -> (0, 0)>
module attributes {stable_mosaic.version = 14 : i64} {
  func.func @_sc_classes_body(%arg0: i32, %arg1: i32, %arg2: memref<1600000xf32, #tpu.memory_space<hbm>>, %arg3: memref<1620000xf32, #tpu.memory_space<hbm>>, %arg4: memref<1620000xf32, #tpu.memory_space<hbm>>, %arg5: memref<1620000xf32, #tpu.memory_space<hbm>>, %arg6: memref<1620000xf32, #tpu.memory_space<hbm>>, %arg7: memref<16000xf32, #tpu.memory_space<hbm>>, %arg8: memref<16000x4xf32, #tpu.memory_space<hbm>>, %arg9: memref<20016xf32, #tpu.memory_space<vmem>>, %arg10: memref<20016xf32, #tpu.memory_space<vmem>>, %arg11: memref<20016xi32, #tpu.memory_space<vmem>>, %arg12: memref<240xi32, #tpu.memory_space<vmem>>, %arg13: memref<240xf32, #tpu.memory_space<vmem>>, %arg14: memref<240xi32, #tpu.memory_space<vmem>>, %arg15: memref<224xi32, #tpu.memory_space<vmem>>, %arg16: memref<224xf32, #tpu.memory_space<vmem>>, %arg17: memref<224xf32, #tpu.memory_space<vmem>>, %arg18: memref<224xf32, #tpu.memory_space<vmem>>, %arg19: memref<224xf32, #tpu.memory_space<vmem>>, %arg20: memref<224xf32, #tpu.memory_space<vmem>>, %arg21: memref<224xf32, #tpu.memory_space<vmem>>, %arg22: memref<224xi32, #tpu.memory_space<vmem>>, %arg23: memref<224xf32, #tpu.memory_space<vmem>>, %arg24: memref<224x4xf32, #tpu.memory_space<vmem>>, %arg25: memref<2x112xi32, #tpu.memory_space<vmem>>, %arg26: memref<!tpu.dma_semaphore, #tpu.memory_space<semaphore_mem>>) attributes {dimension_semantics = [#tpu.dimension_semantics<core_parallel>, #tpu.dimension_semantics<subcore_parallel>], iteration_bounds = array<i64: 2, 16>, scalar_prefetch = 0 : i64, scratch_operands = 18 : i64, tpu.core_type = #tpu.core_type<sc_vector_subcore>, window_params = [{transform_indices = #map}, {transform_indices = #map}, {transform_indices = #map}, {transform_indices = #map}, {transform_indices = #map}, {transform_indices = #map}, {transform_indices = #map1}]} {
    %iota3A = tpu.iota {dimensions = array<i32: 0>} : vector<16xi32>
    %mul3A = arith.constant 2 : i32
    %mul3A_0 = arith.muli %arg1, %mul3A : i32
    %add3A = arith.addi %mul3A_0, %arg0 : i32
    %lt3A = arith.constant 16 : i32
    %lt3A_1 = arith.cmpi slt, %add3A, %lt3A : i32
    %mul3A_2 = arith.constant 3 : i32
    %mul3A_3 = arith.muli %mul3A_2, %add3A : i32
    %mul3A_4 = arith.constant 2 : i32
    %mul3A_5 = arith.muli %mul3A_4, %add3A : i32
    %add3A_6 = arith.constant 16 : i32
    %add3A_7 = arith.addi %mul3A_5, %add3A_6 : i32
    %select_n3A = arith.select %lt3A_1, %mul3A_3, %add3A_7 : i32
    %lt3A_8 = arith.constant 16 : i32
    %lt3A_9 = arith.cmpi slt, %add3A, %lt3A_8 : i32
    %jit3A = arith.constant 3 : i32
    %jit3A_10 = arith.constant 2 : i32
    %select_n3A_11 = arith.select %lt3A_9, %jit3A, %jit3A_10 : i32
    %while3A = arith.constant 0 : i32
    %while3A_12 = arith.constant 0 : i32
    %while3A_13 = arith.subi %select_n3A_11, %while3A : i32
    %while3A_14 = arith.addi %while3A, %while3A_13 : i32
    %while3A_15 = arith.constant 1 : i32
    %while3A_16 = arith.divsi %while3A_13, %while3A_15 : i32
    %while3A_17 = arith.muli %while3A_16, %while3A_15 : i32
    %while3A_18 = arith.addi %while3A, %while3A_17 : i32
    %while3A_19 = arith.constant 1 : i32
    %while3A_20 = scf.for %while3A_23 = %while3A to %while3A_18 step %while3A_19 iter_args(%while3A_24 = %while3A_12) -> (i32)  : i32 {
      %add3A_25 = arith.addi %select_n3A, %while3A_23 : i32
      %add3A_26 = arith.constant 1 : i32
      %add3A_27 = arith.addi %add3A_25, %add3A_26 : i32
      %mul3A_28 = arith.constant 20000 : i32
      %mul3A_29 = arith.muli %add3A_25, %mul3A_28 : i32
      "tpu.region"() ({
        %run_scoped3A = tpu.sem_alloc : memref<!tpu.dma_semaphore, #tpu.memory_space<semaphore_mem>>
        %dma_start3A_240 = arith.constant 0 : i32
        %dma_start3A_241 = tpu.memref_slice %arg9[%dma_start3A_240] : memref<20016xf32, #tpu.memory_space<vmem>> -> memref<20000xf32, #tpu.memory_space<vmem>>
        %dma_start3A_242 = tpu.memref_slice %arg2[%mul3A_29] : memref<1600000xf32, #tpu.memory_space<hbm>> -> memref<20000xf32, #tpu.memory_space<hbm>>
        %dma_start3A_243 = arith.constant 0 : i32
        %dma_start3A_244 = tpu.memref_slice %arg9[%dma_start3A_243] : memref<20016xf32, #tpu.memory_space<vmem>> -> memref<20000xf32, #tpu.memory_space<vmem>>
        %dma_start3A_245 = tpu.memref_slice %arg2[%mul3A_29] : memref<1600000xf32, #tpu.memory_space<hbm>> -> memref<20000xf32, #tpu.memory_space<hbm>>
        tpu.enqueue_dma source(%dma_start3A_245 : memref<20000xf32, #tpu.memory_space<hbm>>) target(%dma_start3A_244 : memref<20000xf32, #tpu.memory_space<vmem>>) target_semaphore(%run_scoped3A : memref<!tpu.dma_semaphore, #tpu.memory_space<semaphore_mem>>)
        %dma_wait3A_246 = arith.constant 0 : i32
        %dma_wait3A_247 = tpu.memref_slice %arg9[%dma_wait3A_246] : memref<20016xf32, #tpu.memory_space<vmem>> -> memref<20000xf32, #tpu.memory_space<vmem>>
        %dma_wait3A_248 = tpu.memref_slice %arg2[%mul3A_29] : memref<1600000xf32, #tpu.memory_space<hbm>> -> memref<20000xf32, #tpu.memory_space<hbm>>
        %dma_wait3A_249 = arith.constant 0 : i32
        %dma_wait3A_250 = tpu.memref_slice %arg9[%dma_wait3A_249] : memref<20016xf32, #tpu.memory_space<vmem>> -> memref<20000xf32, #tpu.memory_space<vmem>>
        %dma_wait3A_251 = tpu.memref_slice %arg2[%mul3A_29] : memref<1600000xf32, #tpu.memory_space<hbm>> -> memref<20000xf32, #tpu.memory_space<hbm>>
        tpu.wait_dma2 semaphore(%run_scoped3A : memref<!tpu.dma_semaphore, #tpu.memory_space<semaphore_mem>>) src(%dma_wait3A_251 : memref<20000xf32, #tpu.memory_space<hbm>>) dst(%dma_wait3A_250 : memref<20000xf32, #tpu.memory_space<vmem>>)
        tpu.yield
      }) : () -> ()
      %scan3A = arith.constant 0 : i32
      %scan3A_30 = arith.constant 0 : i32
      %scan3A_31 = arith.constant 1250 : i32
      %scan3A_32 = arith.addi %scan3A_30, %scan3A_31 : i32
      %scan3A_33 = arith.constant 1 : i32
      %scan3A_34 = scf.for %scan3A_240 = %scan3A_30 to %scan3A_32 step %scan3A_33 iter_args(%scan3A_241 = %scan3A) -> (i32)  : i32 {
        %mul3A_242 = arith.constant 16 : i32
        %mul3A_243 = arith.muli %scan3A_240, %mul3A_242 : i32
        %get3A = arith.index_cast %mul3A_243 : i32 to index
        %get3A_244 = tpu.vector_load %arg9[%get3A] {strides = array<i32>} : memref<20016xf32, #tpu.memory_space<vmem>>, vector<16xf32>,
        %gt3A_245 = arith.constant 5.000000e-02 : f32
        %gt3A_246 = vector.broadcast %gt3A_245 : f32 to vector<16xf32>
        %gt3A_247 = arith.cmpf ogt, %get3A_244, %gt3A_246 : vector<16xf32>
        %mul3A_248 = arith.constant 16 : i32
        %mul3A_249 = arith.muli %scan3A_240, %mul3A_248 : i32
        %add3A_250 = vector.broadcast %mul3A_249 : i32 to vector<16xi32>
        %add3A_251 = arith.addi %add3A_250, %iota3A : vector<16xi32>
        %convert_element_type3A_252 = arith.extui %gt3A_247 : vector<16xi1> to vector<16xi32>
        %broadcast_in_dim3A = arith.constant true
        %broadcast_in_dim3A_253 = vector.broadcast %broadcast_in_dim3A : i1 to vector<16xi1>
        %masked_cumsum3A = tpu.scan <sum>, %convert_element_type3A_252 masked %broadcast_in_dim3A_253 : vector<16xi32>, vector<16xi1> -> vector<16xi32>
        %add3A_254 = vector.broadcast %scan3A_241 : i32 to vector<16xi32>
        %add3A_255 = arith.addi %add3A_254, %masked_cumsum3A : vector<16xi32>
        %sub3A = arith.constant 1 : i32
        %sub3A_256 = vector.broadcast %sub3A : i32 to vector<16xi32>
        %sub3A_257 = arith.subi %add3A_255, %sub3A_256 : vector<16xi32>
        tpu.vector_store_idx %arg10[%sub3A_257], %get3A_244 masked %gt3A_247 : memref<20016xf32, #tpu.memory_space<vmem>>[vector<16xi32>], vector<16xf32>, vector<16xi1>
        %convert_element_type3A_258 = arith.extui %gt3A_247 : vector<16xi1> to vector<16xi32>
        %broadcast_in_dim3A_259 = arith.constant true
        %broadcast_in_dim3A_260 = vector.broadcast %broadcast_in_dim3A_259 : i1 to vector<16xi1>
        %masked_cumsum3A_261 = tpu.scan <sum>, %convert_element_type3A_258 masked %broadcast_in_dim3A_260 : vector<16xi32>, vector<16xi1> -> vector<16xi32>
        %add3A_262 = vector.broadcast %scan3A_241 : i32 to vector<16xi32>
        %add3A_263 = arith.addi %add3A_262, %masked_cumsum3A_261 : vector<16xi32>
        %sub3A_264 = arith.constant 1 : i32
        %sub3A_265 = vector.broadcast %sub3A_264 : i32 to vector<16xi32>
        %sub3A_266 = arith.subi %add3A_263, %sub3A_265 : vector<16xi32>
        tpu.vector_store_idx %arg11[%sub3A_266], %add3A_251 masked %gt3A_247 : memref<20016xi32, #tpu.memory_space<vmem>>[vector<16xi32>], vector<16xi32>, vector<16xi1>
        %convert_element_type3A_267 = arith.extui %gt3A_247 : vector<16xi1> to vector<16xi32>
        %reduce_sum3A = arith.constant true
        %reduce_sum3A_268 = vector.broadcast %reduce_sum3A : i1 to vector<16xi1>
        %reduce_sum3A_269 = tpu.scan <sum>, %convert_element_type3A_267 masked %reduce_sum3A_268 : vector<16xi32>, vector<16xi1> -> vector<16xi32>
        %reduce_sum3A_270 = vector.extract %reduce_sum3A_269[15] : i32 from vector<16xi32>
        %add3A_271 = arith.addi %scan3A_241, %reduce_sum3A_270 : i32
        scf.yield %add3A_271 : i32
      }
      %scan3A_35 = arith.constant 1250 : i32
      %gt3A = arith.constant 200 : i32
      %gt3A_36 = arith.cmpi sgt, %scan3A_34, %gt3A : i32
      %convert_element_type3A = arith.extui %gt3A_36 : i1 to i32
      %cond3A = arith.constant 0 : i32
      %cond3A_37 = arith.cmpi ne, %convert_element_type3A, %cond3A : i32
      %cond3A_38 = scf.if %cond3A_37 -> (i32) {
        %iota3A_240 = tpu.iota {dimensions = array<i32: 0>} : vector<16xi32>
        %add3A_241 = arith.constant 15 : i32
        %add3A_242 = arith.addi %scan3A_34, %add3A_241 : i32
        %shift_right_arithmetic3A_243 = arith.constant 4 : i32
        %shift_right_arithmetic3A_244 = arith.shrsi %add3A_242, %shift_right_arithmetic3A_243 : i32
        %scan3A_245 = arith.constant 0 : i32
        %scan3A_246 = arith.constant 0 : i32
        %scan3A_247 = arith.constant 31 : i32
        %scan3A_248 = arith.addi %scan3A_246, %scan3A_247 : i32
        %scan3A_249 = arith.constant 1 : i32
        %scan3A_250 = scf.for %scan3A_252 = %scan3A_246 to %scan3A_248 step %scan3A_249 iter_args(%scan3A_253 = %scan3A_245) -> (i32)  : i32 {
          %sub3A = arith.constant 30 : i32
          %sub3A_254 = arith.subi %sub3A, %scan3A_252 : i32
          %shift_left3A = arith.constant 1 : i32
          %shift_left3A_255 = arith.shli %shift_left3A, %sub3A_254 : i32
          %or3A = arith.ori %scan3A_253, %shift_left3A_255 : i32
          %while3A_256 = arith.constant 0 : i32
          %while3A_257 = arith.constant 0 : i32
          %while3A_258 = arith.subi %shift_right_arithmetic3A_244, %while3A_256 : i32
          %while3A_259 = arith.addi %while3A_256, %while3A_258 : i32
          %while3A_260 = arith.constant 1 : i32
          %while3A_261 = arith.divsi %while3A_258, %while3A_260 : i32
          %while3A_262 = arith.muli %while3A_261, %while3A_260 : i32
          %while3A_263 = arith.addi %while3A_256, %while3A_262 : i32
          %while3A_264 = arith.constant 1 : i32
          %while3A_265 = scf.for %while3A_270 = %while3A_256 to %while3A_263 step %while3A_264 iter_args(%while3A_271 = %while3A_257) -> (i32)  : i32 {
            %mul3A_272 = arith.constant 16 : i32
            %mul3A_273 = arith.muli %while3A_270, %mul3A_272 : i32
            %get3A = arith.index_cast %mul3A_273 : i32 to index
            %get3A_274 = tpu.vector_load %arg10[%get3A] {strides = array<i32>} : memref<20016xf32, #tpu.memory_space<vmem>>, vector<16xf32>,
            %bitcast3A = vector.bitcast %get3A_274 : vector<16xf32> to vector<16xi32>
            %ge3A_275 = vector.broadcast %or3A : i32 to vector<16xi32>
            %ge3A_276 = arith.cmpi sge, %bitcast3A, %ge3A_275 : vector<16xi32>
            %mul3A_277 = arith.constant 16 : i32
            %mul3A_278 = arith.muli %while3A_270, %mul3A_277 : i32
            %add3A_279 = vector.broadcast %mul3A_278 : i32 to vector<16xi32>
            %add3A_280 = arith.addi %add3A_279, %iota3A_240 : vector<16xi32>
            %lt3A_281 = vector.broadcast %scan3A_34 : i32 to vector<16xi32>
            %lt3A_282 = arith.cmpi slt, %add3A_280, %lt3A_281 : vector<16xi32>
            %and3A = arith.andi %ge3A_276, %lt3A_282 : vector<16xi1>
            %convert_element_type3A_283 = arith.extui %and3A : vector<16xi1> to vector<16xi32>
            %reduce_sum3A = arith.constant true
            %reduce_sum3A_284 = vector.broadcast %reduce_sum3A : i1 to vector<16xi1>
            %reduce_sum3A_285 = tpu.scan <sum>, %convert_element_type3A_283 masked %reduce_sum3A_284 : vector<16xi32>, vector<16xi1> -> vector<16xi32>
            %reduce_sum3A_286 = vector.extract %reduce_sum3A_285[15] : i32 from vector<16xi32>
            %add3A_287 = arith.addi %while3A_271, %reduce_sum3A_286 : i32
            scf.yield %add3A_287 : i32
          }
          %while3A_266 = arith.constant 1 : i32
          %while3A_267 = scf.for %while3A_270 = %while3A_263 to %while3A_259 step %while3A_266 iter_args(%while3A_271 = %while3A_265) -> (i32)  : i32 {
            %mul3A_272 = arith.constant 16 : i32
            %mul3A_273 = arith.muli %while3A_270, %mul3A_272 : i32
            %get3A = arith.index_cast %mul3A_273 : i32 to index
            %get3A_274 = tpu.vector_load %arg10[%get3A] {strides = array<i32>} : memref<20016xf32, #tpu.memory_space<vmem>>, vector<16xf32>,
            %bitcast3A = vector.bitcast %get3A_274 : vector<16xf32> to vector<16xi32>
            %ge3A_275 = vector.broadcast %or3A : i32 to vector<16xi32>
            %ge3A_276 = arith.cmpi sge, %bitcast3A, %ge3A_275 : vector<16xi32>
            %mul3A_277 = arith.constant 16 : i32
            %mul3A_278 = arith.muli %while3A_270, %mul3A_277 : i32
            %add3A_279 = vector.broadcast %mul3A_278 : i32 to vector<16xi32>
            %add3A_280 = arith.addi %add3A_279, %iota3A_240 : vector<16xi32>
            %lt3A_281 = vector.broadcast %scan3A_34 : i32 to vector<16xi32>
            %lt3A_282 = arith.cmpi slt, %add3A_280, %lt3A_281 : vector<16xi32>
            %and3A = arith.andi %ge3A_276, %lt3A_282 : vector<16xi1>
            %convert_element_type3A_283 = arith.extui %and3A : vector<16xi1> to vector<16xi32>
            %reduce_sum3A = arith.constant true
            %reduce_sum3A_284 = vector.broadcast %reduce_sum3A : i1 to vector<16xi1>
            %reduce_sum3A_285 = tpu.scan <sum>, %convert_element_type3A_283 masked %reduce_sum3A_284 : vector<16xi32>, vector<16xi1> -> vector<16xi32>
            %reduce_sum3A_286 = vector.extract %reduce_sum3A_285[15] : i32 from vector<16xi32>
            %add3A_287 = arith.addi %while3A_271, %reduce_sum3A_286 : i32
            scf.yield %add3A_287 : i32
          }
          %ge3A = arith.constant 200 : i32
          %ge3A_268 = arith.cmpi sge, %while3A_267, %ge3A : i32
          %select_n3A_269 = arith.select %ge3A_268, %or3A, %scan3A_253 : i32
          scf.yield %select_n3A_269 : i32
        }
        %scan3A_251 = arith.constant 31 : i32
        scf.yield %scan3A_250 : i32
      } else {
        %cond3A_240 = arith.constant 0 : i32
        scf.yield %cond3A_240 : i32
      }
      %scan3A_39 = arith.constant 0 : i32
      %scan3A_40 = arith.constant 0 : i32
      %scan3A_41 = arith.constant 15 : i32
      %scan3A_42 = arith.addi %scan3A_40, %scan3A_41 : i32
      %scan3A_43 = arith.constant 1 : i32
      %scan3A_44 = scf.for %scan3A_240 = %scan3A_40 to %scan3A_42 step %scan3A_43 iter_args(%scan3A_241 = %scan3A_39) -> (i32)  : i32 {
        %broadcast_in_dim3A = arith.constant -3.000000e+38 : f32
        %broadcast_in_dim3A_242 = vector.broadcast %broadcast_in_dim3A : f32 to vector<16xf32>
        %mul3A_243 = arith.constant 16 : i32
        %mul3A_244 = arith.muli %scan3A_240, %mul3A_243 : i32
        %swap3A = arith.index_cast %mul3A_244 : i32 to index
        %swap3A_245 = tpu.vector_load %arg13[%swap3A] {strides = array<i32>} : memref<240xf32, #tpu.memory_space<vmem>>, vector<16xf32>,
        tpu.vector_store %arg13[%swap3A], %broadcast_in_dim3A_242 {strides = array<i32>} : memref<240xf32, #tpu.memory_space<vmem>>, vector<16xf32>,
        %scan3A_246 = arith.constant 0 : i32
        scf.yield %scan3A_246 : i32
      }
      %scan3A_45 = arith.constant 15 : i32
      %scan3A_46 = arith.constant 0 : i32
      %scan3A_47 = arith.constant 0 : i32
      %scan3A_48 = arith.constant 14 : i32
      %scan3A_49 = arith.addi %scan3A_47, %scan3A_48 : i32
      %scan3A_50 = arith.constant 1 : i32
      %scan3A_51 = scf.for %scan3A_240 = %scan3A_47 to %scan3A_49 step %scan3A_50 iter_args(%scan3A_241 = %scan3A_46) -> (i32)  : i32 {
        %broadcast_in_dim3A = arith.constant 0 : i32
        %broadcast_in_dim3A_242 = vector.broadcast %broadcast_in_dim3A : i32 to vector<16xi32>
        %mul3A_243 = arith.constant 16 : i32
        %mul3A_244 = arith.muli %scan3A_240, %mul3A_243 : i32
        %swap3A = arith.index_cast %mul3A_244 : i32 to index
        %swap3A_245 = tpu.vector_load %arg15[%swap3A] {strides = array<i32>} : memref<224xi32, #tpu.memory_space<vmem>>, vector<16xi32>,
        tpu.vector_store %arg15[%swap3A], %broadcast_in_dim3A_242 {strides = array<i32>} : memref<224xi32, #tpu.memory_space<vmem>>, vector<16xi32>,
        %broadcast_in_dim3A_246 = arith.constant -1.000000e+00 : f32
        %broadcast_in_dim3A_247 = vector.broadcast %broadcast_in_dim3A_246 : f32 to vector<16xf32>
        %mul3A_248 = arith.constant 16 : i32
        %mul3A_249 = arith.muli %scan3A_240, %mul3A_248 : i32
        %swap3A_250 = arith.index_cast %mul3A_249 : i32 to index
        %swap3A_251 = tpu.vector_load %arg16[%swap3A_250] {strides = array<i32>} : memref<224xf32, #tpu.memory_space<vmem>>, vector<16xf32>,
        tpu.vector_store %arg16[%swap3A_250], %broadcast_in_dim3A_247 {strides = array<i32>} : memref<224xf32, #tpu.memory_space<vmem>>, vector<16xf32>,
        %scan3A_252 = arith.constant 0 : i32
        scf.yield %scan3A_252 : i32
      }
      %scan3A_52 = arith.constant 14 : i32
      %add3A_53 = arith.constant 15 : i32
      %add3A_54 = arith.addi %scan3A_34, %add3A_53 : i32
      %shift_right_arithmetic3A = arith.constant 4 : i32
      %shift_right_arithmetic3A_55 = arith.shrsi %add3A_54, %shift_right_arithmetic3A : i32
      %while3A_56 = arith.constant 0 : i32
      %while3A_57 = arith.constant 0 : i32
      %while3A_58 = arith.subi %shift_right_arithmetic3A_55, %while3A_56 : i32
      %while3A_59 = arith.addi %while3A_56, %while3A_58 : i32
      %while3A_60 = arith.constant 1 : i32
      %while3A_61 = arith.divsi %while3A_58, %while3A_60 : i32
      %while3A_62 = arith.muli %while3A_61, %while3A_60 : i32
      %while3A_63 = arith.addi %while3A_56, %while3A_62 : i32
      %while3A_64 = arith.constant 1 : i32
      %while3A_65 = scf.for %while3A_240 = %while3A_56 to %while3A_63 step %while3A_64 iter_args(%while3A_241 = %while3A_57) -> (i32)  : i32 {
        %mul3A_242 = arith.constant 16 : i32
        %mul3A_243 = arith.muli %while3A_240, %mul3A_242 : i32
        %get3A = arith.index_cast %mul3A_243 : i32 to index
        %get3A_244 = tpu.vector_load %arg10[%get3A] {strides = array<i32>} : memref<20016xf32, #tpu.memory_space<vmem>>, vector<16xf32>,
        %bitcast3A = vector.bitcast %get3A_244 : vector<16xf32> to vector<16xi32>
        %ge3A = vector.broadcast %cond3A_38 : i32 to vector<16xi32>
        %ge3A_245 = arith.cmpi sge, %bitcast3A, %ge3A : vector<16xi32>
        %mul3A_246 = arith.constant 16 : i32
        %mul3A_247 = arith.muli %while3A_240, %mul3A_246 : i32
        %add3A_248 = vector.broadcast %mul3A_247 : i32 to vector<16xi32>
        %add3A_249 = arith.addi %add3A_248, %iota3A : vector<16xi32>
        %lt3A_250 = vector.broadcast %scan3A_34 : i32 to vector<16xi32>
        %lt3A_251 = arith.cmpi slt, %add3A_249, %lt3A_250 : vector<16xi32>
        %and3A = arith.andi %ge3A_245, %lt3A_251 : vector<16xi1>
        %min3A_252 = arith.constant 208 : i32
        %min3A_253 = arith.minsi %while3A_241, %min3A_252 : i32
        %mul3A_254 = arith.constant 16 : i32
        %mul3A_255 = arith.muli %while3A_240, %mul3A_254 : i32
        %get3A_256 = arith.index_cast %mul3A_255 : i32 to index
        %get3A_257 = tpu.vector_load %arg11[%get3A_256] {strides = array<i32>} : memref<20016xi32, #tpu.memory_space<vmem>>, vector<16xi32>,
        %convert_element_type3A_258 = arith.extui %and3A : vector<16xi1> to vector<16xi32>
        %broadcast_in_dim3A = arith.constant true
        %broadcast_in_dim3A_259 = vector.broadcast %broadcast_in_dim3A : i1 to vector<16xi1>
        %masked_cumsum3A = tpu.scan <sum>, %convert_element_type3A_258 masked %broadcast_in_dim3A_259 : vector<16xi32>, vector<16xi1> -> vector<16xi32>
        %add3A_260 = vector.broadcast %min3A_253 : i32 to vector<16xi32>
        %add3A_261 = arith.addi %add3A_260, %masked_cumsum3A : vector<16xi32>
        %sub3A = arith.constant 1 : i32
        %sub3A_262 = vector.broadcast %sub3A : i32 to vector<16xi32>
        %sub3A_263 = arith.subi %add3A_261, %sub3A_262 : vector<16xi32>
        tpu.vector_store_idx %arg13[%sub3A_263], %get3A_244 masked %and3A : memref<240xf32, #tpu.memory_space<vmem>>[vector<16xi32>], vector<16xf32>, vector<16xi1>
        %convert_element_type3A_264 = arith.extui %and3A : vector<16xi1> to vector<16xi32>
        %broadcast_in_dim3A_265 = arith.constant true
        %broadcast_in_dim3A_266 = vector.broadcast %broadcast_in_dim3A_265 : i1 to vector<16xi1>
        %masked_cumsum3A_267 = tpu.scan <sum>, %convert_element_type3A_264 masked %broadcast_in_dim3A_266 : vector<16xi32>, vector<16xi1> -> vector<16xi32>
        %add3A_268 = vector.broadcast %min3A_253 : i32 to vector<16xi32>
        %add3A_269 = arith.addi %add3A_268, %masked_cumsum3A_267 : vector<16xi32>
        %sub3A_270 = arith.constant 1 : i32
        %sub3A_271 = vector.broadcast %sub3A_270 : i32 to vector<16xi32>
        %sub3A_272 = arith.subi %add3A_269, %sub3A_271 : vector<16xi32>
        tpu.vector_store_idx %arg14[%sub3A_272], %get3A_257 masked %and3A : memref<240xi32, #tpu.memory_space<vmem>>[vector<16xi32>], vector<16xi32>, vector<16xi1>
        %convert_element_type3A_273 = arith.extui %and3A : vector<16xi1> to vector<16xi32>
        %reduce_sum3A = arith.constant true
        %reduce_sum3A_274 = vector.broadcast %reduce_sum3A : i1 to vector<16xi1>
        %reduce_sum3A_275 = tpu.scan <sum>, %convert_element_type3A_273 masked %reduce_sum3A_274 : vector<16xi32>, vector<16xi1> -> vector<16xi32>
        %reduce_sum3A_276 = vector.extract %reduce_sum3A_275[15] : i32 from vector<16xi32>
        %add3A_277 = arith.addi %while3A_241, %reduce_sum3A_276 : i32
        scf.yield %add3A_277 : i32
      }
      %while3A_66 = arith.constant 1 : i32
      %while3A_67 = scf.for %while3A_240 = %while3A_63 to %while3A_59 step %while3A_66 iter_args(%while3A_241 = %while3A_65) -> (i32)  : i32 {
        %mul3A_242 = arith.constant 16 : i32
        %mul3A_243 = arith.muli %while3A_240, %mul3A_242 : i32
        %get3A = arith.index_cast %mul3A_243 : i32 to index
        %get3A_244 = tpu.vector_load %arg10[%get3A] {strides = array<i32>} : memref<20016xf32, #tpu.memory_space<vmem>>, vector<16xf32>,
        %bitcast3A = vector.bitcast %get3A_244 : vector<16xf32> to vector<16xi32>
        %ge3A = vector.broadcast %cond3A_38 : i32 to vector<16xi32>
        %ge3A_245 = arith.cmpi sge, %bitcast3A, %ge3A : vector<16xi32>
        %mul3A_246 = arith.constant 16 : i32
        %mul3A_247 = arith.muli %while3A_240, %mul3A_246 : i32
        %add3A_248 = vector.broadcast %mul3A_247 : i32 to vector<16xi32>
        %add3A_249 = arith.addi %add3A_248, %iota3A : vector<16xi32>
        %lt3A_250 = vector.broadcast %scan3A_34 : i32 to vector<16xi32>
        %lt3A_251 = arith.cmpi slt, %add3A_249, %lt3A_250 : vector<16xi32>
        %and3A = arith.andi %ge3A_245, %lt3A_251 : vector<16xi1>
        %min3A_252 = arith.constant 208 : i32
        %min3A_253 = arith.minsi %while3A_241, %min3A_252 : i32
        %mul3A_254 = arith.constant 16 : i32
        %mul3A_255 = arith.muli %while3A_240, %mul3A_254 : i32
        %get3A_256 = arith.index_cast %mul3A_255 : i32 to index
        %get3A_257 = tpu.vector_load %arg11[%get3A_256] {strides = array<i32>} : memref<20016xi32, #tpu.memory_space<vmem>>, vector<16xi32>,
        %convert_element_type3A_258 = arith.extui %and3A : vector<16xi1> to vector<16xi32>
        %broadcast_in_dim3A = arith.constant true
        %broadcast_in_dim3A_259 = vector.broadcast %broadcast_in_dim3A : i1 to vector<16xi1>
        %masked_cumsum3A = tpu.scan <sum>, %convert_element_type3A_258 masked %broadcast_in_dim3A_259 : vector<16xi32>, vector<16xi1> -> vector<16xi32>
        %add3A_260 = vector.broadcast %min3A_253 : i32 to vector<16xi32>
        %add3A_261 = arith.addi %add3A_260, %masked_cumsum3A : vector<16xi32>
        %sub3A = arith.constant 1 : i32
        %sub3A_262 = vector.broadcast %sub3A : i32 to vector<16xi32>
        %sub3A_263 = arith.subi %add3A_261, %sub3A_262 : vector<16xi32>
        tpu.vector_store_idx %arg13[%sub3A_263], %get3A_244 masked %and3A : memref<240xf32, #tpu.memory_space<vmem>>[vector<16xi32>], vector<16xf32>, vector<16xi1>
        %convert_element_type3A_264 = arith.extui %and3A : vector<16xi1> to vector<16xi32>
        %broadcast_in_dim3A_265 = arith.constant true
        %broadcast_in_dim3A_266 = vector.broadcast %broadcast_in_dim3A_265 : i1 to vector<16xi1>
        %masked_cumsum3A_267 = tpu.scan <sum>, %convert_element_type3A_264 masked %broadcast_in_dim3A_266 : vector<16xi32>, vector<16xi1> -> vector<16xi32>
        %add3A_268 = vector.broadcast %min3A_253 : i32 to vector<16xi32>
        %add3A_269 = arith.addi %add3A_268, %masked_cumsum3A_267 : vector<16xi32>
        %sub3A_270 = arith.constant 1 : i32
        %sub3A_271 = vector.broadcast %sub3A_270 : i32 to vector<16xi32>
        %sub3A_272 = arith.subi %add3A_269, %sub3A_271 : vector<16xi32>
        tpu.vector_store_idx %arg14[%sub3A_272], %get3A_257 masked %and3A : memref<240xi32, #tpu.memory_space<vmem>>[vector<16xi32>], vector<16xi32>, vector<16xi1>
        %convert_element_type3A_273 = arith.extui %and3A : vector<16xi1> to vector<16xi32>
        %reduce_sum3A = arith.constant true
        %reduce_sum3A_274 = vector.broadcast %reduce_sum3A : i1 to vector<16xi1>
        %reduce_sum3A_275 = tpu.scan <sum>, %convert_element_type3A_273 masked %reduce_sum3A_274 : vector<16xi32>, vector<16xi1> -> vector<16xi32>
        %reduce_sum3A_276 = vector.extract %reduce_sum3A_275[15] : i32 from vector<16xi32>
        %add3A_277 = arith.addi %while3A_241, %reduce_sum3A_276 : i32
        scf.yield %add3A_277 : i32
      }
      %min3A = arith.constant 200 : i32
      %min3A_68 = arith.minsi %while3A_67, %min3A : i32
      %scan3A_69 = arith.constant 0 : i32
      %scan3A_70 = arith.constant 0 : i32
      %scan3A_71 = arith.constant 200 : i32
      %scan3A_72 = arith.addi %scan3A_70, %scan3A_71 : i32
      %scan3A_73 = arith.constant 1 : i32
      %scan3A_74 = scf.for %scan3A_240 = %scan3A_70 to %scan3A_72 step %scan3A_73 iter_args(%scan3A_241 = %scan3A_69) -> (i32)  : i32 {
        %lt3A_242 = arith.cmpi slt, %scan3A_240, %min3A_68 : i32
        %convert_element_type3A_243 = arith.extui %lt3A_242 : i1 to i32
        %cond3A_244 = arith.constant 0 : i32
        %cond3A_245 = arith.cmpi ne, %convert_element_type3A_243, %cond3A_244 : i32
        scf.if %cond3A_245 {
          %scan3A_247 = arith.constant -3.000000e+38 : f32
          %scan3A_248 = arith.constant 0 : i32
          %scan3A_249 = arith.constant 15 : i32
          %scan3A_250 = arith.addi %scan3A_248, %scan3A_249 : i32
          %scan3A_251 = arith.constant 1 : i32
          %scan3A_252 = scf.for %scan3A_290 = %scan3A_248 to %scan3A_250 step %scan3A_251 iter_args(%scan3A_291 = %scan3A_247) -> (f32)  : i32 {
            %mul3A_292 = arith.constant 16 : i32
            %mul3A_293 = arith.muli %scan3A_290, %mul3A_292 : i32
            %get3A_294 = arith.index_cast %mul3A_293 : i32 to index
            %get3A_295 = tpu.vector_load %arg13[%get3A_294] {strides = array<i32>} : memref<240xf32, #tpu.memory_space<vmem>>, vector<16xf32>,
            %reduce_max3A = arith.constant true
            %reduce_max3A_296 = vector.broadcast %reduce_max3A : i1 to vector<16xi1>
            %reduce_max3A_297 = tpu.scan <max>, %get3A_295 masked %reduce_max3A_296 : vector<16xf32>, vector<16xi1> -> vector<16xf32>
            %reduce_max3A_298 = vector.extract %reduce_max3A_297[15] : f32 from vector<16xf32>
            %max3A = arith.maximumf %scan3A_291, %reduce_max3A_298 : f32
            scf.yield %max3A : f32
          }
          %scan3A_253 = arith.constant 15 : i32
          %scan3A_254 = arith.constant 240 : i32
          %scan3A_255 = arith.constant 0 : i32
          %scan3A_256 = arith.constant 15 : i32
          %scan3A_257 = arith.addi %scan3A_255, %scan3A_256 : i32
          %scan3A_258 = arith.constant 1 : i32
          %scan3A_259 = scf.for %scan3A_290 = %scan3A_255 to %scan3A_257 step %scan3A_258 iter_args(%scan3A_291 = %scan3A_254) -> (i32)  : i32 {
            %mul3A_292 = arith.constant 16 : i32
            %mul3A_293 = arith.muli %scan3A_290, %mul3A_292 : i32
            %get3A_294 = arith.index_cast %mul3A_293 : i32 to index
            %get3A_295 = tpu.vector_load %arg13[%get3A_294] {strides = array<i32>} : memref<240xf32, #tpu.memory_space<vmem>>, vector<16xf32>,
            %eq3A_296 = vector.broadcast %scan3A_252 : f32 to vector<16xf32>
            %eq3A_297 = arith.cmpf oeq, %get3A_295, %eq3A_296 : vector<16xf32>
            %mul3A_298 = arith.constant 16 : i32
            %mul3A_299 = arith.muli %scan3A_290, %mul3A_298 : i32
            %add3A_300 = vector.broadcast %mul3A_299 : i32 to vector<16xi32>
            %add3A_301 = arith.addi %add3A_300, %iota3A : vector<16xi32>
            %jit3A_302 = arith.constant 240 : i32
            %broadcast_in_dim3A_303 = vector.broadcast %jit3A_302 : i32 to vector<16xi32>
            %select_n3A_304 = arith.select %eq3A_297, %add3A_301, %broadcast_in_dim3A_303 : vector<16xi1>, vector<16xi32>
            %reduce_min3A = arith.constant true
            %reduce_min3A_305 = vector.broadcast %reduce_min3A : i1 to vector<16xi1>
            %reduce_min3A_306 = arith.constant -2147483648 : i32
            %reduce_min3A_307 = vector.broadcast %reduce_min3A_306 : i32 to vector<16xi32>
            %reduce_min3A_308 = arith.xori %select_n3A_304, %reduce_min3A_307 : vector<16xi32>
            %reduce_min3A_309 = tpu.scan <min>, %reduce_min3A_308 masked %reduce_min3A_305 : vector<16xi32>, vector<16xi1> -> vector<16xi32>
            %reduce_min3A_310 = arith.xori %reduce_min3A_309, %reduce_min3A_307 : vector<16xi32>
            %reduce_min3A_311 = vector.extract %reduce_min3A_310[15] : i32 from vector<16xi32>
            %min3A_312 = arith.minsi %scan3A_291, %reduce_min3A_311 : i32
            scf.yield %min3A_312 : i32
          }
          %scan3A_260 = arith.constant 15 : i32
          %get3A = arith.index_cast %scan3A_259 : i32 to index
          %get3A_261 = tpu.vector_load %arg14[%get3A] {strides = array<i32>} : memref<240xi32, #tpu.memory_space<vmem>>, vector<16xi32>,
          %slice3A = vector.extract_strided_slice %get3A_261 {offsets = [0], sizes = [1], strides = [1]} : vector<16xi32> to vector<1xi32>
          %squeeze3A = vector.extract %slice3A[0] : i32 from vector<1xi32>
          %get3A_262 = arith.index_cast %scan3A_240 : i32 to index
          %get3A_263 = tpu.vector_load %arg16[%get3A_262] {strides = array<i32>} : memref<224xf32, #tpu.memory_space<vmem>>, vector<16xf32>,
          %iota3A_264 = tpu.iota {dimensions = array<i32: 0>} : vector<16xi32>
          %eq3A = arith.constant 0 : i32
          %eq3A_265 = vector.broadcast %eq3A : i32 to vector<16xi32>
          %eq3A_266 = arith.cmpi eq, %iota3A_264, %eq3A_265 : vector<16xi32>
          %broadcast_in_dim3A = vector.broadcast %scan3A_252 : f32 to vector<16xf32>
          %select_n3A_267 = arith.select %eq3A_266, %broadcast_in_dim3A, %get3A_263 : vector<16xi1>, vector<16xf32>
          %swap3A = arith.index_cast %scan3A_240 : i32 to index
          %swap3A_268 = tpu.vector_load %arg16[%swap3A] {strides = array<i32>} : memref<224xf32, #tpu.memory_space<vmem>>, vector<16xf32>,
          tpu.vector_store %arg16[%swap3A], %select_n3A_267 {strides = array<i32>} : memref<224xf32, #tpu.memory_space<vmem>>, vector<16xf32>,
          %get3A_269 = arith.index_cast %scan3A_240 : i32 to index
          %get3A_270 = tpu.vector_load %arg15[%get3A_269] {strides = array<i32>} : memref<224xi32, #tpu.memory_space<vmem>>, vector<16xi32>,
          %iota3A_271 = tpu.iota {dimensions = array<i32: 0>} : vector<16xi32>
          %eq3A_272 = arith.constant 0 : i32
          %eq3A_273 = vector.broadcast %eq3A_272 : i32 to vector<16xi32>
          %eq3A_274 = arith.cmpi eq, %iota3A_271, %eq3A_273 : vector<16xi32>
          %broadcast_in_dim3A_275 = vector.broadcast %squeeze3A : i32 to vector<16xi32>
          %select_n3A_276 = arith.select %eq3A_274, %broadcast_in_dim3A_275, %get3A_270 : vector<16xi1>, vector<16xi32>
          %swap3A_277 = arith.index_cast %scan3A_240 : i32 to index
          %swap3A_278 = tpu.vector_load %arg15[%swap3A_277] {strides = array<i32>} : memref<224xi32, #tpu.memory_space<vmem>>, vector<16xi32>,
          tpu.vector_store %arg15[%swap3A_277], %select_n3A_276 {strides = array<i32>} : memref<224xi32, #tpu.memory_space<vmem>>, vector<16xi32>,
          %get3A_279 = arith.index_cast %scan3A_259 : i32 to index
          %get3A_280 = tpu.vector_load %arg13[%get3A_279] {strides = array<i32>} : memref<240xf32, #tpu.memory_space<vmem>>, vector<16xf32>,
          %iota3A_281 = tpu.iota {dimensions = array<i32: 0>} : vector<16xi32>
          %eq3A_282 = arith.constant 0 : i32
          %eq3A_283 = vector.broadcast %eq3A_282 : i32 to vector<16xi32>
          %eq3A_284 = arith.cmpi eq, %iota3A_281, %eq3A_283 : vector<16xi32>
          %broadcast_in_dim3A_285 = arith.constant -3.000000e+38 : f32
          %broadcast_in_dim3A_286 = vector.broadcast %broadcast_in_dim3A_285 : f32 to vector<16xf32>
          %select_n3A_287 = arith.select %eq3A_284, %broadcast_in_dim3A_286, %get3A_280 : vector<16xi1>, vector<16xf32>
          %swap3A_288 = arith.index_cast %scan3A_259 : i32 to index
          %swap3A_289 = tpu.vector_load %arg13[%swap3A_288] {strides = array<i32>} : memref<240xf32, #tpu.memory_space<vmem>>, vector<16xf32>,
          tpu.vector_store %arg13[%swap3A_288], %select_n3A_287 {strides = array<i32>} : memref<240xf32, #tpu.memory_space<vmem>>, vector<16xf32>,
        } else {
        }
        %scan3A_246 = arith.constant 0 : i32
        scf.yield %scan3A_246 : i32
      }
      %scan3A_75 = arith.constant 200 : i32
      %lt3A_76 = arith.constant 200 : i32
      %lt3A_77 = arith.cmpi slt, %min3A_68, %lt3A_76 : i32
      %convert_element_type3A_78 = arith.extui %lt3A_77 : i1 to i32
      %cond3A_79 = arith.constant 0 : i32
      %cond3A_80 = arith.cmpi ne, %convert_element_type3A_78, %cond3A_79 : i32
      scf.if %cond3A_80 {
        %scan3A_240 = arith.constant 0 : i32
        %scan3A_241 = arith.constant 0 : i32
        %scan3A_242 = arith.constant 1250 : i32
        %scan3A_243 = arith.addi %scan3A_241, %scan3A_242 : i32
        %scan3A_244 = arith.constant 1 : i32
        %scan3A_245 = scf.for %scan3A_254 = %scan3A_241 to %scan3A_243 step %scan3A_244 iter_args(%scan3A_255 = %scan3A_240) -> (i32)  : i32 {
          %mul3A_256 = arith.constant 16 : i32
          %mul3A_257 = arith.muli %scan3A_254, %mul3A_256 : i32
          %get3A = arith.index_cast %mul3A_257 : i32 to index
          %get3A_258 = tpu.vector_load %arg9[%get3A] {strides = array<i32>} : memref<20016xf32, #tpu.memory_space<vmem>>, vector<16xf32>,
          %gt3A_259 = arith.constant 5.000000e-02 : f32
          %gt3A_260 = vector.broadcast %gt3A_259 : f32 to vector<16xf32>
          %gt3A_261 = arith.cmpf ogt, %get3A_258, %gt3A_260 : vector<16xf32>
          %not3A = arith.constant dense<true> : vector<16xi1>
          %not3A_262 = arith.xori %gt3A_261, %not3A : vector<16xi1>
          %min3A_263 = arith.constant 208 : i32
          %min3A_264 = arith.minsi %scan3A_255, %min3A_263 : i32
          %convert_element_type3A_265 = arith.extui %not3A_262 : vector<16xi1> to vector<16xi32>
          %broadcast_in_dim3A = arith.constant true
          %broadcast_in_dim3A_266 = vector.broadcast %broadcast_in_dim3A : i1 to vector<16xi1>
          %masked_cumsum3A = tpu.scan <sum>, %convert_element_type3A_265 masked %broadcast_in_dim3A_266 : vector<16xi32>, vector<16xi1> -> vector<16xi32>
          %sub3A = arith.constant 1 : i32
          %sub3A_267 = vector.broadcast %sub3A : i32 to vector<16xi32>
          %sub3A_268 = arith.subi %masked_cumsum3A, %sub3A_267 : vector<16xi32>
          %add3A_269 = vector.broadcast %min3A_264 : i32 to vector<16xi32>
          %add3A_270 = arith.addi %add3A_269, %sub3A_268 : vector<16xi32>
          %mul3A_271 = arith.constant 16 : i32
          %mul3A_272 = arith.muli %scan3A_254, %mul3A_271 : i32
          %add3A_273 = vector.broadcast %mul3A_272 : i32 to vector<16xi32>
          %add3A_274 = arith.addi %add3A_273, %iota3A : vector<16xi32>
          tpu.vector_store_idx %arg12[%add3A_270], %add3A_274 masked %not3A_262 : memref<240xi32, #tpu.memory_space<vmem>>[vector<16xi32>], vector<16xi32>, vector<16xi1>
          %convert_element_type3A_275 = arith.extui %not3A_262 : vector<16xi1> to vector<16xi32>
          %reduce_sum3A = arith.constant true
          %reduce_sum3A_276 = vector.broadcast %reduce_sum3A : i1 to vector<16xi1>
          %reduce_sum3A_277 = tpu.scan <sum>, %convert_element_type3A_275 masked %reduce_sum3A_276 : vector<16xi32>, vector<16xi1> -> vector<16xi32>
          %reduce_sum3A_278 = vector.extract %reduce_sum3A_277[15] : i32 from vector<16xi32>
          %add3A_279 = arith.addi %scan3A_255, %reduce_sum3A_278 : i32
          scf.yield %add3A_279 : i32
        }
        %scan3A_246 = arith.constant 1250 : i32
        %scan3A_247 = arith.constant 0 : i32
        %scan3A_248 = arith.constant 0 : i32
        %scan3A_249 = arith.constant 13 : i32
        %scan3A_250 = arith.addi %scan3A_248, %scan3A_249 : i32
        %scan3A_251 = arith.constant 1 : i32
        %scan3A_252 = scf.for %scan3A_254 = %scan3A_248 to %scan3A_250 step %scan3A_251 iter_args(%scan3A_255 = %scan3A_247) -> (i32)  : i32 {
          %mul3A_256 = arith.constant 16 : i32
          %mul3A_257 = arith.muli %scan3A_254, %mul3A_256 : i32
          %add3A_258 = vector.broadcast %mul3A_257 : i32 to vector<16xi32>
          %add3A_259 = arith.addi %add3A_258, %iota3A : vector<16xi32>
          %ge3A = vector.broadcast %min3A_68 : i32 to vector<16xi32>
          %ge3A_260 = arith.cmpi sge, %add3A_259, %ge3A : vector<16xi32>
          %lt3A_261 = arith.constant 200 : i32
          %lt3A_262 = vector.broadcast %lt3A_261 : i32 to vector<16xi32>
          %lt3A_263 = arith.cmpi slt, %add3A_259, %lt3A_262 : vector<16xi32>
          %and3A = arith.andi %ge3A_260, %lt3A_263 : vector<16xi1>
          %sub3A = vector.broadcast %min3A_68 : i32 to vector<16xi32>
          %sub3A_264 = arith.subi %add3A_259, %sub3A : vector<16xi32>
          %jit3A_265 = arith.constant 0 : i32
          %jit3A_266 = arith.constant 223 : i32
          %max3A = vector.broadcast %jit3A_265 : i32 to vector<16xi32>
          %max3A_267 = arith.maxsi %max3A, %sub3A_264 : vector<16xi32>
          %min3A_268 = vector.broadcast %jit3A_266 : i32 to vector<16xi32>
          %min3A_269 = arith.minsi %min3A_268, %max3A_267 : vector<16xi32>
          %gather3A = tpu.vector_load_idx %arg12[%min3A_269] masked %and3A : memref<240xi32, #tpu.memory_space<vmem>>[vector<16xi32>], vector<16xi32>, vector<16xi1>
          tpu.vector_store_idx %arg15[%add3A_259], %gather3A masked %and3A : memref<224xi32, #tpu.memory_space<vmem>>[vector<16xi32>], vector<16xi32>, vector<16xi1>
          %scan3A_270 = arith.constant 0 : i32
          scf.yield %scan3A_270 : i32
        }
        %scan3A_253 = arith.constant 13 : i32
      } else {
      }
      %scan3A_81 = arith.constant 0 : i32
      %scan3A_82 = arith.constant 0 : i32
      %scan3A_83 = arith.constant 14 : i32
      %scan3A_84 = arith.addi %scan3A_82, %scan3A_83 : i32
      %scan3A_85 = arith.constant 1 : i32
      %scan3A_86 = scf.for %scan3A_240 = %scan3A_82 to %scan3A_84 step %scan3A_85 iter_args(%scan3A_241 = %scan3A_81) -> (i32)  : i32 {
        %mul3A_242 = arith.constant 16 : i32
        %mul3A_243 = arith.muli %scan3A_240, %mul3A_242 : i32
        %add3A_244 = vector.broadcast %mul3A_243 : i32 to vector<16xi32>
        %add3A_245 = arith.addi %add3A_244, %iota3A : vector<16xi32>
        %mul3A_246 = arith.constant 16 : i32
        %mul3A_247 = arith.muli %scan3A_240, %mul3A_246 : i32
        %get3A = arith.index_cast %mul3A_247 : i32 to index
        %get3A_248 = tpu.vector_load %arg15[%get3A] {strides = array<i32>} : memref<224xi32, #tpu.memory_space<vmem>>, vector<16xi32>,
        %jit3A_249 = arith.constant 112 : i32
        %div3A = vector.broadcast %jit3A_249 : i32 to vector<16xi32>
        %div3A_250 = arith.divsi %add3A_245, %div3A : vector<16xi32>
        %sign3A = arith.constant 0 : i32
        %sign3A_251 = vector.broadcast %sign3A : i32 to vector<16xi32>
        %sign3A_252 = arith.cmpi sgt, %add3A_245, %sign3A_251 : vector<16xi32>
        %sign3A_253 = arith.extui %sign3A_252 : vector<16xi1> to vector<16xi32>
        %sign3A_254 = arith.constant 0 : i32
        %sign3A_255 = vector.broadcast %sign3A_254 : i32 to vector<16xi32>
        %sign3A_256 = arith.cmpi slt, %add3A_245, %sign3A_255 : vector<16xi32>
        %sign3A_257 = arith.extui %sign3A_256 : vector<16xi1> to vector<16xi32>
        %sign3A_258 = arith.subi %sign3A_253, %sign3A_257 : vector<16xi32>
        %sign3A_259 = arith.constant 0 : i32
        %sign3A_260 = arith.cmpi sgt, %jit3A_249, %sign3A_259 : i32
        %sign3A_261 = arith.extui %sign3A_260 : i1 to i32
        %sign3A_262 = arith.constant 0 : i32
        %sign3A_263 = arith.cmpi slt, %jit3A_249, %sign3A_262 : i32
        %sign3A_264 = arith.extui %sign3A_263 : i1 to i32
        %sign3A_265 = arith.subi %sign3A_261, %sign3A_264 : i32
        %ne3A = vector.broadcast %sign3A_265 : i32 to vector<16xi32>
        %ne3A_266 = arith.cmpi ne, %sign3A_258, %ne3A : vector<16xi32>
        %rem3A = vector.broadcast %jit3A_249 : i32 to vector<16xi32>
        %rem3A_267 = arith.remsi %add3A_245, %rem3A : vector<16xi32>
        %ne3A_268 = arith.constant 0 : i32
        %ne3A_269 = vector.broadcast %ne3A_268 : i32 to vector<16xi32>
        %ne3A_270 = arith.cmpi ne, %rem3A_267, %ne3A_269 : vector<16xi32>
        %and3A = arith.andi %ne3A_266, %ne3A_270 : vector<16xi1>
        %sub3A = arith.constant 1 : i32
        %sub3A_271 = vector.broadcast %sub3A : i32 to vector<16xi32>
        %sub3A_272 = arith.subi %div3A_250, %sub3A_271 : vector<16xi32>
        %select_n3A_273 = arith.select %and3A, %sub3A_272, %div3A_250 : vector<16xi1>, vector<16xi32>
        %jit3A_274 = arith.constant 112 : i32
        %eq3A = arith.constant 0 : i32
        %eq3A_275 = arith.cmpi eq, %jit3A_274, %eq3A : i32
        %jit3A_276 = arith.constant 1 : i32
        %select_n3A_277 = arith.select %eq3A_275, %jit3A_276, %jit3A_274 : i32
        %rem3A_278 = vector.broadcast %select_n3A_277 : i32 to vector<16xi32>
        %rem3A_279 = arith.remsi %add3A_245, %rem3A_278 : vector<16xi32>
        %ne3A_280 = arith.constant 0 : i32
        %ne3A_281 = vector.broadcast %ne3A_280 : i32 to vector<16xi32>
        %ne3A_282 = arith.cmpi ne, %rem3A_279, %ne3A_281 : vector<16xi32>
        %lt3A_283 = arith.constant 0 : i32
        %lt3A_284 = vector.broadcast %lt3A_283 : i32 to vector<16xi32>
        %lt3A_285 = arith.cmpi slt, %rem3A_279, %lt3A_284 : vector<16xi32>
        %lt3A_286 = arith.constant 0 : i32
        %lt3A_287 = arith.cmpi slt, %select_n3A_277, %lt3A_286 : i32
        %ne3A_288 = vector.broadcast %lt3A_287 : i1 to vector<16xi1>
        %ne3A_289 = vector.broadcast %ne3A_288 : vector<16xi1> to vector<16xi1>
        %ne3A_290 = arith.xori %lt3A_285, %ne3A_289 : vector<16xi1>
        %and3A_291 = arith.andi %ne3A_290, %ne3A_282 : vector<16xi1>
        %add3A_292 = vector.broadcast %select_n3A_277 : i32 to vector<16xi32>
        %add3A_293 = arith.addi %rem3A_279, %add3A_292 : vector<16xi32>
        %select_n3A_294 = arith.select %and3A_291, %add3A_293, %rem3A_279 : vector<16xi1>, vector<16xi32>
        %mul3A_295 = arith.constant 20000 : i32
        %mul3A_296 = arith.muli %add3A_27, %mul3A_295 : i32
        %add3A_297 = vector.broadcast %mul3A_296 : i32 to vector<16xi32>
        %add3A_298 = arith.addi %add3A_297, %get3A_248 : vector<16xi32>
        tpu.vector_store_idx %arg25[%select_n3A_273, %select_n3A_294], %add3A_298 : memref<2x112xi32, #tpu.memory_space<vmem>>[vector<16xi32>, vector<16xi32>], vector<16xi32>,
        %scan3A_299 = arith.constant 0 : i32
        scf.yield %scan3A_299 : i32
      }
      %scan3A_87 = arith.constant 14 : i32
      %dma_start3A = arith.constant 0 : i32
      %dma_start3A_88 = arith.constant 0 : i32
      %dma_start3A_89 = tpu.memref_slice %arg17[%dma_start3A_88] : memref<224xf32, #tpu.memory_space<vmem>> -> memref<112xf32, #tpu.memory_space<vmem>>
      %dma_start3A_90 = arith.constant 0 : i32
      %dma_start3A_91 = tpu.memref_slice %arg25[%dma_start3A, %dma_start3A_90] : memref<2x112xi32, #tpu.memory_space<vmem>> -> memref<1x112xi32, #tpu.memory_space<vmem>>
      %dma_start3A_92 = tpu.memref_squeeze %dma_start3A_91 : memref<1x112xi32, #tpu.memory_space<vmem>> -> memref<112xi32, #tpu.memory_space<vmem>>
      %dma_start3A_93 = arith.constant 0 : i32
      %dma_start3A_94 = tpu.memref_slice %arg3[%dma_start3A_93] : memref<1620000xf32, #tpu.memory_space<hbm>> -> memref<1620000xf32, #tpu.memory_space<hbm>>
      tpu.enqueue_indirect_dma source(%dma_start3A_94 : memref<1620000xf32, #tpu.memory_space<hbm>>) target(%dma_start3A_89 : memref<112xf32, #tpu.memory_space<vmem>>) offsets(%dma_start3A_92 : memref<112xi32, #tpu.memory_space<vmem>>) semaphore(%arg26 : memref<!tpu.dma_semaphore, #tpu.memory_space<semaphore_mem>>)
      %dma_start3A_95 = arith.constant 0 : i32
      %dma_start3A_96 = arith.constant 0 : i32
      %dma_start3A_97 = tpu.memref_slice %arg18[%dma_start3A_96] : memref<224xf32, #tpu.memory_space<vmem>> -> memref<112xf32, #tpu.memory_space<vmem>>
      %dma_start3A_98 = arith.constant 0 : i32
      %dma_start3A_99 = tpu.memref_slice %arg25[%dma_start3A_95, %dma_start3A_98] : memref<2x112xi32, #tpu.memory_space<vmem>> -> memref<1x112xi32, #tpu.memory_space<vmem>>
      %dma_start3A_100 = tpu.memref_squeeze %dma_start3A_99 : memref<1x112xi32, #tpu.memory_space<vmem>> -> memref<112xi32, #tpu.memory_space<vmem>>
      %dma_start3A_101 = arith.constant 0 : i32
      %dma_start3A_102 = tpu.memref_slice %arg4[%dma_start3A_101] : memref<1620000xf32, #tpu.memory_space<hbm>> -> memref<1620000xf32, #tpu.memory_space<hbm>>
      tpu.enqueue_indirect_dma source(%dma_start3A_102 : memref<1620000xf32, #tpu.memory_space<hbm>>) target(%dma_start3A_97 : memref<112xf32, #tpu.memory_space<vmem>>) offsets(%dma_start3A_100 : memref<112xi32, #tpu.memory_space<vmem>>) semaphore(%arg26 : memref<!tpu.dma_semaphore, #tpu.memory_space<semaphore_mem>>)
      %dma_start3A_103 = arith.constant 0 : i32
      %dma_start3A_104 = arith.constant 0 : i32
      %dma_start3A_105 = tpu.memref_slice %arg19[%dma_start3A_104] : memref<224xf32, #tpu.memory_space<vmem>> -> memref<112xf32, #tpu.memory_space<vmem>>
      %dma_start3A_106 = arith.constant 0 : i32
      %dma_start3A_107 = tpu.memref_slice %arg25[%dma_start3A_103, %dma_start3A_106] : memref<2x112xi32, #tpu.memory_space<vmem>> -> memref<1x112xi32, #tpu.memory_space<vmem>>
      %dma_start3A_108 = tpu.memref_squeeze %dma_start3A_107 : memref<1x112xi32, #tpu.memory_space<vmem>> -> memref<112xi32, #tpu.memory_space<vmem>>
      %dma_start3A_109 = arith.constant 0 : i32
      %dma_start3A_110 = tpu.memref_slice %arg5[%dma_start3A_109] : memref<1620000xf32, #tpu.memory_space<hbm>> -> memref<1620000xf32, #tpu.memory_space<hbm>>
      tpu.enqueue_indirect_dma source(%dma_start3A_110 : memref<1620000xf32, #tpu.memory_space<hbm>>) target(%dma_start3A_105 : memref<112xf32, #tpu.memory_space<vmem>>) offsets(%dma_start3A_108 : memref<112xi32, #tpu.memory_space<vmem>>) semaphore(%arg26 : memref<!tpu.dma_semaphore, #tpu.memory_space<semaphore_mem>>)
      %dma_start3A_111 = arith.constant 0 : i32
      %dma_start3A_112 = arith.constant 0 : i32
      %dma_start3A_113 = tpu.memref_slice %arg20[%dma_start3A_112] : memref<224xf32, #tpu.memory_space<vmem>> -> memref<112xf32, #tpu.memory_space<vmem>>
      %dma_start3A_114 = arith.constant 0 : i32
      %dma_start3A_115 = tpu.memref_slice %arg25[%dma_start3A_111, %dma_start3A_114] : memref<2x112xi32, #tpu.memory_space<vmem>> -> memref<1x112xi32, #tpu.memory_space<vmem>>
      %dma_start3A_116 = tpu.memref_squeeze %dma_start3A_115 : memref<1x112xi32, #tpu.memory_space<vmem>> -> memref<112xi32, #tpu.memory_space<vmem>>
      %dma_start3A_117 = arith.constant 0 : i32
      %dma_start3A_118 = tpu.memref_slice %arg6[%dma_start3A_117] : memref<1620000xf32, #tpu.memory_space<hbm>> -> memref<1620000xf32, #tpu.memory_space<hbm>>
      tpu.enqueue_indirect_dma source(%dma_start3A_118 : memref<1620000xf32, #tpu.memory_space<hbm>>) target(%dma_start3A_113 : memref<112xf32, #tpu.memory_space<vmem>>) offsets(%dma_start3A_116 : memref<112xi32, #tpu.memory_space<vmem>>) semaphore(%arg26 : memref<!tpu.dma_semaphore, #tpu.memory_space<semaphore_mem>>)
      %dma_start3A_119 = arith.constant 1 : i32
      %dma_start3A_120 = arith.constant 112 : i32
      %dma_start3A_121 = tpu.memref_slice %arg17[%dma_start3A_120] : memref<224xf32, #tpu.memory_space<vmem>> -> memref<112xf32, #tpu.memory_space<vmem>>
      %dma_start3A_122 = arith.constant 0 : i32
      %dma_start3A_123 = tpu.memref_slice %arg25[%dma_start3A_119, %dma_start3A_122] : memref<2x112xi32, #tpu.memory_space<vmem>> -> memref<1x112xi32, #tpu.memory_space<vmem>>
      %dma_start3A_124 = tpu.memref_squeeze %dma_start3A_123 : memref<1x112xi32, #tpu.memory_space<vmem>> -> memref<112xi32, #tpu.memory_space<vmem>>
      %dma_start3A_125 = arith.constant 0 : i32
      %dma_start3A_126 = tpu.memref_slice %arg3[%dma_start3A_125] : memref<1620000xf32, #tpu.memory_space<hbm>> -> memref<1620000xf32, #tpu.memory_space<hbm>>
      tpu.enqueue_indirect_dma source(%dma_start3A_126 : memref<1620000xf32, #tpu.memory_space<hbm>>) target(%dma_start3A_121 : memref<112xf32, #tpu.memory_space<vmem>>) offsets(%dma_start3A_124 : memref<112xi32, #tpu.memory_space<vmem>>) semaphore(%arg26 : memref<!tpu.dma_semaphore, #tpu.memory_space<semaphore_mem>>)
      %dma_start3A_127 = arith.constant 1 : i32
      %dma_start3A_128 = arith.constant 112 : i32
      %dma_start3A_129 = tpu.memref_slice %arg18[%dma_start3A_128] : memref<224xf32, #tpu.memory_space<vmem>> -> memref<112xf32, #tpu.memory_space<vmem>>
      %dma_start3A_130 = arith.constant 0 : i32
      %dma_start3A_131 = tpu.memref_slice %arg25[%dma_start3A_127, %dma_start3A_130] : memref<2x112xi32, #tpu.memory_space<vmem>> -> memref<1x112xi32, #tpu.memory_space<vmem>>
      %dma_start3A_132 = tpu.memref_squeeze %dma_start3A_131 : memref<1x112xi32, #tpu.memory_space<vmem>> -> memref<112xi32, #tpu.memory_space<vmem>>
      %dma_start3A_133 = arith.constant 0 : i32
      %dma_start3A_134 = tpu.memref_slice %arg4[%dma_start3A_133] : memref<1620000xf32, #tpu.memory_space<hbm>> -> memref<1620000xf32, #tpu.memory_space<hbm>>
      tpu.enqueue_indirect_dma source(%dma_start3A_134 : memref<1620000xf32, #tpu.memory_space<hbm>>) target(%dma_start3A_129 : memref<112xf32, #tpu.memory_space<vmem>>) offsets(%dma_start3A_132 : memref<112xi32, #tpu.memory_space<vmem>>) semaphore(%arg26 : memref<!tpu.dma_semaphore, #tpu.memory_space<semaphore_mem>>)
      %dma_start3A_135 = arith.constant 1 : i32
      %dma_start3A_136 = arith.constant 112 : i32
      %dma_start3A_137 = tpu.memref_slice %arg19[%dma_start3A_136] : memref<224xf32, #tpu.memory_space<vmem>> -> memref<112xf32, #tpu.memory_space<vmem>>
      %dma_start3A_138 = arith.constant 0 : i32
      %dma_start3A_139 = tpu.memref_slice %arg25[%dma_start3A_135, %dma_start3A_138] : memref<2x112xi32, #tpu.memory_space<vmem>> -> memref<1x112xi32, #tpu.memory_space<vmem>>
      %dma_start3A_140 = tpu.memref_squeeze %dma_start3A_139 : memref<1x112xi32, #tpu.memory_space<vmem>> -> memref<112xi32, #tpu.memory_space<vmem>>
      %dma_start3A_141 = arith.constant 0 : i32
      %dma_start3A_142 = tpu.memref_slice %arg5[%dma_start3A_141] : memref<1620000xf32, #tpu.memory_space<hbm>> -> memref<1620000xf32, #tpu.memory_space<hbm>>
      tpu.enqueue_indirect_dma source(%dma_start3A_142 : memref<1620000xf32, #tpu.memory_space<hbm>>) target(%dma_start3A_137 : memref<112xf32, #tpu.memory_space<vmem>>) offsets(%dma_start3A_140 : memref<112xi32, #tpu.memory_space<vmem>>) semaphore(%arg26 : memref<!tpu.dma_semaphore, #tpu.memory_space<semaphore_mem>>)
      %dma_start3A_143 = arith.constant 1 : i32
      %dma_start3A_144 = arith.constant 112 : i32
      %dma_start3A_145 = tpu.memref_slice %arg20[%dma_start3A_144] : memref<224xf32, #tpu.memory_space<vmem>> -> memref<112xf32, #tpu.memory_space<vmem>>
      %dma_start3A_146 = arith.constant 0 : i32
      %dma_start3A_147 = tpu.memref_slice %arg25[%dma_start3A_143, %dma_start3A_146] : memref<2x112xi32, #tpu.memory_space<vmem>> -> memref<1x112xi32, #tpu.memory_space<vmem>>
      %dma_start3A_148 = tpu.memref_squeeze %dma_start3A_147 : memref<1x112xi32, #tpu.memory_space<vmem>> -> memref<112xi32, #tpu.memory_space<vmem>>
      %dma_start3A_149 = arith.constant 0 : i32
      %dma_start3A_150 = tpu.memref_slice %arg6[%dma_start3A_149] : memref<1620000xf32, #tpu.memory_space<hbm>> -> memref<1620000xf32, #tpu.memory_space<hbm>>
      tpu.enqueue_indirect_dma source(%dma_start3A_150 : memref<1620000xf32, #tpu.memory_space<hbm>>) target(%dma_start3A_145 : memref<112xf32, #tpu.memory_space<vmem>>) offsets(%dma_start3A_148 : memref<112xi32, #tpu.memory_space<vmem>>) semaphore(%arg26 : memref<!tpu.dma_semaphore, #tpu.memory_space<semaphore_mem>>)
      %dma_wait3A = arith.constant 0 : i32
      %dma_wait3A_151 = arith.constant 0 : i32
      %dma_wait3A_152 = tpu.memref_slice %arg17[%dma_wait3A_151] : memref<224xf32, #tpu.memory_space<vmem>> -> memref<112xf32, #tpu.memory_space<vmem>>
      %dma_wait3A_153 = arith.constant 0 : i32
      %dma_wait3A_154 = tpu.memref_slice %arg25[%dma_wait3A, %dma_wait3A_153] : memref<2x112xi32, #tpu.memory_space<vmem>> -> memref<1x112xi32, #tpu.memory_space<vmem>>
      %dma_wait3A_155 = tpu.memref_squeeze %dma_wait3A_154 : memref<1x112xi32, #tpu.memory_space<vmem>> -> memref<112xi32, #tpu.memory_space<vmem>>
      %dma_wait3A_156 = arith.constant 0 : i32
      %dma_wait3A_157 = tpu.memref_slice %arg3[%dma_wait3A_156] : memref<1620000xf32, #tpu.memory_space<hbm>> -> memref<1620000xf32, #tpu.memory_space<hbm>>
      tpu.wait_indirect_dma semaphore(%arg26 : memref<!tpu.dma_semaphore, #tpu.memory_space<semaphore_mem>>) src(%dma_wait3A_157 : memref<1620000xf32, #tpu.memory_space<hbm>>) dst(%dma_wait3A_152 : memref<112xf32, #tpu.memory_space<vmem>>)
      %dma_wait3A_158 = arith.constant 0 : i32
      %dma_wait3A_159 = arith.constant 0 : i32
      %dma_wait3A_160 = tpu.memref_slice %arg18[%dma_wait3A_159] : memref<224xf32, #tpu.memory_space<vmem>> -> memref<112xf32, #tpu.memory_space<vmem>>
      %dma_wait3A_161 = arith.constant 0 : i32
      %dma_wait3A_162 = tpu.memref_slice %arg25[%dma_wait3A_158, %dma_wait3A_161] : memref<2x112xi32, #tpu.memory_space<vmem>> -> memref<1x112xi32, #tpu.memory_space<vmem>>
      %dma_wait3A_163 = tpu.memref_squeeze %dma_wait3A_162 : memref<1x112xi32, #tpu.memory_space<vmem>> -> memref<112xi32, #tpu.memory_space<vmem>>
      %dma_wait3A_164 = arith.constant 0 : i32
      %dma_wait3A_165 = tpu.memref_slice %arg4[%dma_wait3A_164] : memref<1620000xf32, #tpu.memory_space<hbm>> -> memref<1620000xf32, #tpu.memory_space<hbm>>
      tpu.wait_indirect_dma semaphore(%arg26 : memref<!tpu.dma_semaphore, #tpu.memory_space<semaphore_mem>>) src(%dma_wait3A_165 : memref<1620000xf32, #tpu.memory_space<hbm>>) dst(%dma_wait3A_160 : memref<112xf32, #tpu.memory_space<vmem>>)
      %dma_wait3A_166 = arith.constant 0 : i32
      %dma_wait3A_167 = arith.constant 0 : i32
      %dma_wait3A_168 = tpu.memref_slice %arg19[%dma_wait3A_167] : memref<224xf32, #tpu.memory_space<vmem>> -> memref<112xf32, #tpu.memory_space<vmem>>
      %dma_wait3A_169 = arith.constant 0 : i32
      %dma_wait3A_170 = tpu.memref_slice %arg25[%dma_wait3A_166, %dma_wait3A_169] : memref<2x112xi32, #tpu.memory_space<vmem>> -> memref<1x112xi32, #tpu.memory_space<vmem>>
      %dma_wait3A_171 = tpu.memref_squeeze %dma_wait3A_170 : memref<1x112xi32, #tpu.memory_space<vmem>> -> memref<112xi32, #tpu.memory_space<vmem>>
      %dma_wait3A_172 = arith.constant 0 : i32
      %dma_wait3A_173 = tpu.memref_slice %arg5[%dma_wait3A_172] : memref<1620000xf32, #tpu.memory_space<hbm>> -> memref<1620000xf32, #tpu.memory_space<hbm>>
      tpu.wait_indirect_dma semaphore(%arg26 : memref<!tpu.dma_semaphore, #tpu.memory_space<semaphore_mem>>) src(%dma_wait3A_173 : memref<1620000xf32, #tpu.memory_space<hbm>>) dst(%dma_wait3A_168 : memref<112xf32, #tpu.memory_space<vmem>>)
      %dma_wait3A_174 = arith.constant 0 : i32
      %dma_wait3A_175 = arith.constant 0 : i32
      %dma_wait3A_176 = tpu.memref_slice %arg20[%dma_wait3A_175] : memref<224xf32, #tpu.memory_space<vmem>> -> memref<112xf32, #tpu.memory_space<vmem>>
      %dma_wait3A_177 = arith.constant 0 : i32
      %dma_wait3A_178 = tpu.memref_slice %arg25[%dma_wait3A_174, %dma_wait3A_177] : memref<2x112xi32, #tpu.memory_space<vmem>> -> memref<1x112xi32, #tpu.memory_space<vmem>>
      %dma_wait3A_179 = tpu.memref_squeeze %dma_wait3A_178 : memref<1x112xi32, #tpu.memory_space<vmem>> -> memref<112xi32, #tpu.memory_space<vmem>>
      %dma_wait3A_180 = arith.constant 0 : i32
      %dma_wait3A_181 = tpu.memref_slice %arg6[%dma_wait3A_180] : memref<1620000xf32, #tpu.memory_space<hbm>> -> memref<1620000xf32, #tpu.memory_space<hbm>>
      tpu.wait_indirect_dma semaphore(%arg26 : memref<!tpu.dma_semaphore, #tpu.memory_space<semaphore_mem>>) src(%dma_wait3A_181 : memref<1620000xf32, #tpu.memory_space<hbm>>) dst(%dma_wait3A_176 : memref<112xf32, #tpu.memory_space<vmem>>)
      %dma_wait3A_182 = arith.constant 1 : i32
      %dma_wait3A_183 = arith.constant 112 : i32
      %dma_wait3A_184 = tpu.memref_slice %arg17[%dma_wait3A_183] : memref<224xf32, #tpu.memory_space<vmem>> -> memref<112xf32, #tpu.memory_space<vmem>>
      %dma_wait3A_185 = arith.constant 0 : i32
      %dma_wait3A_186 = tpu.memref_slice %arg25[%dma_wait3A_182, %dma_wait3A_185] : memref<2x112xi32, #tpu.memory_space<vmem>> -> memref<1x112xi32, #tpu.memory_space<vmem>>
      %dma_wait3A_187 = tpu.memref_squeeze %dma_wait3A_186 : memref<1x112xi32, #tpu.memory_space<vmem>> -> memref<112xi32, #tpu.memory_space<vmem>>
      %dma_wait3A_188 = arith.constant 0 : i32
      %dma_wait3A_189 = tpu.memref_slice %arg3[%dma_wait3A_188] : memref<1620000xf32, #tpu.memory_space<hbm>> -> memref<1620000xf32, #tpu.memory_space<hbm>>
      tpu.wait_indirect_dma semaphore(%arg26 : memref<!tpu.dma_semaphore, #tpu.memory_space<semaphore_mem>>) src(%dma_wait3A_189 : memref<1620000xf32, #tpu.memory_space<hbm>>) dst(%dma_wait3A_184 : memref<112xf32, #tpu.memory_space<vmem>>)
      %dma_wait3A_190 = arith.constant 1 : i32
      %dma_wait3A_191 = arith.constant 112 : i32
      %dma_wait3A_192 = tpu.memref_slice %arg18[%dma_wait3A_191] : memref<224xf32, #tpu.memory_space<vmem>> -> memref<112xf32, #tpu.memory_space<vmem>>
      %dma_wait3A_193 = arith.constant 0 : i32
      %dma_wait3A_194 = tpu.memref_slice %arg25[%dma_wait3A_190, %dma_wait3A_193] : memref<2x112xi32, #tpu.memory_space<vmem>> -> memref<1x112xi32, #tpu.memory_space<vmem>>
      %dma_wait3A_195 = tpu.memref_squeeze %dma_wait3A_194 : memref<1x112xi32, #tpu.memory_space<vmem>> -> memref<112xi32, #tpu.memory_space<vmem>>
      %dma_wait3A_196 = arith.constant 0 : i32
      %dma_wait3A_197 = tpu.memref_slice %arg4[%dma_wait3A_196] : memref<1620000xf32, #tpu.memory_space<hbm>> -> memref<1620000xf32, #tpu.memory_space<hbm>>
      tpu.wait_indirect_dma semaphore(%arg26 : memref<!tpu.dma_semaphore, #tpu.memory_space<semaphore_mem>>) src(%dma_wait3A_197 : memref<1620000xf32, #tpu.memory_space<hbm>>) dst(%dma_wait3A_192 : memref<112xf32, #tpu.memory_space<vmem>>)
      %dma_wait3A_198 = arith.constant 1 : i32
      %dma_wait3A_199 = arith.constant 112 : i32
      %dma_wait3A_200 = tpu.memref_slice %arg19[%dma_wait3A_199] : memref<224xf32, #tpu.memory_space<vmem>> -> memref<112xf32, #tpu.memory_space<vmem>>
      %dma_wait3A_201 = arith.constant 0 : i32
      %dma_wait3A_202 = tpu.memref_slice %arg25[%dma_wait3A_198, %dma_wait3A_201] : memref<2x112xi32, #tpu.memory_space<vmem>> -> memref<1x112xi32, #tpu.memory_space<vmem>>
      %dma_wait3A_203 = tpu.memref_squeeze %dma_wait3A_202 : memref<1x112xi32, #tpu.memory_space<vmem>> -> memref<112xi32, #tpu.memory_space<vmem>>
      %dma_wait3A_204 = arith.constant 0 : i32
      %dma_wait3A_205 = tpu.memref_slice %arg5[%dma_wait3A_204] : memref<1620000xf32, #tpu.memory_space<hbm>> -> memref<1620000xf32, #tpu.memory_space<hbm>>
      tpu.wait_indirect_dma semaphore(%arg26 : memref<!tpu.dma_semaphore, #tpu.memory_space<semaphore_mem>>) src(%dma_wait3A_205 : memref<1620000xf32, #tpu.memory_space<hbm>>) dst(%dma_wait3A_200 : memref<112xf32, #tpu.memory_space<vmem>>)
      %dma_wait3A_206 = arith.constant 1 : i32
      %dma_wait3A_207 = arith.constant 112 : i32
      %dma_wait3A_208 = tpu.memref_slice %arg20[%dma_wait3A_207] : memref<224xf32, #tpu.memory_space<vmem>> -> memref<112xf32, #tpu.memory_space<vmem>>
      %dma_wait3A_209 = arith.constant 0 : i32
      %dma_wait3A_210 = tpu.memref_slice %arg25[%dma_wait3A_206, %dma_wait3A_209] : memref<2x112xi32, #tpu.memory_space<vmem>> -> memref<1x112xi32, #tpu.memory_space<vmem>>
      %dma_wait3A_211 = tpu.memref_squeeze %dma_wait3A_210 : memref<1x112xi32, #tpu.memory_space<vmem>> -> memref<112xi32, #tpu.memory_space<vmem>>
      %dma_wait3A_212 = arith.constant 0 : i32
      %dma_wait3A_213 = tpu.memref_slice %arg6[%dma_wait3A_212] : memref<1620000xf32, #tpu.memory_space<hbm>> -> memref<1620000xf32, #tpu.memory_space<hbm>>
      tpu.wait_indirect_dma semaphore(%arg26 : memref<!tpu.dma_semaphore, #tpu.memory_space<semaphore_mem>>) src(%dma_wait3A_213 : memref<1620000xf32, #tpu.memory_space<hbm>>) dst(%dma_wait3A_208 : memref<112xf32, #tpu.memory_space<vmem>>)
      %scan3A_214 = arith.constant 0 : i32
      %scan3A_215 = arith.constant 0 : i32
      %scan3A_216 = arith.constant 14 : i32
      %scan3A_217 = arith.addi %scan3A_215, %scan3A_216 : i32
      %scan3A_218 = arith.constant 1 : i32
      %scan3A_219 = scf.for %scan3A_240 = %scan3A_215 to %scan3A_217 step %scan3A_218 iter_args(%scan3A_241 = %scan3A_214) -> (i32)  : i32 {
        %mul3A_242 = arith.constant 16 : i32
        %mul3A_243 = arith.muli %scan3A_240, %mul3A_242 : i32
        %get3A = arith.index_cast %mul3A_243 : i32 to index
        %get3A_244 = tpu.vector_load %arg19[%get3A] {strides = array<i32>} : memref<224xf32, #tpu.memory_space<vmem>>, vector<16xf32>,
        %get3A_245 = arith.index_cast %mul3A_243 : i32 to index
        %get3A_246 = tpu.vector_load %arg17[%get3A_245] {strides = array<i32>} : memref<224xf32, #tpu.memory_space<vmem>>, vector<16xf32>,
        %sub3A = arith.subf %get3A_244, %get3A_246 : vector<16xf32>
        %add3A_247 = arith.constant 1.000000e+00 : f32
        %add3A_248 = vector.broadcast %add3A_247 : f32 to vector<16xf32>
        %add3A_249 = arith.addf %sub3A, %add3A_248 : vector<16xf32>
        %get3A_250 = arith.index_cast %mul3A_243 : i32 to index
        %get3A_251 = tpu.vector_load %arg20[%get3A_250] {strides = array<i32>} : memref<224xf32, #tpu.memory_space<vmem>>, vector<16xf32>,
        %get3A_252 = arith.index_cast %mul3A_243 : i32 to index
        %get3A_253 = tpu.vector_load %arg18[%get3A_252] {strides = array<i32>} : memref<224xf32, #tpu.memory_space<vmem>>, vector<16xf32>,
        %sub3A_254 = arith.subf %get3A_251, %get3A_253 : vector<16xf32>
        %add3A_255 = arith.constant 1.000000e+00 : f32
        %add3A_256 = vector.broadcast %add3A_255 : f32 to vector<16xf32>
        %add3A_257 = arith.addf %sub3A_254, %add3A_256 : vector<16xf32>
        %mul3A_258 = arith.mulf %add3A_249, %add3A_257 : vector<16xf32>
        %swap3A = arith.index_cast %mul3A_243 : i32 to index
        %swap3A_259 = tpu.vector_load %arg21[%swap3A] {strides = array<i32>} : memref<224xf32, #tpu.memory_space<vmem>>, vector<16xf32>,
        tpu.vector_store %arg21[%swap3A], %mul3A_258 {strides = array<i32>} : memref<224xf32, #tpu.memory_space<vmem>>, vector<16xf32>,
        %get3A_260 = arith.index_cast %mul3A_243 : i32 to index
        %get3A_261 = tpu.vector_load %arg16[%get3A_260] {strides = array<i32>} : memref<224xf32, #tpu.memory_space<vmem>>, vector<16xf32>,
        %gt3A_262 = arith.constant 5.000000e-02 : f32
        %gt3A_263 = vector.broadcast %gt3A_262 : f32 to vector<16xf32>
        %gt3A_264 = arith.cmpf ogt, %get3A_261, %gt3A_263 : vector<16xf32>
        %convert_element_type3A_265 = arith.extui %gt3A_264 : vector<16xi1> to vector<16xi32>
        %swap3A_266 = arith.index_cast %mul3A_243 : i32 to index
        %swap3A_267 = tpu.vector_load %arg22[%swap3A_266] {strides = array<i32>} : memref<224xi32, #tpu.memory_space<vmem>>, vector<16xi32>,
        tpu.vector_store %arg22[%swap3A_266], %convert_element_type3A_265 {strides = array<i32>} : memref<224xi32, #tpu.memory_space<vmem>>, vector<16xi32>,
        %scan3A_268 = arith.constant 0 : i32
        scf.yield %scan3A_268 : i32
      }
      %scan3A_220 = arith.constant 14 : i32
      %scan3A_221 = arith.constant 0 : i32
      %scan3A_222 = arith.constant 0 : i32
      %scan3A_223 = arith.constant 200 : i32
      %scan3A_224 = arith.addi %scan3A_222, %scan3A_223 : i32
      %scan3A_225 = arith.constant 1 : i32
      %scan3A_226 = scf.for %scan3A_240 = %scan3A_222 to %scan3A_224 step %scan3A_225 iter_args(%scan3A_241 = %scan3A_221) -> (i32)  : i32 {
        %get3A = arith.index_cast %scan3A_240 : i32 to index
        %get3A_242 = tpu.vector_load %arg22[%get3A] {strides = array<i32>} : memref<224xi32, #tpu.memory_space<vmem>>, vector<16xi32>,
        %slice3A = vector.extract_strided_slice %get3A_242 {offsets = [0], sizes = [1], strides = [1]} : vector<16xi32> to vector<1xi32>
        %squeeze3A = vector.extract %slice3A[0] : i32 from vector<1xi32>
        %ne3A = arith.constant 0 : i32
        %ne3A_243 = arith.cmpi ne, %squeeze3A, %ne3A : i32
        %convert_element_type3A_244 = arith.extui %ne3A_243 : i1 to i32
        %cond3A_245 = arith.constant 0 : i32
        %cond3A_246 = arith.cmpi ne, %convert_element_type3A_244, %cond3A_245 : i32
        scf.if %cond3A_246 {
          %get3A_248 = arith.index_cast %scan3A_240 : i32 to index
          %get3A_249 = tpu.vector_load %arg17[%get3A_248] {strides = array<i32>} : memref<224xf32, #tpu.memory_space<vmem>>, vector<16xf32>,
          %slice3A_250 = vector.extract_strided_slice %get3A_249 {offsets = [0], sizes = [1], strides = [1]} : vector<16xf32> to vector<1xf32>
          %squeeze3A_251 = vector.extract %slice3A_250[0] : f32 from vector<1xf32>
          %get3A_252 = arith.index_cast %scan3A_240 : i32 to index
          %get3A_253 = tpu.vector_load %arg18[%get3A_252] {strides = array<i32>} : memref<224xf32, #tpu.memory_space<vmem>>, vector<16xf32>,
          %slice3A_254 = vector.extract_strided_slice %get3A_253 {offsets = [0], sizes = [1], strides = [1]} : vector<16xf32> to vector<1xf32>
          %squeeze3A_255 = vector.extract %slice3A_254[0] : f32 from vector<1xf32>
          %get3A_256 = arith.index_cast %scan3A_240 : i32 to index
          %get3A_257 = tpu.vector_load %arg19[%get3A_256] {strides = array<i32>} : memref<224xf32, #tpu.memory_space<vmem>>, vector<16xf32>,
          %slice3A_258 = vector.extract_strided_slice %get3A_257 {offsets = [0], sizes = [1], strides = [1]} : vector<16xf32> to vector<1xf32>
          %squeeze3A_259 = vector.extract %slice3A_258[0] : f32 from vector<1xf32>
          %get3A_260 = arith.index_cast %scan3A_240 : i32 to index
          %get3A_261 = tpu.vector_load %arg20[%get3A_260] {strides = array<i32>} : memref<224xf32, #tpu.memory_space<vmem>>, vector<16xf32>,
          %slice3A_262 = vector.extract_strided_slice %get3A_261 {offsets = [0], sizes = [1], strides = [1]} : vector<16xf32> to vector<1xf32>
          %squeeze3A_263 = vector.extract %slice3A_262[0] : f32 from vector<1xf32>
          %get3A_264 = arith.index_cast %scan3A_240 : i32 to index
          %get3A_265 = tpu.vector_load %arg21[%get3A_264] {strides = array<i32>} : memref<224xf32, #tpu.memory_space<vmem>>, vector<16xf32>,
          %slice3A_266 = vector.extract_strided_slice %get3A_265 {offsets = [0], sizes = [1], strides = [1]} : vector<16xf32> to vector<1xf32>
          %squeeze3A_267 = vector.extract %slice3A_266[0] : f32 from vector<1xf32>
          %scan3A_268 = arith.constant 0 : i32
          %scan3A_269 = arith.constant 0 : i32
          %scan3A_270 = arith.constant 14 : i32
          %scan3A_271 = arith.addi %scan3A_269, %scan3A_270 : i32
          %scan3A_272 = arith.constant 1 : i32
          %scan3A_273 = scf.for %scan3A_275 = %scan3A_269 to %scan3A_271 step %scan3A_272 iter_args(%scan3A_276 = %scan3A_268) -> (i32)  : i32 {
            %mul3A_277 = arith.constant 16 : i32
            %mul3A_278 = arith.muli %scan3A_275, %mul3A_277 : i32
            %get3A_279 = arith.index_cast %mul3A_278 : i32 to index
            %get3A_280 = tpu.vector_load %arg17[%get3A_279] {strides = array<i32>} : memref<224xf32, #tpu.memory_space<vmem>>, vector<16xf32>,
            %max3A = vector.broadcast %squeeze3A_251 : f32 to vector<16xf32>
            %max3A_281 = arith.maximumf %max3A, %get3A_280 : vector<16xf32>
            %get3A_282 = arith.index_cast %mul3A_278 : i32 to index
            %get3A_283 = tpu.vector_load %arg18[%get3A_282] {strides = array<i32>} : memref<224xf32, #tpu.memory_space<vmem>>, vector<16xf32>,
            %max3A_284 = vector.broadcast %squeeze3A_255 : f32 to vector<16xf32>
            %max3A_285 = arith.maximumf %max3A_284, %get3A_283 : vector<16xf32>
            %get3A_286 = arith.index_cast %mul3A_278 : i32 to index
            %get3A_287 = tpu.vector_load %arg19[%get3A_286] {strides = array<i32>} : memref<224xf32, #tpu.memory_space<vmem>>, vector<16xf32>,
            %min3A_288 = vector.broadcast %squeeze3A_259 : f32 to vector<16xf32>
            %min3A_289 = arith.minimumf %min3A_288, %get3A_287 : vector<16xf32>
            %get3A_290 = arith.index_cast %mul3A_278 : i32 to index
            %get3A_291 = tpu.vector_load %arg20[%get3A_290] {strides = array<i32>} : memref<224xf32, #tpu.memory_space<vmem>>, vector<16xf32>,
            %min3A_292 = vector.broadcast %squeeze3A_263 : f32 to vector<16xf32>
            %min3A_293 = arith.minimumf %min3A_292, %get3A_291 : vector<16xf32>
            %sub3A = arith.subf %min3A_289, %max3A_281 : vector<16xf32>
            %add3A_294 = arith.constant 1.000000e+00 : f32
            %add3A_295 = vector.broadcast %add3A_294 : f32 to vector<16xf32>
            %add3A_296 = arith.addf %sub3A, %add3A_295 : vector<16xf32>
            %max3A_297 = arith.constant 0.000000e+00 : f32
            %max3A_298 = vector.broadcast %max3A_297 : f32 to vector<16xf32>
            %max3A_299 = arith.maximumf %add3A_296, %max3A_298 : vector<16xf32>
            %sub3A_300 = arith.subf %min3A_293, %max3A_285 : vector<16xf32>
            %add3A_301 = arith.constant 1.000000e+00 : f32
            %add3A_302 = vector.broadcast %add3A_301 : f32 to vector<16xf32>
            %add3A_303 = arith.addf %sub3A_300, %add3A_302 : vector<16xf32>
            %max3A_304 = arith.constant 0.000000e+00 : f32
            %max3A_305 = vector.broadcast %max3A_304 : f32 to vector<16xf32>
            %max3A_306 = arith.maximumf %add3A_303, %max3A_305 : vector<16xf32>
            %mul3A_307 = arith.mulf %max3A_299, %max3A_306 : vector<16xf32>
            %get3A_308 = arith.index_cast %mul3A_278 : i32 to index
            %get3A_309 = tpu.vector_load %arg21[%get3A_308] {strides = array<i32>} : memref<224xf32, #tpu.memory_space<vmem>>, vector<16xf32>,
            %add3A_310 = vector.broadcast %squeeze3A_267 : f32 to vector<16xf32>
            %add3A_311 = arith.addf %add3A_310, %get3A_309 : vector<16xf32>
            %sub3A_312 = arith.subf %add3A_311, %mul3A_307 : vector<16xf32>
            %div3A = arith.divf %mul3A_307, %sub3A_312 : vector<16xf32>
            %gt3A_313 = arith.constant 5.000000e-01 : f32
            %gt3A_314 = vector.broadcast %gt3A_313 : f32 to vector<16xf32>
            %gt3A_315 = arith.cmpf ogt, %div3A, %gt3A_314 : vector<16xf32>
            %mul3A_316 = arith.constant 16 : i32
            %mul3A_317 = arith.muli %scan3A_275, %mul3A_316 : i32
            %add3A_318 = vector.broadcast %mul3A_317 : i32 to vector<16xi32>
            %add3A_319 = arith.addi %add3A_318, %iota3A : vector<16xi32>
            %gt3A_320 = vector.broadcast %scan3A_240 : i32 to vector<16xi32>
            %gt3A_321 = arith.cmpi sgt, %add3A_319, %gt3A_320 : vector<16xi32>
            %and3A = arith.andi %gt3A_315, %gt3A_321 : vector<16xi1>
            %get3A_322 = arith.index_cast %mul3A_278 : i32 to index
            %get3A_323 = tpu.vector_load %arg22[%get3A_322] {strides = array<i32>} : memref<224xi32, #tpu.memory_space<vmem>>, vector<16xi32>,
            %jit3A_324 = arith.constant 0 : i32
            %broadcast_in_dim3A = vector.broadcast %jit3A_324 : i32 to vector<16xi32>
            %select_n3A_325 = arith.select %and3A, %broadcast_in_dim3A, %get3A_323 : vector<16xi1>, vector<16xi32>
            %swap3A = arith.index_cast %mul3A_278 : i32 to index
            %swap3A_326 = tpu.vector_load %arg22[%swap3A] {strides = array<i32>} : memref<224xi32, #tpu.memory_space<vmem>>, vector<16xi32>,
            tpu.vector_store %arg22[%swap3A], %select_n3A_325 {strides = array<i32>} : memref<224xi32, #tpu.memory_space<vmem>>, vector<16xi32>,
            %scan3A_327 = arith.constant 0 : i32
            scf.yield %scan3A_327 : i32
          }
          %scan3A_274 = arith.constant 14 : i32
        } else {
        }
        %scan3A_247 = arith.constant 0 : i32
        scf.yield %scan3A_247 : i32
      }
      %scan3A_227 = arith.constant 200 : i32
      %scan3A_228 = arith.constant 0 : i32
      %scan3A_229 = arith.constant 0 : i32
      %scan3A_230 = arith.constant 14 : i32
      %scan3A_231 = arith.addi %scan3A_229, %scan3A_230 : i32
      %scan3A_232 = arith.constant 1 : i32
      %scan3A_233 = scf.for %scan3A_240 = %scan3A_229 to %scan3A_231 step %scan3A_232 iter_args(%scan3A_241 = %scan3A_228) -> (i32)  : i32 {
        %mul3A_242 = arith.constant 16 : i32
        %mul3A_243 = arith.muli %scan3A_240, %mul3A_242 : i32
        %mul3A_244 = arith.constant 16 : i32
        %mul3A_245 = arith.muli %scan3A_240, %mul3A_244 : i32
        %add3A_246 = vector.broadcast %mul3A_245 : i32 to vector<16xi32>
        %add3A_247 = arith.addi %add3A_246, %iota3A : vector<16xi32>
        %get3A = arith.index_cast %mul3A_243 : i32 to index
        %get3A_248 = tpu.vector_load %arg22[%get3A] {strides = array<i32>} : memref<224xi32, #tpu.memory_space<vmem>>, vector<16xi32>,
        %ne3A = arith.constant 0 : i32
        %ne3A_249 = vector.broadcast %ne3A : i32 to vector<16xi32>
        %ne3A_250 = arith.cmpi ne, %get3A_248, %ne3A_249 : vector<16xi32>
        %get3A_251 = arith.index_cast %mul3A_243 : i32 to index
        %get3A_252 = tpu.vector_load %arg16[%get3A_251] {strides = array<i32>} : memref<224xf32, #tpu.memory_space<vmem>>, vector<16xf32>,
        %jit3A_253 = arith.constant -1.000000e+00 : f32
        %broadcast_in_dim3A = vector.broadcast %jit3A_253 : f32 to vector<16xf32>
        %select_n3A_254 = arith.select %ne3A_250, %get3A_252, %broadcast_in_dim3A : vector<16xi1>, vector<16xf32>
        %swap3A = arith.index_cast %mul3A_243 : i32 to index
        %swap3A_255 = tpu.vector_load %arg23[%swap3A] {strides = array<i32>} : memref<224xf32, #tpu.memory_space<vmem>>, vector<16xf32>,
        tpu.vector_store %arg23[%swap3A], %select_n3A_254 {strides = array<i32>} : memref<224xf32, #tpu.memory_space<vmem>>, vector<16xf32>,
        %broadcast_in_dim3A_256 = arith.constant 0 : i32
        %broadcast_in_dim3A_257 = vector.broadcast %broadcast_in_dim3A_256 : i32 to vector<16xi32>
        %get3A_258 = arith.index_cast %mul3A_243 : i32 to index
        %get3A_259 = tpu.vector_load %arg17[%get3A_258] {strides = array<i32>} : memref<224xf32, #tpu.memory_space<vmem>>, vector<16xf32>,
        tpu.vector_store_idx %arg24[%add3A_247, %broadcast_in_dim3A_257], %get3A_259 : memref<224x4xf32, #tpu.memory_space<vmem>>[vector<16xi32>, vector<16xi32>], vector<16xf32>,
        %broadcast_in_dim3A_260 = arith.constant 1 : i32
        %broadcast_in_dim3A_261 = vector.broadcast %broadcast_in_dim3A_260 : i32 to vector<16xi32>
        %get3A_262 = arith.index_cast %mul3A_243 : i32 to index
        %get3A_263 = tpu.vector_load %arg18[%get3A_262] {strides = array<i32>} : memref<224xf32, #tpu.memory_space<vmem>>, vector<16xf32>,
        tpu.vector_store_idx %arg24[%add3A_247, %broadcast_in_dim3A_261], %get3A_263 : memref<224x4xf32, #tpu.memory_space<vmem>>[vector<16xi32>, vector<16xi32>], vector<16xf32>,
        %broadcast_in_dim3A_264 = arith.constant 2 : i32
        %broadcast_in_dim3A_265 = vector.broadcast %broadcast_in_dim3A_264 : i32 to vector<16xi32>
        %get3A_266 = arith.index_cast %mul3A_243 : i32 to index
        %get3A_267 = tpu.vector_load %arg19[%get3A_266] {strides = array<i32>} : memref<224xf32, #tpu.memory_space<vmem>>, vector<16xf32>,
        tpu.vector_store_idx %arg24[%add3A_247, %broadcast_in_dim3A_265], %get3A_267 : memref<224x4xf32, #tpu.memory_space<vmem>>[vector<16xi32>, vector<16xi32>], vector<16xf32>,
        %broadcast_in_dim3A_268 = arith.constant 3 : i32
        %broadcast_in_dim3A_269 = vector.broadcast %broadcast_in_dim3A_268 : i32 to vector<16xi32>
        %get3A_270 = arith.index_cast %mul3A_243 : i32 to index
        %get3A_271 = tpu.vector_load %arg20[%get3A_270] {strides = array<i32>} : memref<224xf32, #tpu.memory_space<vmem>>, vector<16xf32>,
        tpu.vector_store_idx %arg24[%add3A_247, %broadcast_in_dim3A_269], %get3A_271 : memref<224x4xf32, #tpu.memory_space<vmem>>[vector<16xi32>, vector<16xi32>], vector<16xf32>,
        %scan3A_272 = arith.constant 0 : i32
        scf.yield %scan3A_272 : i32
      }
      %scan3A_234 = arith.constant 14 : i32
      %mul3A_235 = arith.constant 200 : i32
      %mul3A_236 = arith.muli %add3A_25, %mul3A_235 : i32
      "tpu.region"() ({
        %run_scoped3A = tpu.sem_alloc : memref<!tpu.dma_semaphore, #tpu.memory_space<semaphore_mem>>
        %dma_start3A_240 = arith.constant 0 : i32
        %dma_start3A_241 = tpu.memref_slice %arg23[%dma_start3A_240] : memref<224xf32, #tpu.memory_space<vmem>> -> memref<200xf32, #tpu.memory_space<vmem>>
        %dma_start3A_242 = tpu.memref_slice %arg7[%mul3A_236] : memref<16000xf32, #tpu.memory_space<hbm>> -> memref<200xf32, #tpu.memory_space<hbm>>
        %dma_start3A_243 = tpu.memref_slice %arg7[%mul3A_236] : memref<16000xf32, #tpu.memory_space<hbm>> -> memref<200xf32, #tpu.memory_space<hbm>>
        %dma_start3A_244 = arith.constant 0 : i32
        %dma_start3A_245 = tpu.memref_slice %arg23[%dma_start3A_244] : memref<224xf32, #tpu.memory_space<vmem>> -> memref<200xf32, #tpu.memory_space<vmem>>
        tpu.enqueue_dma source(%dma_start3A_245 : memref<200xf32, #tpu.memory_space<vmem>>) target(%dma_start3A_243 : memref<200xf32, #tpu.memory_space<hbm>>) target_semaphore(%run_scoped3A : memref<!tpu.dma_semaphore, #tpu.memory_space<semaphore_mem>>)
        %dma_wait3A_246 = arith.constant 0 : i32
        %dma_wait3A_247 = tpu.memref_slice %arg23[%dma_wait3A_246] : memref<224xf32, #tpu.memory_space<vmem>> -> memref<200xf32, #tpu.memory_space<vmem>>
        %dma_wait3A_248 = tpu.memref_slice %arg7[%mul3A_236] : memref<16000xf32, #tpu.memory_space<hbm>> -> memref<200xf32, #tpu.memory_space<hbm>>
        %dma_wait3A_249 = tpu.memref_slice %arg7[%mul3A_236] : memref<16000xf32, #tpu.memory_space<hbm>> -> memref<200xf32, #tpu.memory_space<hbm>>
        %dma_wait3A_250 = arith.constant 0 : i32
        %dma_wait3A_251 = tpu.memref_slice %arg23[%dma_wait3A_250] : memref<224xf32, #tpu.memory_space<vmem>> -> memref<200xf32, #tpu.memory_space<vmem>>
        tpu.wait_dma2 semaphore(%run_scoped3A : memref<!tpu.dma_semaphore, #tpu.memory_space<semaphore_mem>>) src(%dma_wait3A_251 : memref<200xf32, #tpu.memory_space<vmem>>) dst(%dma_wait3A_249 : memref<200xf32, #tpu.memory_space<hbm>>)
        tpu.yield
      }) : () -> ()
      %mul3A_237 = arith.constant 200 : i32
      %mul3A_238 = arith.muli %add3A_25, %mul3A_237 : i32
      "tpu.region"() ({
        %run_scoped3A = tpu.sem_alloc : memref<!tpu.dma_semaphore, #tpu.memory_space<semaphore_mem>>
        %dma_start3A_240 = arith.constant 0 : i32
        %dma_start3A_241 = arith.constant 0 : i32
        %dma_start3A_242 = tpu.memref_slice %arg24[%dma_start3A_240, %dma_start3A_241] : memref<224x4xf32, #tpu.memory_space<vmem>> -> memref<200x4xf32, #tpu.memory_space<vmem>>
        %dma_start3A_243 = arith.constant 0 : i32
        %dma_start3A_244 = tpu.memref_slice %arg8[%mul3A_238, %dma_start3A_243] : memref<16000x4xf32, #tpu.memory_space<hbm>> -> memref<200x4xf32, #tpu.memory_space<hbm>>
        %dma_start3A_245 = arith.constant 0 : i32
        %dma_start3A_246 = tpu.memref_slice %arg8[%mul3A_238, %dma_start3A_245] : memref<16000x4xf32, #tpu.memory_space<hbm>> -> memref<200x4xf32, #tpu.memory_space<hbm>>
        %dma_start3A_247 = arith.constant 0 : i32
        %dma_start3A_248 = arith.constant 0 : i32
        %dma_start3A_249 = tpu.memref_slice %arg24[%dma_start3A_247, %dma_start3A_248] : memref<224x4xf32, #tpu.memory_space<vmem>> -> memref<200x4xf32, #tpu.memory_space<vmem>>
        tpu.enqueue_dma source(%dma_start3A_249 : memref<200x4xf32, #tpu.memory_space<vmem>>) target(%dma_start3A_246 : memref<200x4xf32, #tpu.memory_space<hbm>>) target_semaphore(%run_scoped3A : memref<!tpu.dma_semaphore, #tpu.memory_space<semaphore_mem>>)
        %dma_wait3A_250 = arith.constant 0 : i32
        %dma_wait3A_251 = arith.constant 0 : i32
        %dma_wait3A_252 = tpu.memref_slice %arg24[%dma_wait3A_250, %dma_wait3A_251] : memref<224x4xf32, #tpu.memory_space<vmem>> -> memref<200x4xf32, #tpu.memory_space<vmem>>
        %dma_wait3A_253 = arith.constant 0 : i32
        %dma_wait3A_254 = tpu.memref_slice %arg8[%mul3A_238, %dma_wait3A_253] : memref<16000x4xf32, #tpu.memory_space<hbm>> -> memref<200x4xf32, #tpu.memory_space<hbm>>
        %dma_wait3A_255 = arith.constant 0 : i32
        %dma_wait3A_256 = tpu.memref_slice %arg8[%mul3A_238, %dma_wait3A_255] : memref<16000x4xf32, #tpu.memory_space<hbm>> -> memref<200x4xf32, #tpu.memory_space<hbm>>
        %dma_wait3A_257 = arith.constant 0 : i32
        %dma_wait3A_258 = arith.constant 0 : i32
        %dma_wait3A_259 = tpu.memref_slice %arg24[%dma_wait3A_257, %dma_wait3A_258] : memref<224x4xf32, #tpu.memory_space<vmem>> -> memref<200x4xf32, #tpu.memory_space<vmem>>
        tpu.wait_dma2 semaphore(%run_scoped3A : memref<!tpu.dma_semaphore, #tpu.memory_space<semaphore_mem>>) src(%dma_wait3A_259 : memref<200x4xf32, #tpu.memory_space<vmem>>) dst(%dma_wait3A_256 : memref<200x4xf32, #tpu.memory_space<hbm>>)
        tpu.yield
      }) : () -> ()
      %while3A_239 = arith.constant 0 : i32
      scf.yield %while3A_239 : i32
    }
    %while3A_21 = arith.constant 1 : i32
    %while3A_22 = scf.for %while3A_23 = %while3A_18 to %while3A_14 step %while3A_21 iter_args(%while3A_24 = %while3A_20) -> (i32)  : i32 {
      %add3A_25 = arith.addi %select_n3A, %while3A_23 : i32
      %add3A_26 = arith.constant 1 : i32
      %add3A_27 = arith.addi %add3A_25, %add3A_26 : i32
      %mul3A_28 = arith.constant 20000 : i32
      %mul3A_29 = arith.muli %add3A_25, %mul3A_28 : i32
      "tpu.region"() ({
        %run_scoped3A = tpu.sem_alloc : memref<!tpu.dma_semaphore, #tpu.memory_space<semaphore_mem>>
        %dma_start3A_240 = arith.constant 0 : i32
        %dma_start3A_241 = tpu.memref_slice %arg9[%dma_start3A_240] : memref<20016xf32, #tpu.memory_space<vmem>> -> memref<20000xf32, #tpu.memory_space<vmem>>
        %dma_start3A_242 = tpu.memref_slice %arg2[%mul3A_29] : memref<1600000xf32, #tpu.memory_space<hbm>> -> memref<20000xf32, #tpu.memory_space<hbm>>
        %dma_start3A_243 = arith.constant 0 : i32
        %dma_start3A_244 = tpu.memref_slice %arg9[%dma_start3A_243] : memref<20016xf32, #tpu.memory_space<vmem>> -> memref<20000xf32, #tpu.memory_space<vmem>>
        %dma_start3A_245 = tpu.memref_slice %arg2[%mul3A_29] : memref<1600000xf32, #tpu.memory_space<hbm>> -> memref<20000xf32, #tpu.memory_space<hbm>>
        tpu.enqueue_dma source(%dma_start3A_245 : memref<20000xf32, #tpu.memory_space<hbm>>) target(%dma_start3A_244 : memref<20000xf32, #tpu.memory_space<vmem>>) target_semaphore(%run_scoped3A : memref<!tpu.dma_semaphore, #tpu.memory_space<semaphore_mem>>)
        %dma_wait3A_246 = arith.constant 0 : i32
        %dma_wait3A_247 = tpu.memref_slice %arg9[%dma_wait3A_246] : memref<20016xf32, #tpu.memory_space<vmem>> -> memref<20000xf32, #tpu.memory_space<vmem>>
        %dma_wait3A_248 = tpu.memref_slice %arg2[%mul3A_29] : memref<1600000xf32, #tpu.memory_space<hbm>> -> memref<20000xf32, #tpu.memory_space<hbm>>
        %dma_wait3A_249 = arith.constant 0 : i32
        %dma_wait3A_250 = tpu.memref_slice %arg9[%dma_wait3A_249] : memref<20016xf32, #tpu.memory_space<vmem>> -> memref<20000xf32, #tpu.memory_space<vmem>>
        %dma_wait3A_251 = tpu.memref_slice %arg2[%mul3A_29] : memref<1600000xf32, #tpu.memory_space<hbm>> -> memref<20000xf32, #tpu.memory_space<hbm>>
        tpu.wait_dma2 semaphore(%run_scoped3A : memref<!tpu.dma_semaphore, #tpu.memory_space<semaphore_mem>>) src(%dma_wait3A_251 : memref<20000xf32, #tpu.memory_space<hbm>>) dst(%dma_wait3A_250 : memref<20000xf32, #tpu.memory_space<vmem>>)
        tpu.yield
      }) : () -> ()
      %scan3A = arith.constant 0 : i32
      %scan3A_30 = arith.constant 0 : i32
      %scan3A_31 = arith.constant 1250 : i32
      %scan3A_32 = arith.addi %scan3A_30, %scan3A_31 : i32
      %scan3A_33 = arith.constant 1 : i32
      %scan3A_34 = scf.for %scan3A_240 = %scan3A_30 to %scan3A_32 step %scan3A_33 iter_args(%scan3A_241 = %scan3A) -> (i32)  : i32 {
        %mul3A_242 = arith.constant 16 : i32
        %mul3A_243 = arith.muli %scan3A_240, %mul3A_242 : i32
        %get3A = arith.index_cast %mul3A_243 : i32 to index
        %get3A_244 = tpu.vector_load %arg9[%get3A] {strides = array<i32>} : memref<20016xf32, #tpu.memory_space<vmem>>, vector<16xf32>,
        %gt3A_245 = arith.constant 5.000000e-02 : f32
        %gt3A_246 = vector.broadcast %gt3A_245 : f32 to vector<16xf32>
        %gt3A_247 = arith.cmpf ogt, %get3A_244, %gt3A_246 : vector<16xf32>
        %mul3A_248 = arith.constant 16 : i32
        %mul3A_249 = arith.muli %scan3A_240, %mul3A_248 : i32
        %add3A_250 = vector.broadcast %mul3A_249 : i32 to vector<16xi32>
        %add3A_251 = arith.addi %add3A_250, %iota3A : vector<16xi32>
        %convert_element_type3A_252 = arith.extui %gt3A_247 : vector<16xi1> to vector<16xi32>
        %broadcast_in_dim3A = arith.constant true
        %broadcast_in_dim3A_253 = vector.broadcast %broadcast_in_dim3A : i1 to vector<16xi1>
        %masked_cumsum3A = tpu.scan <sum>, %convert_element_type3A_252 masked %broadcast_in_dim3A_253 : vector<16xi32>, vector<16xi1> -> vector<16xi32>
        %add3A_254 = vector.broadcast %scan3A_241 : i32 to vector<16xi32>
        %add3A_255 = arith.addi %add3A_254, %masked_cumsum3A : vector<16xi32>
        %sub3A = arith.constant 1 : i32
        %sub3A_256 = vector.broadcast %sub3A : i32 to vector<16xi32>
        %sub3A_257 = arith.subi %add3A_255, %sub3A_256 : vector<16xi32>
        tpu.vector_store_idx %arg10[%sub3A_257], %get3A_244 masked %gt3A_247 : memref<20016xf32, #tpu.memory_space<vmem>>[vector<16xi32>], vector<16xf32>, vector<16xi1>
        %convert_element_type3A_258 = arith.extui %gt3A_247 : vector<16xi1> to vector<16xi32>
        %broadcast_in_dim3A_259 = arith.constant true
        %broadcast_in_dim3A_260 = vector.broadcast %broadcast_in_dim3A_259 : i1 to vector<16xi1>
        %masked_cumsum3A_261 = tpu.scan <sum>, %convert_element_type3A_258 masked %broadcast_in_dim3A_260 : vector<16xi32>, vector<16xi1> -> vector<16xi32>
        %add3A_262 = vector.broadcast %scan3A_241 : i32 to vector<16xi32>
        %add3A_263 = arith.addi %add3A_262, %masked_cumsum3A_261 : vector<16xi32>
        %sub3A_264 = arith.constant 1 : i32
        %sub3A_265 = vector.broadcast %sub3A_264 : i32 to vector<16xi32>
        %sub3A_266 = arith.subi %add3A_263, %sub3A_265 : vector<16xi32>
        tpu.vector_store_idx %arg11[%sub3A_266], %add3A_251 masked %gt3A_247 : memref<20016xi32, #tpu.memory_space<vmem>>[vector<16xi32>], vector<16xi32>, vector<16xi1>
        %convert_element_type3A_267 = arith.extui %gt3A_247 : vector<16xi1> to vector<16xi32>
        %reduce_sum3A = arith.constant true
        %reduce_sum3A_268 = vector.broadcast %reduce_sum3A : i1 to vector<16xi1>
        %reduce_sum3A_269 = tpu.scan <sum>, %convert_element_type3A_267 masked %reduce_sum3A_268 : vector<16xi32>, vector<16xi1> -> vector<16xi32>
        %reduce_sum3A_270 = vector.extract %reduce_sum3A_269[15] : i32 from vector<16xi32>
        %add3A_271 = arith.addi %scan3A_241, %reduce_sum3A_270 : i32
        scf.yield %add3A_271 : i32
      }
      %scan3A_35 = arith.constant 1250 : i32
      %gt3A = arith.constant 200 : i32
      %gt3A_36 = arith.cmpi sgt, %scan3A_34, %gt3A : i32
      %convert_element_type3A = arith.extui %gt3A_36 : i1 to i32
      %cond3A = arith.constant 0 : i32
      %cond3A_37 = arith.cmpi ne, %convert_element_type3A, %cond3A : i32
      %cond3A_38 = scf.if %cond3A_37 -> (i32) {
        %iota3A_240 = tpu.iota {dimensions = array<i32: 0>} : vector<16xi32>
        %add3A_241 = arith.constant 15 : i32
        %add3A_242 = arith.addi %scan3A_34, %add3A_241 : i32
        %shift_right_arithmetic3A_243 = arith.constant 4 : i32
        %shift_right_arithmetic3A_244 = arith.shrsi %add3A_242, %shift_right_arithmetic3A_243 : i32
        %scan3A_245 = arith.constant 0 : i32
        %scan3A_246 = arith.constant 0 : i32
        %scan3A_247 = arith.constant 31 : i32
        %scan3A_248 = arith.addi %scan3A_246, %scan3A_247 : i32
        %scan3A_249 = arith.constant 1 : i32
        %scan3A_250 = scf.for %scan3A_252 = %scan3A_246 to %scan3A_248 step %scan3A_249 iter_args(%scan3A_253 = %scan3A_245) -> (i32)  : i32 {
          %sub3A = arith.constant 30 : i32
          %sub3A_254 = arith.subi %sub3A, %scan3A_252 : i32
          %shift_left3A = arith.constant 1 : i32
          %shift_left3A_255 = arith.shli %shift_left3A, %sub3A_254 : i32
          %or3A = arith.ori %scan3A_253, %shift_left3A_255 : i32
          %while3A_256 = arith.constant 0 : i32
          %while3A_257 = arith.constant 0 : i32
          %while3A_258 = arith.subi %shift_right_arithmetic3A_244, %while3A_256 : i32
          %while3A_259 = arith.addi %while3A_256, %while3A_258 : i32
          %while3A_260 = arith.constant 1 : i32
          %while3A_261 = arith.divsi %while3A_258, %while3A_260 : i32
          %while3A_262 = arith.muli %while3A_261, %while3A_260 : i32
          %while3A_263 = arith.addi %while3A_256, %while3A_262 : i32
          %while3A_264 = arith.constant 1 : i32
          %while3A_265 = scf.for %while3A_270 = %while3A_256 to %while3A_263 step %while3A_264 iter_args(%while3A_271 = %while3A_257) -> (i32)  : i32 {
            %mul3A_272 = arith.constant 16 : i32
            %mul3A_273 = arith.muli %while3A_270, %mul3A_272 : i32
            %get3A = arith.index_cast %mul3A_273 : i32 to index
            %get3A_274 = tpu.vector_load %arg10[%get3A] {strides = array<i32>} : memref<20016xf32, #tpu.memory_space<vmem>>, vector<16xf32>,
            %bitcast3A = vector.bitcast %get3A_274 : vector<16xf32> to vector<16xi32>
            %ge3A_275 = vector.broadcast %or3A : i32 to vector<16xi32>
            %ge3A_276 = arith.cmpi sge, %bitcast3A, %ge3A_275 : vector<16xi32>
            %mul3A_277 = arith.constant 16 : i32
            %mul3A_278 = arith.muli %while3A_270, %mul3A_277 : i32
            %add3A_279 = vector.broadcast %mul3A_278 : i32 to vector<16xi32>
            %add3A_280 = arith.addi %add3A_279, %iota3A_240 : vector<16xi32>
            %lt3A_281 = vector.broadcast %scan3A_34 : i32 to vector<16xi32>
            %lt3A_282 = arith.cmpi slt, %add3A_280, %lt3A_281 : vector<16xi32>
            %and3A = arith.andi %ge3A_276, %lt3A_282 : vector<16xi1>
            %convert_element_type3A_283 = arith.extui %and3A : vector<16xi1> to vector<16xi32>
            %reduce_sum3A = arith.constant true
            %reduce_sum3A_284 = vector.broadcast %reduce_sum3A : i1 to vector<16xi1>
            %reduce_sum3A_285 = tpu.scan <sum>, %convert_element_type3A_283 masked %reduce_sum3A_284 : vector<16xi32>, vector<16xi1> -> vector<16xi32>
            %reduce_sum3A_286 = vector.extract %reduce_sum3A_285[15] : i32 from vector<16xi32>
            %add3A_287 = arith.addi %while3A_271, %reduce_sum3A_286 : i32
            scf.yield %add3A_287 : i32
          }
          %while3A_266 = arith.constant 1 : i32
          %while3A_267 = scf.for %while3A_270 = %while3A_263 to %while3A_259 step %while3A_266 iter_args(%while3A_271 = %while3A_265) -> (i32)  : i32 {
            %mul3A_272 = arith.constant 16 : i32
            %mul3A_273 = arith.muli %while3A_270, %mul3A_272 : i32
            %get3A = arith.index_cast %mul3A_273 : i32 to index
            %get3A_274 = tpu.vector_load %arg10[%get3A] {strides = array<i32>} : memref<20016xf32, #tpu.memory_space<vmem>>, vector<16xf32>,
            %bitcast3A = vector.bitcast %get3A_274 : vector<16xf32> to vector<16xi32>
            %ge3A_275 = vector.broadcast %or3A : i32 to vector<16xi32>
            %ge3A_276 = arith.cmpi sge, %bitcast3A, %ge3A_275 : vector<16xi32>
            %mul3A_277 = arith.constant 16 : i32
            %mul3A_278 = arith.muli %while3A_270, %mul3A_277 : i32
            %add3A_279 = vector.broadcast %mul3A_278 : i32 to vector<16xi32>
            %add3A_280 = arith.addi %add3A_279, %iota3A_240 : vector<16xi32>
            %lt3A_281 = vector.broadcast %scan3A_34 : i32 to vector<16xi32>
            %lt3A_282 = arith.cmpi slt, %add3A_280, %lt3A_281 : vector<16xi32>
            %and3A = arith.andi %ge3A_276, %lt3A_282 : vector<16xi1>
            %convert_element_type3A_283 = arith.extui %and3A : vector<16xi1> to vector<16xi32>
            %reduce_sum3A = arith.constant true
            %reduce_sum3A_284 = vector.broadcast %reduce_sum3A : i1 to vector<16xi1>
            %reduce_sum3A_285 = tpu.scan <sum>, %convert_element_type3A_283 masked %reduce_sum3A_284 : vector<16xi32>, vector<16xi1> -> vector<16xi32>
            %reduce_sum3A_286 = vector.extract %reduce_sum3A_285[15] : i32 from vector<16xi32>
            %add3A_287 = arith.addi %while3A_271, %reduce_sum3A_286 : i32
            scf.yield %add3A_287 : i32
          }
          %ge3A = arith.constant 200 : i32
          %ge3A_268 = arith.cmpi sge, %while3A_267, %ge3A : i32
          %select_n3A_269 = arith.select %ge3A_268, %or3A, %scan3A_253 : i32
          scf.yield %select_n3A_269 : i32
        }
        %scan3A_251 = arith.constant 31 : i32
        scf.yield %scan3A_250 : i32
      } else {
        %cond3A_240 = arith.constant 0 : i32
        scf.yield %cond3A_240 : i32
      }
      %scan3A_39 = arith.constant 0 : i32
      %scan3A_40 = arith.constant 0 : i32
      %scan3A_41 = arith.constant 15 : i32
      %scan3A_42 = arith.addi %scan3A_40, %scan3A_41 : i32
      %scan3A_43 = arith.constant 1 : i32
      %scan3A_44 = scf.for %scan3A_240 = %scan3A_40 to %scan3A_42 step %scan3A_43 iter_args(%scan3A_241 = %scan3A_39) -> (i32)  : i32 {
        %broadcast_in_dim3A = arith.constant -3.000000e+38 : f32
        %broadcast_in_dim3A_242 = vector.broadcast %broadcast_in_dim3A : f32 to vector<16xf32>
        %mul3A_243 = arith.constant 16 : i32
        %mul3A_244 = arith.muli %scan3A_240, %mul3A_243 : i32
        %swap3A = arith.index_cast %mul3A_244 : i32 to index
        %swap3A_245 = tpu.vector_load %arg13[%swap3A] {strides = array<i32>} : memref<240xf32, #tpu.memory_space<vmem>>, vector<16xf32>,
        tpu.vector_store %arg13[%swap3A], %broadcast_in_dim3A_242 {strides = array<i32>} : memref<240xf32, #tpu.memory_space<vmem>>, vector<16xf32>,
        %scan3A_246 = arith.constant 0 : i32
        scf.yield %scan3A_246 : i32
      }
      %scan3A_45 = arith.constant 15 : i32
      %scan3A_46 = arith.constant 0 : i32
      %scan3A_47 = arith.constant 0 : i32
      %scan3A_48 = arith.constant 14 : i32
      %scan3A_49 = arith.addi %scan3A_47, %scan3A_48 : i32
      %scan3A_50 = arith.constant 1 : i32
      %scan3A_51 = scf.for %scan3A_240 = %scan3A_47 to %scan3A_49 step %scan3A_50 iter_args(%scan3A_241 = %scan3A_46) -> (i32)  : i32 {
        %broadcast_in_dim3A = arith.constant 0 : i32
        %broadcast_in_dim3A_242 = vector.broadcast %broadcast_in_dim3A : i32 to vector<16xi32>
        %mul3A_243 = arith.constant 16 : i32
        %mul3A_244 = arith.muli %scan3A_240, %mul3A_243 : i32
        %swap3A = arith.index_cast %mul3A_244 : i32 to index
        %swap3A_245 = tpu.vector_load %arg15[%swap3A] {strides = array<i32>} : memref<224xi32, #tpu.memory_space<vmem>>, vector<16xi32>,
        tpu.vector_store %arg15[%swap3A], %broadcast_in_dim3A_242 {strides = array<i32>} : memref<224xi32, #tpu.memory_space<vmem>>, vector<16xi32>,
        %broadcast_in_dim3A_246 = arith.constant -1.000000e+00 : f32
        %broadcast_in_dim3A_247 = vector.broadcast %broadcast_in_dim3A_246 : f32 to vector<16xf32>
        %mul3A_248 = arith.constant 16 : i32
        %mul3A_249 = arith.muli %scan3A_240, %mul3A_248 : i32
        %swap3A_250 = arith.index_cast %mul3A_249 : i32 to index
        %swap3A_251 = tpu.vector_load %arg16[%swap3A_250] {strides = array<i32>} : memref<224xf32, #tpu.memory_space<vmem>>, vector<16xf32>,
        tpu.vector_store %arg16[%swap3A_250], %broadcast_in_dim3A_247 {strides = array<i32>} : memref<224xf32, #tpu.memory_space<vmem>>, vector<16xf32>,
        %scan3A_252 = arith.constant 0 : i32
        scf.yield %scan3A_252 : i32
      }
      %scan3A_52 = arith.constant 14 : i32
      %add3A_53 = arith.constant 15 : i32
      %add3A_54 = arith.addi %scan3A_34, %add3A_53 : i32
      %shift_right_arithmetic3A = arith.constant 4 : i32
      %shift_right_arithmetic3A_55 = arith.shrsi %add3A_54, %shift_right_arithmetic3A : i32
      %while3A_56 = arith.constant 0 : i32
      %while3A_57 = arith.constant 0 : i32
      %while3A_58 = arith.subi %shift_right_arithmetic3A_55, %while3A_56 : i32
      %while3A_59 = arith.addi %while3A_56, %while3A_58 : i32
      %while3A_60 = arith.constant 1 : i32
      %while3A_61 = arith.divsi %while3A_58, %while3A_60 : i32
      %while3A_62 = arith.muli %while3A_61, %while3A_60 : i32
      %while3A_63 = arith.addi %while3A_56, %while3A_62 : i32
      %while3A_64 = arith.constant 1 : i32
      %while3A_65 = scf.for %while3A_240 = %while3A_56 to %while3A_63 step %while3A_64 iter_args(%while3A_241 = %while3A_57) -> (i32)  : i32 {
        %mul3A_242 = arith.constant 16 : i32
        %mul3A_243 = arith.muli %while3A_240, %mul3A_242 : i32
        %get3A = arith.index_cast %mul3A_243 : i32 to index
        %get3A_244 = tpu.vector_load %arg10[%get3A] {strides = array<i32>} : memref<20016xf32, #tpu.memory_space<vmem>>, vector<16xf32>,
        %bitcast3A = vector.bitcast %get3A_244 : vector<16xf32> to vector<16xi32>
        %ge3A = vector.broadcast %cond3A_38 : i32 to vector<16xi32>
        %ge3A_245 = arith.cmpi sge, %bitcast3A, %ge3A : vector<16xi32>
        %mul3A_246 = arith.constant 16 : i32
        %mul3A_247 = arith.muli %while3A_240, %mul3A_246 : i32
        %add3A_248 = vector.broadcast %mul3A_247 : i32 to vector<16xi32>
        %add3A_249 = arith.addi %add3A_248, %iota3A : vector<16xi32>
        %lt3A_250 = vector.broadcast %scan3A_34 : i32 to vector<16xi32>
        %lt3A_251 = arith.cmpi slt, %add3A_249, %lt3A_250 : vector<16xi32>
        %and3A = arith.andi %ge3A_245, %lt3A_251 : vector<16xi1>
        %min3A_252 = arith.constant 208 : i32
        %min3A_253 = arith.minsi %while3A_241, %min3A_252 : i32
        %mul3A_254 = arith.constant 16 : i32
        %mul3A_255 = arith.muli %while3A_240, %mul3A_254 : i32
        %get3A_256 = arith.index_cast %mul3A_255 : i32 to index
        %get3A_257 = tpu.vector_load %arg11[%get3A_256] {strides = array<i32>} : memref<20016xi32, #tpu.memory_space<vmem>>, vector<16xi32>,
        %convert_element_type3A_258 = arith.extui %and3A : vector<16xi1> to vector<16xi32>
        %broadcast_in_dim3A = arith.constant true
        %broadcast_in_dim3A_259 = vector.broadcast %broadcast_in_dim3A : i1 to vector<16xi1>
        %masked_cumsum3A = tpu.scan <sum>, %convert_element_type3A_258 masked %broadcast_in_dim3A_259 : vector<16xi32>, vector<16xi1> -> vector<16xi32>
        %add3A_260 = vector.broadcast %min3A_253 : i32 to vector<16xi32>
        %add3A_261 = arith.addi %add3A_260, %masked_cumsum3A : vector<16xi32>
        %sub3A = arith.constant 1 : i32
        %sub3A_262 = vector.broadcast %sub3A : i32 to vector<16xi32>
        %sub3A_263 = arith.subi %add3A_261, %sub3A_262 : vector<16xi32>
        tpu.vector_store_idx %arg13[%sub3A_263], %get3A_244 masked %and3A : memref<240xf32, #tpu.memory_space<vmem>>[vector<16xi32>], vector<16xf32>, vector<16xi1>
        %convert_element_type3A_264 = arith.extui %and3A : vector<16xi1> to vector<16xi32>
        %broadcast_in_dim3A_265 = arith.constant true
        %broadcast_in_dim3A_266 = vector.broadcast %broadcast_in_dim3A_265 : i1 to vector<16xi1>
        %masked_cumsum3A_267 = tpu.scan <sum>, %convert_element_type3A_264 masked %broadcast_in_dim3A_266 : vector<16xi32>, vector<16xi1> -> vector<16xi32>
        %add3A_268 = vector.broadcast %min3A_253 : i32 to vector<16xi32>
        %add3A_269 = arith.addi %add3A_268, %masked_cumsum3A_267 : vector<16xi32>
        %sub3A_270 = arith.constant 1 : i32
        %sub3A_271 = vector.broadcast %sub3A_270 : i32 to vector<16xi32>
        %sub3A_272 = arith.subi %add3A_269, %sub3A_271 : vector<16xi32>
        tpu.vector_store_idx %arg14[%sub3A_272], %get3A_257 masked %and3A : memref<240xi32, #tpu.memory_space<vmem>>[vector<16xi32>], vector<16xi32>, vector<16xi1>
        %convert_element_type3A_273 = arith.extui %and3A : vector<16xi1> to vector<16xi32>
        %reduce_sum3A = arith.constant true
        %reduce_sum3A_274 = vector.broadcast %reduce_sum3A : i1 to vector<16xi1>
        %reduce_sum3A_275 = tpu.scan <sum>, %convert_element_type3A_273 masked %reduce_sum3A_274 : vector<16xi32>, vector<16xi1> -> vector<16xi32>
        %reduce_sum3A_276 = vector.extract %reduce_sum3A_275[15] : i32 from vector<16xi32>
        %add3A_277 = arith.addi %while3A_241, %reduce_sum3A_276 : i32
        scf.yield %add3A_277 : i32
      }
      %while3A_66 = arith.constant 1 : i32
      %while3A_67 = scf.for %while3A_240 = %while3A_63 to %while3A_59 step %while3A_66 iter_args(%while3A_241 = %while3A_65) -> (i32)  : i32 {
        %mul3A_242 = arith.constant 16 : i32
        %mul3A_243 = arith.muli %while3A_240, %mul3A_242 : i32
        %get3A = arith.index_cast %mul3A_243 : i32 to index
        %get3A_244 = tpu.vector_load %arg10[%get3A] {strides = array<i32>} : memref<20016xf32, #tpu.memory_space<vmem>>, vector<16xf32>,
        %bitcast3A = vector.bitcast %get3A_244 : vector<16xf32> to vector<16xi32>
        %ge3A = vector.broadcast %cond3A_38 : i32 to vector<16xi32>
        %ge3A_245 = arith.cmpi sge, %bitcast3A, %ge3A : vector<16xi32>
        %mul3A_246 = arith.constant 16 : i32
        %mul3A_247 = arith.muli %while3A_240, %mul3A_246 : i32
        %add3A_248 = vector.broadcast %mul3A_247 : i32 to vector<16xi32>
        %add3A_249 = arith.addi %add3A_248, %iota3A : vector<16xi32>
        %lt3A_250 = vector.broadcast %scan3A_34 : i32 to vector<16xi32>
        %lt3A_251 = arith.cmpi slt, %add3A_249, %lt3A_250 : vector<16xi32>
        %and3A = arith.andi %ge3A_245, %lt3A_251 : vector<16xi1>
        %min3A_252 = arith.constant 208 : i32
        %min3A_253 = arith.minsi %while3A_241, %min3A_252 : i32
        %mul3A_254 = arith.constant 16 : i32
        %mul3A_255 = arith.muli %while3A_240, %mul3A_254 : i32
        %get3A_256 = arith.index_cast %mul3A_255 : i32 to index
        %get3A_257 = tpu.vector_load %arg11[%get3A_256] {strides = array<i32>} : memref<20016xi32, #tpu.memory_space<vmem>>, vector<16xi32>,
        %convert_element_type3A_258 = arith.extui %and3A : vector<16xi1> to vector<16xi32>
        %broadcast_in_dim3A = arith.constant true
        %broadcast_in_dim3A_259 = vector.broadcast %broadcast_in_dim3A : i1 to vector<16xi1>
        %masked_cumsum3A = tpu.scan <sum>, %convert_element_type3A_258 masked %broadcast_in_dim3A_259 : vector<16xi32>, vector<16xi1> -> vector<16xi32>
        %add3A_260 = vector.broadcast %min3A_253 : i32 to vector<16xi32>
        %add3A_261 = arith.addi %add3A_260, %masked_cumsum3A : vector<16xi32>
        %sub3A = arith.constant 1 : i32
        %sub3A_262 = vector.broadcast %sub3A : i32 to vector<16xi32>
        %sub3A_263 = arith.subi %add3A_261, %sub3A_262 : vector<16xi32>
        tpu.vector_store_idx %arg13[%sub3A_263], %get3A_244 masked %and3A : memref<240xf32, #tpu.memory_space<vmem>>[vector<16xi32>], vector<16xf32>, vector<16xi1>
        %convert_element_type3A_264 = arith.extui %and3A : vector<16xi1> to vector<16xi32>
        %broadcast_in_dim3A_265 = arith.constant true
        %broadcast_in_dim3A_266 = vector.broadcast %broadcast_in_dim3A_265 : i1 to vector<16xi1>
        %masked_cumsum3A_267 = tpu.scan <sum>, %convert_element_type3A_264 masked %broadcast_in_dim3A_266 : vector<16xi32>, vector<16xi1> -> vector<16xi32>
        %add3A_268 = vector.broadcast %min3A_253 : i32 to vector<16xi32>
        %add3A_269 = arith.addi %add3A_268, %masked_cumsum3A_267 : vector<16xi32>
        %sub3A_270 = arith.constant 1 : i32
        %sub3A_271 = vector.broadcast %sub3A_270 : i32 to vector<16xi32>
        %sub3A_272 = arith.subi %add3A_269, %sub3A_271 : vector<16xi32>
        tpu.vector_store_idx %arg14[%sub3A_272], %get3A_257 masked %and3A : memref<240xi32, #tpu.memory_space<vmem>>[vector<16xi32>], vector<16xi32>, vector<16xi1>
        %convert_element_type3A_273 = arith.extui %and3A : vector<16xi1> to vector<16xi32>
        %reduce_sum3A = arith.constant true
        %reduce_sum3A_274 = vector.broadcast %reduce_sum3A : i1 to vector<16xi1>
        %reduce_sum3A_275 = tpu.scan <sum>, %convert_element_type3A_273 masked %reduce_sum3A_274 : vector<16xi32>, vector<16xi1> -> vector<16xi32>
        %reduce_sum3A_276 = vector.extract %reduce_sum3A_275[15] : i32 from vector<16xi32>
        %add3A_277 = arith.addi %while3A_241, %reduce_sum3A_276 : i32
        scf.yield %add3A_277 : i32
      }
      %min3A = arith.constant 200 : i32
      %min3A_68 = arith.minsi %while3A_67, %min3A : i32
      %scan3A_69 = arith.constant 0 : i32
      %scan3A_70 = arith.constant 0 : i32
      %scan3A_71 = arith.constant 200 : i32
      %scan3A_72 = arith.addi %scan3A_70, %scan3A_71 : i32
      %scan3A_73 = arith.constant 1 : i32
      %scan3A_74 = scf.for %scan3A_240 = %scan3A_70 to %scan3A_72 step %scan3A_73 iter_args(%scan3A_241 = %scan3A_69) -> (i32)  : i32 {
        %lt3A_242 = arith.cmpi slt, %scan3A_240, %min3A_68 : i32
        %convert_element_type3A_243 = arith.extui %lt3A_242 : i1 to i32
        %cond3A_244 = arith.constant 0 : i32
        %cond3A_245 = arith.cmpi ne, %convert_element_type3A_243, %cond3A_244 : i32
        scf.if %cond3A_245 {
          %scan3A_247 = arith.constant -3.000000e+38 : f32
          %scan3A_248 = arith.constant 0 : i32
          %scan3A_249 = arith.constant 15 : i32
          %scan3A_250 = arith.addi %scan3A_248, %scan3A_249 : i32
          %scan3A_251 = arith.constant 1 : i32
          %scan3A_252 = scf.for %scan3A_290 = %scan3A_248 to %scan3A_250 step %scan3A_251 iter_args(%scan3A_291 = %scan3A_247) -> (f32)  : i32 {
            %mul3A_292 = arith.constant 16 : i32
            %mul3A_293 = arith.muli %scan3A_290, %mul3A_292 : i32
            %get3A_294 = arith.index_cast %mul3A_293 : i32 to index
            %get3A_295 = tpu.vector_load %arg13[%get3A_294] {strides = array<i32>} : memref<240xf32, #tpu.memory_space<vmem>>, vector<16xf32>,
            %reduce_max3A = arith.constant true
            %reduce_max3A_296 = vector.broadcast %reduce_max3A : i1 to vector<16xi1>
            %reduce_max3A_297 = tpu.scan <max>, %get3A_295 masked %reduce_max3A_296 : vector<16xf32>, vector<16xi1> -> vector<16xf32>
            %reduce_max3A_298 = vector.extract %reduce_max3A_297[15] : f32 from vector<16xf32>
            %max3A = arith.maximumf %scan3A_291, %reduce_max3A_298 : f32
            scf.yield %max3A : f32
          }
          %scan3A_253 = arith.constant 15 : i32
          %scan3A_254 = arith.constant 240 : i32
          %scan3A_255 = arith.constant 0 : i32
          %scan3A_256 = arith.constant 15 : i32
          %scan3A_257 = arith.addi %scan3A_255, %scan3A_256 : i32
          %scan3A_258 = arith.constant 1 : i32
          %scan3A_259 = scf.for %scan3A_290 = %scan3A_255 to %scan3A_257 step %scan3A_258 iter_args(%scan3A_291 = %scan3A_254) -> (i32)  : i32 {
            %mul3A_292 = arith.constant 16 : i32
            %mul3A_293 = arith.muli %scan3A_290, %mul3A_292 : i32
            %get3A_294 = arith.index_cast %mul3A_293 : i32 to index
            %get3A_295 = tpu.vector_load %arg13[%get3A_294] {strides = array<i32>} : memref<240xf32, #tpu.memory_space<vmem>>, vector<16xf32>,
            %eq3A_296 = vector.broadcast %scan3A_252 : f32 to vector<16xf32>
            %eq3A_297 = arith.cmpf oeq, %get3A_295, %eq3A_296 : vector<16xf32>
            %mul3A_298 = arith.constant 16 : i32
            %mul3A_299 = arith.muli %scan3A_290, %mul3A_298 : i32
            %add3A_300 = vector.broadcast %mul3A_299 : i32 to vector<16xi32>
            %add3A_301 = arith.addi %add3A_300, %iota3A : vector<16xi32>
            %jit3A_302 = arith.constant 240 : i32
            %broadcast_in_dim3A_303 = vector.broadcast %jit3A_302 : i32 to vector<16xi32>
            %select_n3A_304 = arith.select %eq3A_297, %add3A_301, %broadcast_in_dim3A_303 : vector<16xi1>, vector<16xi32>
            %reduce_min3A = arith.constant true
            %reduce_min3A_305 = vector.broadcast %reduce_min3A : i1 to vector<16xi1>
            %reduce_min3A_306 = arith.constant -2147483648 : i32
            %reduce_min3A_307 = vector.broadcast %reduce_min3A_306 : i32 to vector<16xi32>
            %reduce_min3A_308 = arith.xori %select_n3A_304, %reduce_min3A_307 : vector<16xi32>
            %reduce_min3A_309 = tpu.scan <min>, %reduce_min3A_308 masked %reduce_min3A_305 : vector<16xi32>, vector<16xi1> -> vector<16xi32>
            %reduce_min3A_310 = arith.xori %reduce_min3A_309, %reduce_min3A_307 : vector<16xi32>
            %reduce_min3A_311 = vector.extract %reduce_min3A_310[15] : i32 from vector<16xi32>
            %min3A_312 = arith.minsi %scan3A_291, %reduce_min3A_311 : i32
            scf.yield %min3A_312 : i32
          }
          %scan3A_260 = arith.constant 15 : i32
          %get3A = arith.index_cast %scan3A_259 : i32 to index
          %get3A_261 = tpu.vector_load %arg14[%get3A] {strides = array<i32>} : memref<240xi32, #tpu.memory_space<vmem>>, vector<16xi32>,
          %slice3A = vector.extract_strided_slice %get3A_261 {offsets = [0], sizes = [1], strides = [1]} : vector<16xi32> to vector<1xi32>
          %squeeze3A = vector.extract %slice3A[0] : i32 from vector<1xi32>
          %get3A_262 = arith.index_cast %scan3A_240 : i32 to index
          %get3A_263 = tpu.vector_load %arg16[%get3A_262] {strides = array<i32>} : memref<224xf32, #tpu.memory_space<vmem>>, vector<16xf32>,
          %iota3A_264 = tpu.iota {dimensions = array<i32: 0>} : vector<16xi32>
          %eq3A = arith.constant 0 : i32
          %eq3A_265 = vector.broadcast %eq3A : i32 to vector<16xi32>
          %eq3A_266 = arith.cmpi eq, %iota3A_264, %eq3A_265 : vector<16xi32>
          %broadcast_in_dim3A = vector.broadcast %scan3A_252 : f32 to vector<16xf32>
          %select_n3A_267 = arith.select %eq3A_266, %broadcast_in_dim3A, %get3A_263 : vector<16xi1>, vector<16xf32>
          %swap3A = arith.index_cast %scan3A_240 : i32 to index
          %swap3A_268 = tpu.vector_load %arg16[%swap3A] {strides = array<i32>} : memref<224xf32, #tpu.memory_space<vmem>>, vector<16xf32>,
          tpu.vector_store %arg16[%swap3A], %select_n3A_267 {strides = array<i32>} : memref<224xf32, #tpu.memory_space<vmem>>, vector<16xf32>,
          %get3A_269 = arith.index_cast %scan3A_240 : i32 to index
          %get3A_270 = tpu.vector_load %arg15[%get3A_269] {strides = array<i32>} : memref<224xi32, #tpu.memory_space<vmem>>, vector<16xi32>,
          %iota3A_271 = tpu.iota {dimensions = array<i32: 0>} : vector<16xi32>
          %eq3A_272 = arith.constant 0 : i32
          %eq3A_273 = vector.broadcast %eq3A_272 : i32 to vector<16xi32>
          %eq3A_274 = arith.cmpi eq, %iota3A_271, %eq3A_273 : vector<16xi32>
          %broadcast_in_dim3A_275 = vector.broadcast %squeeze3A : i32 to vector<16xi32>
          %select_n3A_276 = arith.select %eq3A_274, %broadcast_in_dim3A_275, %get3A_270 : vector<16xi1>, vector<16xi32>
          %swap3A_277 = arith.index_cast %scan3A_240 : i32 to index
          %swap3A_278 = tpu.vector_load %arg15[%swap3A_277] {strides = array<i32>} : memref<224xi32, #tpu.memory_space<vmem>>, vector<16xi32>,
          tpu.vector_store %arg15[%swap3A_277], %select_n3A_276 {strides = array<i32>} : memref<224xi32, #tpu.memory_space<vmem>>, vector<16xi32>,
          %get3A_279 = arith.index_cast %scan3A_259 : i32 to index
          %get3A_280 = tpu.vector_load %arg13[%get3A_279] {strides = array<i32>} : memref<240xf32, #tpu.memory_space<vmem>>, vector<16xf32>,
          %iota3A_281 = tpu.iota {dimensions = array<i32: 0>} : vector<16xi32>
          %eq3A_282 = arith.constant 0 : i32
          %eq3A_283 = vector.broadcast %eq3A_282 : i32 to vector<16xi32>
          %eq3A_284 = arith.cmpi eq, %iota3A_281, %eq3A_283 : vector<16xi32>
          %broadcast_in_dim3A_285 = arith.constant -3.000000e+38 : f32
          %broadcast_in_dim3A_286 = vector.broadcast %broadcast_in_dim3A_285 : f32 to vector<16xf32>
          %select_n3A_287 = arith.select %eq3A_284, %broadcast_in_dim3A_286, %get3A_280 : vector<16xi1>, vector<16xf32>
          %swap3A_288 = arith.index_cast %scan3A_259 : i32 to index
          %swap3A_289 = tpu.vector_load %arg13[%swap3A_288] {strides = array<i32>} : memref<240xf32, #tpu.memory_space<vmem>>, vector<16xf32>,
          tpu.vector_store %arg13[%swap3A_288], %select_n3A_287 {strides = array<i32>} : memref<240xf32, #tpu.memory_space<vmem>>, vector<16xf32>,
        } else {
        }
        %scan3A_246 = arith.constant 0 : i32
        scf.yield %scan3A_246 : i32
      }
      %scan3A_75 = arith.constant 200 : i32
      %lt3A_76 = arith.constant 200 : i32
      %lt3A_77 = arith.cmpi slt, %min3A_68, %lt3A_76 : i32
      %convert_element_type3A_78 = arith.extui %lt3A_77 : i1 to i32
      %cond3A_79 = arith.constant 0 : i32
      %cond3A_80 = arith.cmpi ne, %convert_element_type3A_78, %cond3A_79 : i32
      scf.if %cond3A_80 {
        %scan3A_240 = arith.constant 0 : i32
        %scan3A_241 = arith.constant 0 : i32
        %scan3A_242 = arith.constant 1250 : i32
        %scan3A_243 = arith.addi %scan3A_241, %scan3A_242 : i32
        %scan3A_244 = arith.constant 1 : i32
        %scan3A_245 = scf.for %scan3A_254 = %scan3A_241 to %scan3A_243 step %scan3A_244 iter_args(%scan3A_255 = %scan3A_240) -> (i32)  : i32 {
          %mul3A_256 = arith.constant 16 : i32
          %mul3A_257 = arith.muli %scan3A_254, %mul3A_256 : i32
          %get3A = arith.index_cast %mul3A_257 : i32 to index
          %get3A_258 = tpu.vector_load %arg9[%get3A] {strides = array<i32>} : memref<20016xf32, #tpu.memory_space<vmem>>, vector<16xf32>,
          %gt3A_259 = arith.constant 5.000000e-02 : f32
          %gt3A_260 = vector.broadcast %gt3A_259 : f32 to vector<16xf32>
          %gt3A_261 = arith.cmpf ogt, %get3A_258, %gt3A_260 : vector<16xf32>
          %not3A = arith.constant dense<true> : vector<16xi1>
          %not3A_262 = arith.xori %gt3A_261, %not3A : vector<16xi1>
          %min3A_263 = arith.constant 208 : i32
          %min3A_264 = arith.minsi %scan3A_255, %min3A_263 : i32
          %convert_element_type3A_265 = arith.extui %not3A_262 : vector<16xi1> to vector<16xi32>
          %broadcast_in_dim3A = arith.constant true
          %broadcast_in_dim3A_266 = vector.broadcast %broadcast_in_dim3A : i1 to vector<16xi1>
          %masked_cumsum3A = tpu.scan <sum>, %convert_element_type3A_265 masked %broadcast_in_dim3A_266 : vector<16xi32>, vector<16xi1> -> vector<16xi32>
          %sub3A = arith.constant 1 : i32
          %sub3A_267 = vector.broadcast %sub3A : i32 to vector<16xi32>
          %sub3A_268 = arith.subi %masked_cumsum3A, %sub3A_267 : vector<16xi32>
          %add3A_269 = vector.broadcast %min3A_264 : i32 to vector<16xi32>
          %add3A_270 = arith.addi %add3A_269, %sub3A_268 : vector<16xi32>
          %mul3A_271 = arith.constant 16 : i32
          %mul3A_272 = arith.muli %scan3A_254, %mul3A_271 : i32
          %add3A_273 = vector.broadcast %mul3A_272 : i32 to vector<16xi32>
          %add3A_274 = arith.addi %add3A_273, %iota3A : vector<16xi32>
          tpu.vector_store_idx %arg12[%add3A_270], %add3A_274 masked %not3A_262 : memref<240xi32, #tpu.memory_space<vmem>>[vector<16xi32>], vector<16xi32>, vector<16xi1>
          %convert_element_type3A_275 = arith.extui %not3A_262 : vector<16xi1> to vector<16xi32>
          %reduce_sum3A = arith.constant true
          %reduce_sum3A_276 = vector.broadcast %reduce_sum3A : i1 to vector<16xi1>
          %reduce_sum3A_277 = tpu.scan <sum>, %convert_element_type3A_275 masked %reduce_sum3A_276 : vector<16xi32>, vector<16xi1> -> vector<16xi32>
          %reduce_sum3A_278 = vector.extract %reduce_sum3A_277[15] : i32 from vector<16xi32>
          %add3A_279 = arith.addi %scan3A_255, %reduce_sum3A_278 : i32
          scf.yield %add3A_279 : i32
        }
        %scan3A_246 = arith.constant 1250 : i32
        %scan3A_247 = arith.constant 0 : i32
        %scan3A_248 = arith.constant 0 : i32
        %scan3A_249 = arith.constant 13 : i32
        %scan3A_250 = arith.addi %scan3A_248, %scan3A_249 : i32
        %scan3A_251 = arith.constant 1 : i32
        %scan3A_252 = scf.for %scan3A_254 = %scan3A_248 to %scan3A_250 step %scan3A_251 iter_args(%scan3A_255 = %scan3A_247) -> (i32)  : i32 {
          %mul3A_256 = arith.constant 16 : i32
          %mul3A_257 = arith.muli %scan3A_254, %mul3A_256 : i32
          %add3A_258 = vector.broadcast %mul3A_257 : i32 to vector<16xi32>
          %add3A_259 = arith.addi %add3A_258, %iota3A : vector<16xi32>
          %ge3A = vector.broadcast %min3A_68 : i32 to vector<16xi32>
          %ge3A_260 = arith.cmpi sge, %add3A_259, %ge3A : vector<16xi32>
          %lt3A_261 = arith.constant 200 : i32
          %lt3A_262 = vector.broadcast %lt3A_261 : i32 to vector<16xi32>
          %lt3A_263 = arith.cmpi slt, %add3A_259, %lt3A_262 : vector<16xi32>
          %and3A = arith.andi %ge3A_260, %lt3A_263 : vector<16xi1>
          %sub3A = vector.broadcast %min3A_68 : i32 to vector<16xi32>
          %sub3A_264 = arith.subi %add3A_259, %sub3A : vector<16xi32>
          %jit3A_265 = arith.constant 0 : i32
          %jit3A_266 = arith.constant 223 : i32
          %max3A = vector.broadcast %jit3A_265 : i32 to vector<16xi32>
          %max3A_267 = arith.maxsi %max3A, %sub3A_264 : vector<16xi32>
          %min3A_268 = vector.broadcast %jit3A_266 : i32 to vector<16xi32>
          %min3A_269 = arith.minsi %min3A_268, %max3A_267 : vector<16xi32>
          %gather3A = tpu.vector_load_idx %arg12[%min3A_269] masked %and3A : memref<240xi32, #tpu.memory_space<vmem>>[vector<16xi32>], vector<16xi32>, vector<16xi1>
          tpu.vector_store_idx %arg15[%add3A_259], %gather3A masked %and3A : memref<224xi32, #tpu.memory_space<vmem>>[vector<16xi32>], vector<16xi32>, vector<16xi1>
          %scan3A_270 = arith.constant 0 : i32
          scf.yield %scan3A_270 : i32
        }
        %scan3A_253 = arith.constant 13 : i32
      } else {
      }
      %scan3A_81 = arith.constant 0 : i32
      %scan3A_82 = arith.constant 0 : i32
      %scan3A_83 = arith.constant 14 : i32
      %scan3A_84 = arith.addi %scan3A_82, %scan3A_83 : i32
      %scan3A_85 = arith.constant 1 : i32
      %scan3A_86 = scf.for %scan3A_240 = %scan3A_82 to %scan3A_84 step %scan3A_85 iter_args(%scan3A_241 = %scan3A_81) -> (i32)  : i32 {
        %mul3A_242 = arith.constant 16 : i32
        %mul3A_243 = arith.muli %scan3A_240, %mul3A_242 : i32
        %add3A_244 = vector.broadcast %mul3A_243 : i32 to vector<16xi32>
        %add3A_245 = arith.addi %add3A_244, %iota3A : vector<16xi32>
        %mul3A_246 = arith.constant 16 : i32
        %mul3A_247 = arith.muli %scan3A_240, %mul3A_246 : i32
        %get3A = arith.index_cast %mul3A_247 : i32 to index
        %get3A_248 = tpu.vector_load %arg15[%get3A] {strides = array<i32>} : memref<224xi32, #tpu.memory_space<vmem>>, vector<16xi32>,
        %jit3A_249 = arith.constant 112 : i32
        %div3A = vector.broadcast %jit3A_249 : i32 to vector<16xi32>
        %div3A_250 = arith.divsi %add3A_245, %div3A : vector<16xi32>
        %sign3A = arith.constant 0 : i32
        %sign3A_251 = vector.broadcast %sign3A : i32 to vector<16xi32>
        %sign3A_252 = arith.cmpi sgt, %add3A_245, %sign3A_251 : vector<16xi32>
        %sign3A_253 = arith.extui %sign3A_252 : vector<16xi1> to vector<16xi32>
        %sign3A_254 = arith.constant 0 : i32
        %sign3A_255 = vector.broadcast %sign3A_254 : i32 to vector<16xi32>
        %sign3A_256 = arith.cmpi slt, %add3A_245, %sign3A_255 : vector<16xi32>
        %sign3A_257 = arith.extui %sign3A_256 : vector<16xi1> to vector<16xi32>
        %sign3A_258 = arith.subi %sign3A_253, %sign3A_257 : vector<16xi32>
        %sign3A_259 = arith.constant 0 : i32
        %sign3A_260 = arith.cmpi sgt, %jit3A_249, %sign3A_259 : i32
        %sign3A_261 = arith.extui %sign3A_260 : i1 to i32
        %sign3A_262 = arith.constant 0 : i32
        %sign3A_263 = arith.cmpi slt, %jit3A_249, %sign3A_262 : i32
        %sign3A_264 = arith.extui %sign3A_263 : i1 to i32
        %sign3A_265 = arith.subi %sign3A_261, %sign3A_264 : i32
        %ne3A = vector.broadcast %sign3A_265 : i32 to vector<16xi32>
        %ne3A_266 = arith.cmpi ne, %sign3A_258, %ne3A : vector<16xi32>
        %rem3A = vector.broadcast %jit3A_249 : i32 to vector<16xi32>
        %rem3A_267 = arith.remsi %add3A_245, %rem3A : vector<16xi32>
        %ne3A_268 = arith.constant 0 : i32
        %ne3A_269 = vector.broadcast %ne3A_268 : i32 to vector<16xi32>
        %ne3A_270 = arith.cmpi ne, %rem3A_267, %ne3A_269 : vector<16xi32>
        %and3A = arith.andi %ne3A_266, %ne3A_270 : vector<16xi1>
        %sub3A = arith.constant 1 : i32
        %sub3A_271 = vector.broadcast %sub3A : i32 to vector<16xi32>
        %sub3A_272 = arith.subi %div3A_250, %sub3A_271 : vector<16xi32>
        %select_n3A_273 = arith.select %and3A, %sub3A_272, %div3A_250 : vector<16xi1>, vector<16xi32>
        %jit3A_274 = arith.constant 112 : i32
        %eq3A = arith.constant 0 : i32
        %eq3A_275 = arith.cmpi eq, %jit3A_274, %eq3A : i32
        %jit3A_276 = arith.constant 1 : i32
        %select_n3A_277 = arith.select %eq3A_275, %jit3A_276, %jit3A_274 : i32
        %rem3A_278 = vector.broadcast %select_n3A_277 : i32 to vector<16xi32>
        %rem3A_279 = arith.remsi %add3A_245, %rem3A_278 : vector<16xi32>
        %ne3A_280 = arith.constant 0 : i32
        %ne3A_281 = vector.broadcast %ne3A_280 : i32 to vector<16xi32>
        %ne3A_282 = arith.cmpi ne, %rem3A_279, %ne3A_281 : vector<16xi32>
        %lt3A_283 = arith.constant 0 : i32
        %lt3A_284 = vector.broadcast %lt3A_283 : i32 to vector<16xi32>
        %lt3A_285 = arith.cmpi slt, %rem3A_279, %lt3A_284 : vector<16xi32>
        %lt3A_286 = arith.constant 0 : i32
        %lt3A_287 = arith.cmpi slt, %select_n3A_277, %lt3A_286 : i32
        %ne3A_288 = vector.broadcast %lt3A_287 : i1 to vector<16xi1>
        %ne3A_289 = vector.broadcast %ne3A_288 : vector<16xi1> to vector<16xi1>
        %ne3A_290 = arith.xori %lt3A_285, %ne3A_289 : vector<16xi1>
        %and3A_291 = arith.andi %ne3A_290, %ne3A_282 : vector<16xi1>
        %add3A_292 = vector.broadcast %select_n3A_277 : i32 to vector<16xi32>
        %add3A_293 = arith.addi %rem3A_279, %add3A_292 : vector<16xi32>
        %select_n3A_294 = arith.select %and3A_291, %add3A_293, %rem3A_279 : vector<16xi1>, vector<16xi32>
        %mul3A_295 = arith.constant 20000 : i32
        %mul3A_296 = arith.muli %add3A_27, %mul3A_295 : i32
        %add3A_297 = vector.broadcast %mul3A_296 : i32 to vector<16xi32>
        %add3A_298 = arith.addi %add3A_297, %get3A_248 : vector<16xi32>
        tpu.vector_store_idx %arg25[%select_n3A_273, %select_n3A_294], %add3A_298 : memref<2x112xi32, #tpu.memory_space<vmem>>[vector<16xi32>, vector<16xi32>], vector<16xi32>,
        %scan3A_299 = arith.constant 0 : i32
        scf.yield %scan3A_299 : i32
      }
      %scan3A_87 = arith.constant 14 : i32
      %dma_start3A = arith.constant 0 : i32
      %dma_start3A_88 = arith.constant 0 : i32
      %dma_start3A_89 = tpu.memref_slice %arg17[%dma_start3A_88] : memref<224xf32, #tpu.memory_space<vmem>> -> memref<112xf32, #tpu.memory_space<vmem>>
      %dma_start3A_90 = arith.constant 0 : i32
      %dma_start3A_91 = tpu.memref_slice %arg25[%dma_start3A, %dma_start3A_90] : memref<2x112xi32, #tpu.memory_space<vmem>> -> memref<1x112xi32, #tpu.memory_space<vmem>>
      %dma_start3A_92 = tpu.memref_squeeze %dma_start3A_91 : memref<1x112xi32, #tpu.memory_space<vmem>> -> memref<112xi32, #tpu.memory_space<vmem>>
      %dma_start3A_93 = arith.constant 0 : i32
      %dma_start3A_94 = tpu.memref_slice %arg3[%dma_start3A_93] : memref<1620000xf32, #tpu.memory_space<hbm>> -> memref<1620000xf32, #tpu.memory_space<hbm>>
      tpu.enqueue_indirect_dma source(%dma_start3A_94 : memref<1620000xf32, #tpu.memory_space<hbm>>) target(%dma_start3A_89 : memref<112xf32, #tpu.memory_space<vmem>>) offsets(%dma_start3A_92 : memref<112xi32, #tpu.memory_space<vmem>>) semaphore(%arg26 : memref<!tpu.dma_semaphore, #tpu.memory_space<semaphore_mem>>)
      %dma_start3A_95 = arith.constant 0 : i32
      %dma_start3A_96 = arith.constant 0 : i32
      %dma_start3A_97 = tpu.memref_slice %arg18[%dma_start3A_96] : memref<224xf32, #tpu.memory_space<vmem>> -> memref<112xf32, #tpu.memory_space<vmem>>
      %dma_start3A_98 = arith.constant 0 : i32
      %dma_start3A_99 = tpu.memref_slice %arg25[%dma_start3A_95, %dma_start3A_98] : memref<2x112xi32, #tpu.memory_space<vmem>> -> memref<1x112xi32, #tpu.memory_space<vmem>>
      %dma_start3A_100 = tpu.memref_squeeze %dma_start3A_99 : memref<1x112xi32, #tpu.memory_space<vmem>> -> memref<112xi32, #tpu.memory_space<vmem>>
      %dma_start3A_101 = arith.constant 0 : i32
      %dma_start3A_102 = tpu.memref_slice %arg4[%dma_start3A_101] : memref<1620000xf32, #tpu.memory_space<hbm>> -> memref<1620000xf32, #tpu.memory_space<hbm>>
      tpu.enqueue_indirect_dma source(%dma_start3A_102 : memref<1620000xf32, #tpu.memory_space<hbm>>) target(%dma_start3A_97 : memref<112xf32, #tpu.memory_space<vmem>>) offsets(%dma_start3A_100 : memref<112xi32, #tpu.memory_space<vmem>>) semaphore(%arg26 : memref<!tpu.dma_semaphore, #tpu.memory_space<semaphore_mem>>)
      %dma_start3A_103 = arith.constant 0 : i32
      %dma_start3A_104 = arith.constant 0 : i32
      %dma_start3A_105 = tpu.memref_slice %arg19[%dma_start3A_104] : memref<224xf32, #tpu.memory_space<vmem>> -> memref<112xf32, #tpu.memory_space<vmem>>
      %dma_start3A_106 = arith.constant 0 : i32
      %dma_start3A_107 = tpu.memref_slice %arg25[%dma_start3A_103, %dma_start3A_106] : memref<2x112xi32, #tpu.memory_space<vmem>> -> memref<1x112xi32, #tpu.memory_space<vmem>>
      %dma_start3A_108 = tpu.memref_squeeze %dma_start3A_107 : memref<1x112xi32, #tpu.memory_space<vmem>> -> memref<112xi32, #tpu.memory_space<vmem>>
      %dma_start3A_109 = arith.constant 0 : i32
      %dma_start3A_110 = tpu.memref_slice %arg5[%dma_start3A_109] : memref<1620000xf32, #tpu.memory_space<hbm>> -> memref<1620000xf32, #tpu.memory_space<hbm>>
      tpu.enqueue_indirect_dma source(%dma_start3A_110 : memref<1620000xf32, #tpu.memory_space<hbm>>) target(%dma_start3A_105 : memref<112xf32, #tpu.memory_space<vmem>>) offsets(%dma_start3A_108 : memref<112xi32, #tpu.memory_space<vmem>>) semaphore(%arg26 : memref<!tpu.dma_semaphore, #tpu.memory_space<semaphore_mem>>)
      %dma_start3A_111 = arith.constant 0 : i32
      %dma_start3A_112 = arith.constant 0 : i32
      %dma_start3A_113 = tpu.memref_slice %arg20[%dma_start3A_112] : memref<224xf32, #tpu.memory_space<vmem>> -> memref<112xf32, #tpu.memory_space<vmem>>
      %dma_start3A_114 = arith.constant 0 : i32
      %dma_start3A_115 = tpu.memref_slice %arg25[%dma_start3A_111, %dma_start3A_114] : memref<2x112xi32, #tpu.memory_space<vmem>> -> memref<1x112xi32, #tpu.memory_space<vmem>>
      %dma_start3A_116 = tpu.memref_squeeze %dma_start3A_115 : memref<1x112xi32, #tpu.memory_space<vmem>> -> memref<112xi32, #tpu.memory_space<vmem>>
      %dma_start3A_117 = arith.constant 0 : i32
      %dma_start3A_118 = tpu.memref_slice %arg6[%dma_start3A_117] : memref<1620000xf32, #tpu.memory_space<hbm>> -> memref<1620000xf32, #tpu.memory_space<hbm>>
      tpu.enqueue_indirect_dma source(%dma_start3A_118 : memref<1620000xf32, #tpu.memory_space<hbm>>) target(%dma_start3A_113 : memref<112xf32, #tpu.memory_space<vmem>>) offsets(%dma_start3A_116 : memref<112xi32, #tpu.memory_space<vmem>>) semaphore(%arg26 : memref<!tpu.dma_semaphore, #tpu.memory_space<semaphore_mem>>)
      %dma_start3A_119 = arith.constant 1 : i32
      %dma_start3A_120 = arith.constant 112 : i32
      %dma_start3A_121 = tpu.memref_slice %arg17[%dma_start3A_120] : memref<224xf32, #tpu.memory_space<vmem>> -> memref<112xf32, #tpu.memory_space<vmem>>
      %dma_start3A_122 = arith.constant 0 : i32
      %dma_start3A_123 = tpu.memref_slice %arg25[%dma_start3A_119, %dma_start3A_122] : memref<2x112xi32, #tpu.memory_space<vmem>> -> memref<1x112xi32, #tpu.memory_space<vmem>>
      %dma_start3A_124 = tpu.memref_squeeze %dma_start3A_123 : memref<1x112xi32, #tpu.memory_space<vmem>> -> memref<112xi32, #tpu.memory_space<vmem>>
      %dma_start3A_125 = arith.constant 0 : i32
      %dma_start3A_126 = tpu.memref_slice %arg3[%dma_start3A_125] : memref<1620000xf32, #tpu.memory_space<hbm>> -> memref<1620000xf32, #tpu.memory_space<hbm>>
      tpu.enqueue_indirect_dma source(%dma_start3A_126 : memref<1620000xf32, #tpu.memory_space<hbm>>) target(%dma_start3A_121 : memref<112xf32, #tpu.memory_space<vmem>>) offsets(%dma_start3A_124 : memref<112xi32, #tpu.memory_space<vmem>>) semaphore(%arg26 : memref<!tpu.dma_semaphore, #tpu.memory_space<semaphore_mem>>)
      %dma_start3A_127 = arith.constant 1 : i32
      %dma_start3A_128 = arith.constant 112 : i32
      %dma_start3A_129 = tpu.memref_slice %arg18[%dma_start3A_128] : memref<224xf32, #tpu.memory_space<vmem>> -> memref<112xf32, #tpu.memory_space<vmem>>
      %dma_start3A_130 = arith.constant 0 : i32
      %dma_start3A_131 = tpu.memref_slice %arg25[%dma_start3A_127, %dma_start3A_130] : memref<2x112xi32, #tpu.memory_space<vmem>> -> memref<1x112xi32, #tpu.memory_space<vmem>>
      %dma_start3A_132 = tpu.memref_squeeze %dma_start3A_131 : memref<1x112xi32, #tpu.memory_space<vmem>> -> memref<112xi32, #tpu.memory_space<vmem>>
      %dma_start3A_133 = arith.constant 0 : i32
      %dma_start3A_134 = tpu.memref_slice %arg4[%dma_start3A_133] : memref<1620000xf32, #tpu.memory_space<hbm>> -> memref<1620000xf32, #tpu.memory_space<hbm>>
      tpu.enqueue_indirect_dma source(%dma_start3A_134 : memref<1620000xf32, #tpu.memory_space<hbm>>) target(%dma_start3A_129 : memref<112xf32, #tpu.memory_space<vmem>>) offsets(%dma_start3A_132 : memref<112xi32, #tpu.memory_space<vmem>>) semaphore(%arg26 : memref<!tpu.dma_semaphore, #tpu.memory_space<semaphore_mem>>)
      %dma_start3A_135 = arith.constant 1 : i32
      %dma_start3A_136 = arith.constant 112 : i32
      %dma_start3A_137 = tpu.memref_slice %arg19[%dma_start3A_136] : memref<224xf32, #tpu.memory_space<vmem>> -> memref<112xf32, #tpu.memory_space<vmem>>
      %dma_start3A_138 = arith.constant 0 : i32
      %dma_start3A_139 = tpu.memref_slice %arg25[%dma_start3A_135, %dma_start3A_138] : memref<2x112xi32, #tpu.memory_space<vmem>> -> memref<1x112xi32, #tpu.memory_space<vmem>>
      %dma_start3A_140 = tpu.memref_squeeze %dma_start3A_139 : memref<1x112xi32, #tpu.memory_space<vmem>> -> memref<112xi32, #tpu.memory_space<vmem>>
      %dma_start3A_141 = arith.constant 0 : i32
      %dma_start3A_142 = tpu.memref_slice %arg5[%dma_start3A_141] : memref<1620000xf32, #tpu.memory_space<hbm>> -> memref<1620000xf32, #tpu.memory_space<hbm>>
      tpu.enqueue_indirect_dma source(%dma_start3A_142 : memref<1620000xf32, #tpu.memory_space<hbm>>) target(%dma_start3A_137 : memref<112xf32, #tpu.memory_space<vmem>>) offsets(%dma_start3A_140 : memref<112xi32, #tpu.memory_space<vmem>>) semaphore(%arg26 : memref<!tpu.dma_semaphore, #tpu.memory_space<semaphore_mem>>)
      %dma_start3A_143 = arith.constant 1 : i32
      %dma_start3A_144 = arith.constant 112 : i32
      %dma_start3A_145 = tpu.memref_slice %arg20[%dma_start3A_144] : memref<224xf32, #tpu.memory_space<vmem>> -> memref<112xf32, #tpu.memory_space<vmem>>
      %dma_start3A_146 = arith.constant 0 : i32
      %dma_start3A_147 = tpu.memref_slice %arg25[%dma_start3A_143, %dma_start3A_146] : memref<2x112xi32, #tpu.memory_space<vmem>> -> memref<1x112xi32, #tpu.memory_space<vmem>>
      %dma_start3A_148 = tpu.memref_squeeze %dma_start3A_147 : memref<1x112xi32, #tpu.memory_space<vmem>> -> memref<112xi32, #tpu.memory_space<vmem>>
      %dma_start3A_149 = arith.constant 0 : i32
      %dma_start3A_150 = tpu.memref_slice %arg6[%dma_start3A_149] : memref<1620000xf32, #tpu.memory_space<hbm>> -> memref<1620000xf32, #tpu.memory_space<hbm>>
      tpu.enqueue_indirect_dma source(%dma_start3A_150 : memref<1620000xf32, #tpu.memory_space<hbm>>) target(%dma_start3A_145 : memref<112xf32, #tpu.memory_space<vmem>>) offsets(%dma_start3A_148 : memref<112xi32, #tpu.memory_space<vmem>>) semaphore(%arg26 : memref<!tpu.dma_semaphore, #tpu.memory_space<semaphore_mem>>)
      %dma_wait3A = arith.constant 0 : i32
      %dma_wait3A_151 = arith.constant 0 : i32
      %dma_wait3A_152 = tpu.memref_slice %arg17[%dma_wait3A_151] : memref<224xf32, #tpu.memory_space<vmem>> -> memref<112xf32, #tpu.memory_space<vmem>>
      %dma_wait3A_153 = arith.constant 0 : i32
      %dma_wait3A_154 = tpu.memref_slice %arg25[%dma_wait3A, %dma_wait3A_153] : memref<2x112xi32, #tpu.memory_space<vmem>> -> memref<1x112xi32, #tpu.memory_space<vmem>>
      %dma_wait3A_155 = tpu.memref_squeeze %dma_wait3A_154 : memref<1x112xi32, #tpu.memory_space<vmem>> -> memref<112xi32, #tpu.memory_space<vmem>>
      %dma_wait3A_156 = arith.constant 0 : i32
      %dma_wait3A_157 = tpu.memref_slice %arg3[%dma_wait3A_156] : memref<1620000xf32, #tpu.memory_space<hbm>> -> memref<1620000xf32, #tpu.memory_space<hbm>>
      tpu.wait_indirect_dma semaphore(%arg26 : memref<!tpu.dma_semaphore, #tpu.memory_space<semaphore_mem>>) src(%dma_wait3A_157 : memref<1620000xf32, #tpu.memory_space<hbm>>) dst(%dma_wait3A_152 : memref<112xf32, #tpu.memory_space<vmem>>)
      %dma_wait3A_158 = arith.constant 0 : i32
      %dma_wait3A_159 = arith.constant 0 : i32
      %dma_wait3A_160 = tpu.memref_slice %arg18[%dma_wait3A_159] : memref<224xf32, #tpu.memory_space<vmem>> -> memref<112xf32, #tpu.memory_space<vmem>>
      %dma_wait3A_161 = arith.constant 0 : i32
      %dma_wait3A_162 = tpu.memref_slice %arg25[%dma_wait3A_158, %dma_wait3A_161] : memref<2x112xi32, #tpu.memory_space<vmem>> -> memref<1x112xi32, #tpu.memory_space<vmem>>
      %dma_wait3A_163 = tpu.memref_squeeze %dma_wait3A_162 : memref<1x112xi32, #tpu.memory_space<vmem>> -> memref<112xi32, #tpu.memory_space<vmem>>
      %dma_wait3A_164 = arith.constant 0 : i32
      %dma_wait3A_165 = tpu.memref_slice %arg4[%dma_wait3A_164] : memref<1620000xf32, #tpu.memory_space<hbm>> -> memref<1620000xf32, #tpu.memory_space<hbm>>
      tpu.wait_indirect_dma semaphore(%arg26 : memref<!tpu.dma_semaphore, #tpu.memory_space<semaphore_mem>>) src(%dma_wait3A_165 : memref<1620000xf32, #tpu.memory_space<hbm>>) dst(%dma_wait3A_160 : memref<112xf32, #tpu.memory_space<vmem>>)
      %dma_wait3A_166 = arith.constant 0 : i32
      %dma_wait3A_167 = arith.constant 0 : i32
      %dma_wait3A_168 = tpu.memref_slice %arg19[%dma_wait3A_167] : memref<224xf32, #tpu.memory_space<vmem>> -> memref<112xf32, #tpu.memory_space<vmem>>
      %dma_wait3A_169 = arith.constant 0 : i32
      %dma_wait3A_170 = tpu.memref_slice %arg25[%dma_wait3A_166, %dma_wait3A_169] : memref<2x112xi32, #tpu.memory_space<vmem>> -> memref<1x112xi32, #tpu.memory_space<vmem>>
      %dma_wait3A_171 = tpu.memref_squeeze %dma_wait3A_170 : memref<1x112xi32, #tpu.memory_space<vmem>> -> memref<112xi32, #tpu.memory_space<vmem>>
      %dma_wait3A_172 = arith.constant 0 : i32
      %dma_wait3A_173 = tpu.memref_slice %arg5[%dma_wait3A_172] : memref<1620000xf32, #tpu.memory_space<hbm>> -> memref<1620000xf32, #tpu.memory_space<hbm>>
      tpu.wait_indirect_dma semaphore(%arg26 : memref<!tpu.dma_semaphore, #tpu.memory_space<semaphore_mem>>) src(%dma_wait3A_173 : memref<1620000xf32, #tpu.memory_space<hbm>>) dst(%dma_wait3A_168 : memref<112xf32, #tpu.memory_space<vmem>>)
      %dma_wait3A_174 = arith.constant 0 : i32
      %dma_wait3A_175 = arith.constant 0 : i32
      %dma_wait3A_176 = tpu.memref_slice %arg20[%dma_wait3A_175] : memref<224xf32, #tpu.memory_space<vmem>> -> memref<112xf32, #tpu.memory_space<vmem>>
      %dma_wait3A_177 = arith.constant 0 : i32
      %dma_wait3A_178 = tpu.memref_slice %arg25[%dma_wait3A_174, %dma_wait3A_177] : memref<2x112xi32, #tpu.memory_space<vmem>> -> memref<1x112xi32, #tpu.memory_space<vmem>>
      %dma_wait3A_179 = tpu.memref_squeeze %dma_wait3A_178 : memref<1x112xi32, #tpu.memory_space<vmem>> -> memref<112xi32, #tpu.memory_space<vmem>>
      %dma_wait3A_180 = arith.constant 0 : i32
      %dma_wait3A_181 = tpu.memref_slice %arg6[%dma_wait3A_180] : memref<1620000xf32, #tpu.memory_space<hbm>> -> memref<1620000xf32, #tpu.memory_space<hbm>>
      tpu.wait_indirect_dma semaphore(%arg26 : memref<!tpu.dma_semaphore, #tpu.memory_space<semaphore_mem>>) src(%dma_wait3A_181 : memref<1620000xf32, #tpu.memory_space<hbm>>) dst(%dma_wait3A_176 : memref<112xf32, #tpu.memory_space<vmem>>)
      %dma_wait3A_182 = arith.constant 1 : i32
      %dma_wait3A_183 = arith.constant 112 : i32
      %dma_wait3A_184 = tpu.memref_slice %arg17[%dma_wait3A_183] : memref<224xf32, #tpu.memory_space<vmem>> -> memref<112xf32, #tpu.memory_space<vmem>>
      %dma_wait3A_185 = arith.constant 0 : i32
      %dma_wait3A_186 = tpu.memref_slice %arg25[%dma_wait3A_182, %dma_wait3A_185] : memref<2x112xi32, #tpu.memory_space<vmem>> -> memref<1x112xi32, #tpu.memory_space<vmem>>
      %dma_wait3A_187 = tpu.memref_squeeze %dma_wait3A_186 : memref<1x112xi32, #tpu.memory_space<vmem>> -> memref<112xi32, #tpu.memory_space<vmem>>
      %dma_wait3A_188 = arith.constant 0 : i32
      %dma_wait3A_189 = tpu.memref_slice %arg3[%dma_wait3A_188] : memref<1620000xf32, #tpu.memory_space<hbm>> -> memref<1620000xf32, #tpu.memory_space<hbm>>
      tpu.wait_indirect_dma semaphore(%arg26 : memref<!tpu.dma_semaphore, #tpu.memory_space<semaphore_mem>>) src(%dma_wait3A_189 : memref<1620000xf32, #tpu.memory_space<hbm>>) dst(%dma_wait3A_184 : memref<112xf32, #tpu.memory_space<vmem>>)
      %dma_wait3A_190 = arith.constant 1 : i32
      %dma_wait3A_191 = arith.constant 112 : i32
      %dma_wait3A_192 = tpu.memref_slice %arg18[%dma_wait3A_191] : memref<224xf32, #tpu.memory_space<vmem>> -> memref<112xf32, #tpu.memory_space<vmem>>
      %dma_wait3A_193 = arith.constant 0 : i32
      %dma_wait3A_194 = tpu.memref_slice %arg25[%dma_wait3A_190, %dma_wait3A_193] : memref<2x112xi32, #tpu.memory_space<vmem>> -> memref<1x112xi32, #tpu.memory_space<vmem>>
      %dma_wait3A_195 = tpu.memref_squeeze %dma_wait3A_194 : memref<1x112xi32, #tpu.memory_space<vmem>> -> memref<112xi32, #tpu.memory_space<vmem>>
      %dma_wait3A_196 = arith.constant 0 : i32
      %dma_wait3A_197 = tpu.memref_slice %arg4[%dma_wait3A_196] : memref<1620000xf32, #tpu.memory_space<hbm>> -> memref<1620000xf32, #tpu.memory_space<hbm>>
      tpu.wait_indirect_dma semaphore(%arg26 : memref<!tpu.dma_semaphore, #tpu.memory_space<semaphore_mem>>) src(%dma_wait3A_197 : memref<1620000xf32, #tpu.memory_space<hbm>>) dst(%dma_wait3A_192 : memref<112xf32, #tpu.memory_space<vmem>>)
      %dma_wait3A_198 = arith.constant 1 : i32
      %dma_wait3A_199 = arith.constant 112 : i32
      %dma_wait3A_200 = tpu.memref_slice %arg19[%dma_wait3A_199] : memref<224xf32, #tpu.memory_space<vmem>> -> memref<112xf32, #tpu.memory_space<vmem>>
      %dma_wait3A_201 = arith.constant 0 : i32
      %dma_wait3A_202 = tpu.memref_slice %arg25[%dma_wait3A_198, %dma_wait3A_201] : memref<2x112xi32, #tpu.memory_space<vmem>> -> memref<1x112xi32, #tpu.memory_space<vmem>>
      %dma_wait3A_203 = tpu.memref_squeeze %dma_wait3A_202 : memref<1x112xi32, #tpu.memory_space<vmem>> -> memref<112xi32, #tpu.memory_space<vmem>>
      %dma_wait3A_204 = arith.constant 0 : i32
      %dma_wait3A_205 = tpu.memref_slice %arg5[%dma_wait3A_204] : memref<1620000xf32, #tpu.memory_space<hbm>> -> memref<1620000xf32, #tpu.memory_space<hbm>>
      tpu.wait_indirect_dma semaphore(%arg26 : memref<!tpu.dma_semaphore, #tpu.memory_space<semaphore_mem>>) src(%dma_wait3A_205 : memref<1620000xf32, #tpu.memory_space<hbm>>) dst(%dma_wait3A_200 : memref<112xf32, #tpu.memory_space<vmem>>)
      %dma_wait3A_206 = arith.constant 1 : i32
      %dma_wait3A_207 = arith.constant 112 : i32
      %dma_wait3A_208 = tpu.memref_slice %arg20[%dma_wait3A_207] : memref<224xf32, #tpu.memory_space<vmem>> -> memref<112xf32, #tpu.memory_space<vmem>>
      %dma_wait3A_209 = arith.constant 0 : i32
      %dma_wait3A_210 = tpu.memref_slice %arg25[%dma_wait3A_206, %dma_wait3A_209] : memref<2x112xi32, #tpu.memory_space<vmem>> -> memref<1x112xi32, #tpu.memory_space<vmem>>
      %dma_wait3A_211 = tpu.memref_squeeze %dma_wait3A_210 : memref<1x112xi32, #tpu.memory_space<vmem>> -> memref<112xi32, #tpu.memory_space<vmem>>
      %dma_wait3A_212 = arith.constant 0 : i32
      %dma_wait3A_213 = tpu.memref_slice %arg6[%dma_wait3A_212] : memref<1620000xf32, #tpu.memory_space<hbm>> -> memref<1620000xf32, #tpu.memory_space<hbm>>
      tpu.wait_indirect_dma semaphore(%arg26 : memref<!tpu.dma_semaphore, #tpu.memory_space<semaphore_mem>>) src(%dma_wait3A_213 : memref<1620000xf32, #tpu.memory_space<hbm>>) dst(%dma_wait3A_208 : memref<112xf32, #tpu.memory_space<vmem>>)
      %scan3A_214 = arith.constant 0 : i32
      %scan3A_215 = arith.constant 0 : i32
      %scan3A_216 = arith.constant 14 : i32
      %scan3A_217 = arith.addi %scan3A_215, %scan3A_216 : i32
      %scan3A_218 = arith.constant 1 : i32
      %scan3A_219 = scf.for %scan3A_240 = %scan3A_215 to %scan3A_217 step %scan3A_218 iter_args(%scan3A_241 = %scan3A_214) -> (i32)  : i32 {
        %mul3A_242 = arith.constant 16 : i32
        %mul3A_243 = arith.muli %scan3A_240, %mul3A_242 : i32
        %get3A = arith.index_cast %mul3A_243 : i32 to index
        %get3A_244 = tpu.vector_load %arg19[%get3A] {strides = array<i32>} : memref<224xf32, #tpu.memory_space<vmem>>, vector<16xf32>,
        %get3A_245 = arith.index_cast %mul3A_243 : i32 to index
        %get3A_246 = tpu.vector_load %arg17[%get3A_245] {strides = array<i32>} : memref<224xf32, #tpu.memory_space<vmem>>, vector<16xf32>,
        %sub3A = arith.subf %get3A_244, %get3A_246 : vector<16xf32>
        %add3A_247 = arith.constant 1.000000e+00 : f32
        %add3A_248 = vector.broadcast %add3A_247 : f32 to vector<16xf32>
        %add3A_249 = arith.addf %sub3A, %add3A_248 : vector<16xf32>
        %get3A_250 = arith.index_cast %mul3A_243 : i32 to index
        %get3A_251 = tpu.vector_load %arg20[%get3A_250] {strides = array<i32>} : memref<224xf32, #tpu.memory_space<vmem>>, vector<16xf32>,
        %get3A_252 = arith.index_cast %mul3A_243 : i32 to index
        %get3A_253 = tpu.vector_load %arg18[%get3A_252] {strides = array<i32>} : memref<224xf32, #tpu.memory_space<vmem>>, vector<16xf32>,
        %sub3A_254 = arith.subf %get3A_251, %get3A_253 : vector<16xf32>
        %add3A_255 = arith.constant 1.000000e+00 : f32
        %add3A_256 = vector.broadcast %add3A_255 : f32 to vector<16xf32>
        %add3A_257 = arith.addf %sub3A_254, %add3A_256 : vector<16xf32>
        %mul3A_258 = arith.mulf %add3A_249, %add3A_257 : vector<16xf32>
        %swap3A = arith.index_cast %mul3A_243 : i32 to index
        %swap3A_259 = tpu.vector_load %arg21[%swap3A] {strides = array<i32>} : memref<224xf32, #tpu.memory_space<vmem>>, vector<16xf32>,
        tpu.vector_store %arg21[%swap3A], %mul3A_258 {strides = array<i32>} : memref<224xf32, #tpu.memory_space<vmem>>, vector<16xf32>,
        %get3A_260 = arith.index_cast %mul3A_243 : i32 to index
        %get3A_261 = tpu.vector_load %arg16[%get3A_260] {strides = array<i32>} : memref<224xf32, #tpu.memory_space<vmem>>, vector<16xf32>,
        %gt3A_262 = arith.constant 5.000000e-02 : f32
        %gt3A_263 = vector.broadcast %gt3A_262 : f32 to vector<16xf32>
        %gt3A_264 = arith.cmpf ogt, %get3A_261, %gt3A_263 : vector<16xf32>
        %convert_element_type3A_265 = arith.extui %gt3A_264 : vector<16xi1> to vector<16xi32>
        %swap3A_266 = arith.index_cast %mul3A_243 : i32 to index
        %swap3A_267 = tpu.vector_load %arg22[%swap3A_266] {strides = array<i32>} : memref<224xi32, #tpu.memory_space<vmem>>, vector<16xi32>,
        tpu.vector_store %arg22[%swap3A_266], %convert_element_type3A_265 {strides = array<i32>} : memref<224xi32, #tpu.memory_space<vmem>>, vector<16xi32>,
        %scan3A_268 = arith.constant 0 : i32
        scf.yield %scan3A_268 : i32
      }
      %scan3A_220 = arith.constant 14 : i32
      %scan3A_221 = arith.constant 0 : i32
      %scan3A_222 = arith.constant 0 : i32
      %scan3A_223 = arith.constant 200 : i32
      %scan3A_224 = arith.addi %scan3A_222, %scan3A_223 : i32
      %scan3A_225 = arith.constant 1 : i32
      %scan3A_226 = scf.for %scan3A_240 = %scan3A_222 to %scan3A_224 step %scan3A_225 iter_args(%scan3A_241 = %scan3A_221) -> (i32)  : i32 {
        %get3A = arith.index_cast %scan3A_240 : i32 to index
        %get3A_242 = tpu.vector_load %arg22[%get3A] {strides = array<i32>} : memref<224xi32, #tpu.memory_space<vmem>>, vector<16xi32>,
        %slice3A = vector.extract_strided_slice %get3A_242 {offsets = [0], sizes = [1], strides = [1]} : vector<16xi32> to vector<1xi32>
        %squeeze3A = vector.extract %slice3A[0] : i32 from vector<1xi32>
        %ne3A = arith.constant 0 : i32
        %ne3A_243 = arith.cmpi ne, %squeeze3A, %ne3A : i32
        %convert_element_type3A_244 = arith.extui %ne3A_243 : i1 to i32
        %cond3A_245 = arith.constant 0 : i32
        %cond3A_246 = arith.cmpi ne, %convert_element_type3A_244, %cond3A_245 : i32
        scf.if %cond3A_246 {
          %get3A_248 = arith.index_cast %scan3A_240 : i32 to index
          %get3A_249 = tpu.vector_load %arg17[%get3A_248] {strides = array<i32>} : memref<224xf32, #tpu.memory_space<vmem>>, vector<16xf32>,
          %slice3A_250 = vector.extract_strided_slice %get3A_249 {offsets = [0], sizes = [1], strides = [1]} : vector<16xf32> to vector<1xf32>
          %squeeze3A_251 = vector.extract %slice3A_250[0] : f32 from vector<1xf32>
          %get3A_252 = arith.index_cast %scan3A_240 : i32 to index
          %get3A_253 = tpu.vector_load %arg18[%get3A_252] {strides = array<i32>} : memref<224xf32, #tpu.memory_space<vmem>>, vector<16xf32>,
          %slice3A_254 = vector.extract_strided_slice %get3A_253 {offsets = [0], sizes = [1], strides = [1]} : vector<16xf32> to vector<1xf32>
          %squeeze3A_255 = vector.extract %slice3A_254[0] : f32 from vector<1xf32>
          %get3A_256 = arith.index_cast %scan3A_240 : i32 to index
          %get3A_257 = tpu.vector_load %arg19[%get3A_256] {strides = array<i32>} : memref<224xf32, #tpu.memory_space<vmem>>, vector<16xf32>,
          %slice3A_258 = vector.extract_strided_slice %get3A_257 {offsets = [0], sizes = [1], strides = [1]} : vector<16xf32> to vector<1xf32>
          %squeeze3A_259 = vector.extract %slice3A_258[0] : f32 from vector<1xf32>
          %get3A_260 = arith.index_cast %scan3A_240 : i32 to index
          %get3A_261 = tpu.vector_load %arg20[%get3A_260] {strides = array<i32>} : memref<224xf32, #tpu.memory_space<vmem>>, vector<16xf32>,
          %slice3A_262 = vector.extract_strided_slice %get3A_261 {offsets = [0], sizes = [1], strides = [1]} : vector<16xf32> to vector<1xf32>
          %squeeze3A_263 = vector.extract %slice3A_262[0] : f32 from vector<1xf32>
          %get3A_264 = arith.index_cast %scan3A_240 : i32 to index
          %get3A_265 = tpu.vector_load %arg21[%get3A_264] {strides = array<i32>} : memref<224xf32, #tpu.memory_space<vmem>>, vector<16xf32>,
          %slice3A_266 = vector.extract_strided_slice %get3A_265 {offsets = [0], sizes = [1], strides = [1]} : vector<16xf32> to vector<1xf32>
          %squeeze3A_267 = vector.extract %slice3A_266[0] : f32 from vector<1xf32>
          %scan3A_268 = arith.constant 0 : i32
          %scan3A_269 = arith.constant 0 : i32
          %scan3A_270 = arith.constant 14 : i32
          %scan3A_271 = arith.addi %scan3A_269, %scan3A_270 : i32
          %scan3A_272 = arith.constant 1 : i32
          %scan3A_273 = scf.for %scan3A_275 = %scan3A_269 to %scan3A_271 step %scan3A_272 iter_args(%scan3A_276 = %scan3A_268) -> (i32)  : i32 {
            %mul3A_277 = arith.constant 16 : i32
            %mul3A_278 = arith.muli %scan3A_275, %mul3A_277 : i32
            %get3A_279 = arith.index_cast %mul3A_278 : i32 to index
            %get3A_280 = tpu.vector_load %arg17[%get3A_279] {strides = array<i32>} : memref<224xf32, #tpu.memory_space<vmem>>, vector<16xf32>,
            %max3A = vector.broadcast %squeeze3A_251 : f32 to vector<16xf32>
            %max3A_281 = arith.maximumf %max3A, %get3A_280 : vector<16xf32>
            %get3A_282 = arith.index_cast %mul3A_278 : i32 to index
            %get3A_283 = tpu.vector_load %arg18[%get3A_282] {strides = array<i32>} : memref<224xf32, #tpu.memory_space<vmem>>, vector<16xf32>,
            %max3A_284 = vector.broadcast %squeeze3A_255 : f32 to vector<16xf32>
            %max3A_285 = arith.maximumf %max3A_284, %get3A_283 : vector<16xf32>
            %get3A_286 = arith.index_cast %mul3A_278 : i32 to index
            %get3A_287 = tpu.vector_load %arg19[%get3A_286] {strides = array<i32>} : memref<224xf32, #tpu.memory_space<vmem>>, vector<16xf32>,
            %min3A_288 = vector.broadcast %squeeze3A_259 : f32 to vector<16xf32>
            %min3A_289 = arith.minimumf %min3A_288, %get3A_287 : vector<16xf32>
            %get3A_290 = arith.index_cast %mul3A_278 : i32 to index
            %get3A_291 = tpu.vector_load %arg20[%get3A_290] {strides = array<i32>} : memref<224xf32, #tpu.memory_space<vmem>>, vector<16xf32>,
            %min3A_292 = vector.broadcast %squeeze3A_263 : f32 to vector<16xf32>
            %min3A_293 = arith.minimumf %min3A_292, %get3A_291 : vector<16xf32>
            %sub3A = arith.subf %min3A_289, %max3A_281 : vector<16xf32>
            %add3A_294 = arith.constant 1.000000e+00 : f32
            %add3A_295 = vector.broadcast %add3A_294 : f32 to vector<16xf32>
            %add3A_296 = arith.addf %sub3A, %add3A_295 : vector<16xf32>
            %max3A_297 = arith.constant 0.000000e+00 : f32
            %max3A_298 = vector.broadcast %max3A_297 : f32 to vector<16xf32>
            %max3A_299 = arith.maximumf %add3A_296, %max3A_298 : vector<16xf32>
            %sub3A_300 = arith.subf %min3A_293, %max3A_285 : vector<16xf32>
            %add3A_301 = arith.constant 1.000000e+00 : f32
            %add3A_302 = vector.broadcast %add3A_301 : f32 to vector<16xf32>
            %add3A_303 = arith.addf %sub3A_300, %add3A_302 : vector<16xf32>
            %max3A_304 = arith.constant 0.000000e+00 : f32
            %max3A_305 = vector.broadcast %max3A_304 : f32 to vector<16xf32>
            %max3A_306 = arith.maximumf %add3A_303, %max3A_305 : vector<16xf32>
            %mul3A_307 = arith.mulf %max3A_299, %max3A_306 : vector<16xf32>
            %get3A_308 = arith.index_cast %mul3A_278 : i32 to index
            %get3A_309 = tpu.vector_load %arg21[%get3A_308] {strides = array<i32>} : memref<224xf32, #tpu.memory_space<vmem>>, vector<16xf32>,
            %add3A_310 = vector.broadcast %squeeze3A_267 : f32 to vector<16xf32>
            %add3A_311 = arith.addf %add3A_310, %get3A_309 : vector<16xf32>
            %sub3A_312 = arith.subf %add3A_311, %mul3A_307 : vector<16xf32>
            %div3A = arith.divf %mul3A_307, %sub3A_312 : vector<16xf32>
            %gt3A_313 = arith.constant 5.000000e-01 : f32
            %gt3A_314 = vector.broadcast %gt3A_313 : f32 to vector<16xf32>
            %gt3A_315 = arith.cmpf ogt, %div3A, %gt3A_314 : vector<16xf32>
            %mul3A_316 = arith.constant 16 : i32
            %mul3A_317 = arith.muli %scan3A_275, %mul3A_316 : i32
            %add3A_318 = vector.broadcast %mul3A_317 : i32 to vector<16xi32>
            %add3A_319 = arith.addi %add3A_318, %iota3A : vector<16xi32>
            %gt3A_320 = vector.broadcast %scan3A_240 : i32 to vector<16xi32>
            %gt3A_321 = arith.cmpi sgt, %add3A_319, %gt3A_320 : vector<16xi32>
            %and3A = arith.andi %gt3A_315, %gt3A_321 : vector<16xi1>
            %get3A_322 = arith.index_cast %mul3A_278 : i32 to index
            %get3A_323 = tpu.vector_load %arg22[%get3A_322] {strides = array<i32>} : memref<224xi32, #tpu.memory_space<vmem>>, vector<16xi32>,
            %jit3A_324 = arith.constant 0 : i32
            %broadcast_in_dim3A = vector.broadcast %jit3A_324 : i32 to vector<16xi32>
            %select_n3A_325 = arith.select %and3A, %broadcast_in_dim3A, %get3A_323 : vector<16xi1>, vector<16xi32>
            %swap3A = arith.index_cast %mul3A_278 : i32 to index
            %swap3A_326 = tpu.vector_load %arg22[%swap3A] {strides = array<i32>} : memref<224xi32, #tpu.memory_space<vmem>>, vector<16xi32>,
            tpu.vector_store %arg22[%swap3A], %select_n3A_325 {strides = array<i32>} : memref<224xi32, #tpu.memory_space<vmem>>, vector<16xi32>,
            %scan3A_327 = arith.constant 0 : i32
            scf.yield %scan3A_327 : i32
          }
          %scan3A_274 = arith.constant 14 : i32
        } else {
        }
        %scan3A_247 = arith.constant 0 : i32
        scf.yield %scan3A_247 : i32
      }
      %scan3A_227 = arith.constant 200 : i32
      %scan3A_228 = arith.constant 0 : i32
      %scan3A_229 = arith.constant 0 : i32
      %scan3A_230 = arith.constant 14 : i32
      %scan3A_231 = arith.addi %scan3A_229, %scan3A_230 : i32
      %scan3A_232 = arith.constant 1 : i32
      %scan3A_233 = scf.for %scan3A_240 = %scan3A_229 to %scan3A_231 step %scan3A_232 iter_args(%scan3A_241 = %scan3A_228) -> (i32)  : i32 {
        %mul3A_242 = arith.constant 16 : i32
        %mul3A_243 = arith.muli %scan3A_240, %mul3A_242 : i32
        %mul3A_244 = arith.constant 16 : i32
        %mul3A_245 = arith.muli %scan3A_240, %mul3A_244 : i32
        %add3A_246 = vector.broadcast %mul3A_245 : i32 to vector<16xi32>
        %add3A_247 = arith.addi %add3A_246, %iota3A : vector<16xi32>
        %get3A = arith.index_cast %mul3A_243 : i32 to index
        %get3A_248 = tpu.vector_load %arg22[%get3A] {strides = array<i32>} : memref<224xi32, #tpu.memory_space<vmem>>, vector<16xi32>,
        %ne3A = arith.constant 0 : i32
        %ne3A_249 = vector.broadcast %ne3A : i32 to vector<16xi32>
        %ne3A_250 = arith.cmpi ne, %get3A_248, %ne3A_249 : vector<16xi32>
        %get3A_251 = arith.index_cast %mul3A_243 : i32 to index
        %get3A_252 = tpu.vector_load %arg16[%get3A_251] {strides = array<i32>} : memref<224xf32, #tpu.memory_space<vmem>>, vector<16xf32>,
        %jit3A_253 = arith.constant -1.000000e+00 : f32
        %broadcast_in_dim3A = vector.broadcast %jit3A_253 : f32 to vector<16xf32>
        %select_n3A_254 = arith.select %ne3A_250, %get3A_252, %broadcast_in_dim3A : vector<16xi1>, vector<16xf32>
        %swap3A = arith.index_cast %mul3A_243 : i32 to index
        %swap3A_255 = tpu.vector_load %arg23[%swap3A] {strides = array<i32>} : memref<224xf32, #tpu.memory_space<vmem>>, vector<16xf32>,
        tpu.vector_store %arg23[%swap3A], %select_n3A_254 {strides = array<i32>} : memref<224xf32, #tpu.memory_space<vmem>>, vector<16xf32>,
        %broadcast_in_dim3A_256 = arith.constant 0 : i32
        %broadcast_in_dim3A_257 = vector.broadcast %broadcast_in_dim3A_256 : i32 to vector<16xi32>
        %get3A_258 = arith.index_cast %mul3A_243 : i32 to index
        %get3A_259 = tpu.vector_load %arg17[%get3A_258] {strides = array<i32>} : memref<224xf32, #tpu.memory_space<vmem>>, vector<16xf32>,
        tpu.vector_store_idx %arg24[%add3A_247, %broadcast_in_dim3A_257], %get3A_259 : memref<224x4xf32, #tpu.memory_space<vmem>>[vector<16xi32>, vector<16xi32>], vector<16xf32>,
        %broadcast_in_dim3A_260 = arith.constant 1 : i32
        %broadcast_in_dim3A_261 = vector.broadcast %broadcast_in_dim3A_260 : i32 to vector<16xi32>
        %get3A_262 = arith.index_cast %mul3A_243 : i32 to index
        %get3A_263 = tpu.vector_load %arg18[%get3A_262] {strides = array<i32>} : memref<224xf32, #tpu.memory_space<vmem>>, vector<16xf32>,
        tpu.vector_store_idx %arg24[%add3A_247, %broadcast_in_dim3A_261], %get3A_263 : memref<224x4xf32, #tpu.memory_space<vmem>>[vector<16xi32>, vector<16xi32>], vector<16xf32>,
        %broadcast_in_dim3A_264 = arith.constant 2 : i32
        %broadcast_in_dim3A_265 = vector.broadcast %broadcast_in_dim3A_264 : i32 to vector<16xi32>
        %get3A_266 = arith.index_cast %mul3A_243 : i32 to index
        %get3A_267 = tpu.vector_load %arg19[%get3A_266] {strides = array<i32>} : memref<224xf32, #tpu.memory_space<vmem>>, vector<16xf32>,
        tpu.vector_store_idx %arg24[%add3A_247, %broadcast_in_dim3A_265], %get3A_267 : memref<224x4xf32, #tpu.memory_space<vmem>>[vector<16xi32>, vector<16xi32>], vector<16xf32>,
        %broadcast_in_dim3A_268 = arith.constant 3 : i32
        %broadcast_in_dim3A_269 = vector.broadcast %broadcast_in_dim3A_268 : i32 to vector<16xi32>
        %get3A_270 = arith.index_cast %mul3A_243 : i32 to index
        %get3A_271 = tpu.vector_load %arg20[%get3A_270] {strides = array<i32>} : memref<224xf32, #tpu.memory_space<vmem>>, vector<16xf32>,
        tpu.vector_store_idx %arg24[%add3A_247, %broadcast_in_dim3A_269], %get3A_271 : memref<224x4xf32, #tpu.memory_space<vmem>>[vector<16xi32>, vector<16xi32>], vector<16xf32>,
        %scan3A_272 = arith.constant 0 : i32
        scf.yield %scan3A_272 : i32
      }
      %scan3A_234 = arith.constant 14 : i32
      %mul3A_235 = arith.constant 200 : i32
      %mul3A_236 = arith.muli %add3A_25, %mul3A_235 : i32
      "tpu.region"() ({
        %run_scoped3A = tpu.sem_alloc : memref<!tpu.dma_semaphore, #tpu.memory_space<semaphore_mem>>
        %dma_start3A_240 = arith.constant 0 : i32
        %dma_start3A_241 = tpu.memref_slice %arg23[%dma_start3A_240] : memref<224xf32, #tpu.memory_space<vmem>> -> memref<200xf32, #tpu.memory_space<vmem>>
        %dma_start3A_242 = tpu.memref_slice %arg7[%mul3A_236] : memref<16000xf32, #tpu.memory_space<hbm>> -> memref<200xf32, #tpu.memory_space<hbm>>
        %dma_start3A_243 = tpu.memref_slice %arg7[%mul3A_236] : memref<16000xf32, #tpu.memory_space<hbm>> -> memref<200xf32, #tpu.memory_space<hbm>>
        %dma_start3A_244 = arith.constant 0 : i32
        %dma_start3A_245 = tpu.memref_slice %arg23[%dma_start3A_244] : memref<224xf32, #tpu.memory_space<vmem>> -> memref<200xf32, #tpu.memory_space<vmem>>
        tpu.enqueue_dma source(%dma_start3A_245 : memref<200xf32, #tpu.memory_space<vmem>>) target(%dma_start3A_243 : memref<200xf32, #tpu.memory_space<hbm>>) target_semaphore(%run_scoped3A : memref<!tpu.dma_semaphore, #tpu.memory_space<semaphore_mem>>)
        %dma_wait3A_246 = arith.constant 0 : i32
        %dma_wait3A_247 = tpu.memref_slice %arg23[%dma_wait3A_246] : memref<224xf32, #tpu.memory_space<vmem>> -> memref<200xf32, #tpu.memory_space<vmem>>
        %dma_wait3A_248 = tpu.memref_slice %arg7[%mul3A_236] : memref<16000xf32, #tpu.memory_space<hbm>> -> memref<200xf32, #tpu.memory_space<hbm>>
        %dma_wait3A_249 = tpu.memref_slice %arg7[%mul3A_236] : memref<16000xf32, #tpu.memory_space<hbm>> -> memref<200xf32, #tpu.memory_space<hbm>>
        %dma_wait3A_250 = arith.constant 0 : i32
        %dma_wait3A_251 = tpu.memref_slice %arg23[%dma_wait3A_250] : memref<224xf32, #tpu.memory_space<vmem>> -> memref<200xf32, #tpu.memory_space<vmem>>
        tpu.wait_dma2 semaphore(%run_scoped3A : memref<!tpu.dma_semaphore, #tpu.memory_space<semaphore_mem>>) src(%dma_wait3A_251 : memref<200xf32, #tpu.memory_space<vmem>>) dst(%dma_wait3A_249 : memref<200xf32, #tpu.memory_space<hbm>>)
        tpu.yield
      }) : () -> ()
      %mul3A_237 = arith.constant 200 : i32
      %mul3A_238 = arith.muli %add3A_25, %mul3A_237 : i32
      "tpu.region"() ({
        %run_scoped3A = tpu.sem_alloc : memref<!tpu.dma_semaphore, #tpu.memory_space<semaphore_mem>>
        %dma_start3A_240 = arith.constant 0 : i32
        %dma_start3A_241 = arith.constant 0 : i32
        %dma_start3A_242 = tpu.memref_slice %arg24[%dma_start3A_240, %dma_start3A_241] : memref<224x4xf32, #tpu.memory_space<vmem>> -> memref<200x4xf32, #tpu.memory_space<vmem>>
        %dma_start3A_243 = arith.constant 0 : i32
        %dma_start3A_244 = tpu.memref_slice %arg8[%mul3A_238, %dma_start3A_243] : memref<16000x4xf32, #tpu.memory_space<hbm>> -> memref<200x4xf32, #tpu.memory_space<hbm>>
        %dma_start3A_245 = arith.constant 0 : i32
        %dma_start3A_246 = tpu.memref_slice %arg8[%mul3A_238, %dma_start3A_245] : memref<16000x4xf32, #tpu.memory_space<hbm>> -> memref<200x4xf32, #tpu.memory_space<hbm>>
        %dma_start3A_247 = arith.constant 0 : i32
        %dma_start3A_248 = arith.constant 0 : i32
        %dma_start3A_249 = tpu.memref_slice %arg24[%dma_start3A_247, %dma_start3A_248] : memref<224x4xf32, #tpu.memory_space<vmem>> -> memref<200x4xf32, #tpu.memory_space<vmem>>
        tpu.enqueue_dma source(%dma_start3A_249 : memref<200x4xf32, #tpu.memory_space<vmem>>) target(%dma_start3A_246 : memref<200x4xf32, #tpu.memory_space<hbm>>) target_semaphore(%run_scoped3A : memref<!tpu.dma_semaphore, #tpu.memory_space<semaphore_mem>>)
        %dma_wait3A_250 = arith.constant 0 : i32
        %dma_wait3A_251 = arith.constant 0 : i32
        %dma_wait3A_252 = tpu.memref_slice %arg24[%dma_wait3A_250, %dma_wait3A_251] : memref<224x4xf32, #tpu.memory_space<vmem>> -> memref<200x4xf32, #tpu.memory_space<vmem>>
        %dma_wait3A_253 = arith.constant 0 : i32
        %dma_wait3A_254 = tpu.memref_slice %arg8[%mul3A_238, %dma_wait3A_253] : memref<16000x4xf32, #tpu.memory_space<hbm>> -> memref<200x4xf32, #tpu.memory_space<hbm>>
        %dma_wait3A_255 = arith.constant 0 : i32
        %dma_wait3A_256 = tpu.memref_slice %arg8[%mul3A_238, %dma_wait3A_255] : memref<16000x4xf32, #tpu.memory_space<hbm>> -> memref<200x4xf32, #tpu.memory_space<hbm>>
        %dma_wait3A_257 = arith.constant 0 : i32
        %dma_wait3A_258 = arith.constant 0 : i32
        %dma_wait3A_259 = tpu.memref_slice %arg24[%dma_wait3A_257, %dma_wait3A_258] : memref<224x4xf32, #tpu.memory_space<vmem>> -> memref<200x4xf32, #tpu.memory_space<vmem>>
        tpu.wait_dma2 semaphore(%run_scoped3A : memref<!tpu.dma_semaphore, #tpu.memory_space<semaphore_mem>>) src(%dma_wait3A_259 : memref<200x4xf32, #tpu.memory_space<vmem>>) dst(%dma_wait3A_256 : memref<200x4xf32, #tpu.memory_space<hbm>>)
        tpu.yield
      }) : () -> ()
      %while3A_239 = arith.constant 0 : i32
      scf.yield %while3A_239 : i32
    }
    return
  }
}

module attributes {stable_mosaic.version = 14 : i64} {
  func.func @_prep_body(%arg0: i32, %arg1: memref<81x512xf32, #tpu.memory_space<vmem>>, %arg2: memref<81x512xf32, #tpu.memory_space<vmem>>, %arg3: memref<81x512xf32, #tpu.memory_space<vmem>>, %arg4: memref<81x512xf32, #tpu.memory_space<vmem>>, %arg5: memref<81x512xf32, #tpu.memory_space<vmem>>, %arg6: memref<4x512xf32, #tpu.memory_space<vmem>>, %arg7: memref<80x512xf32, #tpu.memory_space<vmem>>, %arg8: memref<81x512xf32, #tpu.memory_space<vmem>>, %arg9: memref<81x512xf32, #tpu.memory_space<vmem>>, %arg10: memref<81x512xf32, #tpu.memory_space<vmem>>, %arg11: memref<81x512xf32, #tpu.memory_space<vmem>>) attributes {dimension_semantics = [#tpu.dimension_semantics<arbitrary>], iteration_bounds = array<i64: 40>, scalar_prefetch = 0 : i64, scratch_operands = 0 : i64, tpu.core_type = #tpu.core_type<tc>, window_params = [{transform_indices = @transform_0, window_bounds = array<i64: 81, 512>}, {transform_indices = @transform_1, window_bounds = array<i64: 81, 512>}, {transform_indices = @transform_2, window_bounds = array<i64: 81, 512>}, {transform_indices = @transform_3, window_bounds = array<i64: 81, 512>}, {transform_indices = @transform_4, window_bounds = array<i64: 81, 512>}, {transform_indices = @transform_5, window_bounds = array<i64: 4, 512>}, {transform_indices = @transform_6, window_bounds = array<i64: 80, 512>}, {transform_indices = @transform_7, window_bounds = array<i64: 81, 512>}, {transform_indices = @transform_8, window_bounds = array<i64: 81, 512>}, {transform_indices = @transform_9, window_bounds = array<i64: 81, 512>}, {transform_indices = @transform_10, window_bounds = array<i64: 81, 512>}]} {
    %get3A = arith.constant 0 : index
    %get3A_0 = arith.constant 0 : index
    %get3A_1 = vector.load %arg1[%get3A, %get3A_0] : memref<81x512xf32, #tpu.memory_space<vmem>>, vector<81x512xf32>
    %reduce_max3A = arith.constant dense<0xFF800000> : vector<512xf32>
    %reduce_max3A_2 = vector.multi_reduction <maximumf>, %get3A_1, %reduce_max3A [0] : vector<81x512xf32> to vector<512xf32>
    %broadcast_in_dim3A = vector.shape_cast %reduce_max3A_2 : vector<512xf32> to vector<1x512xf32>
    %sub3A = vector.broadcast %broadcast_in_dim3A : vector<1x512xf32> to vector<81x512xf32>
    %sub3A_3 = arith.subf %get3A_1, %sub3A : vector<81x512xf32>
    %exp3A = math.exp %sub3A_3 : vector<81x512xf32>
    %reduce_sum3A = arith.constant dense<0.000000e+00> : vector<512xf32>
    %reduce_sum3A_4 = vector.multi_reduction <add>, %exp3A, %reduce_sum3A [0] : vector<81x512xf32> to vector<512xf32>
    %broadcast_in_dim3A_5 = vector.shape_cast %reduce_sum3A_4 : vector<512xf32> to vector<1x512xf32>
    %div3A = vector.broadcast %broadcast_in_dim3A_5 : vector<1x512xf32> to vector<81x512xf32>
    %div3A_6 = arith.divf %exp3A, %div3A : vector<81x512xf32>
    %slice3A = vector.extract_strided_slice %div3A_6 {offsets = [1, 0], sizes = [80, 512], strides = [1, 1]} : vector<81x512xf32> to vector<80x512xf32>
    %swap3A = arith.constant 0 : index
    %swap3A_7 = arith.constant 0 : index
    %swap3A_8 = vector.load %arg7[%swap3A, %swap3A_7] : memref<80x512xf32, #tpu.memory_space<vmem>>, vector<80x512xf32>
    tpu.vector_store %arg7[%swap3A, %swap3A_7], %slice3A {strides = array<i32>} : memref<80x512xf32, #tpu.memory_space<vmem>>, vector<80x512xf32>,
    %get3A_9 = arith.constant 0 : index
    %get3A_10 = arith.constant 0 : index
    %get3A_11 = vector.load %arg6[%get3A_9, %get3A_10] : memref<4x512xf32, #tpu.memory_space<vmem>>, vector<1x512xf32>
    %get3A_12 = arith.constant 1 : index
    %get3A_13 = arith.constant 0 : index
    %get3A_14 = vector.load %arg6[%get3A_12, %get3A_13] : memref<4x512xf32, #tpu.memory_space<vmem>>, vector<1x512xf32>
    %get3A_15 = arith.constant 2 : index
    %get3A_16 = arith.constant 0 : index
    %get3A_17 = vector.load %arg6[%get3A_15, %get3A_16] : memref<4x512xf32, #tpu.memory_space<vmem>>, vector<1x512xf32>
    %get3A_18 = arith.constant 3 : index
    %get3A_19 = arith.constant 0 : index
    %get3A_20 = vector.load %arg6[%get3A_18, %get3A_19] : memref<4x512xf32, #tpu.memory_space<vmem>>, vector<1x512xf32>
    %sub3A_21 = arith.subf %get3A_17, %get3A_11 : vector<1x512xf32>
    %add3A = arith.constant 1.000000e+00 : f32
    %add3A_22 = vector.broadcast %add3A : f32 to vector<1x512xf32>
    %add3A_23 = arith.addf %sub3A_21, %add3A_22 : vector<1x512xf32>
    %sub3A_24 = arith.subf %get3A_20, %get3A_14 : vector<1x512xf32>
    %add3A_25 = arith.constant 1.000000e+00 : f32
    %add3A_26 = vector.broadcast %add3A_25 : f32 to vector<1x512xf32>
    %add3A_27 = arith.addf %sub3A_24, %add3A_26 : vector<1x512xf32>
    %mul3A = arith.constant 5.000000e-01 : f32
    %mul3A_28 = vector.broadcast %mul3A : f32 to vector<1x512xf32>
    %mul3A_29 = arith.mulf %mul3A_28, %add3A_23 : vector<1x512xf32>
    %add3A_30 = arith.addf %get3A_11, %mul3A_29 : vector<1x512xf32>
    %mul3A_31 = arith.constant 5.000000e-01 : f32
    %mul3A_32 = vector.broadcast %mul3A_31 : f32 to vector<1x512xf32>
    %mul3A_33 = arith.mulf %mul3A_32, %add3A_27 : vector<1x512xf32>
    %add3A_34 = arith.addf %get3A_14, %mul3A_33 : vector<1x512xf32>
    %get3A_35 = arith.constant 0 : index
    %get3A_36 = arith.constant 0 : index
    %get3A_37 = vector.load %arg2[%get3A_35, %get3A_36] : memref<81x512xf32, #tpu.memory_space<vmem>>, vector<81x512xf32>
    %div3A_38 = arith.constant 1.000000e+01 : f32
    %div3A_39 = vector.broadcast %div3A_38 : f32 to vector<81x512xf32>
    %div3A_40 = arith.divf %get3A_37, %div3A_39 : vector<81x512xf32>
    %get3A_41 = arith.constant 0 : index
    %get3A_42 = arith.constant 0 : index
    %get3A_43 = vector.load %arg3[%get3A_41, %get3A_42] : memref<81x512xf32, #tpu.memory_space<vmem>>, vector<81x512xf32>
    %div3A_44 = arith.constant 1.000000e+01 : f32
    %div3A_45 = vector.broadcast %div3A_44 : f32 to vector<81x512xf32>
    %div3A_46 = arith.divf %get3A_43, %div3A_45 : vector<81x512xf32>
    %get3A_47 = arith.constant 0 : index
    %get3A_48 = arith.constant 0 : index
    %get3A_49 = vector.load %arg4[%get3A_47, %get3A_48] : memref<81x512xf32, #tpu.memory_space<vmem>>, vector<81x512xf32>
    %div3A_50 = arith.constant 5.000000e+00 : f32
    %div3A_51 = vector.broadcast %div3A_50 : f32 to vector<81x512xf32>
    %div3A_52 = arith.divf %get3A_49, %div3A_51 : vector<81x512xf32>
    %min3A = arith.constant 4.13516665 : f32
    %min3A_53 = vector.broadcast %min3A : f32 to vector<81x512xf32>
    %min3A_54 = arith.minimumf %div3A_52, %min3A_53 : vector<81x512xf32>
    %get3A_55 = arith.constant 0 : index
    %get3A_56 = arith.constant 0 : index
    %get3A_57 = vector.load %arg5[%get3A_55, %get3A_56] : memref<81x512xf32, #tpu.memory_space<vmem>>, vector<81x512xf32>
    %div3A_58 = arith.constant 5.000000e+00 : f32
    %div3A_59 = vector.broadcast %div3A_58 : f32 to vector<81x512xf32>
    %div3A_60 = arith.divf %get3A_57, %div3A_59 : vector<81x512xf32>
    %min3A_61 = arith.constant 4.13516665 : f32
    %min3A_62 = vector.broadcast %min3A_61 : f32 to vector<81x512xf32>
    %min3A_63 = arith.minimumf %div3A_60, %min3A_62 : vector<81x512xf32>
    %mul3A_64 = vector.broadcast %add3A_23 : vector<1x512xf32> to vector<81x512xf32>
    %mul3A_65 = arith.mulf %div3A_40, %mul3A_64 : vector<81x512xf32>
    %add3A_66 = vector.broadcast %add3A_30 : vector<1x512xf32> to vector<81x512xf32>
    %add3A_67 = arith.addf %mul3A_65, %add3A_66 : vector<81x512xf32>
    %mul3A_68 = vector.broadcast %add3A_27 : vector<1x512xf32> to vector<81x512xf32>
    %mul3A_69 = arith.mulf %div3A_46, %mul3A_68 : vector<81x512xf32>
    %add3A_70 = vector.broadcast %add3A_34 : vector<1x512xf32> to vector<81x512xf32>
    %add3A_71 = arith.addf %mul3A_69, %add3A_70 : vector<81x512xf32>
    %exp3A_72 = math.exp %min3A_54 : vector<81x512xf32>
    %mul3A_73 = vector.broadcast %add3A_23 : vector<1x512xf32> to vector<81x512xf32>
    %mul3A_74 = arith.mulf %exp3A_72, %mul3A_73 : vector<81x512xf32>
    %exp3A_75 = math.exp %min3A_63 : vector<81x512xf32>
    %mul3A_76 = vector.broadcast %add3A_27 : vector<1x512xf32> to vector<81x512xf32>
    %mul3A_77 = arith.mulf %exp3A_75, %mul3A_76 : vector<81x512xf32>
    %mul3A_78 = arith.constant 5.000000e-01 : f32
    %mul3A_79 = vector.broadcast %mul3A_78 : f32 to vector<81x512xf32>
    %mul3A_80 = arith.mulf %mul3A_79, %mul3A_74 : vector<81x512xf32>
    %sub3A_81 = arith.subf %add3A_67, %mul3A_80 : vector<81x512xf32>
    %jit3A = arith.constant 0.000000e+00 : f32
    %jit3A_82 = arith.constant 1.332000e+03 : f32
    %max3A = vector.broadcast %jit3A : f32 to vector<81x512xf32>
    %max3A_83 = arith.maximumf %max3A, %sub3A_81 : vector<81x512xf32>
    %min3A_84 = vector.broadcast %jit3A_82 : f32 to vector<81x512xf32>
    %min3A_85 = arith.minimumf %min3A_84, %max3A_83 : vector<81x512xf32>
    %swap3A_86 = arith.constant 0 : index
    %swap3A_87 = arith.constant 0 : index
    %swap3A_88 = vector.load %arg8[%swap3A_86, %swap3A_87] : memref<81x512xf32, #tpu.memory_space<vmem>>, vector<81x512xf32>
    tpu.vector_store %arg8[%swap3A_86, %swap3A_87], %min3A_85 {strides = array<i32>} : memref<81x512xf32, #tpu.memory_space<vmem>>, vector<81x512xf32>,
    %mul3A_89 = arith.constant 5.000000e-01 : f32
    %mul3A_90 = vector.broadcast %mul3A_89 : f32 to vector<81x512xf32>
    %mul3A_91 = arith.mulf %mul3A_90, %mul3A_77 : vector<81x512xf32>
    %sub3A_92 = arith.subf %add3A_71, %mul3A_91 : vector<81x512xf32>
    %jit3A_93 = arith.constant 0.000000e+00 : f32
    %jit3A_94 = arith.constant 7.990000e+02 : f32
    %max3A_95 = vector.broadcast %jit3A_93 : f32 to vector<81x512xf32>
    %max3A_96 = arith.maximumf %max3A_95, %sub3A_92 : vector<81x512xf32>
    %min3A_97 = vector.broadcast %jit3A_94 : f32 to vector<81x512xf32>
    %min3A_98 = arith.minimumf %min3A_97, %max3A_96 : vector<81x512xf32>
    %swap3A_99 = arith.constant 0 : index
    %swap3A_100 = arith.constant 0 : index
    %swap3A_101 = vector.load %arg9[%swap3A_99, %swap3A_100] : memref<81x512xf32, #tpu.memory_space<vmem>>, vector<81x512xf32>
    tpu.vector_store %arg9[%swap3A_99, %swap3A_100], %min3A_98 {strides = array<i32>} : memref<81x512xf32, #tpu.memory_space<vmem>>, vector<81x512xf32>,
    %mul3A_102 = arith.constant 5.000000e-01 : f32
    %mul3A_103 = vector.broadcast %mul3A_102 : f32 to vector<81x512xf32>
    %mul3A_104 = arith.mulf %mul3A_103, %mul3A_74 : vector<81x512xf32>
    %add3A_105 = arith.addf %add3A_67, %mul3A_104 : vector<81x512xf32>
    %sub3A_106 = arith.constant 1.000000e+00 : f32
    %sub3A_107 = vector.broadcast %sub3A_106 : f32 to vector<81x512xf32>
    %sub3A_108 = arith.subf %add3A_105, %sub3A_107 : vector<81x512xf32>
    %jit3A_109 = arith.constant 0.000000e+00 : f32
    %jit3A_110 = arith.constant 1.332000e+03 : f32
    %max3A_111 = vector.broadcast %jit3A_109 : f32 to vector<81x512xf32>
    %max3A_112 = arith.maximumf %max3A_111, %sub3A_108 : vector<81x512xf32>
    %min3A_113 = vector.broadcast %jit3A_110 : f32 to vector<81x512xf32>
    %min3A_114 = arith.minimumf %min3A_113, %max3A_112 : vector<81x512xf32>
    %swap3A_115 = arith.constant 0 : index
    %swap3A_116 = arith.constant 0 : index
    %swap3A_117 = vector.load %arg10[%swap3A_115, %swap3A_116] : memref<81x512xf32, #tpu.memory_space<vmem>>, vector<81x512xf32>
    tpu.vector_store %arg10[%swap3A_115, %swap3A_116], %min3A_114 {strides = array<i32>} : memref<81x512xf32, #tpu.memory_space<vmem>>, vector<81x512xf32>,
    %mul3A_118 = arith.constant 5.000000e-01 : f32
    %mul3A_119 = vector.broadcast %mul3A_118 : f32 to vector<81x512xf32>
    %mul3A_120 = arith.mulf %mul3A_119, %mul3A_77 : vector<81x512xf32>
    %add3A_121 = arith.addf %add3A_71, %mul3A_120 : vector<81x512xf32>
    %sub3A_122 = arith.constant 1.000000e+00 : f32
    %sub3A_123 = vector.broadcast %sub3A_122 : f32 to vector<81x512xf32>
    %sub3A_124 = arith.subf %add3A_121, %sub3A_123 : vector<81x512xf32>
    %jit3A_125 = arith.constant 0.000000e+00 : f32
    %jit3A_126 = arith.constant 7.990000e+02 : f32
    %max3A_127 = vector.broadcast %jit3A_125 : f32 to vector<81x512xf32>
    %max3A_128 = arith.maximumf %max3A_127, %sub3A_124 : vector<81x512xf32>
    %min3A_129 = vector.broadcast %jit3A_126 : f32 to vector<81x512xf32>
    %min3A_130 = arith.minimumf %min3A_129, %max3A_128 : vector<81x512xf32>
    %swap3A_131 = arith.constant 0 : index
    %swap3A_132 = arith.constant 0 : index
    %swap3A_133 = vector.load %arg11[%swap3A_131, %swap3A_132] : memref<81x512xf32, #tpu.memory_space<vmem>>, vector<81x512xf32>
    tpu.vector_store %arg11[%swap3A_131, %swap3A_132], %min3A_130 {strides = array<i32>} : memref<81x512xf32, #tpu.memory_space<vmem>>, vector<81x512xf32>,
    return
  }
  func.func @transform_0(%arg0: i32) -> (i32, i32) {
    %c0_i32 = arith.constant 0 : i32
    %c0_i32_0 = arith.constant 0 : i32
    return %c0_i32, %arg0 : i32, i32
  }
  func.func @transform_1(%arg0: i32) -> (i32, i32) {
    %c0_i32 = arith.constant 0 : i32
    %c0_i32_0 = arith.constant 0 : i32
    return %c0_i32, %arg0 : i32, i32
  }
  func.func @transform_2(%arg0: i32) -> (i32, i32) {
    %c0_i32 = arith.constant 0 : i32
    %c0_i32_0 = arith.constant 0 : i32
    return %c0_i32, %arg0 : i32, i32
  }
  func.func @transform_3(%arg0: i32) -> (i32, i32) {
    %c0_i32 = arith.constant 0 : i32
    %c0_i32_0 = arith.constant 0 : i32
    return %c0_i32, %arg0 : i32, i32
  }
  func.func @transform_4(%arg0: i32) -> (i32, i32) {
    %c0_i32 = arith.constant 0 : i32
    %c0_i32_0 = arith.constant 0 : i32
    return %c0_i32, %arg0 : i32, i32
  }
  func.func @transform_5(%arg0: i32) -> (i32, i32) {
    %c0_i32 = arith.constant 0 : i32
    %c0_i32_0 = arith.constant 0 : i32
    return %c0_i32, %arg0 : i32, i32
  }
  func.func @transform_6(%arg0: i32) -> (i32, i32) {
    %c0_i32 = arith.constant 0 : i32
    %c0_i32_0 = arith.constant 0 : i32
    return %c0_i32, %arg0 : i32, i32
  }
  func.func @transform_7(%arg0: i32) -> (i32, i32) {
    %c0_i32 = arith.constant 0 : i32
    %c0_i32_0 = arith.constant 0 : i32
    return %c0_i32, %arg0 : i32, i32
  }
  func.func @transform_8(%arg0: i32) -> (i32, i32) {
    %c0_i32 = arith.constant 0 : i32
    %c0_i32_0 = arith.constant 0 : i32
    return %c0_i32, %arg0 : i32, i32
  }
  func.func @transform_9(%arg0: i32) -> (i32, i32) {
    %c0_i32 = arith.constant 0 : i32
    %c0_i32_0 = arith.constant 0 : i32
    return %c0_i32, %arg0 : i32, i32
  }
  func.func @transform_10(%arg0: i32) -> (i32, i32) {
    %c0_i32 = arith.constant 0 : i32
    %c0_i32_0 = arith.constant 0 : i32
    return %c0_i32, %arg0 : i32, i32
  }
}

</mosaic_0001>

<sc_bundles>
// kernel: kernel.5.cloned.1.call-start
scs
__scs_entry_jumppad:
0x0: {  	(pc) =	sbr.rel $0x88, $3  }
0x1: {  	(tag) =	ssettag $0x0;
	lr =	simm.s32 $0x1  }
0x2: {  	[smem:$0x3F9E] =	sst lr;
	_ =	strace $0xD0000000  }
0x3: {  	_ = 	snop  }
0x4: {  	_ = 	snop  }
0x5: {  	_ = 	snop  }
0x6: {  	_ = 	snop  }
0x7: {  	_ = 	snop  }
__scs_overlays_trampoline_lowered:
0x8: {  	[smem:$0x3FAD] =	sst s0  }
0x9: {  	[smem:$0x3FAE] =	sst s1  }
0xa: {  	[smem:$0x3FAF] =	sst s2  }
0xb: {  	[smem:$0x3FB0] =	sst s3  }
0xc: {  	[smem:$0x3FB1] =	sst s4  }
0xd: {  	[smem:$0x3FB2] =	sst s5  }
0xe: {  	[smem:$0x3FB3] =	sst s6  }
0xf: {  	[smem:$0x3FB4] =	sst s7  }
0x10: {  	[smem:$0x3FB5] =	sst s8  }
0x11: {  	[smem:$0x3FB6] =	sst s9;
	s0 =	simm.s32 @!p0 $0x0  }
0x12: {  	s1 =	sld [smem:$0x3F9C];
	s0 =	simm.s32 @p0 $0x1  }
0x13: {  	[smem:$0x3FB7] =	sst s0;
	s0 =	simm.s32 @!p1 $0x0  }
0x14: {  	s2 =	sld [smem:$0x3F9B];
	s0 =	simm.s32 @p1 $0x1  }
0x15: {  	[smem:$0x3FB8] =	sst s0;
	s0 =	simm.s32 @!p2 $0x0  }
0x16: {  	s3 =	sld [smem:$0x3FDB];
	s0 =	simm.s32 @p2 $0x1  }
0x17: {  	s4 =	simm.s32 $0x1BF5;
	[smem:$0x3FBA] =	sst s0  }
0x18: {  	s0 =	sld [smem:$0x3F9D];
	_ =	swait.ge [sflag:s4], $0x0  }
0x19: {  	s7 =	sld [smem:$0x3F9E]  }
0x1a: {  	s8 =	sadd.s32 $0xFFFFE003, lr  }
0x1b: {  	s9 =	sadd.s32 $0xFFFFFEF7, lr;
	s5 =	simm.s32 $0xFFFFFFFF;
	p2 =	slt.u32 s8, $0xFFFFF086  }
0x1c: {  	p1 =	slt.u32 s9, $0xF7A;
	s5 =	simm.s32 @!p2 $0x0  }
0x1d: {  	s5 =	simm.s32 @p1 $0x1;
	p0 =	seq.s32 s7, s2  }
0x1e: {  	s7 =	smul.u32 @!p0 $0xF7A, s2;
	p2 =	seq.s32 @!p0 s5, $0x0  }
0x1f: {  	s9 =	smul.u32 $0xF7A, s1;
	s8 =	simm.s32 @!p0 $0x1BF5;
	p2 =	por !p2, p0  }
0x20: {  	[sflag:s8] =	ssyncset.s32 @!p0 $0xFFFFF086;
	s6 =	sadd.s32 @!p0 s3, s7;
	s7 =	simm.s32 @!p0 $0x108  }
0x21: {  	s3 =	sadd.s32 s3, s9;
	s6 =	sadd.s32 @!p0 $0x88, s6;
	s7 =	simm.s32 @p2 $0x1082  }
0x22: {  	[simem:s7], [sflag:s8] =	dma.local @!p0 [hbm:s6], $0xF7A  }
0x23: {  	s9 =	sor.u32 $0xD0000000, s2;
	s6 =	simm.s32 $0x108;
	_ =	swait.ge @!p0 [sflag:s8], $0x0  }
0x24: {  	s3 =	sadd.s32 $0x88, s3;
	s6 =	simm.s32 @!p1 $0x1082;
	[sflag:s4] =	ssyncset.s32 $0xFFFFF086  }
0x25: {  	[simem:s6], [sflag:s4] =	dma.local [hbm:s3], $0xF7A  }
0x26: {  	[smem:$0x3F9E] =	sst s1;
	(tag) =	ssettag s2;
	_ =	strace s9  }
0x27: {  	s1 =	sld [smem:$0x3FAE]  }
0x28: {  	s2 =	sld [smem:$0x3FAF]  }
0x29: {  	s4 =	sld [smem:$0x3FB1]  }
0x2a: {  	p0 =	seq.s32 s5, $0x0;
	s5 =	sld [smem:$0x3FB2]  }
0x2b: {  	s6 =	sld [smem:$0x3FB3]  }
0x2c: {  	s7 =	sld [smem:$0x3FB4]  }
0x2d: {  	s3 =	simm.s32 $0x108;
	s8 =	sld [smem:$0x3FB5]  }
0x2e: {  	s3 =	simm.s32 @!p0 $0x1082;
	s9 =	sld [smem:$0x3FB6]  }
0x2f: {  	lr =	sadd.s32 s0, s3;
	s0 =	sld [smem:$0x3FAD]  }
0x30: {  	s3 =	sld [smem:$0x3FB0]  }
0x31: {  	[smem:$0x3FB9] =	sst s10  }
0x32: {  	s10 =	sld [smem:$0x3FB7];
	_ =	sdelay $0x3  }
0x33: {  	p0 =	seq.s32 s10, $0x1;
	s10 =	sld [smem:$0x3FB9];
	_ =	sdelay $0x3  }
0x34: {  	[smem:$0x3FB9] =	sst s10  }
0x35: {  	s10 =	sld [smem:$0x3FB8];
	_ =	sdelay $0x3  }
0x36: {  	p1 =	seq.s32 s10, $0x1;
	s10 =	sld [smem:$0x3FB9];
	_ =	sdelay $0x3  }
0x37: {  	[smem:$0x3FB9] =	sst s10  }
0x38: {  	s10 =	sld [smem:$0x3FBA]  }
0x39: {  	_ = 	snop;
	(pc) =	sbr.ind lr, $3  }
0x3a: {  	_ = 	snop  }
0x3b: {  	_ = 	snop  }
0x3c: {  	p2 =	seq.s32 s10, $0x1;
	s10 =	sld [smem:$0x3FB9]  }
0x3d: {  	_ =	shalt  }
0x3e: {  	_ =	shalt  }
0x3f: {  	_ =	shalt  }
0x40: {  	_ =	shalt  }
0x41: {  	_ =	shalt  }
0x42: {  	_ =	shalt  }
0x43: {  	_ =	shalt  }
0x44: {  	_ =	shalt  }
0x45: {  	_ =	shalt  }
0x46: {  	_ =	shalt  }
0x47: {  	_ =	shalt  }
0x48: {  	_ =	shalt  }
0x49: {  	_ =	shalt  }
0x4a: {  	_ =	shalt  }
0x4b: {  	_ =	shalt  }
0x4c: {  	_ =	shalt  }
0x4d: {  	_ =	shalt  }
0x4e: {  	_ =	shalt  }
0x4f: {  	_ =	shalt  }
0x50: {  	_ =	shalt  }
0x51: {  	_ =	shalt  }
0x52: {  	_ =	shalt  }
0x53: {  	_ =	shalt  }
0x54: {  	_ =	shalt  }
0x55: {  	_ =	shalt  }
0x56: {  	_ =	shalt  }
0x57: {  	_ =	shalt  }
0x58: {  	_ =	shalt  }
0x59: {  	_ =	shalt  }
0x5a: {  	_ =	shalt  }
0x5b: {  	_ =	shalt  }
0x5c: {  	_ =	shalt  }
0x5d: {  	_ =	shalt  }
0x5e: {  	_ =	shalt  }
0x5f: {  	_ =	shalt  }
0x60: {  	_ =	shalt  }
0x61: {  	_ =	shalt  }
0x62: {  	_ =	shalt  }
0x63: {  	_ =	shalt  }
0x64: {  	_ =	shalt  }
0x65: {  	_ =	shalt  }
0x66: {  	_ =	shalt  }
0x67: {  	_ =	shalt  }
0x68: {  	_ =	shalt  }
0x69: {  	_ =	shalt  }
0x6a: {  	_ =	shalt  }
0x6b: {  	_ =	shalt  }
0x6c: {  	_ =	shalt  }
0x6d: {  	_ =	shalt  }
0x6e: {  	_ =	shalt  }
0x6f: {  	_ =	shalt  }
0x70: {  	_ =	shalt  }
0x71: {  	_ =	shalt  }
0x72: {  	_ =	shalt  }
0x73: {  	_ =	shalt  }
0x74: {  	_ =	shalt  }
0x75: {  	_ =	shalt  }
0x76: {  	_ =	shalt  }
0x77: {  	_ =	shalt  }
0x78: {  	_ =	shalt  }
0x79: {  	_ =	shalt  }
0x7a: {  	_ =	shalt  }
0x7b: {  	_ =	shalt  }
0x7c: {  	_ =	shalt  }
0x7d: {  	_ =	shalt  }
0x7e: {  	_ =	shalt  }
0x7f: {  	_ =	shalt  }
0x80: {  	_ =	shalt  }
0x81: {  	_ =	shalt  }
0x82: {  	_ =	shalt  }
0x83: {  	_ =	shalt  }
0x84: {  	_ =	shalt  }
0x85: {  	_ =	shalt  }
0x86: {  	_ =	shalt  }
0x87: {  	_ =	shalt  }
.Lfunc_end0:
.L_simem_size_0:
called_computation_lowered:
.L_overlay_start_0:
0x88: {  	s2 =	sld [smem:$0x3FD9]  }
0x89: {  	s3 =	sld [smem:$0x3FFE];
	_ =	sdelay $0x1  }
0x8a: {  	s1 =	srdreg.scid  }
0x8b: {  	s0 =	sand.u32 $0x1, s1  }
0x8c: {  	s16 =	sshll.u32 s0, $0xA;
	s2 =	sadd.s32 s3, s2  }
0x8d: {  	s2 =	sadd.s32 s2, s16  }
0x8e: {  	[smem:$0x3FC5] =	sst s2  }
0x8f: {  	_ = 	snop  }
0x90: {  	(tm) =	ssettm $0x1  }
0x91: {  	s17 =	sld [smem:$0x3FFB];
	_ =	sdelay $0x3  }
0x92: {  	_ =	strace s17  }
0x93: {  	s2 =	sld [smem:$0x3FFC];
	_ =	sdelay $0x3  }
0x94: {  	_ =	strace s2  }
0x95: {  	s2 =	sld [smem:$0x3FFD];
	_ =	sdelay $0x3  }
0x96: {  	_ =	strace s2  }
0x97: {  	_ =	strace $0x8FFFFFFF  }
0x98: {  	s18 =	sld [smem:$0x3FDB];
	_ =	sdelay $0x1  }
0x99: {  	s19 =	simm.s32 $_scs_section_size  }
0x9a: {  	s4 =	simm.s32 $_size__tile_overlayer_lowered;
	s5 =	simm.s32 $_tile_overlayer_lowered  }
0x9b: {  	s22 =	simm.s32 $0x1BFF;
	s21 =	sshll.u32 s5, $0x1;
	s2 =	sadd.s32 s19, s18  }
0x9c: {  	s6 =	simm.s32 $0x0;
	s20 =	sshll.u32 s4, $0x1;
	s4 =	sadd.s32 s21, s2  }
0x9d: {  	[timem:s6], [sflag:s22] =	dma.local [hbm:s4], s20  }
0x9e: {  	_ =	swait.ge [sflag:s22], s20  }
0x9f: {  	s3 =	ssub.s32 $0x0, s20;
	[sflag:s22] =	ssyncset.done $0x0  }
0xa0: {  	[sflag:s22] =	ssyncadd.s32 s3;
	_ =	sdelay $0x1  }
0xa1: {  	s23 =	simm.s32 $0x1B8B  }
0xa2: {  	_ =	swait.ge [sflag:s23], $0x1  }
0xa3: {  	[sflag:s23] =	ssyncset.done $0x0  }
0xa4: {  	s25 =	simm.s32 $0x1B8E;
	s24 =	sld [smem:$0x3FFE];
	[sflag:s23] =	ssyncadd.s32 $0xFFFFFFFF  }
0xa5: {  	s26 =	simm.s32 $execute0_lowered;
	[smem:$0x3FD2] =	sst s25  }
0xa6: {  	s4 =	sshll.u32 s26, $0x1;
	_ =	strace $0x80000046;
	[dreg:$0x1] =	wrdreg $0xFFFFFFFF  }
0xa7: {  	s28 =	simm.s32 $_size_execute0_lowered;
	s2 =	sadd.s32 s2, s4;
	[dreg:$0x0] =	wrdreg $0x0  }
0xa8: {  	s4 =	sshll.u32 s28, $0x1;
	[dreg:$0x2] =	wrdreg s2  }
0xa9: {  	[dreg:$0x3] =	wrdreg s4  }
0xaa: {  	[dreg:$0x4] =	wrdreg $0xC0  }
0xab: {  	_ =	task [dreg:s6], $0x5FFFF  }
0xac: {  	[dreg:$0x1] =	wrdreg $0xFFFFFFFF  }
0xad: {  	[dreg:$0x0] =	wrdreg $0x60  }
0xae: {  	[dreg:$0x2] =	wrdreg s24  }
0xaf: {  	[dreg:$0x3] =	wrdreg $0x9  }
0xb0: {  	_ =	task.clear_ibuf [dreg:s6], $0x4FFFF;
	_ =	strace $0x90000046  }
0xb1: {  	s29 =	simm.s32 $0x9;
	_ =	strace $0x80000048  }
0xb2: {  	_ =	swait.ge [sflag:s29], $0x1  }
0xb3: {  	[sflag:s29] =	ssyncadd.s32 $0xFFFFFFFF  }
0xb4: {  	_ =	strace $0x90000048  }
0xb5: {  	_ =	sfence  }
0xb6: {  	s30 =	sld [smem:$0x0];
	_ =	sdelay $0x2  }
0xb7: {  	s31 =	sshll.u32 s1, $0xD;
	s1 =	sshrl.u32 s1, $0x2  }
0xb8: {  	s3 =	sand.u32 $0x4000, s31;
	s1 =	sadd.s32 s1, s30  }
0xb9: {  	s0 =	sor.u32 s3, s0;
	s1 =	sshll.u32 s1, $0x11  }
0xba: {  	s0 =	sor.u32 s1, s0  }
0xbb: {  	s0 =	sadd.s32 $0x8F2B, s0  }
0xbc: {  	[sflag:s0] =	ssyncadd.remote.s32 $0x1  }
0xbd: {  	_ =	sfence.sel $0xFFFF  }
0xbe: {  	[dreg:$0x0] =	wrdreg $0xFFFFFFFF;
	(pc) =	sbr.abs _section_cstart, $3  }
0xbf: {  	[dreg:$0x1] =	wrdreg $0xFFFFFFFF  }
0xc0: {  	_ =	task.clear_ibuf [dreg:s6], $0x2FFFF;
	_ =	strace $0x9FFFFFFF  }
0xc1: {  	(tm) =	ssettm $0x7FFFFFFF  }
tec
execute0_lowered:
.L_overlay_start_1:
0x0: {  	(tag) =	ssettag $0x1  }
0x1: {  	s0 =	rddreg [dreg:$0x0];
	s1 =	simm.s32 $0x0;
	s26 =	srdreg.scid  }
0x2: {  	s8 =	stileid.u32;
	s13 =	simm.s32 $0x2;
	s14 =	simm.s32 $0x4E30  }
0x3: {  	s15 =	simm.s32 $0x9C60;
	s16 =	simm.s32 $0x40000000;
	s17 =	simm.s32 $0xEB80  }
0x4: {  	s18 =	simm.s32 $0xEC70;
	s19 =	simm.s32 $0xEA90;
	s20 =	simm.s32 $0xED60  }
0x5: {  	s21 =	simm.s32 $0xFC40;
	s22 =	simm.s32 $0x70;
	s28 =	simm.s32 $0xFCB0  }
0x6: {  	[smem:$0x7FF] =	sst s1;
	s25 =	sadd.s32 $0x2C00, s0;
	s3 =	sadd.s32 $0x33A00, s0  }
0x7: {  	s5 =	sadd.s32 $0x65200, s0;
	s6 =	sadd.s32 $0x96A00, s0;
	s7 =	sadd.s32 $0xC8200, s0  }
0x8: {  	s2 =	sadd.s32 $0xFDA00, s0;
	s1 =	sand.u32 $0x1, s26;
	s29 =	sshll.u32 s8, $0x1  }
0x9: {  	s0 =	sadd.s32 $0xF9A00, s0;
	p0 =	slt.u32 s8, $0x8;
	_ =	strace $0x80000047  }
0xa: {  	[dreg:$0x2] =	wrdreg s25;
	s30 =	ssub.s32 $0x2, s1;
	s1 =	sor.u32 s1, s29  }
0xb: {  	s8 =	simm.s32 $0x3;
	[dreg:$0x3] =	wrdreg s2;
	s4 =	smul.u32 $0x3, s1  }
.Ltmp0:
0xc: {  	[dreg:$0x4] =	wrdreg s0;
	s1 =	sshll.u32 s1, $0x1;
	(pc) =	sbr.rel .LBB2_1-.Ltmp0, $4  }
0xd: {  	s8 =	simm.s32 @!p0 $0x2;
	s31 =	sshrl.u32 s30, $0x1;
	s1 =	sadd.s32 $0x10, s1  }
0xe: {  	v0 =	vlaneseq.u32;
	v1 =	vimm.s32 $0x0;
	[dreg:$0x6] =	wrdreg s8;
	s0 =	ssub.s32 s30, s31;
	s1 =	smov.u32 @p0 s4  }
0xf: {  	v2 =	vimm.f32 $-3.000000010e+38;
	v3 =	vimm.f32 $-1.000000000e+00;
	vm0 =	vmmov $0x1;
	s12 =	simm.s32 $0xF540;
	s0 =	smax.u32 s0, $0x1;
	[dreg:$0x5] =	wrdreg s1  }
0x10: {  	v4 =	vor.u32 $0x80000000, v0;
	v5 =	vor.u32 $0xFFFFFFF8, v0;
	v6 =	vmul.u32 $0x8, v0;
	s4 =	simm.s32 $0x1;
	[dreg:$0x7] =	wrdreg s0;
	s1 =	simm.s32 $0x0  }
.LBB2_52:
0x11: {  	s1 =	rddreg [dreg:$0x8]  }
0x12: {  	s0 =	rddreg [dreg:$0x7];
	s1 =	sadd.s32 $0x1, s1  }
0x13: {  	p0 =	sne.s32 s1, s0  }
.Ltmp1:
0x14: {  	_ = 	snop;
	(pc) =	sbr.rel @!p0 .LBB2_53-.Ltmp1, $1  }
0x15: {  	_ =	sdelay $0x3  }
.LBB2_1:
0x16: {  	[dreg:$0x8] =	wrdreg s1;
	s24 =	simm.s32 $0x0  }
.LBB2_2:
0x17: {  	s0 =	rddreg [dreg:$0x5]  }
0x18: {  	s25 =	sadd.s32 s0, s24  }
0x19: {  	s26 =	smul.u32 $0x4E20, s25;
	_ =	sdelay $0x1  }
0x1a: {  	s1 =	rddreg [dreg:$0x2];
	s31 =	sshrl.u32 s26, $0x3  }
0x1b: {  	s0 =	simm.s32 $0x0;
	s1 =	sadd.s32 s1, s31  }
0x1c: {  	[tilespmem:s0], [sflag:$0x2] =	stream.linear.gather [hbm4b:s1+s0], $0x4E20, $0x38;
	[tilespmem:$0xFD20] =	vst v63  }
0x1d: {  	_ =	swait.ge [sflag:s13], $0x4E20  }
0x1e: {  	[sflag:s13] =	ssyncset.done $0x0  }
0x1f: {  	[sflag:s13] =	ssyncadd.s32 $0xFFFFB1E0  }
0x20: {  	v7 =	vld [tilespmem:s0+$0x0];
	_ =	sdelay $0x4  }
0x21: {  	vm1 =	vgt.f32 v7, $5.000000070e-02  }
0x22: {  	v8 =	vsel vm1, $0x1, v1  }
0x23: {  	(xrf0) =	vadd.scan.msk.s32 $0xffff, v8;
	_ =	sdelay $0x2  }
0x24: {  	v8 =	vmov s0  }
0x25: {  	v8 =	vadd.s32 $0xFFFFFFFF, v8  }
0x26: {  	v8 =	vbroadcast v8, $0x0  }
0x27: {  	v9, _, _ =	vpop (xrf0)  }
0x28: {  	v8 =	vadd.s32 v9, v8;
	(v2sf) =	vpush v9, $0xF;
	_ =	sdelay $0x4  }
0x29: {  	[tilespmem:v8+s14+$0x0] =	vst.idx.msk vm1, v7;
	v7 =	vor.u32 s0, v0  }
0x2a: {  	s1 =	simm.s32 $0x10;
	[tilespmem:v8+s15+$0x0] =	vst.idx.msk vm1, v7  }
0x2b: {  	s2 =	simm.s32 $0x20;
	s8 =	simm.s32 $0x10;
	v7 =	vld [tilespmem:s1+$0x0]  }
.LBB2_3:
0x2c: {  	p0 =	sne.s32 s2, $0x4E10;
	_ =	sdelay $0x3  }
0x2d: {  	vm1 =	vgt.f32 v7, $5.000000070e-02  }
0x2e: {  	v8 =	vsel vm1, $0x1, v1  }
0x2f: {  	(xrf0) =	vadd.scan.msk.s32 $0xffff, v8  }
0x30: {  	s9 =	spop (v2sf)  }
0x31: {  	s0 =	sadd.s32 s0, s9  }
0x32: {  	v8 =	vmov s0  }
0x33: {  	v8 =	vadd.s32 $0xFFFFFFFF, v8  }
0x34: {  	v8 =	vbroadcast v8, $0x0  }
0x35: {  	v9, _, _ =	vpop (xrf0)  }
0x36: {  	v8 =	vadd.s32 v9, v8;
	(v2sf) =	vpush v9, $0xF;
	_ =	sdelay $0x2  }
.Ltmp2:
0x37: {  	(pc) =	sbr.rel @p0 .LBB2_3-.Ltmp2, $4  }
0x38: {  	_ = 	snop  }
0x39: {  	v9 =	vor.u32 s1, v0;
	s1 =	smov.u32 s2;
	[tilespmem:v8+s14+$0x0] =	vst.idx.msk vm1, v7  }
0x3a: {  	s8 =	sadd.s32 $0x10, s8;
	[tilespmem:v8+s15+$0x0] =	vst.idx.msk vm1, v9  }
0x3b: {  	s2 =	sadd.s32 $0x10, s2;
	v7 =	vld [tilespmem:s8+$0x0]  }
0x3c: {  	_ =	sdelay $0x3  }
0x3d: {  	vm1 =	vgt.f32 v7, $5.000000070e-02  }
0x3e: {  	v8 =	vsel vm1, $0x1, v1  }
0x3f: {  	(xrf0) =	vadd.scan.msk.s32 $0xffff, v8;
	_ =	sdelay $0x5  }
0x40: {  	v8, _, _ =	vpop (xrf0)  }
0x41: {  	(v2sf) =	vpush v8, $0xF;
	_ =	sdelay $0x9  }
0x42: {  	s2 =	spop (v2sf)  }
0x43: {  	s0 =	sadd.s32 s0, s2  }
0x44: {  	v9 =	vmov s0  }
0x45: {  	v9 =	vadd.s32 $0xFFFFFFFF, v9  }
0x46: {  	v9 =	vbroadcast v9, $0x0  }
0x47: {  	s23 =	spop (v2sf)  }
0x48: {  	v8 =	vadd.s32 v8, v9;
	s0 =	sadd.s32 s0, s23  }
0x49: {  	p1 =	slt.s32 s0, $0xC9  }
.Ltmp3:
0x4a: {  	_ = 	snop;
	(pc) =	sbr.rel @p1 .LBB2_20-.Ltmp3, $4  }
0x4b: {  	_ = 	snop  }
0x4c: {  	s2 =	sadd.s32 $0xF, s0  }
0x4d: {  	v63 =	vor.u32 s1, v0;
	[tilespmem:v8+s14+$0x0] =	vst.idx.msk vm1, v7;
	s30 =	sshra.s32 s2, $0x4  }
0x4e: {  	s29 =	simm.s32 $0x0;
	s31 =	simm.s32 $0x0;
	[tilespmem:v8+s15+$0x0] =	vst.idx.msk vm1, v63;
	v7 =	vmov s0;
	p0 =	slt.s32 s30, $0x1  }
.Ltmp4:
0x4f: {  	(pc) =	sbr.rel .LBB2_6-.Ltmp4, $2  }
0x50: {  	_ =	sdelay $0x2  }
0x51: {  	s31 =	simm.s32 $0x0;
	s0 =	simm.s32 $0x0  }
.LBB2_8:
0x52: {  	s2 =	simm.s32 $0x0  }
.LBB2_18:
0x53: {  	vm1 =	vmand vm2, vm1  }
0x54: {  	v8 =	vsel vm1, $0x1, v1  }
0x55: {  	(xrf0) =	vadd.scan.msk.s32 $0xffff, v8;
	_ =	sdelay $0x3  }
0x56: {  	v8, _, _ =	vpop @p1 (xrf0)  }
0x57: {  	(v2sf) =	vpush @p1 v8, $0xF  }
0x58: {  	v8, _, _ =	vpop (xrf0)  }
0x59: {  	(v2sf) =	vpush v8, $0xF;
	_ =	sdelay $0x6  }
0x5a: {  	s8 =	spop @p4 (v2sf)  }
0x5b: {  	s2 =	sadd.s32 @p4 s2, s8;
	s8 =	simm.s32 $0x0  }
0x5c: {  	s8 =	smov.u32 @p4 s2;
	s2 =	spop @p3 (v2sf)  }
0x5d: {  	s2 =	sadd.s32 @p3 s8, s2;
	s8 =	simm.s32 $0x0  }
0x5e: {  	s8 =	smov.u32 @p3 s2;
	s2 =	spop @p2 (v2sf)  }
0x5f: {  	s2 =	sadd.s32 @p2 s8, s2;
	s8 =	simm.s32 $0x0  }
0x60: {  	s8 =	smov.u32 @p2 s2;
	s2 =	spop @p1 (v2sf)  }
0x61: {  	s2 =	sadd.s32 @p1 s8, s2  }
0x62: {  	s1 =	smov.u32 @p1 s2;
	s11 =	spop (v2sf)  }
0x63: {  	s1 =	sadd.s32 s1, s11  }
0x64: {  	p1 =	sgt.s32 s1, $0xC7  }
0x65: {  	s31 =	smov.u32 @p1 s23  }
.LBB2_19:
0x66: {  	s0 =	sadd.s32 $0x1, s0  }
0x67: {  	p1 =	sne.s32 s0, $0x1F  }
.Ltmp5:
0x68: {  	_ = 	snop;
	(pc) =	sbr.rel @!p1 .LBB2_20-.Ltmp5, $1  }
0x69: {  	_ =	sdelay $0x3  }
.LBB2_6:
.Ltmp6:
0x6a: {  	(pc) =	sbr.rel @p0 .LBB2_19-.Ltmp6, $1  }
0x6b: {  	_ =	sdelay $0x3  }
0x6c: {  	s1 =	simm.s32 $0x4E30  }
0x6d: {  	p5 =	sne.s32 s30, $0x1;
	v9 =	vld [tilespmem:s1+$0x0]  }
.Ltmp7:
0x6e: {  	_ = 	snop;
	(pc) =	sbr.rel @!p5 .LBB2_8-.Ltmp7, $4  }
0x6f: {  	s23 =	sshrl.u32 s16, s0  }
0x70: {  	s23 =	sor.u32 s23, s31;
	s1 =	simm.s32 $0x0  }
0x71: {  	s2 =	sadd.s32 $0xFFFFFFFF, s30;
	s8 =	simm.s32 $0x4E40;
	p1 =	por $0x0, $0x0;
	v8 =	vmov s23;
	v10 =	vor.u32 s1, v0  }
0x72: {  	p2 =	por $0x0, $0x0;
	p3 =	por $0x0, $0x0;
	p4 =	por $0x0, $0x0;
	vm2 =	vlt.s32 v10, v7;
	vm1 =	vge.s32 v9, v8  }
0x73: {  	v9 =	vld [tilespmem:s8+$0x0];
	p5 =	sne.s32 s2, $0x1  }
.Ltmp8:
0x74: {  	_ = 	snop;
	(pc) =	sbr.rel @!p5 .LBB2_10-.Ltmp8, $4  }
0x75: {  	_ = 	snop  }
0x76: {  	vm1 =	vmand vm2, vm1;
	s11 =	simm.s32 $0x10  }
0x77: {  	v10 =	vsel vm1, $0x1, v1;
	v11 =	vor.u32 s11, v0  }
0x78: {  	s2 =	sadd.s32 $0xFFFFFFFF, s2;
	s8 =	simm.s32 $0x4E50;
	p1 =	por $0x1, $0x1;
	(xrf0) =	vadd.scan.msk.s32 $0xffff, v10;
	vm2 =	vlt.s32 v11, v7;
	vm1 =	vge.s32 v9, v8  }
0x79: {  	_ =	sdelay $0x4  }
0x7a: {  	v11, _, _ =	vpop (xrf0)  }
0x7b: {  	(v2sf) =	vpush v11, $0xF;
	_ =	sdelay $0x8  }
0x7c: {  	v9 =	vld [tilespmem:s8+$0x0];
	p5 =	sne.s32 s2, $0x1  }
.Ltmp9:
0x7d: {  	_ = 	snop;
	(pc) =	sbr.rel @!p5 .LBB2_12-.Ltmp9, $4  }
0x7e: {  	_ = 	snop  }
0x7f: {  	vm1 =	vmand vm2, vm1;
	s11 =	simm.s32 $0x20  }
0x80: {  	v10 =	vsel vm1, $0x1, v1;
	v12 =	vor.u32 s11, v0  }
0x81: {  	s2 =	sadd.s32 $0xFFFFFFFF, s2;
	s8 =	simm.s32 $0x4E60;
	p2 =	por $0x1, $0x1;
	vm2 =	vlt.s32 v12, v7;
	(xrf0) =	vadd.scan.msk.s32 $0xffff, v10;
	vm1 =	vge.s32 v9, v8  }
0x82: {  	_ =	sdelay $0x4  }
0x83: {  	v9 =	vld [tilespmem:s8+$0x0];
	p5 =	sne.s32 s2, $0x1;
	v11, _, _ =	vpop (xrf0)  }
.Ltmp10:
0x84: {  	(v2sf) =	vpush v11, $0xF;
	(pc) =	sbr.rel @!p5 .LBB2_14-.Ltmp10, $4  }
0x85: {  	_ = 	snop  }
0x86: {  	vm1 =	vmand vm2, vm1;
	s11 =	simm.s32 $0x30  }
0x87: {  	v10 =	vsel vm1, $0x1, v1;
	v12 =	vor.u32 s11, v0  }
0x88: {  	s2 =	sadd.s32 $0xFFFFFFFF, s2;
	s8 =	simm.s32 $0x4E70;
	p3 =	por $0x1, $0x1;
	vm2 =	vlt.s32 v12, v7;
	(xrf0) =	vadd.scan.msk.s32 $0xffff, v10;
	vm1 =	vge.s32 v9, v8  }
0x89: {  	_ =	sdelay $0x4  }
0x8a: {  	v9 =	vld [tilespmem:s8+$0x0];
	vm1 =	vmand vm2, vm1;
	p5 =	sne.s32 s2, $0x1;
	v11, _, _ =	vpop (xrf0)  }
.Ltmp11:
0x8b: {  	v10 =	vsel vm1, $0x1, v1;
	(v2sf) =	vpush v11, $0xF;
	(pc) =	sbr.rel @!p5 .LBB2_16-.Ltmp11, $4  }
0x8c: {  	(xrf0) =	vadd.scan.msk.s32 $0xffff, v10  }
0x8d: {  	s8 =	simm.s32 $0x40  }
0x8e: {  	s9 =	sadd.s32 $0xFFFFFFFF, s2;
	v12 =	vor.u32 s8, v0  }
0x8f: {  	s10 =	simm.s32 $0x4E80;
	p4 =	por $0x1, $0x1;
	s2 =	simm.s32 $0x0;
	vm2 =	vlt.s32 v12, v7;
	vm1 =	vge.s32 v9, v8  }
.LBB2_17:
0x90: {  	v9 =	vld [tilespmem:s10+$0x0];
	p5 =	sne.s32 s9, $0x1;
	s9 =	sadd.s32 $0xFFFFFFFF, s9;
	vm1 =	vmand vm2, vm1;
	s11 =	spop (v2sf)  }
.Ltmp12:
0x91: {  	v11 =	vsel vm1, $0x1, v1;
	s2 =	sadd.s32 s2, s11;
	(pc) =	sbr.rel @p5 .LBB2_17-.Ltmp12, $4  }
0x92: {  	(xrf0) =	vadd.scan.msk.s32 $0xffff, v11;
	v10, _, _ =	vpop (xrf0)  }
0x93: {  	s8 =	sadd.s32 $0x10, s8;
	(v2sf) =	vpush v10, $0xF  }
0x94: {  	v10 =	vor.u32 s8, v0  }
0x95: {  	s10 =	sadd.s32 $0x10, s10;
	vm2 =	vlt.s32 v10, v7;
	vm1 =	vge.s32 v9, v8  }
.Ltmp13:
0x96: {  	_ = 	snop;
	(pc) =	sbr.rel .LBB2_18-.Ltmp13, $1  }
0x97: {  	_ =	sdelay $0x3  }
.LBB2_10:
.Ltmp14:
0x98: {  	(pc) =	sbr.rel .LBB2_18-.Ltmp14, $2  }
0x99: {  	_ =	sdelay $0x2  }
0x9a: {  	s2 =	simm.s32 $0x0  }
.LBB2_12:
.Ltmp15:
0x9b: {  	(pc) =	sbr.rel .LBB2_18-.Ltmp15, $2  }
0x9c: {  	_ =	sdelay $0x2  }
0x9d: {  	s2 =	simm.s32 $0x0  }
.LBB2_14:
.Ltmp16:
0x9e: {  	(pc) =	sbr.rel .LBB2_18-.Ltmp16, $2  }
0x9f: {  	_ =	sdelay $0x3  }
0xa0: {  	s2 =	simm.s32 $0x0  }
.LBB2_16:
.Ltmp17:
0xa1: {  	(pc) =	sbr.rel .LBB2_18-.Ltmp17, $2  }
0xa2: {  	_ =	sdelay $0x2  }
0xa3: {  	s2 =	simm.s32 $0x0  }
.LBB2_20:
0xa4: {  	[tilespmem:$0xEB80] =	vst v2  }
0xa5: {  	[tilespmem:$0xEB90] =	vst v2  }
0xa6: {  	[tilespmem:$0xEBA0] =	vst v2  }
0xa7: {  	[tilespmem:$0xEBB0] =	vst v2  }
0xa8: {  	[tilespmem:$0xEBC0] =	vst v2  }
0xa9: {  	[tilespmem:$0xEBD0] =	vst v2  }
0xaa: {  	[tilespmem:$0xEBE0] =	vst v2  }
0xab: {  	[tilespmem:$0xEBF0] =	vst v2  }
0xac: {  	[tilespmem:$0xEC00] =	vst v2  }
0xad: {  	[tilespmem:$0xEC10] =	vst v2  }
0xae: {  	[tilespmem:$0xEC20] =	vst v2  }
0xaf: {  	[tilespmem:$0xEC30] =	vst v2  }
0xb0: {  	[tilespmem:$0xEC40] =	vst v2  }
0xb1: {  	[tilespmem:$0xEC50] =	vst v2  }
0xb2: {  	[tilespmem:$0xEC60] =	vst v2  }
0xb3: {  	[tilespmem:$0xED60] =	vst v1  }
0xb4: {  	[tilespmem:$0xEE40] =	vst v3  }
0xb5: {  	[tilespmem:$0xED70] =	vst v1  }
0xb6: {  	[tilespmem:$0xEE50] =	vst v3  }
0xb7: {  	[tilespmem:$0xED80] =	vst v1  }
0xb8: {  	[tilespmem:$0xEE60] =	vst v3  }
0xb9: {  	[tilespmem:$0xED90] =	vst v1  }
0xba: {  	[tilespmem:$0xEE70] =	vst v3  }
0xbb: {  	[tilespmem:$0xEDA0] =	vst v1  }
0xbc: {  	[tilespmem:$0xEE80] =	vst v3  }
0xbd: {  	[tilespmem:$0xEDB0] =	vst v1  }
0xbe: {  	[tilespmem:$0xEE90] =	vst v3  }
0xbf: {  	[tilespmem:$0xEDC0] =	vst v1  }
0xc0: {  	[tilespmem:$0xEEA0] =	vst v3  }
0xc1: {  	[tilespmem:$0xEDD0] =	vst v1  }
0xc2: {  	[tilespmem:$0xEEB0] =	vst v3  }
0xc3: {  	[tilespmem:$0xEDE0] =	vst v1  }
0xc4: {  	[tilespmem:$0xEEC0] =	vst v3  }
0xc5: {  	[tilespmem:$0xEDF0] =	vst v1  }
0xc6: {  	[tilespmem:$0xEED0] =	vst v3  }
0xc7: {  	[tilespmem:$0xEE00] =	vst v1  }
0xc8: {  	[tilespmem:$0xEEE0] =	vst v3  }
0xc9: {  	[tilespmem:$0xEE10] =	vst v1  }
.Ltmp18:
0xca: {  	[tilespmem:$0xEEF0] =	vst v3;
	(pc) =	sbr.rel @p0 .LBB2_27-.Ltmp18, $4  }
0xcb: {  	[tilespmem:$0xEE20] =	vst v1  }
0xcc: {  	[tilespmem:$0xEF00] =	vst v3  }
0xcd: {  	[tilespmem:$0xEE30] =	vst v1  }
0xce: {  	[tilespmem:$0xEF10] =	vst v3  }
0xcf: {  	p1 =	sne.s32 s30, $0x1  }
.Ltmp19:
0xd0: {  	_ = 	snop;
	(pc) =	sbr.rel @!p1 .LBB2_22-.Ltmp19, $3  }
0xd1: {  	_ =	sdelay $0x1  }
0xd2: {  	s2 =	simm.s32 $0x4E30;
	s1 =	simm.s32 $0x9C60  }
0xd3: {  	v9 =	vmov s31;
	s0 =	simm.s32 $0x0;
	p0 =	por $0x0, $0x0;
	v8 =	vld [tilespmem:s2+$0x0];
	s2 =	sadd.s32 $0xFFFFFFFF, s30  }
0xd4: {  	_ =	sdelay $0x2  }
0xd5: {  	v10 =	vor.u32 s0, v0  }
0xd6: {  	vm2 =	vlt.s32 v10, v7;
	vm1 =	vle.s32 v9, v8  }
0xd7: {  	vm1 =	vmand vm2, vm1  }
0xd8: {  	v10 =	vsel vm1, $0x1, v1  }
0xd9: {  	(xrf0) =	vadd.scan.msk.s32 $0xffff, v10;
	_ =	sdelay $0x1  }
0xda: {  	p0 =	por $0x1, $0x1;
	s8 =	simm.s32 $0x0  }
0xdb: {  	s8 =	simm.s32 @!p0 $0xD0  }
0xdc: {  	v10 =	vmov s8  }
0xdd: {  	v10 =	vadd.s32 $0xFFFFFFFF, v10  }
0xde: {  	v10 =	vbroadcast v10, $0x0;
	v11, _, _ =	vpop (xrf0)  }
0xdf: {  	(v2sf) =	vpush v11, $0xF  }
0xe0: {  	v10 =	vadd.s32 v11, v10  }
0xe1: {  	v12 =	vld [tilespmem:s1+$0x0]  }
0xe2: {  	p1 =	sne.s32 s2, $0x1  }
.Ltmp20:
0xe3: {  	_ = 	snop;
	(pc) =	sbr.rel @!p1 .LBB2_24-.Ltmp20, $4  }
0xe4: {  	_ = 	snop  }
0xe5: {  	[tilespmem:v10+s17+$0x0] =	vst.idx.msk vm1, v8  }
0xe6: {  	s29 =	simm.s32 $0x4E40;
	s30 =	sadd.s32 $0xFFFFFFFF, s2;
	s2 =	simm.s32 $0x0;
	[tilespmem:v10+s18+$0x0] =	vst.idx.msk vm1, v12  }
0xe7: {  	s23 =	simm.s32 $0x9C60;
	p0 =	por $0x1, $0x1;
	s8 =	simm.s32 $0x0;
	v8 =	vld [tilespmem:s29+$0x0]  }
.LBB2_25:
0xe8: {  	p1 =	sne.s32 s30, $0x1;
	_ =	sdelay $0x1  }
0xe9: {  	s8 =	sadd.s32 $0x10, s8  }
0xea: {  	v10 =	vor.u32 s8, v0  }
0xeb: {  	vm2 =	vlt.s32 v10, v7;
	vm1 =	vle.s32 v9, v8  }
0xec: {  	vm1 =	vmand vm2, vm1  }
0xed: {  	v10 =	vsel vm1, $0x1, v1;
	s9 =	spop (v2sf)  }
0xee: {  	(xrf0) =	vadd.scan.msk.s32 $0xffff, v10;
	s2 =	sadd.s32 s2, s9  }
0xef: {  	p2 =	slt.s32 s2, $0xD0;
	s9 =	smov.u32 s2  }
0xf0: {  	s9 =	simm.s32 @!p2 $0xD0  }
0xf1: {  	v10 =	vmov s9  }
0xf2: {  	v10 =	vadd.s32 $0xFFFFFFFF, v10  }
0xf3: {  	v10 =	vbroadcast v10, $0x0  }
0xf4: {  	v11, _, _ =	vpop (xrf0)  }
0xf5: {  	s23 =	sadd.s32 $0x10, s23;
	v10 =	vadd.s32 v11, v10;
	(v2sf) =	vpush v11, $0xF  }
0xf6: {  	v11 =	vld [tilespmem:s23+$0x0];
	_ =	sdelay $0x2  }
.Ltmp21:
0xf7: {  	(pc) =	sbr.rel @p1 .LBB2_25-.Ltmp21, $4  }
0xf8: {  	[tilespmem:v10+s17+$0x0] =	vst.idx.msk vm1, v8  }
0xf9: {  	[tilespmem:v10+s18+$0x0] =	vst.idx.msk vm1, v11  }
0xfa: {  	s29 =	sadd.s32 $0x10, s29  }
0xfb: {  	s30 =	sadd.s32 $0xFFFFFFFF, s30;
	v8 =	vld [tilespmem:s29+$0x0]  }
.LBB2_26:
0xfc: {  	_ = 	snop  }
0xfd: {  	s8 =	sadd.s32 @p0 $0x10, s8;
	s9 =	simm.s32 $0x0  }
0xfe: {  	s9 =	smov.u32 @p0 s8  }
0xff: {  	v10 =	vor.u32 s9, v0  }
0x100: {  	vm2 =	vlt.s32 v10, v7;
	vm1 =	vle.s32 v9, v8  }
0x101: {  	vm1 =	vmand vm2, vm1  }
0x102: {  	v7 =	vsel vm1, $0x1, v1  }
0x103: {  	(xrf0) =	vadd.scan.msk.s32 $0xffff, v7;
	_ =	sdelay $0x5  }
0x104: {  	v7, _, _ =	vpop (xrf0)  }
0x105: {  	(v2sf) =	vpush v7, $0xF  }
0x106: {  	s8 =	spop @p0 (v2sf)  }
0x107: {  	s2 =	sadd.s32 @p0 s2, s8  }
0x108: {  	s0 =	smov.u32 @p0 s2  }
0x109: {  	p1 =	slt.s32 s0, $0xD0;
	s2 =	smov.u32 s0  }
0x10a: {  	s2 =	simm.s32 @!p1 $0xD0  }
0x10b: {  	v62 =	vmov s2  }
0x10c: {  	v9 =	vadd.s32 $0xFFFFFFFF, v62  }
0x10d: {  	v9 =	vbroadcast v9, $0x0  }
0x10e: {  	s2 =	sadd.s32 @p0 $0x10, s23  }
0x10f: {  	s1 =	smov.u32 @p0 s2;
	v7 =	vadd.s32 v7, v9  }
0x110: {  	v63 =	vld [tilespmem:s1+$0x0];
	_ =	sdelay $0x3  }
0x111: {  	[tilespmem:v7+s17+$0x0] =	vst.idx.msk vm1, v8;
	s31 =	spop (v2sf)  }
0x112: {  	[tilespmem:v7+s18+$0x0] =	vst.idx.msk vm1, v63;
	s29 =	sadd.s32 s0, s31  }
.LBB2_27:
.Ltmp22:
0x113: {  	(pc) =	sbr.rel .LBB2_28-.Ltmp22, $2  }
0x114: {  	_ =	sdelay $0x2  }
0x115: {  	s30 =	simm.s32 $0x0  }
.LBB2_32:
0x116: {  	s30 =	sadd.s32 $0x1, s30  }
0x117: {  	p0 =	sne.s32 s30, $0xC8  }
.Ltmp23:
0x118: {  	_ = 	snop;
	(pc) =	sbr.rel @!p0 .LBB2_33-.Ltmp23, $1  }
0x119: {  	_ =	sdelay $0x3  }
.LBB2_28:
0x11a: {  	p0 =	sle.s32 s29, s30  }
.Ltmp24:
0x11b: {  	_ = 	snop;
	(pc) =	sbr.rel @p0 .LBB2_32-.Ltmp24, $1  }
0x11c: {  	_ =	sdelay $0x3  }
0x11d: {  	v7 =	vld [tilespmem:$0xEB80]  }
0x11e: {  	v8 =	vld [tilespmem:$0xEB90]  }
0x11f: {  	v9 =	vld [tilespmem:$0xEBA0]  }
0x120: {  	v10 =	vld [tilespmem:$0xEBB0]  }
0x121: {  	v11 =	vld [tilespmem:$0xEBC0]  }
0x122: {  	(xrf0) =	vmax.scan.msk.f32 $0xffff, v7;
	v7 =	vld [tilespmem:$0xEBD0]  }
0x123: {  	(xrf0) =	vmax.scan.msk.f32 $0xffff, v8;
	v8 =	vld [tilespmem:$0xEBE0]  }
0x124: {  	(xrf0) =	vmax.scan.msk.f32 $0xffff, v9;
	v9 =	vld [tilespmem:$0xEBF0]  }
0x125: {  	(xrf0) =	vmax.scan.msk.f32 $0xffff, v10;
	v10 =	vld [tilespmem:$0xEC00]  }
0x126: {  	(xrf0) =	vmax.scan.msk.f32 $0xffff, v11;
	v11 =	vld [tilespmem:$0xEC10]  }
0x127: {  	(xrf0) =	vmax.scan.msk.f32 $0xffff, v7;
	v7 =	vld [tilespmem:$0xEC20]  }
0x128: {  	v12, _, _ =	vpop (xrf0);
	(xrf0) =	vmax.scan.msk.f32 $0xffff, v8;
	v8 =	vld [tilespmem:$0xEC30]  }
0x129: {  	(v2sf) =	vpush v12, $0xF;
	v60, _, _ =	vpop (xrf0);
	(xrf0) =	vmax.scan.msk.f32 $0xffff, v9;
	v9 =	vld [tilespmem:$0xEC40]  }
0x12a: {  	(v2sf) =	vpush v60, $0xF;
	v61, _, _ =	vpop (xrf0);
	(xrf0) =	vmax.scan.msk.f32 $0xffff, v10;
	v10 =	vld [tilespmem:$0xEC50]  }
0x12b: {  	(v2sf) =	vpush v61, $0xF;
	v62, _, _ =	vpop (xrf0);
	(xrf0) =	vmax.scan.msk.f32 $0xffff, v11;
	v11 =	vld [tilespmem:$0xEC60]  }
0x12c: {  	(v2sf) =	vpush v62, $0xF;
	v63, _, _ =	vpop (xrf0);
	(xrf0) =	vmax.scan.msk.f32 $0xffff, v7  }
0x12d: {  	(v2sf) =	vpush v63, $0xF;
	v7, _, _ =	vpop (xrf0);
	(xrf0) =	vmax.scan.msk.f32 $0xffff, v8  }
0x12e: {  	(v2sf) =	vpush v7, $0xF;
	v7, _, _ =	vpop (xrf0);
	(xrf0) =	vmax.scan.msk.f32 $0xffff, v9  }
0x12f: {  	(v2sf) =	vpush v7, $0xF;
	v7, _, _ =	vpop (xrf0);
	(xrf0) =	vmax.scan.msk.f32 $0xffff, v10  }
0x130: {  	(v2sf) =	vpush v7, $0xF;
	v7, _, _ =	vpop (xrf0);
	(xrf0) =	vmax.scan.msk.f32 $0xffff, v11  }
0x131: {  	v8, _, _ =	vpop (xrf0);
	(v2sf) =	vpush v7, $0xF  }
0x132: {  	v7, _, _ =	vpop (xrf0);
	(v2sf) =	vpush v8, $0xF  }
0x133: {  	v8, _, _ =	vpop (xrf0);
	(v2sf) =	vpush v7, $0xF  }
0x134: {  	v7, _, _ =	vpop (xrf0);
	(v2sf) =	vpush v8, $0xF  }
0x135: {  	(v2sf) =	vpush v7, $0xF;
	v7, _, _ =	vpop (xrf0)  }
0x136: {  	(v2sf) =	vpush v7, $0xF;
	v7, _, _ =	vpop (xrf0)  }
0x137: {  	(v2sf) =	vpush v7, $0xF  }
0x138: {  	s0 =	spop (v2sf)  }
0x139: {  	s1 =	spop (v2sf);
	s0 =	smax.f32 s0, $-3.000000010e+38  }
0x13a: {  	s2 =	spop (v2sf);
	s0 =	smax.f32 s0, s1  }
0x13b: {  	s23 =	spop (v2sf);
	s0 =	smax.f32 s0, s2  }
0x13c: {  	s31 =	spop (v2sf);
	s0 =	smax.f32 s0, s23  }
0x13d: {  	s8 =	spop (v2sf);
	s0 =	smax.f32 s0, s31  }
0x13e: {  	s9 =	spop (v2sf);
	s0 =	smax.f32 s0, s8  }
0x13f: {  	s10 =	spop (v2sf);
	s0 =	smax.f32 s0, s9  }
0x140: {  	s11 =	spop (v2sf);
	s0 =	smax.f32 s0, s10  }
0x141: {  	s23 =	spop (v2sf);
	s0 =	smax.f32 s0, s11  }
0x142: {  	s31 =	spop (v2sf);
	s0 =	smax.f32 s0, s23  }
0x143: {  	s9 =	simm.s32 $0xEB80;
	s8 =	spop (v2sf);
	s0 =	smax.f32 s0, s31  }
0x144: {  	v8 =	vld [tilespmem:s9+$0x0];
	s0 =	smax.f32 s0, s8;
	s10 =	spop (v2sf)  }
0x145: {  	s0 =	smax.f32 s0, s10;
	s11 =	spop (v2sf)  }
0x146: {  	s0 =	smax.f32 s0, s11;
	s23 =	spop (v2sf)  }
0x147: {  	s0 =	smax.f32 s0, s23  }
0x148: {  	s31 =	simm.s32 $0x0;
	v7 =	vmov s0  }
0x149: {  	vm1 =	veq.f32 v8, v7;
	v8 =	vor.u32 s31, v4  }
0x14a: {  	v8 =	vnsel vm1, $0x800000F0, v8  }
0x14b: {  	(xrf0) =	vmin.scan.msk.u32 $0xffff, v8;
	_ =	sdelay $0x4  }
0x14c: {  	s2 =	simm.s32 $0xEB90  }
0x14d: {  	v9 =	vld [tilespmem:s2+$0x0];
	s8 =	simm.s32 $0xEBA0;
	v8, _, _ =	vpop (xrf0)  }
0x14e: {  	(v2sf) =	vpush v8, $0xF;
	v8 =	vld [tilespmem:s8+$0x0];
	_ =	sdelay $0x2  }
0x14f: {  	s9 =	simm.s32 $0x10  }
0x150: {  	s10 =	simm.s32 $0x20;
	vm1 =	veq.f32 v9, v7;
	v9 =	vor.u32 s9, v4  }
0x151: {  	v9 =	vnsel vm1, $0x800000F0, v9;
	vm1 =	veq.f32 v8, v7;
	v8 =	vor.u32 s10, v4  }
0x152: {  	(xrf0) =	vmin.scan.msk.u32 $0xffff, v9;
	v8 =	vnsel vm1, $0x800000F0, v8  }
0x153: {  	(xrf0) =	vmin.scan.msk.u32 $0xffff, v8;
	_ =	sdelay $0x3  }
0x154: {  	s11 =	simm.s32 $0xEBB0  }
0x155: {  	v9 =	vld [tilespmem:s11+$0x0];
	v10, _, _ =	vpop (xrf0)  }
0x156: {  	(v2sf) =	vpush v10, $0xF;
	v10, _, _ =	vpop (xrf0)  }
0x157: {  	(v2sf) =	vpush v10, $0xF;
	_ =	sdelay $0x1  }
0x158: {  	s23 =	simm.s32 $0xEBC0;
	s31 =	simm.s32 $0x30  }
0x159: {  	vm1 =	veq.f32 v9, v7;
	v9 =	vor.u32 s31, v4;
	v8 =	vld [tilespmem:s23+$0x0]  }
0x15a: {  	v9 =	vnsel vm1, $0x800000F0, v9  }
0x15b: {  	(xrf0) =	vmin.scan.msk.u32 $0xffff, v9;
	_ =	sdelay $0x1  }
0x15c: {  	s1 =	simm.s32 $0xF0;
	s8 =	simm.s32 $0x40  }
0x15d: {  	s2 =	simm.s32 $0x50;
	vm1 =	veq.f32 v8, v7;
	v8 =	vor.u32 s8, v4;
	s8 =	simm.s32 $0xEBD0;
	s9 =	spop (v2sf)  }
.LBB2_30:
0x15e: {  	s10 =	smov.u32 s1;
	p0 =	sne.s32 s2, $0xE0  }
0x15f: {  	v10 =	vnsel vm1, $0x800000F0, v8;
	s1 =	sxor.u32 $0x80000000, s9;
	s9 =	smov.u32 s2;
	s2 =	sadd.s32 $0x10, s2;
	v9 =	vld [tilespmem:s8+$0x0]  }
.Ltmp25:
0x160: {  	p1 =	slt.s32 s10, s1;
	(xrf0) =	vmin.scan.msk.u32 $0xffff, v10;
	v8, _, _ =	vpop (xrf0);
	(pc) =	sbr.rel @p0 .LBB2_30-.Ltmp25, $2  }
0x161: {  	s1 =	smov.u32 @p1 s10;
	(v2sf) =	vpush v8, $0xF;
	_ =	sdelay $0x2  }
0x162: {  	s8 =	sadd.s32 $0x10, s8;
	v8 =	vor.u32 s9, v4;
	vm1 =	veq.f32 v9, v7;
	s9 =	spop (v2sf)  }
0x163: {  	v7 =	vnsel vm1, $0x800000F0, v8  }
0x164: {  	(xrf0) =	vmin.scan.msk.u32 $0xffff, v7;
	_ =	sdelay $0x3  }
0x165: {  	v7, _, _ =	vpop (xrf0)  }
0x166: {  	(v2sf) =	vpush v7, $0xF  }
0x167: {  	v7, _, _ =	vpop (xrf0)  }
0x168: {  	(v2sf) =	vpush v7, $0xF;
	_ =	sdelay $0x7  }
0x169: {  	s2 =	sxor.u32 $0x80000000, s9  }
0x16a: {  	s8 =	spop (v2sf);
	p0 =	slt.s32 s1, s2  }
0x16b: {  	s2 =	smov.u32 @p0 s1;
	s1 =	sxor.u32 $0x80000000, s8  }
0x16c: {  	p0 =	slt.s32 s2, s1;
	s11 =	spop (v2sf)  }
0x16d: {  	s1 =	smov.u32 @p0 s2;
	s2 =	sxor.u32 $0x80000000, s11  }
0x16e: {  	p0 =	slt.s32 s1, s2;
	s23 =	spop (v2sf)  }
0x16f: {  	v7 =	vld [tilespmem:s30+$0xEE40];
	s2 =	smov.u32 @p0 s1;
	s1 =	sxor.u32 $0x80000000, s23  }
0x170: {  	p0 =	slt.s32 s2, s1;
	s31 =	spop (v2sf)  }
0x171: {  	s1 =	smov.u32 @p0 s2;
	s2 =	sxor.u32 $0x80000000, s31  }
0x172: {  	p0 =	slt.s32 s1, s2  }
0x173: {  	vm1 =	veq.s32 v0, $0x0;
	s2 =	smov.u32 @p0 s1  }
0x174: {  	v7 =	vsel vm1, s0, v7;
	v8 =	vld [tilespmem:s2+$0xEC70]  }
0x175: {  	[tilespmem:s30+$0xEE40] =	vst v7;
	v7 =	vld [tilespmem:s30+$0xED60];
	_ =	sdelay $0x4  }
0x176: {  	v7 =	vsel vm0, v8, v7  }
0x177: {  	[tilespmem:s30+$0xED60] =	vst v7  }
0x178: {  	v7 =	vld [tilespmem:s2+$0xEB80];
	_ =	sdelay $0x1  }
.Ltmp26:
0x179: {  	_ = 	snop;
	(pc) =	sbr.rel .LBB2_32-.Ltmp26, $3  }
0x17a: {  	_ =	sdelay $0x1  }
0x17b: {  	v7 =	vsel vm1, $0xFF61B1E6, v7  }
0x17c: {  	[tilespmem:s2+$0xEB80] =	vst v7  }
.LBB2_33:
0x17d: {  	p0 =	slt.s32 s29, $0xC8  }
.Ltmp27:
0x17e: {  	_ = 	snop;
	(pc) =	sbr.rel @!p0 .LBB2_39-.Ltmp27, $1  }
0x17f: {  	_ =	sdelay $0x3  }
0x180: {  	s0 =	simm.s32 $0x0  }
0x181: {  	v7 =	vld [tilespmem:s0+$0x0];
	_ =	sdelay $0x4  }
0x182: {  	vm1 =	vgt.f32 v7, $5.000000070e-02  }
0x183: {  	vm1 =	vmneg vm1  }
0x184: {  	v7 =	vsel vm1, $0x1, v1  }
0x185: {  	(xrf0) =	vadd.scan.msk.s32 $0xffff, v7;
	_ =	sdelay $0x1  }
0x186: {  	s29 =	simm.s32 @!p0 $0xC8;
	p0 =	por $0x1, $0x1;
	s1 =	simm.s32 $0x0  }
0x187: {  	s1 =	simm.s32 @!p0 $0xD0  }
0x188: {  	v7 =	vmov s1  }
0x189: {  	v7 =	vadd.s32 $0xFFFFFFFF, v7  }
0x18a: {  	v7 =	vbroadcast v7, $0x0;
	v8, _, _ =	vpop (xrf0)  }
0x18b: {  	(v2sf) =	vpush v8, $0xF  }
0x18c: {  	v7 =	vadd.s32 v7, v8;
	_ =	sdelay $0x3  }
0x18d: {  	v9 =	vor.u32 s0, v0  }
0x18e: {  	s1 =	simm.s32 $0x10;
	[tilespmem:v7+s19+$0x0] =	vst.idx.msk vm1, v9  }
0x18f: {  	s2 =	simm.s32 $0x20;
	s8 =	simm.s32 $0x10;
	v7 =	vld [tilespmem:s1+$0x0]  }
.LBB2_35:
0x190: {  	p0 =	seq.s32 s2, $0x4E10;
	_ =	sdelay $0x3  }
0x191: {  	vm1 =	vgt.f32 v7, $5.000000070e-02  }
0x192: {  	vm1 =	vmneg vm1  }
0x193: {  	v7 =	vsel vm1, $0x1, v1  }
0x194: {  	(xrf0) =	vadd.scan.msk.s32 $0xffff, v7;
	s9 =	spop (v2sf)  }
0x195: {  	s0 =	sadd.s32 s0, s9  }
0x196: {  	p1 =	slt.s32 s0, $0xD0;
	s9 =	smov.u32 s0  }
0x197: {  	s9 =	simm.s32 @!p1 $0xD0  }
0x198: {  	v7 =	vmov s9  }
0x199: {  	v7 =	vadd.s32 $0xFFFFFFFF, v7  }
0x19a: {  	v7 =	vbroadcast v7, $0x0;
	v8, _, _ =	vpop (xrf0)  }
0x19b: {  	(v2sf) =	vpush v8, $0xF  }
0x19c: {  	v7 =	vadd.s32 v7, v8;
	_ =	sdelay $0x1  }
.Ltmp28:
0x19d: {  	(pc) =	sbr.rel @!p0 .LBB2_35-.Ltmp28, $4  }
0x19e: {  	_ = 	snop  }
0x19f: {  	v8 =	vor.u32 s1, v0;
	s1 =	smov.u32 s2  }
0x1a0: {  	s8 =	sadd.s32 $0x10, s8;
	[tilespmem:v7+s19+$0x0] =	vst.idx.msk vm1, v8  }
0x1a1: {  	s2 =	sadd.s32 $0x10, s2;
	v7 =	vld [tilespmem:s8+$0x0]  }
0x1a2: {  	_ =	sdelay $0x4  }
0x1a3: {  	vm1 =	vgt.f32 v7, $5.000000070e-02  }
0x1a4: {  	vm1 =	vmneg vm1  }
0x1a5: {  	v7 =	vsel vm1, $0x1, v1;
	s2 =	spop (v2sf)  }
0x1a6: {  	(xrf0) =	vadd.scan.msk.s32 $0xffff, v7;
	s0 =	sadd.s32 s0, s2  }
0x1a7: {  	p0 =	slt.s32 s0, $0xD0  }
0x1a8: {  	s0 =	simm.s32 @!p0 $0xD0  }
0x1a9: {  	v8 =	vmov s0  }
0x1aa: {  	v8 =	vadd.s32 $0xFFFFFFFF, v8  }
0x1ab: {  	v8 =	vbroadcast v8, $0x0  }
0x1ac: {  	v7, _, _ =	vpop (xrf0)  }
0x1ad: {  	(v2sf) =	vpush v7, $0xF;
	v7 =	vadd.s32 v8, v7;
	_ =	sdelay $0x3  }
0x1ae: {  	s0 =	simm.s32 $0x0;
	v8 =	vor.u32 s1, v0  }
0x1af: {  	v9 =	vor.u32 s0, v0;
	[tilespmem:v7+s19+$0x0] =	vst.idx.msk vm1, v8;
	v7 =	vmov s29  }
0x1b0: {  	v8 =	vsub.s32 v9, v7  }
0x1b1: {  	vm2 =	vlt.u32 v9, $0xC8;
	vm1 =	vge.s32 v9, v7;
	vm3 =	vgt.s32 v8, $0x0  }
0x1b2: {  	vm4 =	vmand vm1, vm2;
	v8 =	vnsel vm3, $0x0, v8  }
0x1b3: {  	v10 =	vmin.u32 v8, $0xDF  }
0x1b4: {  	s30 =	simm.s32 $0x10  }
0x1b5: {  	v8 =	vor.u32 s30, v0  }
0x1b6: {  	v11 =	vsub.s32 v8, v7  }
0x1b7: {  	vm2 =	vmmov vm4;
	vm5 =	vgt.s32 v11, $0x0  }
0x1b8: {  	v12 =	vand.u32 v5, v9;
	v13 =	vnsel vm5, $0x0, v11;
	v11 =	vld.idx.msk [tilespmem:v10+s19+$0x0], vm4  }
0x1b9: {  	v10 =	vmin.u32 v13, $0xDF;
	_ =	sdelay $0x1  }
0x1ba: {  	s31 =	simm.s32 $0x20;
	vm1 =	vge.s32 v8, v7;
	vm3 =	vlt.u32 v8, $0xC8  }
0x1bb: {  	s0 =	simm.s32 $0x30;
	v9 =	vor.u32 s31, v0;
	vm1 =	vmand vm1, vm3;
	s23 =	spop (v2sf)  }
.LBB2_37:
0x1bc: {  	p0 =	sne.s32 s0, $0xC0;
	v13 =	vsub.s32 v9, v7;
	[tilespmem:v12+s20+$0x0] =	vst.idx.msk vm2, v11;
	vm2 =	vmmov vm1  }
0x1bd: {  	vm3 =	vge.s32 v9, v7;
	vm4 =	vlt.u32 v9, $0xC8;
	vm5 =	vgt.s32 v13, $0x0;
	v11 =	vld.idx.msk [tilespmem:v10+s19+$0x0], vm1  }
.Ltmp29:
0x1be: {  	v12 =	vand.u32 v5, v8;
	v8 =	vmovc v9;
	vm1 =	vmand vm3, vm4;
	v10 =	vnsel vm5, $0x0, v13;
	(pc) =	sbr.rel @p0 .LBB2_37-.Ltmp29, $2  }
0x1bf: {  	v10 =	vmin.u32 v10, $0xDF;
	_ =	sdelay $0x2  }
0x1c0: {  	v9 =	vor.u32 s0, v0;
	s0 =	sadd.s32 $0x10, s0  }
0x1c1: {  	_ =	sdelay $0x3  }
0x1c2: {  	v13 =	vsub.s32 v9, v7;
	vm3 =	vmmov vm1  }
0x1c3: {  	[tilespmem:v12+s20+$0x0] =	vst.idx.msk vm2, v11;
	vm2 =	vge.s32 v9, v7;
	vm4 =	vlt.u32 v9, $0xC8;
	vm5 =	vgt.s32 v13, $0x0  }
0x1c4: {  	v8 =	vand.u32 v5, v8;
	v7 =	vld.idx.msk [tilespmem:v10+s19+$0x0], vm1;
	vm1 =	vmand vm2, vm4;
	v63 =	vnsel vm5, $0x0, v13  }
0x1c5: {  	v10 =	vmin.u32 v63, $0xDF;
	_ =	sdelay $0x3  }
0x1c6: {  	[tilespmem:v8+s20+$0x0] =	vst.idx.msk vm3, v7  }
0x1c7: {  	v8 =	vand.u32 v5, v9;
	v7 =	vld.idx.msk [tilespmem:v10+s19+$0x0], vm1;
	_ =	sdelay $0x4  }
0x1c8: {  	vm2 =	vmmov vm1;
	[tilespmem:v8+s20+$0x0] =	vst.idx.msk vm1, v7  }
.LBB2_39:
0x1c9: {  	s0 =	simm.s32 $0x0  }
0x1ca: {  	v7 =	vmov s0  }
0x1cb: {  	v8 =	vshrl.u32 v7, $0x4  }
0x1cc: {  	v8 =	vmulhi.u32 $0x24924925, v8;
	_ =	sdelay $0x1  }
0x1cd: {  	v9 =	vmul.u32 $0x70, v8  }
0x1ce: {  	v10 =	vor.u32 s0, v0  }
0x1cf: {  	s31 =	simm.s32 $0x10;
	v11 =	vsub.s32 v10, v9  }
0x1d0: {  	v12 =	vmov s31;
	vm1 =	veq.s32 v7, v0;
	vm2 =	vne.s32 v11, $0x0  }
0x1d1: {  	v7 =	vshrl.u32 v12, $0x4;
	vm1 =	vmand vm1, vm2  }
0x1d2: {  	v10 =	vmulhi.u32 $0x24924925, v7;
	v7 =	vsel vm1, $0xFFFFFFFF, v1  }
0x1d3: {  	v8 =	vadd.s32 v7, v8  }
0x1d4: {  	s1 =	sadd.s32 $0x4E20, s26;
	v14 =	vor.u32 s31, v0;
	v9 =	vmul.u32 $0x70, v10;
	v13 =	vmul.u32 $0x70, v8  }
0x1d5: {  	s0 =	simm.s32 $0xED60;
	v15 =	vand.u32 $0x78, v11;
	vm1 =	veq.s32 v12, v0;
	v7 =	vmov s1  }
0x1d6: {  	s1 =	simm.s32 $0x20;
	v9 =	vsub.s32 v14, v9;
	v14 =	vand.u32 $0x7, v11;
	v11 =	vld [tilespmem:s0+$0x0];
	v13 =	vadd.s32 v15, v13  }
0x1d7: {  	s2 =	simm.s32 $0x30;
	v8 =	vmov s1;
	vm2 =	vne.s32 v9, $0x0;
	v12 =	vor.u32 v14, v13  }
.LBB2_40:
0x1d8: {  	p0 =	sne.s32 s2, $0xD0;
	v13 =	vshrl.u32 v8, $0x4;
	vm1 =	vmand vm1, vm2  }
0x1d9: {  	v13 =	vmulhi.u32 $0x24924925, v13;
	v14 =	vsel vm1, $0xFFFFFFFF, v1  }
.Ltmp30:
0x1da: {  	v16 =	vadd.s32 v14, v10;
	(pc) =	sbr.rel @p0 .LBB2_40-.Ltmp30, $4  }
0x1db: {  	v14 =	vmul.u32 $0x70, v13;
	v15 =	vmul.u32 $0x70, v16;
	v11 =	vadd.s32 v7, v11;
	v10 =	vmovc v13  }
0x1dc: {  	v17 =	vand.u32 $0x78, v9;
	s0 =	sadd.s32 $0x10, s0;
	v13 =	vmov s2;
	v16 =	vor.u32 s1, v0;
	s1 =	smov.u32 s2;
	[tilespmem:v12+s21+$0x0] =	vst.idx.msk $0xffff, v11  }
0x1dd: {  	v12 =	vand.u32 $0x7, v9;
	v11 =	vld [tilespmem:s0+$0x0];
	v9 =	vsub.s32 v16, v14;
	v14 =	vadd.s32 v17, v15  }
0x1de: {  	vm1 =	veq.s32 v8, v0;
	s2 =	sadd.s32 $0x10, s2;
	v8 =	vmovc v13;
	vm2 =	vne.s32 v9, $0x0;
	v12 =	vor.u32 v12, v14  }
0x1df: {  	v13 =	vshrl.u32 v8, $0x4;
	vm1 =	vmand vm1, vm2  }
0x1e0: {  	v13 =	vmulhi.u32 $0x24924925, v13;
	v14 =	vsel vm1, $0xFFFFFFFF, v1  }
0x1e1: {  	v10 =	vadd.s32 v14, v10  }
0x1e2: {  	v14 =	vmul.u32 $0x70, v13;
	v10 =	vmul.u32 $0x70, v10;
	v11 =	vadd.s32 v7, v11  }
0x1e3: {  	v15 =	vor.u32 s1, v0;
	v16 =	vand.u32 $0x78, v9;
	s0 =	sadd.s32 $0x10, s0;
	[tilespmem:v12+s21+$0x0] =	vst.idx.msk $0xffff, v11  }
0x1e4: {  	v9 =	vand.u32 $0x7, v9;
	v11 =	vsub.s32 v15, v14;
	v12 =	vld [tilespmem:s0+$0x0];
	v10 =	vadd.s32 v16, v10  }
0x1e5: {  	vm1 =	veq.s32 v8, v0;
	vm2 =	vne.s32 v11, $0x0;
	v8 =	vor.u32 v9, v10  }
0x1e6: {  	vm1 =	vmand vm1, vm2  }
0x1e7: {  	v9 =	vsel vm1, $0xFFFFFFFF, v1  }
0x1e8: {  	v9 =	vadd.s32 v9, v13  }
0x1e9: {  	v9 =	vmul.u32 $0x70, v9;
	v10 =	vadd.s32 v7, v12  }
0x1ea: {  	s0 =	sadd.s32 $0x10, s0;
	v12 =	vand.u32 $0x78, v11;
	[tilespmem:v8+s21+$0x0] =	vst.idx.msk $0xffff, v10  }
0x1eb: {  	v10 =	vand.u32 $0x7, v11;
	v8 =	vld [tilespmem:s0+$0x0];
	v9 =	vadd.s32 v12, v9  }
0x1ec: {  	v9 =	vor.u32 v10, v9;
	_ =	sdelay $0x3  }
0x1ed: {  	v7 =	vadd.s32 v7, v8  }
0x1ee: {  	s9 =	simm.s32 $0xEF20;
	[tilespmem:v9+s21+$0x0] =	vst.idx.msk $0xffff, v7  }
0x1ef: {  	[tilespmem:s9], [sflag:$0x1] =	stream.indirect.gather [hbm4b:s3+s22], $0x1, s21, s22, $0xb8;
	[tilespmem:$0xFD20] =	vst v63  }
0x1f0: {  	s10 =	simm.s32 $0xF000  }
0x1f1: {  	[tilespmem:s10], [sflag:$0x1] =	stream.indirect.gather [hbm4b:s5+s22], $0x1, s21, s22, $0xb8;
	[tilespmem:$0xFD20] =	vst v63  }
0x1f2: {  	s11 =	simm.s32 $0xF0E0  }
0x1f3: {  	[tilespmem:s11], [sflag:$0x1] =	stream.indirect.gather [hbm4b:s6+s22], $0x1, s21, s22, $0xb8;
	[tilespmem:$0xFD20] =	vst v63  }
0x1f4: {  	s23 =	simm.s32 $0xF1C0  }
0x1f5: {  	[tilespmem:s23], [sflag:$0x1] =	stream.indirect.gather [hbm4b:s7+s22], $0x1, s21, s22, $0xb8;
	[tilespmem:$0xFD20] =	vst v63  }
0x1f6: {  	s26 =	simm.s32 $0xEF90  }
0x1f7: {  	[tilespmem:s26], [sflag:$0x1] =	stream.indirect.gather [hbm4b:s3+s22], $0x1, s28, s22, $0xb8;
	[tilespmem:$0xFD20] =	vst v63  }
0x1f8: {  	s29 =	simm.s32 $0xF070  }
0x1f9: {  	[tilespmem:s29], [sflag:$0x1] =	stream.indirect.gather [hbm4b:s5+s22], $0x1, s28, s22, $0xb8;
	[tilespmem:$0xFD20] =	vst v63  }
0x1fa: {  	s30 =	simm.s32 $0xF150  }
0x1fb: {  	[tilespmem:s30], [sflag:$0x1] =	stream.indirect.gather [hbm4b:s6+s22], $0x1, s28, s22, $0xb8;
	[tilespmem:$0xFD20] =	vst v63  }
0x1fc: {  	s31 =	simm.s32 $0xF230  }
0x1fd: {  	[tilespmem:s31], [sflag:$0x1] =	stream.indirect.gather [hbm4b:s7+s22], $0x1, s28, s22, $0xb8;
	[tilespmem:$0xFD20] =	vst v63  }
0x1fe: {  	_ =	swait.ge [sflag:s4], $0x70  }
0x1ff: {  	[sflag:s4] =	ssyncset.done $0x0  }
0x200: {  	[sflag:s4] =	ssyncadd.s32 $0xFFFFFF90  }
0x201: {  	_ =	swait.ge [sflag:s4], $0x70  }
0x202: {  	[sflag:s4] =	ssyncset.done $0x0  }
0x203: {  	[sflag:s4] =	ssyncadd.s32 $0xFFFFFF90  }
0x204: {  	_ =	swait.ge [sflag:s4], $0x70  }
0x205: {  	[sflag:s4] =	ssyncset.done $0x0  }
0x206: {  	[sflag:s4] =	ssyncadd.s32 $0xFFFFFF90  }
0x207: {  	_ =	swait.ge [sflag:s4], $0x70  }
0x208: {  	[sflag:s4] =	ssyncset.done $0x0  }
0x209: {  	[sflag:s4] =	ssyncadd.s32 $0xFFFFFF90  }
0x20a: {  	_ =	swait.ge [sflag:s4], $0x70  }
0x20b: {  	[sflag:s4] =	ssyncset.done $0x0  }
0x20c: {  	[sflag:s4] =	ssyncadd.s32 $0xFFFFFF90  }
0x20d: {  	_ =	swait.ge [sflag:s4], $0x70  }
0x20e: {  	[sflag:s4] =	ssyncset.done $0x0  }
0x20f: {  	[sflag:s4] =	ssyncadd.s32 $0xFFFFFF90  }
0x210: {  	_ =	swait.ge [sflag:s4], $0x70  }
0x211: {  	[sflag:s4] =	ssyncset.done $0x0  }
0x212: {  	[sflag:s4] =	ssyncadd.s32 $0xFFFFFF90  }
0x213: {  	_ =	swait.ge [sflag:s4], $0x70  }
0x214: {  	[sflag:s4] =	ssyncset.done $0x0  }
0x215: {  	s0 =	simm.s32 $0x0;
	[sflag:s4] =	ssyncadd.s32 $0xFFFFFF90  }
0x216: {  	v10 =	vld [tilespmem:s0+$0xF0E0]  }
0x217: {  	v11 =	vld [tilespmem:s0+$0xEF20]  }
0x218: {  	v12 =	vld [tilespmem:s0+$0xF1C0]  }
0x219: {  	v13 =	vld [tilespmem:s0+$0xF000]  }
0x21a: {  	v14 =	vld [tilespmem:s0+$0xEE40]  }
0x21b: {  	s1 =	simm.s32 $0x10  }
0x21c: {  	v7 =	vld [tilespmem:s1+$0xF0E0]  }
0x21d: {  	v9 =	vld [tilespmem:s1+$0xEF20]  }
0x21e: {  	v8 =	vld [tilespmem:s1+$0xF1C0];
	v15 =	vsub.f32 v10, v11;
	v13 =	vsub.f32 v12, v13  }
0x21f: {  	v11 =	vld [tilespmem:s1+$0xF000];
	vm1 =	vgt.f32 v14, $5.000000070e-02  }
0x220: {  	s2 =	simm.s32 $0x80;
	s26 =	simm.s32 $0x0;
	v10 =	vld [tilespmem:s1+$0xEE40];
	v14 =	vsel vm1, $0x1, v1;
	v12 =	vadd.f32 $1.000000000e+00, v15;
	v13 =	vadd.f32 $1.000000000e+00, v13  }
.LBB2_42:
0x221: {  	s8 =	sshra.s32 s2, $0x2;
	[tilespmem:s0+$0xF380] =	vst v14;
	v14 =	vmov v7;
	p0 =	sne.s32 s2, $0x340  }
.Ltmp31:
0x222: {  	v7 =	vld [tilespmem:s8+$0xF0E0];
	v12 =	vmul.f32 v13, v12;
	v13 =	vmov v9;
	(pc) =	sbr.rel @p0 .LBB2_42-.Ltmp31, $4  }
0x223: {  	v9 =	vld [tilespmem:s8+$0xEF20]  }
0x224: {  	s2 =	sadd.s32 $0x40, s2;
	v13 =	vsub.f32 v14, v13;
	v14 =	vsub.f32 v8, v11;
	v8 =	vld [tilespmem:s8+$0xF1C0];
	[tilespmem:s0+$0xF2A0] =	vst v12;
	s0 =	smov.u32 s1  }
0x225: {  	s1 =	smov.u32 s8;
	v11 =	vld [tilespmem:s8+$0xF000];
	vm1 =	vgt.f32 v10, $5.000000070e-02  }
0x226: {  	v12 =	vadd.f32 $1.000000000e+00, v13;
	v10 =	vld [tilespmem:s1+$0xEE40];
	v13 =	vadd.f32 $1.000000000e+00, v14;
	v14 =	vsel vm1, $0x1, v1  }
0x227: {  	_ =	sdelay $0x2  }
0x228: {  	v7 =	vsub.f32 v7, v9;
	v8 =	vsub.f32 v8, v11;
	_ =	sdelay $0x1  }
.Ltmp32:
0x229: {  	v62 =	vmul.f32 v13, v12;
	v7 =	vadd.f32 $1.000000000e+00, v7;
	v8 =	vadd.f32 $1.000000000e+00, v8;
	(pc) =	sbr.rel .LBB2_44-.Ltmp32, $4  }
0x22a: {  	[tilespmem:s0+$0xF380] =	vst v14;
	vm1 =	vgt.f32 v10, $5.000000070e-02  }
0x22b: {  	[tilespmem:s0+$0xF2A0] =	vst v62;
	v63 =	vsel vm1, $0x1, v1;
	v7 =	vmul.f32 v8, v7  }
0x22c: {  	[tilespmem:s1+$0xF380] =	vst v63  }
0x22d: {  	[tilespmem:s1+$0xF2A0] =	vst v7  }
.LBB2_47:
0x22e: {  	v7 =	vmax.f32 v7, v13  }
0x22f: {  	v8 =	vmax.f32 v8, v15;
	v9 =	vmin.f32 v9, v14;
	v10 =	vmin.f32 v10, v16;
	s0 =	sadd.s32 $0x10, s0  }
0x230: {  	v7 =	vsub.f32 v9, v7;
	v8 =	vsub.f32 v10, v8;
	v61 =	vld [tilespmem:s0+$0x0];
	_ =	sdelay $0x1  }
0x231: {  	v7 =	vadd.f32 $1.000000000e+00, v7;
	v8 =	vadd.f32 $1.000000000e+00, v8;
	_ =	sdelay $0x1  }
0x232: {  	v7 =	vmax.f32 v7, $0.0e+00;
	v8 =	vmax.f32 v8, $0.0e+00  }
0x233: {  	v7 =	vmul.f32 v8, v7;
	v8 =	vadd.f32 v61, v11;
	_ =	sdelay $0x1  }
0x234: {  	v8 =	vsub.f32 v8, v7;
	_ =	sdelay $0x1  }
0x235: {  	(erf) = vrcp.f32 v8;
	_ =	sdelay $0x7  }
0x236: {  	s31 =	sadd.s32 $0x10, s1  }
0x237: {  	v8 =	vld [tilespmem:s31+$0x0];
	v62 =	vpop (erf)  }
0x238: {  	v7 =	vmul.f32 v62, v7  }
0x239: {  	v63 =	vor.u32 s23, v0  }
0x23a: {  	vm2 =	vgt.u32 v63, v12;
	vm1 =	vgt.f32 v7, $5.000000000e-01  }
0x23b: {  	vm1 =	vmand vm2, vm1  }
0x23c: {  	v7 =	vsel vm1, $0x0, v8  }
0x23d: {  	[tilespmem:s31+$0x0] =	vst v7  }
.LBB2_48:
0x23e: {  	s26 =	sadd.s32 $0x1, s26  }
0x23f: {  	p0 =	sne.s32 s26, $0xC8  }
.Ltmp33:
0x240: {  	_ = 	snop;
	(pc) =	sbr.rel @!p0 .LBB2_49-.Ltmp33, $1  }
0x241: {  	_ =	sdelay $0x3  }
.LBB2_44:
0x242: {  	v7 =	vld [tilespmem:s26+$0xF380];
	_ =	sdelay $0x4  }
0x243: {  	(v2sf) =	vpush v7, $0x0;
	_ =	sdelay $0xe  }
0x244: {  	s0 =	spop (v2sf)  }
0x245: {  	p0 =	seq.s32 s0, $0x0  }
.Ltmp34:
0x246: {  	_ = 	snop;
	(pc) =	sbr.rel @p0 .LBB2_48-.Ltmp34, $1  }
0x247: {  	_ =	sdelay $0x3  }
0x248: {  	v7 =	vld.msk [tilespmem:s26+$0xEF20 ss:$0x0], $0xffff  }
0x249: {  	v8 =	vld.msk [tilespmem:s26+$0xF000 ss:$0x0], $0xffff  }
0x24a: {  	v9 =	vld.msk [tilespmem:s26+$0xF0E0 ss:$0x0], $0xffff  }
0x24b: {  	v10 =	vld.msk [tilespmem:s26+$0xF1C0 ss:$0x0], $0xffff;
	s0 =	simm.s32 $0xEF20  }
0x24c: {  	s1 =	simm.s32 $0xF0E0;
	v11 =	vld [tilespmem:s0+$0x0]  }
0x24d: {  	s11 =	simm.s32 $0xF000;
	v12 =	vld [tilespmem:s1+$0x0]  }
0x24e: {  	s23 =	simm.s32 $0xF1C0;
	v13 =	vld [tilespmem:s11+$0x0]  }
0x24f: {  	v14 =	vld [tilespmem:s23+$0x0];
	_ =	sdelay $0x3  }
0x250: {  	v15 =	vmax.f32 v7, v11  }
0x251: {  	s0 =	simm.s32 $0xF2A0;
	v11 =	vld.msk [tilespmem:s26+$0xF2A0 ss:$0x0], $0xffff;
	v13 =	vmax.f32 v8, v13;
	v12 =	vmin.f32 v9, v12;
	v14 =	vmin.f32 v10, v14  }
0x252: {  	v12 =	vsub.f32 v12, v15;
	v13 =	vsub.f32 v14, v13;
	v14 =	vld [tilespmem:s0+$0x0];
	_ =	sdelay $0x1  }
0x253: {  	v12 =	vadd.f32 $1.000000000e+00, v12;
	v13 =	vadd.f32 $1.000000000e+00, v13;
	_ =	sdelay $0x1  }
0x254: {  	v12 =	vmax.f32 v12, $0.0e+00;
	v13 =	vmax.f32 v13, $0.0e+00  }
0x255: {  	v12 =	vmul.f32 v13, v12;
	v13 =	vadd.f32 v14, v11;
	_ =	sdelay $0x1  }
0x256: {  	v13 =	vsub.f32 v13, v12;
	_ =	sdelay $0x1  }
0x257: {  	(erf) = vrcp.f32 v13;
	_ =	sdelay $0x7  }
0x258: {  	s1 =	simm.s32 $0xF380  }
0x259: {  	v13 =	vld [tilespmem:s1+$0x0];
	v14 =	vpop (erf)  }
0x25a: {  	s2 =	simm.s32 $0x0;
	v14 =	vmul.f32 v14, v12  }
0x25b: {  	v15 =	vor.u32 s2, v0;
	v12 =	vmov s26  }
0x25c: {  	vm2 =	vgt.u32 v15, v12;
	vm1 =	vgt.f32 v14, $5.000000000e-01  }
0x25d: {  	vm1 =	vmand vm2, vm1  }
0x25e: {  	v13 =	vsel vm1, $0x0, v13  }
0x25f: {  	s29 =	simm.s32 $0xEF30;
	[tilespmem:s1+$0x0] =	vst v13  }
0x260: {  	s30 =	simm.s32 $0xF0F0;
	v13 =	vld [tilespmem:s29+$0x0]  }
0x261: {  	s31 =	simm.s32 $0xF010;
	v14 =	vld [tilespmem:s30+$0x0]  }
0x262: {  	s2 =	simm.s32 $0xF1D0;
	v15 =	vld [tilespmem:s31+$0x0]  }
0x263: {  	s8 =	simm.s32 $0x20;
	s23 =	simm.s32 $0x10;
	v16 =	vld [tilespmem:s2+$0x0]  }
.LBB2_46:
0x264: {  	p0 =	sne.s32 s8, $0xD0;
	_ =	sdelay $0x2  }
0x265: {  	v13 =	vmax.f32 v7, v13  }
0x266: {  	v15 =	vmax.f32 v8, v15;
	v14 =	vmin.f32 v9, v14;
	v16 =	vmin.f32 v10, v16;
	s0 =	sadd.s32 $0x10, s0  }
0x267: {  	v13 =	vsub.f32 v14, v13;
	v14 =	vsub.f32 v16, v15;
	v15 =	vld [tilespmem:s0+$0x0];
	_ =	sdelay $0x1  }
0x268: {  	v13 =	vadd.f32 $1.000000000e+00, v13;
	v14 =	vadd.f32 $1.000000000e+00, v14;
	_ =	sdelay $0x1  }
0x269: {  	v13 =	vmax.f32 v13, $0.0e+00;
	v14 =	vmax.f32 v14, $0.0e+00  }
0x26a: {  	v13 =	vmul.f32 v14, v13;
	v14 =	vadd.f32 v15, v11;
	_ =	sdelay $0x1  }
0x26b: {  	v14 =	vsub.f32 v14, v13;
	_ =	sdelay $0x1  }
0x26c: {  	(erf) = vrcp.f32 v14;
	_ =	sdelay $0x7  }
0x26d: {  	s1 =	sadd.s32 $0x10, s1  }
0x26e: {  	v14 =	vld [tilespmem:s1+$0x0];
	v15 =	vpop (erf)  }
0x26f: {  	v13 =	vmul.f32 v15, v13  }
0x270: {  	v15 =	vor.u32 s23, v0;
	s23 =	smov.u32 s8  }
0x271: {  	vm2 =	vgt.u32 v15, v12;
	vm1 =	vgt.f32 v13, $5.000000000e-01  }
0x272: {  	vm1 =	vmand vm2, vm1  }
0x273: {  	v13 =	vsel vm1, $0x0, v14  }
.Ltmp35:
0x274: {  	s29 =	sadd.s32 $0x10, s29;
	[tilespmem:s1+$0x0] =	vst v13;
	(pc) =	sbr.rel @p0 .LBB2_46-.Ltmp35, $4  }
0x275: {  	s30 =	sadd.s32 $0x10, s30;
	v13 =	vld [tilespmem:s29+$0x0]  }
0x276: {  	s31 =	sadd.s32 $0x10, s31;
	v14 =	vld [tilespmem:s30+$0x0]  }
0x277: {  	s2 =	sadd.s32 $0x10, s2;
	v15 =	vld [tilespmem:s31+$0x0]  }
0x278: {  	s8 =	sadd.s32 $0x10, s8;
	v16 =	vld [tilespmem:s2+$0x0]  }
.Ltmp36:
0x279: {  	_ = 	snop;
	(pc) =	sbr.rel .LBB2_47-.Ltmp36, $1  }
0x27a: {  	_ =	sdelay $0x3  }
.LBB2_49:
0x27b: {  	s0 =	simm.s32 $0xF380  }
0x27c: {  	s1 =	simm.s32 $0xEE40;
	v7 =	vld [tilespmem:s0+$0x0]  }
0x27d: {  	v8 =	vld [tilespmem:s1+$0x0];
	_ =	sdelay $0x3  }
0x27e: {  	s2 =	simm.s32 $0x0;
	vm1 =	veq.s32 v7, $0x0  }
0x27f: {  	s23 =	simm.s32 $0xF460;
	v7 =	vmov s2;
	v8 =	vsel vm1, $0xBF800000, v8  }
0x280: {  	s11 =	simm.s32 $0xEF20;
	v7 =	vshll.u32 v7, $0x3;
	[tilespmem:s23+$0x0] =	vst v8  }
0x281: {  	v9 =	vor.u32 v6, v7;
	v8 =	vld [tilespmem:s11+$0x0];
	_ =	sdelay $0x4  }
0x282: {  	s26 =	simm.s32 $0xF000;
	[tilespmem:v9+s12+$0x0] =	vst.idx.msk $0xffff, v8  }
0x283: {  	v8 =	vor.u32 $0x1, v9;
	v7 =	vld [tilespmem:s26+$0x0];
	_ =	sdelay $0x4  }
0x284: {  	s31 =	simm.s32 $0xF0E0;
	[tilespmem:v8+s12+$0x0] =	vst.idx.msk $0xffff, v7  }
0x285: {  	v8 =	vor.u32 $0x2, v9;
	v7 =	vld [tilespmem:s31+$0x0];
	_ =	sdelay $0x4  }
0x286: {  	s9 =	simm.s32 $0xF1C0;
	[tilespmem:v8+s12+$0x0] =	vst.idx.msk $0xffff, v7  }
0x287: {  	v8 =	vor.u32 $0x3, v9;
	v7 =	vld [tilespmem:s9+$0x0];
	_ =	sdelay $0x2  }
0x288: {  	s8 =	simm.s32 $0xF1D0;
	s29 =	simm.s32 $0xF010  }
0x289: {  	s30 =	simm.s32 $0xF0F0;
	s2 =	simm.s32 $0x10;
	s26 =	simm.s32 $0xEF30  }
.LBB2_50:
0x28a: {  	[tilespmem:v8+s12+$0x0] =	vst.idx.msk $0xffff, v7;
	s0 =	sadd.s32 $0x10, s0;
	s1 =	sadd.s32 $0x10, s1;
	s23 =	sadd.s32 $0x10, s23  }
0x28b: {  	p0 =	sne.s32 s2, $0xD0;
	s9 =	smov.u32 s2;
	s2 =	sadd.s32 $0x10, s2;
	v7 =	vld [tilespmem:s0+$0x0]  }
0x28c: {  	v8 =	vld [tilespmem:s1+$0x0];
	_ =	sdelay $0x3  }
0x28d: {  	vm1 =	veq.s32 v7, $0x0  }
0x28e: {  	v7 =	vmov s9;
	v8 =	vsel vm1, $0xBF800000, v8  }
0x28f: {  	v7 =	vshll.u32 v7, $0x3;
	[tilespmem:s23+$0x0] =	vst v8  }
0x290: {  	v9 =	vor.u32 v6, v7;
	v8 =	vld [tilespmem:s26+$0x0];
	_ =	sdelay $0x4  }
0x291: {  	[tilespmem:v9+s12+$0x0] =	vst.idx.msk $0xffff, v8  }
0x292: {  	v8 =	vor.u32 $0x1, v9;
	v7 =	vld [tilespmem:s29+$0x0];
	_ =	sdelay $0x4  }
0x293: {  	[tilespmem:v8+s12+$0x0] =	vst.idx.msk $0xffff, v7  }
0x294: {  	v8 =	vor.u32 $0x2, v9;
	v7 =	vld [tilespmem:s30+$0x0];
	_ =	sdelay $0x4  }
0x295: {  	[tilespmem:v8+s12+$0x0] =	vst.idx.msk $0xffff, v7  }
.Ltmp37:
0x296: {  	v8 =	vor.u32 $0x3, v9;
	v7 =	vld [tilespmem:s8+$0x0];
	(pc) =	sbr.rel @p0 .LBB2_50-.Ltmp37, $3  }
0x297: {  	_ =	sdelay $0x1  }
0x298: {  	s8 =	sadd.s32 $0x10, s8  }
0x299: {  	s26 =	sadd.s32 $0x10, s26;
	s29 =	sadd.s32 $0x10, s29;
	s30 =	sadd.s32 $0x10, s30  }
0x29a: {  	_ =	sdelay $0x1  }
0x29b: {  	s0 =	smul.u32 $0x19, s25  }
0x29c: {  	s1 =	rddreg [dreg:$0x3]  }
0x29d: {  	[tilespmem:v8+s12+$0x0] =	vst.idx.msk $0xffff, v7;
	s26 =	simm.s32 $0x0;
	s2 =	simm.s32 $0xF460;
	s0 =	sadd.s32 s1, s0  }
0x29e: {  	[hbm4b:s0+s26] =	stream.linear.scatter [tilespmem:s2], [sflag:$0x2], $0xC8, $0x38;
	[tilespmem:$0xFD20] =	vst v63  }
0x29f: {  	s29 =	smul.u32 $0xC8, s25;
	_ =	swait.ge [sflag:s13], $0xC8  }
0x2a0: {  	[sflag:s13] =	ssyncset.done $0x0;
	s30 =	rddreg [dreg:$0x4]  }
0x2a1: {  	[sflag:s13] =	ssyncadd.s32 $0xFFFFFF38;
	s0 =	sadd.s32 s30, s29  }
0x2a2: {  	[hbm4b:s0+s26] =	stream.linear.scatter [tilespmem:s12], [sflag:$0x2], $0x640, $0x38;
	[tilespmem:$0xFD20] =	vst v63  }
0x2a3: {  	_ =	swait.ge [sflag:s13], $0x640  }
0x2a4: {  	s24 =	sadd.s32 $0x1, s24;
	s31 =	rddreg [dreg:$0x6]  }
0x2a5: {  	p0 =	sne.s32 s24, s31  }
.Ltmp38:
0x2a6: {  	_ = 	snop;
	(pc) =	sbr.rel @p0 .LBB2_2-.Ltmp38, $4  }
.Ltmp39:
0x2a7: {  	_ = 	snop;
	(pc) =	sbr.rel @!p0 .LBB2_52-.Ltmp39, $4  }
0x2a8: {  	_ = 	snop  }
0x2a9: {  	[sflag:s13] =	ssyncset.done $0x0  }
0x2aa: {  	[sflag:s13] =	ssyncadd.s32 $0xFFFFF9C0  }
0x2ab: {  	_ = 	snop  }
.LBB2_22:
.Ltmp40:
0x2ac: {  	(pc) =	sbr.rel .LBB2_26-.Ltmp40, $2  }
0x2ad: {  	_ =	sdelay $0x2  }
0x2ae: {  	s8 =	simm.s32 $0x0;
	s2 =	simm.s32 $0x0;
	s23 =	simm.s32 $0x9C60  }
.LBB2_24:
.Ltmp41:
0x2af: {  	(pc) =	sbr.rel .LBB2_26-.Ltmp41, $2  }
0x2b0: {  	_ =	sdelay $0x2  }
0x2b1: {  	s8 =	simm.s32 $0x0;
	s2 =	simm.s32 $0x0;
	s23 =	simm.s32 $0x9C60  }
.LBB2_53:
0x2b2: {  	_ =	sfence.sel $0x180000  }
0x2b3: {  	[bflag:$0x0] =	sbarrier.arrive $0xFFFF  }
0x2b4: {  	_ =	strace $0x90000047  }
0x2b5: {  	s0 =	stileid.u32;
	[bflag:$0x2] =	sbarrier.arrive $0xFFFF  }
0x2b6: {  	p0 =	sne.s32 s0, $0x0;
	s0 =	rddreg [dreg:$0x1]  }
0x2b7: {  	s0 =	sadd.s32 @!p0 $0x100000, s0  }
0x2b8: {  	[sflag:s0] =	ssyncadd.tile.s32 @!p0 $0x1;
	_ =	shalt  }
.Lfunc_end2:
_tile_overlayer_lowered:
.L_overlay_start_2:
0x2b9: {  	(tag) =	ssettag $0x2  }
0x2ba: {  	s0 =	rddreg [dreg:$0x0];
	s2 =	stileid.u32  }
0x2bb: {  	s1 =	rddreg [dreg:$0x1];
	p0 =	sne.s32 s2, $0x0  }
0x2bc: {  	s3 =	rddreg [dreg:$0x2];
	[bflag:$0x3] =	sbarrier.arrive $0xFFFF;
	s2 =	simm.s32 @!p0 $0x1C02  }
0x2bd: {  	[timem:s3], [sflag:s2] =	dma.local @!p0 [hbm:s0], s1  }
0x2be: {  	s0 =	simm.s32 @!p0 $0x2  }
0x2bf: {  	_ =	swait.ge @!p0 [sflag:s0], s1  }
0x2c0: {  	s1 =	ssub.s32 @!p0 $0x0, s1;
	[sflag:s0] =	ssyncset.done @!p0 $0x0  }
0x2c1: {  	[sflag:s0] =	ssyncadd.s32 @!p0 s1  }
0x2c2: {  	[bflag:$0x3] =	sbarrier.arrive $0xFFFF  }
0x2c3: {  	_ =	shalt  }

// kernel: kernel.8.cloned.1.call-start
scs
__scs_entry_jumppad:
0x0: {  	(pc) =	sbr.rel $0x88, $3  }
0x1: {  	(tag) =	ssettag $0x0;
	lr =	simm.s32 $0x1  }
0x2: {  	[smem:$0x3F9E] =	sst lr;
	_ =	strace $0xD0000000  }
0x3: {  	_ = 	snop  }
0x4: {  	_ = 	snop  }
0x5: {  	_ = 	snop  }
0x6: {  	_ = 	snop  }
0x7: {  	_ = 	snop  }
__scs_overlays_trampoline_lowered:
0x8: {  	[smem:$0x3FAD] =	sst s0  }
0x9: {  	[smem:$0x3FAE] =	sst s1  }
0xa: {  	[smem:$0x3FAF] =	sst s2  }
0xb: {  	[smem:$0x3FB0] =	sst s3  }
0xc: {  	[smem:$0x3FB1] =	sst s4  }
0xd: {  	[smem:$0x3FB2] =	sst s5  }
0xe: {  	[smem:$0x3FB3] =	sst s6  }
0xf: {  	[smem:$0x3FB4] =	sst s7  }
0x10: {  	[smem:$0x3FB5] =	sst s8  }
0x11: {  	[smem:$0x3FB6] =	sst s9;
	s0 =	simm.s32 @!p0 $0x0  }
0x12: {  	s1 =	sld [smem:$0x3F9C];
	s0 =	simm.s32 @p0 $0x1  }
0x13: {  	[smem:$0x3FB7] =	sst s0;
	s0 =	simm.s32 @!p1 $0x0  }
0x14: {  	s2 =	sld [smem:$0x3F9B];
	s0 =	simm.s32 @p1 $0x1  }
0x15: {  	[smem:$0x3FB8] =	sst s0;
	s0 =	simm.s32 @!p2 $0x0  }
0x16: {  	s3 =	sld [smem:$0x3FDB];
	s0 =	simm.s32 @p2 $0x1  }
0x17: {  	s4 =	simm.s32 $0x1BF5;
	[smem:$0x3FBA] =	sst s0  }
0x18: {  	s0 =	sld [smem:$0x3F9D];
	_ =	swait.ge [sflag:s4], $0x0  }
0x19: {  	s7 =	sld [smem:$0x3F9E]  }
0x1a: {  	s8 =	sadd.s32 $0xFFFFE003, lr  }
0x1b: {  	s9 =	sadd.s32 $0xFFFFFEF7, lr;
	s5 =	simm.s32 $0xFFFFFFFF;
	p2 =	slt.u32 s8, $0xFFFFF086  }
0x1c: {  	p1 =	slt.u32 s9, $0xF7A;
	s5 =	simm.s32 @!p2 $0x0  }
0x1d: {  	s5 =	simm.s32 @p1 $0x1;
	p0 =	seq.s32 s7, s2  }
0x1e: {  	s7 =	smul.u32 @!p0 $0xF7A, s2;
	p2 =	seq.s32 @!p0 s5, $0x0  }
0x1f: {  	s9 =	smul.u32 $0xF7A, s1;
	s8 =	simm.s32 @!p0 $0x1BF5;
	p2 =	por !p2, p0  }
0x20: {  	[sflag:s8] =	ssyncset.s32 @!p0 $0xFFFFF086;
	s6 =	sadd.s32 @!p0 s3, s7;
	s7 =	simm.s32 @!p0 $0x108  }
0x21: {  	s3 =	sadd.s32 s3, s9;
	s6 =	sadd.s32 @!p0 $0x88, s6;
	s7 =	simm.s32 @p2 $0x1082  }
0x22: {  	[simem:s7], [sflag:s8] =	dma.local @!p0 [hbm:s6], $0xF7A  }
0x23: {  	s9 =	sor.u32 $0xD0000000, s2;
	s6 =	simm.s32 $0x108;
	_ =	swait.ge @!p0 [sflag:s8], $0x0  }
0x24: {  	s3 =	sadd.s32 $0x88, s3;
	s6 =	simm.s32 @!p1 $0x1082;
	[sflag:s4] =	ssyncset.s32 $0xFFFFF086  }
0x25: {  	[simem:s6], [sflag:s4] =	dma.local [hbm:s3], $0xF7A  }
0x26: {  	[smem:$0x3F9E] =	sst s1;
	(tag) =	ssettag s2;
	_ =	strace s9  }
0x27: {  	s1 =	sld [smem:$0x3FAE]  }
0x28: {  	s2 =	sld [smem:$0x3FAF]  }
0x29: {  	s4 =	sld [smem:$0x3FB1]  }
0x2a: {  	p0 =	seq.s32 s5, $0x0;
	s5 =	sld [smem:$0x3FB2]  }
0x2b: {  	s6 =	sld [smem:$0x3FB3]  }
0x2c: {  	s7 =	sld [smem:$0x3FB4]  }
0x2d: {  	s3 =	simm.s32 $0x108;
	s8 =	sld [smem:$0x3FB5]  }
0x2e: {  	s3 =	simm.s32 @!p0 $0x1082;
	s9 =	sld [smem:$0x3FB6]  }
0x2f: {  	lr =	sadd.s32 s0, s3;
	s0 =	sld [smem:$0x3FAD]  }
0x30: {  	s3 =	sld [smem:$0x3FB0]  }
0x31: {  	[smem:$0x3FB9] =	sst s10  }
0x32: {  	s10 =	sld [smem:$0x3FB7];
	_ =	sdelay $0x3  }
0x33: {  	p0 =	seq.s32 s10, $0x1;
	s10 =	sld [smem:$0x3FB9];
	_ =	sdelay $0x3  }
0x34: {  	[smem:$0x3FB9] =	sst s10  }
0x35: {  	s10 =	sld [smem:$0x3FB8];
	_ =	sdelay $0x3  }
0x36: {  	p1 =	seq.s32 s10, $0x1;
	s10 =	sld [smem:$0x3FB9];
	_ =	sdelay $0x3  }
0x37: {  	[smem:$0x3FB9] =	sst s10  }
0x38: {  	s10 =	sld [smem:$0x3FBA]  }
0x39: {  	_ = 	snop;
	(pc) =	sbr.ind lr, $3  }
0x3a: {  	_ = 	snop  }
0x3b: {  	_ = 	snop  }
0x3c: {  	p2 =	seq.s32 s10, $0x1;
	s10 =	sld [smem:$0x3FB9]  }
0x3d: {  	_ =	shalt  }
0x3e: {  	_ =	shalt  }
0x3f: {  	_ =	shalt  }
0x40: {  	_ =	shalt  }
0x41: {  	_ =	shalt  }
0x42: {  	_ =	shalt  }
0x43: {  	_ =	shalt  }
0x44: {  	_ =	shalt  }
0x45: {  	_ =	shalt  }
0x46: {  	_ =	shalt  }
0x47: {  	_ =	shalt  }
0x48: {  	_ =	shalt  }
0x49: {  	_ =	shalt  }
0x4a: {  	_ =	shalt  }
0x4b: {  	_ =	shalt  }
0x4c: {  	_ =	shalt  }
0x4d: {  	_ =	shalt  }
0x4e: {  	_ =	shalt  }
0x4f: {  	_ =	shalt  }
0x50: {  	_ =	shalt  }
0x51: {  	_ =	shalt  }
0x52: {  	_ =	shalt  }
0x53: {  	_ =	shalt  }
0x54: {  	_ =	shalt  }
0x55: {  	_ =	shalt  }
0x56: {  	_ =	shalt  }
0x57: {  	_ =	shalt  }
0x58: {  	_ =	shalt  }
0x59: {  	_ =	shalt  }
0x5a: {  	_ =	shalt  }
0x5b: {  	_ =	shalt  }
0x5c: {  	_ =	shalt  }
0x5d: {  	_ =	shalt  }
0x5e: {  	_ =	shalt  }
0x5f: {  	_ =	shalt  }
0x60: {  	_ =	shalt  }
0x61: {  	_ =	shalt  }
0x62: {  	_ =	shalt  }
0x63: {  	_ =	shalt  }
0x64: {  	_ =	shalt  }
0x65: {  	_ =	shalt  }
0x66: {  	_ =	shalt  }
0x67: {  	_ =	shalt  }
0x68: {  	_ =	shalt  }
0x69: {  	_ =	shalt  }
0x6a: {  	_ =	shalt  }
0x6b: {  	_ =	shalt  }
0x6c: {  	_ =	shalt  }
0x6d: {  	_ =	shalt  }
0x6e: {  	_ =	shalt  }
0x6f: {  	_ =	shalt  }
0x70: {  	_ =	shalt  }
0x71: {  	_ =	shalt  }
0x72: {  	_ =	shalt  }
0x73: {  	_ =	shalt  }
0x74: {  	_ =	shalt  }
0x75: {  	_ =	shalt  }
0x76: {  	_ =	shalt  }
0x77: {  	_ =	shalt  }
0x78: {  	_ =	shalt  }
0x79: {  	_ =	shalt  }
0x7a: {  	_ =	shalt  }
0x7b: {  	_ =	shalt  }
0x7c: {  	_ =	shalt  }
0x7d: {  	_ =	shalt  }
0x7e: {  	_ =	shalt  }
0x7f: {  	_ =	shalt  }
0x80: {  	_ =	shalt  }
0x81: {  	_ =	shalt  }
0x82: {  	_ =	shalt  }
0x83: {  	_ =	shalt  }
0x84: {  	_ =	shalt  }
0x85: {  	_ =	shalt  }
0x86: {  	_ =	shalt  }
0x87: {  	_ =	shalt  }
.Lfunc_end0:
.L_simem_size_0:
called_computation.1_lowered:
.L_overlay_start_0:
0x88: {  	s2 =	sld [smem:$0x3FD9]  }
0x89: {  	s3 =	sld [smem:$0x3FFE];
	_ =	sdelay $0x1  }
0x8a: {  	s1 =	srdreg.scid  }
0x8b: {  	s0 =	sand.u32 $0x1, s1  }
0x8c: {  	s14 =	sshll.u32 s0, $0xA;
	s2 =	sadd.s32 s3, s2  }
0x8d: {  	s2 =	sadd.s32 s2, s14  }
0x8e: {  	[smem:$0x3FC5] =	sst s2  }
0x8f: {  	_ = 	snop  }
0x90: {  	s2 =	sld [smem:$0x3FD0];
	_ =	sdelay $0x2  }
0x91: {  	s15 =	simm.s32 $0xA;
	s4 =	simm.s32 $0x10  }
0x92: {  	[smem:s4], [sflag:s15] =	dma.local [hbm:s2], $0x1  }
0x93: {  	_ =	swait.eq [sflag:s15], $0x1  }
0x94: {  	[sflag:s15] =	ssyncset.done $0x0  }
0x95: {  	s16 =	sld [smem:$0x10];
	[sflag:s15] =	ssyncadd.s32 $0xFFFFFFFF  }
0x96: {  	s17 =	sld [smem:$0x11];
	(tm) =	ssettm $0x1  }
0x97: {  	s18 =	sld [smem:$0x3FFB];
	_ =	sdelay $0x3  }
0x98: {  	_ =	strace s18  }
0x99: {  	s4 =	sld [smem:$0x3FFC];
	_ =	sdelay $0x3  }
0x9a: {  	_ =	strace s4  }
0x9b: {  	s4 =	sld [smem:$0x3FFD];
	_ =	sdelay $0x3  }
0x9c: {  	_ =	strace s4  }
0x9d: {  	_ =	strace $0x8FFFFFFF  }
0x9e: {  	s19 =	sld [smem:$0x3FDB];
	_ =	sdelay $0x1  }
0x9f: {  	s5 =	simm.s32 $_scs_section_size  }
0xa0: {  	s6 =	simm.s32 $_size__tile_overlayer_lowered;
	s7 =	simm.s32 $_tile_overlayer_lowered  }
0xa1: {  	s22 =	simm.s32 $0x1BFF;
	s21 =	sshll.u32 s7, $0x1;
	s4 =	sadd.s32 s5, s19  }
0xa2: {  	s8 =	simm.s32 $0x0;
	s20 =	sshll.u32 s6, $0x1;
	s6 =	sadd.s32 s21, s4  }
0xa3: {  	[timem:s8], [sflag:s22] =	dma.local [hbm:s6], s20  }
0xa4: {  	_ =	swait.ge [sflag:s22], s20  }
0xa5: {  	s5 =	ssub.s32 $0x0, s20;
	[sflag:s22] =	ssyncset.done $0x0  }
0xa6: {  	[sflag:s22] =	ssyncadd.s32 s5;
	_ =	sdelay $0x1  }
0xa7: {  	s23 =	simm.s32 $0x1B8B  }
0xa8: {  	_ =	swait.ge [sflag:s23], $0x1  }
0xa9: {  	[sflag:s23] =	ssyncset.done $0x0  }
0xaa: {  	s25 =	simm.s32 $0x1B8E;
	s24 =	sld [smem:$0x3FFE];
	[sflag:s23] =	ssyncadd.s32 $0xFFFFFFFF  }
0xab: {  	s26 =	simm.s32 $execute0_lowered;
	[smem:$0x3FD2] =	sst s25  }
0xac: {  	s6 =	sshll.u32 s26, $0x1;
	_ =	strace $0x80000049;
	[dreg:$0x1] =	wrdreg $0xFFFFFFFF  }
0xad: {  	s28 =	simm.s32 $_size_execute0_lowered;
	s4 =	sadd.s32 s4, s6;
	[dreg:$0x0] =	wrdreg $0x0  }
0xae: {  	s6 =	sshll.u32 s28, $0x1;
	[dreg:$0x2] =	wrdreg s4  }
0xaf: {  	[dreg:$0x3] =	wrdreg s6  }
0xb0: {  	[dreg:$0x4] =	wrdreg $0xC0  }
0xb1: {  	_ =	task [dreg:s8], $0x5FFFF  }
0xb2: {  	[dreg:$0x1] =	wrdreg $0xFFFFFFFF  }
0xb3: {  	[dreg:$0x0] =	wrdreg $0x60  }
0xb4: {  	[dreg:$0x2] =	wrdreg s24  }
0xb5: {  	[dreg:$0x3] =	wrdreg s16  }
0xb6: {  	[dreg:$0x4] =	wrdreg s17  }
0xb7: {  	[dreg:$0x5] =	wrdreg $0x9  }
0xb8: {  	_ =	task.clear_ibuf [dreg:s8], $0x6FFFF;
	_ =	strace $0x90000049  }
0xb9: {  	s29 =	simm.s32 $0x9;
	_ =	strace $0x8000004B  }
0xba: {  	_ =	swait.ge [sflag:s29], $0x1  }
0xbb: {  	[sflag:s29] =	ssyncadd.s32 $0xFFFFFFFF  }
0xbc: {  	_ =	strace $0x9000004B  }
0xbd: {  	_ =	sfence  }
0xbe: {  	s30 =	sld [smem:$0x0];
	_ =	sdelay $0x2  }
0xbf: {  	s31 =	sshll.u32 s1, $0xD;
	s1 =	sshrl.u32 s1, $0x2  }
0xc0: {  	s3 =	sand.u32 $0x4000, s31;
	s1 =	sadd.s32 s1, s30  }
0xc1: {  	s0 =	sor.u32 s3, s0;
	s1 =	sshll.u32 s1, $0x11  }
0xc2: {  	s0 =	sor.u32 s1, s0  }
0xc3: {  	s0 =	sadd.s32 $0x8F2B, s0  }
0xc4: {  	[sflag:s0] =	ssyncadd.remote.s32 $0x1  }
0xc5: {  	_ =	sfence.sel $0xFFFF  }
0xc6: {  	[dreg:$0x0] =	wrdreg $0xFFFFFFFF;
	(pc) =	sbr.abs _section_cstart, $3  }
0xc7: {  	[dreg:$0x1] =	wrdreg $0xFFFFFFFF  }
0xc8: {  	_ =	task.clear_ibuf [dreg:s8], $0x2FFFF;
	_ =	strace $0x9FFFFFFF  }
0xc9: {  	(tm) =	ssettm $0x7FFFFFFF  }
tec
execute0_lowered:
.L_overlay_start_1:
0x0: {  	(tag) =	ssettag $0x1  }
0x1: {  	s1 =	srdreg.scid  }
0x2: {  	s2 =	stileid.u32;
	s1 =	sand.u32 $0x1, s1  }
0x3: {  	s2 =	sshll.u32 s2, $0x1;
	s3 =	ssub.s32 $0x0, s1  }
0x4: {  	p0 =	sne.s32 s2, s3  }
.Ltmp0:
0x5: {  	_ = 	snop;
	(pc) =	sbr.rel @p0 .LBB2_44-.Ltmp0, $2  }
0x6: {  	_ =	sdelay $0x2  }
0x7: {  	s0 =	rddreg [dreg:$0x0];
	_ =	strace $0x8000004A  }
0x8: {  	v0 =	vlaneseq.u32;
	v1 =	vimm.s32 $0x0  }
0x9: {  	v2 =	vimm.f32 $-3.000000010e+38;
	v5 =	vimm.s32 $0xECA86420;
	v3 =	vimm.f32 $-1.000000000e+00  }
0xa: {  	vm6 =	vmmov $0x1;
	vm1 =	vcmask $0xB08;
	vm2 =	vcmask $0x1310  }
0xb: {  	s1 =	ssub.s32 $0x2, s1;
	s29 =	sadd.s32 $0xFDA00, s0;
	vm3 =	vcmask $0x1B18;
	vm15 =	vcmask $0x300;
	vm5 =	vcmask $0x2320  }
0xc: {  	s30 =	sadd.s32 $0x2C00, s0;
	s5 =	simm.s32 $0x3E80;
	s6 =	simm.s32 $0x7D10;
	vm0 =	vcmask $0x3B38;
	vm9 =	vmmov $0xff;
	vm13 =	vcmask $0x704  }
0xd: {  	s9 =	simm.s32 $0x40000000;
	s10 =	simm.s32 $0xBC20;
	s11 =	simm.s32 $0xBCB0;
	vm14 =	vcmask $0xF0C;
	vm11 =	vcmask $0x1714;
	vm12 =	vcmask $0x1F1C  }
0xe: {  	s12 =	simm.s32 $0xBBA0;
	s13 =	simm.s32 $0xBD40;
	vm8 =	vcmask $0x2724;
	v12 =	vimm.s32 $0x0;
	s2 =	sshrl.u32 s1, $0x1;
	v4 =	vor.u32 $0x80000000, v0  }
0xf: {  	s14 =	simm.s32 $0xC000;
	v6 =	vunpack.c.l.s4.s8 v5;
	[dreg:$0xa] =	wrdreg s29;
	v5 =	vor.u32 $0xFFFFFFF8, v0;
	v7 =	vmul.u32 $0x2, v0;
	s1 =	ssub.s32 s1, s2  }
0x10: {  	s3 =	simm.s32 $0x0;
	[dreg:$0xb] =	wrdreg s30;
	v8 =	vor.u32 $0x70, v0;
	v9 =	vor.u32 $0xE0, v0;
	v12 =	vsel vm6, $0xFFFFFFFF, v12;
	s31 =	smax.u32 s1, $0x1  }
0x11: {  	v10 =	vor.u32 $0x150, v0;
	v11 =	vmul.u32 $0x8, v0;
	s2 =	simm.s32 $0x2;
	[tilespmem:$0x1FFF0] =	vst v12;
	s1 =	simm.s32 $0x0;
	v6 =	vunpack.c.0.s8.s32 v6;
	[dreg:$0xc] =	wrdreg s31  }
.LBB2_2:
0x12: {  	[dreg:$0xd] =	wrdreg s3  }
0x13: {  	s0 =	rddreg [dreg:$0xa]  }
0x14: {  	[tilespmem:s1], [sflag:$0x2] =	stream.linear.gather [hbm4b:s0+s1], $0x3E80, $0x38;
	[tilespmem:$0xC5B0] =	vst v63  }
0x15: {  	_ =	swait.ge [sflag:s2], $0x3E80  }
0x16: {  	[sflag:s2] =	ssyncset.done $0x0  }
0x17: {  	[sflag:s2] =	ssyncadd.s32 $0xFFFFC180  }
0x18: {  	v12 =	vld [tilespmem:s1+$0x0];
	_ =	sdelay $0x4  }
0x19: {  	vm10 =	vgt.f32 v12, $0.0e+00  }
0x1a: {  	v13 =	vsel vm10, $0x1, v1  }
0x1b: {  	(xrf0) =	vadd.scan.msk.s32 $0xffff, v13;
	_ =	sdelay $0x2  }
0x1c: {  	v13 =	vmov s1  }
0x1d: {  	v13 =	vadd.s32 $0xFFFFFFFF, v13  }
0x1e: {  	v13 =	vbroadcast v13, $0x0  }
0x1f: {  	v14, _, _ =	vpop (xrf0)  }
0x20: {  	v13 =	vadd.s32 v14, v13;
	(v2sf) =	vpush v14, $0xF;
	_ =	sdelay $0x4  }
0x21: {  	[tilespmem:v13+s5+$0x0] =	vst.idx.msk vm10, v12;
	v12 =	vor.u32 s1, v0  }
0x22: {  	s0 =	simm.s32 $0x10;
	[tilespmem:v13+s6+$0x0] =	vst.idx.msk vm10, v12  }
0x23: {  	s3 =	simm.s32 $0x10;
	s2 =	simm.s32 $0x20;
	s1 =	simm.s32 $0x0;
	v12 =	vld [tilespmem:s0+$0x0]  }
.LBB2_3:
0x24: {  	p0 =	sne.s32 s2, $0x3E70;
	_ =	sdelay $0x3  }
0x25: {  	vm10 =	vgt.f32 v12, $0.0e+00  }
0x26: {  	v13 =	vsel vm10, $0x1, v1  }
0x27: {  	(xrf0) =	vadd.scan.msk.s32 $0xffff, v13  }
0x28: {  	s4 =	spop (v2sf)  }
0x29: {  	s1 =	sadd.s32 s1, s4  }
0x2a: {  	v13 =	vmov s1  }
0x2b: {  	v13 =	vadd.s32 $0xFFFFFFFF, v13  }
0x2c: {  	v13 =	vbroadcast v13, $0x0  }
0x2d: {  	v14, _, _ =	vpop (xrf0)  }
0x2e: {  	v13 =	vadd.s32 v14, v13;
	(v2sf) =	vpush v14, $0xF;
	_ =	sdelay $0x2  }
.Ltmp1:
0x2f: {  	(pc) =	sbr.rel @p0 .LBB2_3-.Ltmp1, $4  }
0x30: {  	_ = 	snop  }
0x31: {  	v14 =	vor.u32 s0, v0;
	s0 =	smov.u32 s2;
	[tilespmem:v13+s5+$0x0] =	vst.idx.msk vm10, v12  }
0x32: {  	s3 =	sadd.s32 $0x10, s3;
	[tilespmem:v13+s6+$0x0] =	vst.idx.msk vm10, v14  }
0x33: {  	s2 =	sadd.s32 $0x10, s2;
	v12 =	vld [tilespmem:s3+$0x0]  }
0x34: {  	_ =	sdelay $0x3  }
0x35: {  	vm10 =	vgt.f32 v12, $0.0e+00  }
0x36: {  	v13 =	vsel vm10, $0x1, v1  }
0x37: {  	(xrf0) =	vadd.scan.msk.s32 $0xffff, v13;
	_ =	sdelay $0x5  }
0x38: {  	v13, _, _ =	vpop (xrf0)  }
0x39: {  	(v2sf) =	vpush v13, $0xF;
	_ =	sdelay $0x9  }
0x3a: {  	s2 =	spop (v2sf)  }
0x3b: {  	s1 =	sadd.s32 s1, s2  }
0x3c: {  	v14 =	vmov s1  }
0x3d: {  	v14 =	vadd.s32 $0xFFFFFFFF, v14  }
0x3e: {  	v14 =	vbroadcast v14, $0x0  }
0x3f: {  	s31 =	spop (v2sf)  }
0x40: {  	v13 =	vadd.s32 v13, v14;
	s1 =	sadd.s32 s1, s31  }
0x41: {  	p1 =	slt.s32 s1, $0x65  }
.Ltmp2:
0x42: {  	_ = 	snop;
	(pc) =	sbr.rel @p1 .LBB2_20-.Ltmp2, $4  }
0x43: {  	_ = 	snop  }
0x44: {  	s2 =	sadd.s32 $0xF, s1  }
0x45: {  	v14 =	vor.u32 s0, v0;
	[tilespmem:v13+s5+$0x0] =	vst.idx.msk vm10, v12;
	s0 =	sshra.s32 s2, $0x4  }
0x46: {  	s29 =	simm.s32 $0x0;
	[tilespmem:v13+s6+$0x0] =	vst.idx.msk vm10, v14;
	v12 =	vmov s1;
	s1 =	simm.s32 $0x0;
	p0 =	slt.s32 s0, $0x1  }
.Ltmp3:
0x47: {  	(pc) =	sbr.rel .LBB2_6-.Ltmp3, $2  }
0x48: {  	_ =	sdelay $0x2  }
0x49: {  	s1 =	simm.s32 $0x0;
	s2 =	simm.s32 $0x0  }
.LBB2_8:
0x4a: {  	s4 =	simm.s32 $0x0  }
.LBB2_18:
0x4b: {  	vm10 =	vmand vm11, vm10  }
0x4c: {  	v13 =	vsel vm10, $0x1, v1  }
0x4d: {  	(xrf0) =	vadd.scan.msk.s32 $0xffff, v13;
	_ =	sdelay $0x3  }
0x4e: {  	v13, _, _ =	vpop @p1 (xrf0)  }
0x4f: {  	(v2sf) =	vpush @p1 v13, $0xF  }
0x50: {  	v13, _, _ =	vpop (xrf0)  }
0x51: {  	(v2sf) =	vpush v13, $0xF;
	_ =	sdelay $0x6  }
0x52: {  	s5 =	spop @p4 (v2sf)  }
0x53: {  	s4 =	sadd.s32 @p4 s4, s5;
	s5 =	simm.s32 $0x0  }
0x54: {  	s5 =	smov.u32 @p4 s4;
	s4 =	spop @p3 (v2sf)  }
0x55: {  	s4 =	sadd.s32 @p3 s5, s4;
	s5 =	simm.s32 $0x0  }
0x56: {  	s5 =	smov.u32 @p3 s4;
	s4 =	spop @p2 (v2sf)  }
0x57: {  	s4 =	sadd.s32 @p2 s5, s4;
	s5 =	simm.s32 $0x0  }
0x58: {  	s5 =	smov.u32 @p2 s4;
	s4 =	spop @p1 (v2sf)  }
0x59: {  	s4 =	sadd.s32 @p1 s5, s4  }
0x5a: {  	s18 =	smov.u32 @p1 s4;
	s31 =	spop (v2sf)  }
0x5b: {  	s4 =	sadd.s32 s18, s31  }
0x5c: {  	p1 =	sgt.s32 s4, $0x63  }
0x5d: {  	vm11 =	vcmask $0x1714;
	s1 =	smov.u32 @p1 s3  }
.LBB2_19:
0x5e: {  	s2 =	sadd.s32 $0x1, s2  }
0x5f: {  	p1 =	sne.s32 s2, $0x1F  }
.Ltmp4:
0x60: {  	_ = 	snop;
	(pc) =	sbr.rel @!p1 .LBB2_20-.Ltmp4, $1  }
0x61: {  	_ =	sdelay $0x3  }
.LBB2_6:
.Ltmp5:
0x62: {  	(pc) =	sbr.rel @p0 .LBB2_19-.Ltmp5, $1  }
0x63: {  	_ =	sdelay $0x3  }
0x64: {  	s3 =	simm.s32 $0x3E80  }
0x65: {  	p5 =	sne.s32 s0, $0x1;
	v14 =	vld [tilespmem:s3+$0x0]  }
.Ltmp6:
0x66: {  	_ = 	snop;
	(pc) =	sbr.rel @!p5 .LBB2_8-.Ltmp6, $4  }
0x67: {  	s31 =	sshrl.u32 s9, s2  }
0x68: {  	s18 =	simm.s32 $0x0;
	s3 =	sor.u32 s31, s1  }
0x69: {  	s4 =	sadd.s32 $0xFFFFFFFF, s0;
	s5 =	simm.s32 $0x3E90;
	p1 =	por $0x0, $0x0;
	v15 =	vor.u32 s18, v0;
	v13 =	vmov s3  }
0x6a: {  	p2 =	por $0x0, $0x0;
	p3 =	por $0x0, $0x0;
	p4 =	por $0x0, $0x0;
	vm11 =	vlt.s32 v15, v12;
	vm10 =	vge.s32 v14, v13  }
0x6b: {  	v14 =	vld [tilespmem:s5+$0x0];
	p5 =	sne.s32 s4, $0x1  }
.Ltmp7:
0x6c: {  	_ = 	snop;
	(pc) =	sbr.rel @!p5 .LBB2_10-.Ltmp7, $4  }
0x6d: {  	_ = 	snop  }
0x6e: {  	vm10 =	vmand vm11, vm10;
	s31 =	simm.s32 $0x10  }
0x6f: {  	v15 =	vsel vm10, $0x1, v1;
	v16 =	vor.u32 s31, v0  }
0x70: {  	s4 =	sadd.s32 $0xFFFFFFFF, s4;
	s5 =	simm.s32 $0x3EA0;
	p1 =	por $0x1, $0x1;
	(xrf0) =	vadd.scan.msk.s32 $0xffff, v15;
	vm11 =	vlt.s32 v16, v12;
	vm10 =	vge.s32 v14, v13  }
0x71: {  	_ =	sdelay $0x4  }
0x72: {  	v16, _, _ =	vpop (xrf0)  }
0x73: {  	(v2sf) =	vpush v16, $0xF;
	_ =	sdelay $0x8  }
0x74: {  	v14 =	vld [tilespmem:s5+$0x0];
	p5 =	sne.s32 s4, $0x1  }
.Ltmp8:
0x75: {  	_ = 	snop;
	(pc) =	sbr.rel @!p5 .LBB2_12-.Ltmp8, $4  }
0x76: {  	_ = 	snop  }
0x77: {  	vm10 =	vmand vm11, vm10;
	s31 =	simm.s32 $0x20  }
0x78: {  	v15 =	vsel vm10, $0x1, v1;
	v17 =	vor.u32 s31, v0  }
0x79: {  	s4 =	sadd.s32 $0xFFFFFFFF, s4;
	s5 =	simm.s32 $0x3EB0;
	p2 =	por $0x1, $0x1;
	vm11 =	vlt.s32 v17, v12;
	(xrf0) =	vadd.scan.msk.s32 $0xffff, v15;
	vm10 =	vge.s32 v14, v13  }
0x7a: {  	_ =	sdelay $0x4  }
0x7b: {  	v14 =	vld [tilespmem:s5+$0x0];
	p5 =	sne.s32 s4, $0x1;
	v16, _, _ =	vpop (xrf0)  }
.Ltmp9:
0x7c: {  	(v2sf) =	vpush v16, $0xF;
	(pc) =	sbr.rel @!p5 .LBB2_14-.Ltmp9, $4  }
0x7d: {  	_ = 	snop  }
0x7e: {  	vm10 =	vmand vm11, vm10;
	s31 =	simm.s32 $0x30  }
0x7f: {  	v15 =	vsel vm10, $0x1, v1;
	v17 =	vor.u32 s31, v0  }
0x80: {  	s4 =	sadd.s32 $0xFFFFFFFF, s4;
	s5 =	simm.s32 $0x3EC0;
	p3 =	por $0x1, $0x1;
	vm11 =	vlt.s32 v17, v12;
	(xrf0) =	vadd.scan.msk.s32 $0xffff, v15;
	vm10 =	vge.s32 v14, v13  }
0x81: {  	_ =	sdelay $0x4  }
0x82: {  	v14 =	vld [tilespmem:s5+$0x0];
	vm10 =	vmand vm11, vm10;
	p5 =	sne.s32 s4, $0x1;
	v16, _, _ =	vpop (xrf0)  }
.Ltmp10:
0x83: {  	v15 =	vsel vm10, $0x1, v1;
	(v2sf) =	vpush v16, $0xF;
	(pc) =	sbr.rel @!p5 .LBB2_16-.Ltmp10, $4  }
0x84: {  	(xrf0) =	vadd.scan.msk.s32 $0xffff, v15  }
0x85: {  	s5 =	simm.s32 $0x40  }
0x86: {  	s6 =	sadd.s32 $0xFFFFFFFF, s4;
	v17 =	vor.u32 s5, v0  }
0x87: {  	s7 =	simm.s32 $0x3ED0;
	p4 =	por $0x1, $0x1;
	s4 =	simm.s32 $0x0;
	vm11 =	vlt.s32 v17, v12;
	vm10 =	vge.s32 v14, v13  }
.LBB2_17:
0x88: {  	v14 =	vld [tilespmem:s7+$0x0];
	p5 =	sne.s32 s6, $0x1;
	s6 =	sadd.s32 $0xFFFFFFFF, s6;
	vm10 =	vmand vm11, vm10;
	s8 =	spop (v2sf)  }
.Ltmp11:
0x89: {  	v16 =	vsel vm10, $0x1, v1;
	s4 =	sadd.s32 s4, s8;
	(pc) =	sbr.rel @p5 .LBB2_17-.Ltmp11, $4  }
0x8a: {  	(xrf0) =	vadd.scan.msk.s32 $0xffff, v16;
	v15, _, _ =	vpop (xrf0)  }
0x8b: {  	s5 =	sadd.s32 $0x10, s5;
	(v2sf) =	vpush v15, $0xF  }
0x8c: {  	v15 =	vor.u32 s5, v0  }
0x8d: {  	s7 =	sadd.s32 $0x10, s7;
	vm11 =	vlt.s32 v15, v12;
	vm10 =	vge.s32 v14, v13  }
.Ltmp12:
0x8e: {  	_ = 	snop;
	(pc) =	sbr.rel .LBB2_18-.Ltmp12, $1  }
0x8f: {  	_ =	sdelay $0x3  }
.LBB2_10:
.Ltmp13:
0x90: {  	(pc) =	sbr.rel .LBB2_18-.Ltmp13, $2  }
0x91: {  	_ =	sdelay $0x2  }
0x92: {  	s4 =	simm.s32 $0x0  }
.LBB2_12:
.Ltmp14:
0x93: {  	(pc) =	sbr.rel .LBB2_18-.Ltmp14, $2  }
0x94: {  	_ =	sdelay $0x2  }
0x95: {  	s4 =	simm.s32 $0x0  }
.LBB2_14:
.Ltmp15:
0x96: {  	(pc) =	sbr.rel .LBB2_18-.Ltmp15, $2  }
0x97: {  	_ =	sdelay $0x3  }
0x98: {  	s4 =	simm.s32 $0x0  }
.LBB2_16:
.Ltmp16:
0x99: {  	(pc) =	sbr.rel .LBB2_18-.Ltmp16, $2  }
0x9a: {  	_ =	sdelay $0x2  }
0x9b: {  	s4 =	simm.s32 $0x0  }
.LBB2_20:
0x9c: {  	[tilespmem:$0xBC20] =	vst v2  }
0x9d: {  	[tilespmem:$0xBC30] =	vst v2  }
0x9e: {  	[tilespmem:$0xBC40] =	vst v2  }
0x9f: {  	[tilespmem:$0xBC50] =	vst v2  }
0xa0: {  	[tilespmem:$0xBC60] =	vst v2  }
0xa1: {  	[tilespmem:$0xBC70] =	vst v2  }
0xa2: {  	[tilespmem:$0xBC80] =	vst v2  }
0xa3: {  	[tilespmem:$0xBC90] =	vst v2  }
0xa4: {  	[tilespmem:$0xBD40] =	vst v1  }
0xa5: {  	[tilespmem:$0xBDC0] =	vst v3  }
0xa6: {  	[tilespmem:$0xBD50] =	vst v1  }
0xa7: {  	[tilespmem:$0xBDD0] =	vst v3  }
0xa8: {  	[tilespmem:$0xBD60] =	vst v1  }
0xa9: {  	[tilespmem:$0xBDE0] =	vst v3  }
0xaa: {  	[tilespmem:$0xBD70] =	vst v1  }
0xab: {  	[tilespmem:$0xBDF0] =	vst v3  }
0xac: {  	[tilespmem:$0xBD80] =	vst v1  }
.Ltmp17:
0xad: {  	[tilespmem:$0xBE00] =	vst v3;
	(pc) =	sbr.rel @p0 .LBB2_27-.Ltmp17, $4  }
0xae: {  	[tilespmem:$0xBD90] =	vst v1  }
0xaf: {  	[tilespmem:$0xBE10] =	vst v3  }
0xb0: {  	[tilespmem:$0xBDA0] =	vst v1  }
0xb1: {  	[tilespmem:$0xBE20] =	vst v3  }
0xb2: {  	p1 =	sne.s32 s0, $0x1  }
.Ltmp18:
0xb3: {  	_ = 	snop;
	(pc) =	sbr.rel @!p1 .LBB2_22-.Ltmp18, $3  }
0xb4: {  	_ =	sdelay $0x1  }
0xb5: {  	s3 =	simm.s32 $0x3E80;
	s2 =	simm.s32 $0x7D10  }
0xb6: {  	v14 =	vmov s1;
	s1 =	simm.s32 $0x0;
	s0 =	sadd.s32 $0xFFFFFFFF, s0;
	p0 =	por $0x0, $0x0;
	v13 =	vld [tilespmem:s3+$0x0]  }
0xb7: {  	_ =	sdelay $0x2  }
0xb8: {  	v15 =	vor.u32 s1, v0  }
0xb9: {  	vm11 =	vlt.s32 v15, v12;
	vm10 =	vle.s32 v14, v13  }
0xba: {  	vm10 =	vmand vm11, vm10  }
0xbb: {  	v15 =	vsel vm10, $0x1, v1  }
0xbc: {  	(xrf0) =	vadd.scan.msk.s32 $0xffff, v15;
	_ =	sdelay $0x1  }
0xbd: {  	p0 =	por $0x1, $0x1;
	s3 =	simm.s32 $0x0  }
0xbe: {  	s3 =	simm.s32 @!p0 $0x70  }
0xbf: {  	v15 =	vmov s3  }
0xc0: {  	v15 =	vadd.s32 $0xFFFFFFFF, v15  }
0xc1: {  	v15 =	vbroadcast v15, $0x0;
	v16, _, _ =	vpop (xrf0)  }
0xc2: {  	(v2sf) =	vpush v16, $0xF  }
0xc3: {  	v15 =	vadd.s32 v16, v15  }
0xc4: {  	v17 =	vld [tilespmem:s2+$0x0]  }
0xc5: {  	p1 =	sne.s32 s0, $0x1  }
.Ltmp19:
0xc6: {  	_ = 	snop;
	(pc) =	sbr.rel @!p1 .LBB2_24-.Ltmp19, $4  }
0xc7: {  	_ = 	snop  }
0xc8: {  	[tilespmem:v15+s10+$0x0] =	vst.idx.msk vm10, v13  }
0xc9: {  	s5 =	simm.s32 $0x3E90;
	s6 =	sadd.s32 $0xFFFFFFFF, s0;
	s4 =	simm.s32 $0x0;
	[tilespmem:v15+s11+$0x0] =	vst.idx.msk vm10, v17  }
0xca: {  	s0 =	simm.s32 $0x7D10;
	p0 =	por $0x1, $0x1;
	s3 =	simm.s32 $0x0;
	v13 =	vld [tilespmem:s5+$0x0]  }
.LBB2_25:
0xcb: {  	p1 =	sne.s32 s6, $0x1;
	_ =	sdelay $0x1  }
0xcc: {  	s4 =	sadd.s32 $0x10, s4  }
0xcd: {  	v15 =	vor.u32 s4, v0  }
0xce: {  	vm11 =	vlt.s32 v15, v12;
	vm10 =	vle.s32 v14, v13  }
0xcf: {  	vm10 =	vmand vm11, vm10  }
0xd0: {  	v15 =	vsel vm10, $0x1, v1;
	s7 =	spop (v2sf)  }
0xd1: {  	(xrf0) =	vadd.scan.msk.s32 $0xffff, v15;
	s3 =	sadd.s32 s3, s7  }
0xd2: {  	p2 =	slt.s32 s3, $0x70;
	s7 =	smov.u32 s3  }
0xd3: {  	s7 =	simm.s32 @!p2 $0x70  }
0xd4: {  	v15 =	vmov s7  }
0xd5: {  	v15 =	vadd.s32 $0xFFFFFFFF, v15  }
0xd6: {  	v15 =	vbroadcast v15, $0x0  }
0xd7: {  	v16, _, _ =	vpop (xrf0)  }
0xd8: {  	s0 =	sadd.s32 $0x10, s0;
	v15 =	vadd.s32 v16, v15;
	(v2sf) =	vpush v16, $0xF  }
0xd9: {  	v16 =	vld [tilespmem:s0+$0x0];
	_ =	sdelay $0x2  }
.Ltmp20:
0xda: {  	(pc) =	sbr.rel @p1 .LBB2_25-.Ltmp20, $4  }
0xdb: {  	[tilespmem:v15+s10+$0x0] =	vst.idx.msk vm10, v13  }
0xdc: {  	[tilespmem:v15+s11+$0x0] =	vst.idx.msk vm10, v16  }
0xdd: {  	s5 =	sadd.s32 $0x10, s5  }
0xde: {  	s6 =	sadd.s32 $0xFFFFFFFF, s6;
	v13 =	vld [tilespmem:s5+$0x0]  }
.LBB2_26:
0xdf: {  	_ = 	snop  }
0xe0: {  	s4 =	sadd.s32 @p0 $0x10, s4;
	s5 =	simm.s32 $0x0  }
0xe1: {  	s5 =	smov.u32 @p0 s4  }
0xe2: {  	v15 =	vor.u32 s5, v0  }
0xe3: {  	vm11 =	vlt.s32 v15, v12;
	vm10 =	vle.s32 v14, v13  }
0xe4: {  	vm10 =	vmand vm11, vm10  }
0xe5: {  	v61 =	vsel vm10, $0x1, v1  }
0xe6: {  	(xrf0) =	vadd.scan.msk.s32 $0xffff, v61;
	_ =	sdelay $0x5  }
0xe7: {  	v12, _, _ =	vpop (xrf0)  }
0xe8: {  	(v2sf) =	vpush v12, $0xF  }
0xe9: {  	s4 =	spop @p0 (v2sf)  }
0xea: {  	s3 =	sadd.s32 @p0 s3, s4  }
0xeb: {  	s1 =	smov.u32 @p0 s3  }
0xec: {  	p1 =	slt.s32 s1, $0x70;
	s3 =	smov.u32 s1  }
0xed: {  	s3 =	simm.s32 @!p1 $0x70  }
0xee: {  	v62 =	vmov s3  }
0xef: {  	v14 =	vadd.s32 $0xFFFFFFFF, v62  }
0xf0: {  	v14 =	vbroadcast v14, $0x0  }
0xf1: {  	s0 =	sadd.s32 @p0 $0x10, s0  }
0xf2: {  	s2 =	smov.u32 @p0 s0;
	v12 =	vadd.s32 v12, v14  }
0xf3: {  	v63 =	vld [tilespmem:s2+$0x0];
	_ =	sdelay $0x3  }
0xf4: {  	[tilespmem:v12+s10+$0x0] =	vst.idx.msk vm10, v13;
	s31 =	spop (v2sf)  }
0xf5: {  	vm11 =	vcmask $0x1714;
	[tilespmem:v12+s11+$0x0] =	vst.idx.msk vm10, v63;
	s29 =	sadd.s32 s1, s31  }
.LBB2_27:
.Ltmp21:
0xf6: {  	(pc) =	sbr.rel .LBB2_28-.Ltmp21, $2  }
0xf7: {  	_ =	sdelay $0x2  }
0xf8: {  	s0 =	simm.s32 $0x0  }
.LBB2_32:
0xf9: {  	s0 =	sadd.s32 $0x1, s0  }
0xfa: {  	p0 =	sne.s32 s0, $0x64  }
.Ltmp22:
0xfb: {  	_ = 	snop;
	(pc) =	sbr.rel @!p0 .LBB2_33-.Ltmp22, $1  }
0xfc: {  	_ =	sdelay $0x3  }
.LBB2_28:
0xfd: {  	p0 =	sle.s32 s29, s0  }
.Ltmp23:
0xfe: {  	_ = 	snop;
	(pc) =	sbr.rel @p0 .LBB2_32-.Ltmp23, $1  }
0xff: {  	_ =	sdelay $0x3  }
0x100: {  	v12 =	vld [tilespmem:$0xBC20]  }
0x101: {  	v13 =	vld [tilespmem:$0xBC30]  }
0x102: {  	v14 =	vld [tilespmem:$0xBC40]  }
0x103: {  	v15 =	vld [tilespmem:$0xBC50]  }
0x104: {  	v16 =	vld [tilespmem:$0xBC60]  }
0x105: {  	(xrf0) =	vmax.scan.msk.f32 $0xffff, v12;
	v12 =	vld [tilespmem:$0xBC70]  }
0x106: {  	(xrf0) =	vmax.scan.msk.f32 $0xffff, v13;
	v13 =	vld [tilespmem:$0xBC80]  }
0x107: {  	(xrf0) =	vmax.scan.msk.f32 $0xffff, v14;
	v14 =	vld [tilespmem:$0xBC90]  }
0x108: {  	(xrf0) =	vmax.scan.msk.f32 $0xffff, v15  }
0x109: {  	(xrf0) =	vmax.scan.msk.f32 $0xffff, v16  }
0x10a: {  	(xrf0) =	vmax.scan.msk.f32 $0xffff, v12  }
0x10b: {  	v12, _, _ =	vpop (xrf0);
	(xrf0) =	vmax.scan.msk.f32 $0xffff, v13  }
0x10c: {  	(v2sf) =	vpush v12, $0xF;
	v12, _, _ =	vpop (xrf0);
	(xrf0) =	vmax.scan.msk.f32 $0xffff, v14  }
0x10d: {  	v13, _, _ =	vpop (xrf0);
	(v2sf) =	vpush v12, $0xF  }
0x10e: {  	v12, _, _ =	vpop (xrf0);
	(v2sf) =	vpush v13, $0xF  }
0x10f: {  	v13, _, _ =	vpop (xrf0);
	(v2sf) =	vpush v12, $0xF  }
0x110: {  	v12, _, _ =	vpop (xrf0);
	(v2sf) =	vpush v13, $0xF  }
0x111: {  	(v2sf) =	vpush v12, $0xF;
	v12, _, _ =	vpop (xrf0)  }
0x112: {  	(v2sf) =	vpush v12, $0xF;
	v12, _, _ =	vpop (xrf0)  }
0x113: {  	(v2sf) =	vpush v12, $0xF;
	_ =	sdelay $0x7  }
0x114: {  	s1 =	spop (v2sf)  }
0x115: {  	s2 =	spop (v2sf);
	s1 =	smax.f32 s1, $-3.000000010e+38  }
0x116: {  	s3 =	spop (v2sf);
	s1 =	smax.f32 s1, s2  }
0x117: {  	s16 =	spop (v2sf);
	s1 =	smax.f32 s1, s3  }
0x118: {  	s18 =	simm.s32 $0xBC20;
	s17 =	spop (v2sf);
	s1 =	smax.f32 s1, s16  }
0x119: {  	v13 =	vld [tilespmem:s18+$0x0];
	s1 =	smax.f32 s1, s17;
	s19 =	spop (v2sf)  }
0x11a: {  	s1 =	smax.f32 s1, s19;
	s20 =	spop (v2sf)  }
0x11b: {  	s1 =	smax.f32 s1, s20;
	s21 =	spop (v2sf)  }
0x11c: {  	s1 =	smax.f32 s1, s21  }
0x11d: {  	s22 =	simm.s32 $0x0;
	v12 =	vmov s1  }
0x11e: {  	vm10 =	veq.f32 v13, v12;
	v13 =	vor.u32 s22, v4  }
0x11f: {  	v13 =	vnsel vm10, $0x80000080, v13  }
0x120: {  	(xrf0) =	vmin.scan.msk.u32 $0xffff, v13;
	_ =	sdelay $0x4  }
0x121: {  	s23 =	simm.s32 $0xBC30  }
0x122: {  	s24 =	simm.s32 $0xBC40;
	v14 =	vld [tilespmem:s23+$0x0];
	v13, _, _ =	vpop (xrf0)  }
0x123: {  	(v2sf) =	vpush v13, $0xF;
	v13 =	vld [tilespmem:s24+$0x0];
	_ =	sdelay $0x2  }
0x124: {  	s25 =	simm.s32 $0x10  }
0x125: {  	s26 =	simm.s32 $0x20;
	vm10 =	veq.f32 v14, v12;
	v14 =	vor.u32 s25, v4  }
0x126: {  	v14 =	vnsel vm10, $0x80000080, v14;
	vm10 =	veq.f32 v13, v12;
	v13 =	vor.u32 s26, v4  }
0x127: {  	(xrf0) =	vmin.scan.msk.u32 $0xffff, v14;
	v13 =	vnsel vm10, $0x80000080, v13  }
0x128: {  	(xrf0) =	vmin.scan.msk.u32 $0xffff, v13;
	_ =	sdelay $0x3  }
0x129: {  	s28 =	simm.s32 $0xBC50  }
0x12a: {  	v14 =	vld [tilespmem:s28+$0x0];
	v15, _, _ =	vpop (xrf0)  }
0x12b: {  	(v2sf) =	vpush v15, $0xF;
	v15, _, _ =	vpop (xrf0)  }
0x12c: {  	(v2sf) =	vpush v15, $0xF;
	_ =	sdelay $0x1  }
0x12d: {  	s30 =	simm.s32 $0xBC60;
	s31 =	simm.s32 $0x30  }
0x12e: {  	vm10 =	veq.f32 v14, v12;
	v14 =	vor.u32 s31, v4;
	v13 =	vld [tilespmem:s30+$0x0]  }
0x12f: {  	v14 =	vnsel vm10, $0x80000080, v14  }
0x130: {  	(xrf0) =	vmin.scan.msk.u32 $0xffff, v14;
	_ =	sdelay $0x1  }
0x131: {  	s4 =	simm.s32 $0x40;
	s2 =	simm.s32 $0x80  }
0x132: {  	s3 =	simm.s32 $0x50;
	vm10 =	veq.f32 v13, v12;
	v13 =	vor.u32 s4, v4;
	s4 =	simm.s32 $0xBC70;
	s5 =	spop (v2sf)  }
.LBB2_30:
0x133: {  	s6 =	smov.u32 s2;
	p0 =	sne.s32 s3, $0x70  }
0x134: {  	v15 =	vnsel vm10, $0x80000080, v13;
	s2 =	sxor.u32 $0x80000000, s5;
	s5 =	smov.u32 s3;
	s3 =	sadd.s32 $0x10, s3;
	v14 =	vld [tilespmem:s4+$0x0]  }
.Ltmp24:
0x135: {  	p1 =	slt.s32 s6, s2;
	(xrf0) =	vmin.scan.msk.u32 $0xffff, v15;
	v13, _, _ =	vpop (xrf0);
	(pc) =	sbr.rel @p0 .LBB2_30-.Ltmp24, $2  }
0x136: {  	s2 =	smov.u32 @p1 s6;
	(v2sf) =	vpush v13, $0xF;
	_ =	sdelay $0x2  }
0x137: {  	s4 =	sadd.s32 $0x10, s4;
	v13 =	vor.u32 s5, v4;
	vm10 =	veq.f32 v14, v12;
	s5 =	spop (v2sf)  }
0x138: {  	v12 =	vnsel vm10, $0x80000080, v13  }
0x139: {  	(xrf0) =	vmin.scan.msk.u32 $0xffff, v12;
	_ =	sdelay $0x3  }
0x13a: {  	v59, _, _ =	vpop (xrf0)  }
0x13b: {  	(v2sf) =	vpush v59, $0xF  }
0x13c: {  	v60, _, _ =	vpop (xrf0)  }
0x13d: {  	(v2sf) =	vpush v60, $0xF;
	_ =	sdelay $0x7  }
0x13e: {  	s3 =	sxor.u32 $0x80000000, s5  }
0x13f: {  	s4 =	spop (v2sf);
	p0 =	slt.s32 s2, s3  }
0x140: {  	s3 =	smov.u32 @p0 s2;
	s2 =	sxor.u32 $0x80000000, s4  }
0x141: {  	p0 =	slt.s32 s3, s2;
	s28 =	spop (v2sf)  }
0x142: {  	s2 =	smov.u32 @p0 s3;
	s3 =	sxor.u32 $0x80000000, s28  }
0x143: {  	p0 =	slt.s32 s2, s3;
	s30 =	spop (v2sf)  }
0x144: {  	s3 =	smov.u32 @p0 s2;
	s2 =	sxor.u32 $0x80000000, s30  }
0x145: {  	p0 =	slt.s32 s3, s2;
	s31 =	spop (v2sf)  }
0x146: {  	s2 =	smov.u32 @p0 s3;
	s3 =	sxor.u32 $0x80000000, s31  }
0x147: {  	v61 =	vld [tilespmem:s0+$0xBDC0];
	p0 =	slt.s32 s2, s3  }
0x148: {  	v63 =	vld [tilespmem:s0+$0xBD40];
	s3 =	smov.u32 @p0 s2  }
0x149: {  	v62 =	vld [tilespmem:s3+$0xBCB0];
	_ =	sdelay $0x2  }
0x14a: {  	vm10 =	veq.s32 v0, $0x0  }
0x14b: {  	v12 =	vsel vm10, s1, v61  }
0x14c: {  	[tilespmem:s0+$0xBDC0] =	vst v12;
	v12 =	vsel vm6, v62, v63  }
0x14d: {  	[tilespmem:s0+$0xBD40] =	vst v12  }
0x14e: {  	v12 =	vld [tilespmem:s3+$0xBC20];
	_ =	sdelay $0x1  }
.Ltmp25:
0x14f: {  	_ = 	snop;
	(pc) =	sbr.rel .LBB2_32-.Ltmp25, $3  }
0x150: {  	_ =	sdelay $0x1  }
0x151: {  	v12 =	vsel vm10, $0xFF61B1E6, v12  }
0x152: {  	[tilespmem:s3+$0xBC20] =	vst v12  }
.LBB2_33:
0x153: {  	p0 =	slt.s32 s29, $0x64  }
.Ltmp26:
0x154: {  	_ = 	snop;
	(pc) =	sbr.rel @!p0 .LBB2_39-.Ltmp26, $1  }
0x155: {  	_ =	sdelay $0x3  }
0x156: {  	s0 =	simm.s32 $0x0  }
0x157: {  	v12 =	vld [tilespmem:s0+$0x0];
	_ =	sdelay $0x4  }
0x158: {  	vm10 =	vgt.f32 v12, $0.0e+00  }
0x159: {  	vm10 =	vmneg vm10  }
0x15a: {  	v12 =	vsel vm10, $0x1, v1  }
0x15b: {  	(xrf0) =	vadd.scan.msk.s32 $0xffff, v12;
	_ =	sdelay $0x1  }
0x15c: {  	s29 =	simm.s32 @!p0 $0x64;
	p0 =	por $0x1, $0x1;
	s1 =	simm.s32 $0x0  }
0x15d: {  	s1 =	simm.s32 @!p0 $0x70  }
0x15e: {  	v12 =	vmov s1  }
0x15f: {  	v12 =	vadd.s32 $0xFFFFFFFF, v12  }
0x160: {  	v12 =	vbroadcast v12, $0x0;
	v13, _, _ =	vpop (xrf0)  }
0x161: {  	(v2sf) =	vpush v13, $0xF  }
0x162: {  	v12 =	vadd.s32 v12, v13;
	_ =	sdelay $0x3  }
0x163: {  	v14 =	vor.u32 s0, v0  }
0x164: {  	s1 =	simm.s32 $0x10;
	[tilespmem:v12+s12+$0x0] =	vst.idx.msk vm10, v14  }
0x165: {  	s2 =	simm.s32 $0x20;
	s3 =	simm.s32 $0x10;
	v12 =	vld [tilespmem:s1+$0x0]  }
.LBB2_35:
0x166: {  	p0 =	seq.s32 s2, $0x3E70;
	_ =	sdelay $0x3  }
0x167: {  	vm10 =	vgt.f32 v12, $0.0e+00  }
0x168: {  	vm10 =	vmneg vm10  }
0x169: {  	v12 =	vsel vm10, $0x1, v1  }
0x16a: {  	(xrf0) =	vadd.scan.msk.s32 $0xffff, v12;
	s4 =	spop (v2sf)  }
0x16b: {  	s0 =	sadd.s32 s0, s4  }
0x16c: {  	p1 =	slt.s32 s0, $0x70;
	s4 =	smov.u32 s0  }
0x16d: {  	s4 =	simm.s32 @!p1 $0x70  }
0x16e: {  	v12 =	vmov s4  }
0x16f: {  	v12 =	vadd.s32 $0xFFFFFFFF, v12  }
0x170: {  	v12 =	vbroadcast v12, $0x0;
	v13, _, _ =	vpop (xrf0)  }
0x171: {  	(v2sf) =	vpush v13, $0xF  }
0x172: {  	v12 =	vadd.s32 v12, v13;
	_ =	sdelay $0x1  }
.Ltmp27:
0x173: {  	(pc) =	sbr.rel @!p0 .LBB2_35-.Ltmp27, $4  }
0x174: {  	_ = 	snop  }
0x175: {  	v13 =	vor.u32 s1, v0;
	s1 =	smov.u32 s2  }
0x176: {  	s3 =	sadd.s32 $0x10, s3;
	[tilespmem:v12+s12+$0x0] =	vst.idx.msk vm10, v13  }
0x177: {  	s2 =	sadd.s32 $0x10, s2;
	v12 =	vld [tilespmem:s3+$0x0]  }
0x178: {  	_ =	sdelay $0x4  }
0x179: {  	vm10 =	vgt.f32 v12, $0.0e+00  }
0x17a: {  	vm10 =	vmneg vm10  }
0x17b: {  	v12 =	vsel vm10, $0x1, v1;
	s2 =	spop (v2sf)  }
0x17c: {  	(xrf0) =	vadd.scan.msk.s32 $0xffff, v12;
	s0 =	sadd.s32 s0, s2  }
0x17d: {  	p0 =	slt.s32 s0, $0x70  }
0x17e: {  	s0 =	simm.s32 @!p0 $0x70  }
0x17f: {  	v13 =	vmov s0  }
0x180: {  	v13 =	vadd.s32 $0xFFFFFFFF, v13  }
0x181: {  	v13 =	vbroadcast v13, $0x0  }
0x182: {  	v12, _, _ =	vpop (xrf0)  }
0x183: {  	(v2sf) =	vpush v12, $0xF;
	v12 =	vadd.s32 v13, v12;
	_ =	sdelay $0x3  }
0x184: {  	s0 =	simm.s32 $0x0;
	v13 =	vor.u32 s1, v0  }
0x185: {  	v14 =	vor.u32 s0, v0;
	[tilespmem:v12+s12+$0x0] =	vst.idx.msk vm10, v13;
	v12 =	vmov s29  }
0x186: {  	v13 =	vsub.s32 v14, v12  }
0x187: {  	vm11 =	vlt.u32 v14, $0x64;
	vm4 =	vge.s32 v14, v12;
	vm10 =	vgt.s32 v13, $0x0  }
0x188: {  	vm4 =	vmand vm4, vm11;
	v13 =	vnsel vm10, $0x0, v13  }
0x189: {  	v15 =	vmin.u32 v13, $0x7F  }
0x18a: {  	s30 =	simm.s32 $0x10  }
0x18b: {  	v13 =	vor.u32 s30, v0  }
0x18c: {  	v16 =	vsub.s32 v13, v12  }
0x18d: {  	vm11 =	vmmov vm4;
	vm7 =	vgt.s32 v16, $0x0  }
0x18e: {  	v17 =	vand.u32 v5, v14;
	v18 =	vnsel vm7, $0x0, v16;
	v16 =	vld.idx.msk [tilespmem:v15+s12+$0x0], vm4  }
0x18f: {  	v15 =	vmin.u32 v18, $0x7F;
	_ =	sdelay $0x1  }
0x190: {  	s31 =	simm.s32 $0x20;
	vm6 =	vge.s32 v13, v12;
	vm10 =	vlt.u32 v13, $0x64  }
0x191: {  	s0 =	simm.s32 $0x30;
	v14 =	vor.u32 s31, v0;
	vm10 =	vmand vm6, vm10;
	s28 =	spop (v2sf)  }
.LBB2_37:
0x192: {  	p0 =	sne.s32 s0, $0x60;
	v18 =	vsub.s32 v14, v12;
	[tilespmem:v17+s13+$0x0] =	vst.idx.msk vm11, v16;
	vm11 =	vmmov vm10  }
0x193: {  	vm12 =	vge.s32 v14, v12;
	vm13 =	vlt.u32 v14, $0x64;
	vm14 =	vgt.s32 v18, $0x0;
	v16 =	vld.idx.msk [tilespmem:v15+s12+$0x0], vm10  }
.Ltmp28:
0x194: {  	v17 =	vand.u32 v5, v13;
	v13 =	vmovc v14;
	vm10 =	vmand vm12, vm13;
	v15 =	vnsel vm14, $0x0, v18;
	(pc) =	sbr.rel @p0 .LBB2_37-.Ltmp28, $2  }
0x195: {  	v15 =	vmin.u32 v15, $0x7F;
	_ =	sdelay $0x2  }
0x196: {  	v14 =	vor.u32 s0, v0;
	s0 =	sadd.s32 $0x10, s0  }
0x197: {  	_ =	sdelay $0x3  }
0x198: {  	v18 =	vsub.s32 v14, v12;
	vm12 =	vmmov vm10  }
0x199: {  	[tilespmem:v17+s13+$0x0] =	vst.idx.msk vm11, v16;
	vm11 =	vge.s32 v14, v12;
	vm13 =	vlt.u32 v14, $0x64;
	vm14 =	vgt.s32 v18, $0x0  }
0x19a: {  	v13 =	vand.u32 v5, v13;
	v61 =	vld.idx.msk [tilespmem:v15+s12+$0x0], vm10;
	vm10 =	vmand vm11, vm13;
	v62 =	vnsel vm14, $0x0, v18  }
0x19b: {  	v15 =	vmin.u32 v62, $0x7F;
	_ =	sdelay $0x3  }
0x19c: {  	[tilespmem:v13+s13+$0x0] =	vst.idx.msk vm12, v61  }
0x19d: {  	v63 =	vand.u32 v5, v14;
	v12 =	vld.idx.msk [tilespmem:v15+s12+$0x0], vm10;
	_ =	sdelay $0x3  }
0x19e: {  	vm13 =	vcmask $0x704;
	vm11 =	vmmov vm10  }
0x19f: {  	vm14 =	vcmask $0xF0C;
	vm11 =	vcmask $0x1714;
	vm12 =	vcmask $0x1F1C;
	[tilespmem:v63+s13+$0x0] =	vst.idx.msk vm10, v12  }
.LBB2_39:
0x1a0: {  	s0 =	simm.s32 $0xBD40  }
0x1a1: {  	v12 =	vld [tilespmem:s0+$0x0];
	_ =	sdelay $0x4  }
0x1a2: {  	(v2sf) =	vpush v12, $0x0  }
0x1a3: {  	(v2sf) =	vpush v12, $0x7;
	_ =	sdelay $0x2  }
0x1a4: {  	(v2sf) =	vpush v12, $0x1  }
0x1a5: {  	(v2sf) =	vpush v12, $0x2;
	_ =	sdelay $0x1  }
0x1a6: {  	(v2sf) =	vpush v12, $0x5;
	_ =	sdelay $0x2  }
0x1a7: {  	(v2sf) =	vpush v12, $0x3  }
0x1a8: {  	(v2sf) =	vpush v12, $0x4;
	_ =	sdelay $0x1  }
0x1a9: {  	(v2sf) =	vpush v12, $0xC  }
0x1aa: {  	(v2sf) =	vpush v12, $0xD  }
0x1ab: {  	s8 =	spop (v2sf)  }
0x1ac: {  	(v2sf) =	vpush v12, $0x6;
	s1 =	spop (v2sf);
	s7 =	smulhi.u32 $0x51EB851F, s8  }
0x1ad: {  	s8 =	sshra.s32 s8, $0x1F;
	s9 =	smulhi.u32 $0x51EB851F, s1  }
0x1ae: {  	(v2sf) =	vpush v12, $0xE;
	s3 =	sshra.s32 s1, $0x1F;
	s8 =	smul.u32 $0x51EB851F, s8  }
0x1af: {  	s2 =	spop (v2sf);
	s10 =	smul.u32 $0x51EB851F, s3  }
0x1b0: {  	(v2sf) =	vpush v12, $0x8;
	s5 =	spop (v2sf);
	s30 =	smulhi.u32 $0x51EB851F, s2  }
0x1b1: {  	(v2sf) =	vpush v12, $0x9;
	s2 =	sshra.s32 s2, $0x1F;
	s18 =	smulhi.u32 $0x51EB851F, s5  }
0x1b2: {  	s1 =	spop (v2sf);
	s21 =	smul.u32 $0x51EB851F, s2  }
0x1b3: {  	s5 =	sshra.s32 s5, $0x1F;
	s15 =	smulhi.u32 $0x51EB851F, s1  }
0x1b4: {  	(v2sf) =	vpush v12, $0xF;
	s3 =	sshra.s32 s1, $0x1F;
	s17 =	smul.u32 $0x51EB851F, s5  }
0x1b5: {  	(v2sf) =	vpush v12, $0xB;
	s6 =	spop (v2sf);
	s3 =	smul.u32 $0x51EB851F, s3  }
0x1b6: {  	s11 =	spop (v2sf);
	s31 =	smulhi.u32 $0x51EB851F, s6;
	s12 =	sshra.s32 s6, $0x1F  }
0x1b7: {  	s29 =	sshra.s32 s11, $0x1F;
	s5 =	smul.u32 $0x51EB851F, s12  }
0x1b8: {  	(v2sf) =	vpush v12, $0xA;
	s19 =	spop (v2sf);
	s22 =	smul.u32 $0x51EB851F, s29  }
0x1b9: {  	s4 =	spop (v2sf);
	s24 =	sshra.s32 s19, $0x1F;
	s19 =	smulhi.u32 $0x51EB851F, s19  }
0x1ba: {  	s8 =	sadd.s32 s8, s7;
	s21 =	sadd.s32 s21, s30;
	s28 =	smulhi.u32 $0x51EB851F, s4  }
0x1bb: {  	s12 =	sadd.s32 s10, s9;
	s23 =	spop (v2sf);
	s24 =	smul.u32 $0x51EB851F, s24  }
0x1bc: {  	s17 =	sadd.s32 s17, s18;
	s2 =	sshra.s32 s4, $0x1F;
	s13 =	smulhi.u32 $0x51EB851F, s23  }
0x1bd: {  	s9 =	simm.s32 $0x0;
	s26 =	spop (v2sf);
	s4 =	smul.u32 $0x51EB851F, s2  }
0x1be: {  	s10 =	simm.s32 $0xC540;
	s5 =	sadd.s32 s5, s31;
	s29 =	smulhi.u32 $0x51EB851F, s26  }
0x1bf: {  	s20 =	spop (v2sf);
	s6 =	sadd.s32 s4, s28;
	s4 =	smulhi.u32 $0x51EB851F, s11  }
0x1c0: {  	s0 =	spop (v2sf);
	s2 =	sshra.s32 s20, $0x1F;
	s20 =	smulhi.u32 $0x51EB851F, s20  }
0x1c1: {  	s31 =	simm.s32 $0x10;
	s18 =	smulhi.u32 $0x51EB851F, s0;
	s0 =	sshra.s32 s0, $0x1F  }
0x1c2: {  	[dreg:$0xe] =	wrdreg s29;
	s29 =	sadd.s32 s24, s19;
	s11 =	smul.u32 $0x51EB851F, s0  }
0x1c3: {  	s28 =	sadd.s32 s22, s4;
	s4 =	smul.u32 $0x51EB851F, s2;
	s1 =	spop (v2sf)  }
0x1c4: {  	s2 =	sshra.s32 s23, $0x1F;
	s16 =	spop (v2sf);
	s24 =	smulhi.u32 $0x51EB851F, s1  }
0x1c5: {  	s23 =	rddreg [dreg:$0xe];
	s1 =	sshra.s32 s1, $0x1F;
	s25 =	smulhi.u32 $0x51EB851F, s16  }
0x1c6: {  	s19 =	sadd.s32 s11, s18;
	s11 =	sshra.s32 s26, $0x1F;
	s1 =	smul.u32 $0x51EB851F, s1  }
0x1c7: {  	s30 =	spop (v2sf);
	s18 =	smul.u32 $0x51EB851F, s11;
	s11 =	sadd.s32 s4, s20  }
0x1c8: {  	s4 =	sshra.s32 s5, $0x6;
	s7 =	smulhi.u32 $0x51EB851F, s30;
	s0 =	sshra.s32 s30, $0x1F  }
0x1c9: {  	s22 =	sadd.s32 s1, s24;
	s24 =	sshra.s32 s12, $0x1F;
	s0 =	smul.u32 $0x51EB851F, s0  }
0x1ca: {  	s20 =	sshra.s32 s21, $0x6;
	s30 =	sshrl.u32 s5, $0x1F;
	v13 =	vmov s24;
	s24 =	sshra.s32 s8, $0x6  }
0x1cb: {  	s26 =	sadd.s32 s18, s23;
	s23 =	sadd.s32 s0, s7;
	v13 =	vsel vm15, s24, v13;
	s24 =	sshra.s32 s5, $0x1F  }
0x1cc: {  	s7 =	sshra.s32 s8, $0x1F;
	s5 =	sshra.s32 s16, $0x1F;
	s16 =	sshrl.u32 s8, $0x1F  }
0x1cd: {  	vm6 =	vcmask $0x2B28;
	s1 =	simm.s32 $0xBD50;
	s18 =	sshra.s32 s6, $0x6;
	s6 =	sshrl.u32 s6, $0x1F;
	v13 =	vsel vm13, s7, v13;
	v14 =	vmov s16  }
0x1ce: {  	vm4 =	vmmov vm8;
	s0 =	sshra.s32 s17, $0x6;
	s7 =	sshrl.u32 s21, $0x1F;
	s21 =	sshra.s32 s21, $0x1F;
	v13 =	vsel vm1, s20, v13;
	v14 =	vnsel vm15, $0x0, v14  }
0x1cf: {  	vm7 =	vcmask $0x3330;
	s5 =	smul.u32 $0x51EB851F, s5;
	v13 =	vsel vm14, s21, v13;
	s21 =	sshra.s32 s17, $0x1F;
	v14 =	vsel vm1, s7, v14;
	s17 =	sshrl.u32 s17, $0x1F  }
0x1d0: {  	vm8 =	vmmov vm12;
	s16 =	simm.s32 $0xC550;
	s20 =	sadd.s32 s3, s15;
	s7 =	sshrl.u32 s29, $0x1F;
	v13 =	vsel vm2, s0, v13;
	v14 =	vsel vm2, s17, v14  }
0x1d1: {  	s8 =	sadd.s32 s5, s25;
	s25 =	sshra.s32 s29, $0x6;
	s29 =	sshrl.u32 s28, $0x1F;
	v15 =	vmov s7;
	v16 =	vsel vm11, s21, v13;
	v14 =	vsel vm3, s30, v14  }
0x1d2: {  	s15 =	sshra.s32 s28, $0x6;
	s5 =	sshra.s32 s19, $0x6;
	v13 =	vsel vm1, s6, v15;
	s30 =	sshrl.u32 s20, $0x1F;
	v15 =	vsel vm3, s4, v16;
	v14 =	vsel vm5, s29, v14  }
0x1d3: {  	s17 =	sshra.s32 s28, $0x1F;
	s7 =	sshra.s32 s26, $0x6;
	s21 =	sshra.s32 s11, $0x6;
	v16 =	vmov s25;
	v15 =	vsel vm12, s24, v15;
	v14 =	vsel vm6, s30, v14  }
0x1d4: {  	s11 =	sshrl.u32 s11, $0x1F;
	s6 =	sshrl.u32 s8, $0x1F;
	s4 =	sshrl.u32 s22, $0x1F;
	v16 =	vsel vm1, s18, v16;
	vm12 =	vmmov vm11;
	v15 =	vsel vm5, s15, v15  }
.LBB2_40:
0x1d5: {  	v17 =	vmov s11;
	v18 =	vmov s21  }
0x1d6: {  	s24 =	sshrl.u32 s26, $0x1F;
	v16 =	vsel vm2, s7, v16;
	s26 =	sshra.s32 s22, $0x6;
	v15 =	vsel vm4, s17, v15;
	s29 =	sshra.s32 s20, $0x6;
	vm10 =	vcmask $0x2F2C  }
0x1d7: {  	s25 =	smul.u32 $0x51EB851F, s2;
	s18 =	sshra.s32 s23, $0x6;
	s30 =	sshrl.u32 s19, $0x1F;
	v18 =	vsel vm1, s5, v18;
	v16 =	vsel vm3, s26, v16;
	v15 =	vsel vm6, s29, v15  }
0x1d8: {  	s0 =	sshra.s32 s20, $0x1F;
	s2 =	sshrl.u32 s23, $0x1F;
	v17 =	vsel vm1, s30, v17;
	v13 =	vsel vm2, s24, v13;
	v18 =	vsel vm2, s18, v18  }
0x1d9: {  	s28 =	sshra.s32 s8, $0x6;
	s3 =	sadd.s32 s25, s13;
	v15 =	vsel vm10, s0, v15;
	v17 =	vsel vm2, s2, v17;
	v13 =	vsel vm3, s4, v13  }
0x1da: {  	vm10 =	vcmask $0x3734;
	v18 =	vsel vm3, s28, v18;
	s7 =	sshra.s32 s3, $0x6;
	s8 =	sshra.s32 s3, $0x1F;
	v17 =	vsel vm3, s6, v17;
	s3 =	sshrl.u32 s3, $0x1F  }
0x1db: {  	s15 =	sshrl.u32 s12, $0x1F;
	v15 =	vsel vm7, s7, v15;
	v13 =	vcombine.low v17, v13;
	v14 =	vsel vm7, s3, v14  }
0x1dc: {  	s13 =	sshra.s32 s12, $0x6;
	v16 =	vcombine.low v18, v16;
	v15 =	vsel vm10, s8, v15;
	v14 =	vsel vm0, s15, v14  }
0x1dd: {  	v15 =	vsel vm0, s13, v15;
	v13 =	vperm.xlane v13, v6;
	v14 =	vperm.xlane v14, v7  }
0x1de: {  	v16 =	vperm.xlane v16, v6;
	v15 =	vperm.xlane v15, v7;
	_ =	sdelay $0x1  }
0x1df: {  	v13 =	vsel vm9, v14, v13;
	v14 =	vsel vm9, v15, v16  }
0x1e0: {  	v13 =	vadd.s32 v13, v14  }
0x1e1: {  	v14 =	vmul.u32 $0xFFFFFF38, v13  }
0x1e2: {  	v15 =	vsub.s32 $0x0, v12  }
0x1e3: {  	vm10 =	vlt.s32 v12, $0x1;
	vm11 =	vne.s32 v14, v15  }
0x1e4: {  	v14 =	vor.u32 s9, v0;
	vm10 =	vmand vm10, vm11  }
0x1e5: {  	v16 =	vadd.s32 s9, v8;
	v15 =	vsel vm10, $0xFFFFFFFF, v1  }
0x1e6: {  	v13 =	vadd.s32 v15, v13;
	v15 =	vadd.s32 s9, v9  }
0x1e7: {  	v17 =	vadd.s32 s9, v10;
	v13 =	vadd.s32 $0x1, v13  }
0x1e8: {  	v12 =	vshll.u32 v12, $0x2;
	[tilespmem:s10+$0x0] =	vst v13  }
0x1e9: {  	v13 =	vor.u32 $0x1, v12;
	[tilespmem:v14+s14+$0x0] =	vst.idx.msk $0xffff, v12  }
0x1ea: {  	[tilespmem:v16+s14+$0x0] =	vst.idx.msk $0xffff, v13;
	v13 =	vor.u32 $0x2, v12  }
0x1eb: {  	v12 =	vor.u32 $0x3, v12;
	[tilespmem:v15+s14+$0x0] =	vst.idx.msk $0xffff, v13  }
0x1ec: {  	[tilespmem:v17+s14+$0x0] =	vst.idx.msk $0xffff, v12  }
0x1ed: {  	v12 =	vld [tilespmem:s1+$0x0];
	_ =	sdelay $0x4  }
0x1ee: {  	(v2sf) =	vpush v12, $0x0  }
0x1ef: {  	(v2sf) =	vpush v12, $0x7;
	_ =	sdelay $0x2  }
0x1f0: {  	(v2sf) =	vpush v12, $0x1  }
0x1f1: {  	(v2sf) =	vpush v12, $0x2;
	_ =	sdelay $0x1  }
0x1f2: {  	(v2sf) =	vpush v12, $0x5;
	_ =	sdelay $0x1  }
0x1f3: {  	(v2sf) =	vpush v12, $0x3  }
0x1f4: {  	(v2sf) =	vpush v12, $0x4;
	_ =	sdelay $0x1  }
0x1f5: {  	(v2sf) =	vpush v12, $0xC;
	_ =	sdelay $0x1  }
0x1f6: {  	s17 =	smov.u32 s16;
	(v2sf) =	vpush v12, $0xD  }
0x1f7: {  	[dreg:$0x6] =	wrdreg s17;
	s18 =	spop (v2sf)  }
0x1f8: {  	s11 =	smov.u32 s31;
	(v2sf) =	vpush v12, $0x6;
	s4 =	smulhi.u32 $0x51EB851F, s18;
	s19 =	spop (v2sf)  }
0x1f9: {  	s0 =	smov.u32 s11;
	s17 =	sshra.s32 s18, $0x1F;
	s3 =	smulhi.u32 $0x51EB851F, s19  }
0x1fa: {  	[dreg:$0x5] =	wrdreg s0;
	(v2sf) =	vpush v12, $0xE;
	s20 =	sshra.s32 s19, $0x1F;
	s17 =	smul.u32 $0x51EB851F, s17  }
0x1fb: {  	p0 =	sne.s32 s31, $0x60;
	s21 =	spop (v2sf);
	s2 =	smul.u32 $0x51EB851F, s20  }
0x1fc: {  	s14 =	sadd.s32 $0x10, s1;
	(v2sf) =	vpush v12, $0x8;
	s25 =	spop (v2sf);
	s5 =	smulhi.u32 $0x51EB851F, s21  }
0x1fd: {  	[dreg:$0x4] =	wrdreg s14;
	(v2sf) =	vpush v12, $0x9;
	s22 =	sshra.s32 s21, $0x1F;
	s7 =	smulhi.u32 $0x51EB851F, s25  }
0x1fe: {  	s31 =	sadd.s32 $0x10, s31;
	s30 =	spop (v2sf);
	s6 =	smul.u32 $0x51EB851F, s22  }
0x1ff: {  	s26 =	sshra.s32 s25, $0x1F;
	s4 =	sadd.s32 s17, s4;
	s9 =	smulhi.u32 $0x51EB851F, s30  }
0x200: {  	s11 =	sshra.s32 s30, $0x1F;
	s10 =	spop (v2sf);
	s8 =	smul.u32 $0x51EB851F, s26  }
0x201: {  	s24 =	sshra.s32 s10, $0x1F;
	s12 =	smul.u32 $0x51EB851F, s11;
	s19 =	spop (v2sf)  }
0x202: {  	(v2sf) =	vpush v12, $0xF;
	s0 =	sadd.s32 s2, s3;
	[dreg:$0x7] =	wrdreg s9;
	s24 =	smul.u32 $0x51EB851F, s24  }
0x203: {  	(v2sf) =	vpush v12, $0xB;
	s13 =	sshra.s32 s19, $0x1F;
	s28 =	spop (v2sf);
	s19 =	smulhi.u32 $0x51EB851F, s19  }
0x204: {  	s23 =	sshra.s32 s0, $0x1F;
	[dreg:$0x8] =	wrdreg s12;
	s12 =	smulhi.u32 $0x51EB851F, s10  }
0x205: {  	s22 =	sadd.s32 s6, s5;
	s20 =	spop (v2sf);
	s18 =	smulhi.u32 $0x51EB851F, s28  }
0x206: {  	(v2sf) =	vpush v12, $0xA;
	s15 =	sshra.s32 s28, $0x1F;
	s28 =	sadd.s32 s8, s7;
	s3 =	smulhi.u32 $0x51EB851F, s20  }
0x207: {  	s25 =	spop (v2sf);
	s29 =	sshra.s32 s20, $0x1F;
	s15 =	smul.u32 $0x51EB851F, s15  }
0x208: {  	v14 =	vmov s23;
	s20 =	sadd.s32 $0x10, s16;
	s16 =	smul.u32 $0x51EB851F, s13;
	s23 =	sshrl.u32 s28, $0x1F  }
0x209: {  	s21 =	smulhi.u32 $0x51EB851F, s25;
	s9 =	spop (v2sf);
	s30 =	sshra.s32 s25, $0x1F  }
0x20a: {  	s13 =	smul.u32 $0x51EB851F, s29;
	[dreg:$0x9] =	wrdreg s30;
	s5 =	sshra.s32 s9, $0x1F  }
0x20b: {  	s26 =	spop (v2sf);
	s8 =	sadd.s32 s15, s18;
	s9 =	smulhi.u32 $0x51EB851F, s9  }
0x20c: {  	s16 =	sadd.s32 s16, s19;
	s14 =	sshra.s32 s26, $0x1F;
	s11 =	spop (v2sf)  }
0x20d: {  	s10 =	sadd.s32 s13, s3;
	s3 =	sadd.s32 s24, s12;
	s12 =	sshra.s32 s28, $0x1F  }
0x20e: {  	s5 =	smul.u32 $0x51EB851F, s5;
	s25 =	sshra.s32 s11, $0x1F;
	s7 =	sshra.s32 s10, $0x6  }
0x20f: {  	s15 =	smulhi.u32 $0x51EB851F, s11;
	s18 =	sshrl.u32 s3, $0x1F;
	s24 =	sshra.s32 s3, $0x6  }
0x210: {  	s10 =	sshrl.u32 s10, $0x1F;
	s11 =	sshra.s32 s3, $0x1F;
	s14 =	smul.u32 $0x51EB851F, s14  }
0x211: {  	s17 =	smul.u32 $0x51EB851F, s25;
	s25 =	sshrl.u32 s4, $0x1F;
	s30 =	spop (v2sf)  }
0x212: {  	v13 =	vmov s25;
	s25 =	sshrl.u32 s22, $0x1F;
	s29 =	sshra.s32 s30, $0x1F;
	s2 =	spop (v2sf)  }
0x213: {  	s3 =	smulhi.u32 $0x51EB851F, s30;
	s30 =	sshrl.u32 s8, $0x1F;
	s19 =	sadd.s32 s17, s15  }
0x214: {  	s17 =	sshra.s32 s4, $0x6;
	s4 =	sshra.s32 s4, $0x1F;
	s15 =	sshra.s32 s16, $0x6  }
0x215: {  	v13 =	vnsel vm15, $0x0, v13;
	s8 =	sshra.s32 s8, $0x6;
	s6 =	smulhi.u32 $0x51EB851F, s2;
	s1 =	spop (v2sf)  }
0x216: {  	s2 =	sshra.s32 s2, $0x1F;
	s29 =	smul.u32 $0x51EB851F, s29;
	v15 =	vsel vm1, s25, v13;
	s25 =	sshra.s32 s22, $0x6  }
0x217: {  	v13 =	vsel vm15, s17, v14;
	s17 =	sshra.s32 s16, $0x1F;
	v14 =	vmov s30;
	s30 =	sshra.s32 s22, $0x1F;
	s2 =	smul.u32 $0x51EB851F, s2  }
0x218: {  	s13 =	sshra.s32 s1, $0x1F;
	s1 =	smulhi.u32 $0x51EB851F, s1;
	v13 =	vsel vm13, s4, v13;
	s22 =	sadd.s32 s29, s3  }
0x219: {  	v16 =	vsel vm1, s25, v13;
	v13 =	vsel vm1, s10, v14;
	s25 =	smulhi.u32 $0x51EB851F, s26;
	s29 =	sshra.s32 s28, $0x6;
	s10 =	rddreg [dreg:$0x6]  }
0x21a: {  	s26 =	sadd.s32 s5, s9;
	s5 =	sshra.s32 s19, $0x6;
	s9 =	rddreg [dreg:$0x5]  }
0x21b: {  	s28 =	rddreg [dreg:$0x7];
	v14 =	vsel vm14, s30, v16;
	s4 =	sshrl.u32 s22, $0x1F;
	s30 =	smul.u32 $0x51EB851F, s13  }
0x21c: {  	s13 =	smov.u32 s21;
	v16 =	vmov s8;
	s8 =	sadd.s32 s2, s6;
	s2 =	rddreg [dreg:$0x9]  }
.Ltmp29:
0x21d: {  	v14 =	vsel vm2, s29, v14;
	s3 =	sadd.s32 s14, s25;
	s14 =	simm.s32 $0xC000;
	(pc) =	sbr.rel @p0 .LBB2_40-.Ltmp29, $4  }
0x21e: {  	v15 =	vsel vm2, s23, v15;
	s25 =	sshrl.u32 s16, $0x1F;
	s16 =	smov.u32 s20;
	s29 =	rddreg [dreg:$0x8];
	v14 =	vsel vm12, s12, v14  }
0x21f: {  	v15 =	vsel vm3, s18, v15;
	s6 =	sshrl.u32 s8, $0x1F;
	v16 =	vsel vm1, s7, v16;
	s7 =	sshra.s32 s26, $0x6;
	s20 =	sadd.s32 s29, s28;
	v14 =	vsel vm3, s24, v14  }
0x220: {  	s12 =	smov.u32 s0;
	s23 =	sadd.s32 s30, s1;
	v15 =	vsel vm5, s25, v15;
	s30 =	sshrl.u32 s20, $0x1F;
	v17 =	vsel vm8, s11, v14  }
0x221: {  	s21 =	sshra.s32 s3, $0x6;
	s1 =	rddreg [dreg:$0x4];
	s11 =	sshrl.u32 s3, $0x1F;
	v14 =	vsel vm6, s30, v15;
	v15 =	vsel vm5, s15, v17  }
0x222: {  	v17 =	vmov s11;
	v18 =	vmov s21  }
0x223: {  	v16 =	vsel vm2, s7, v16;
	s1 =	sshra.s32 s22, $0x6;
	v15 =	vsel vm4, s17, v15;
	s3 =	sshrl.u32 s19, $0x1F;
	s7 =	sshrl.u32 s26, $0x1F;
	v18 =	vsel vm1, s5, v18  }
0x224: {  	s0 =	smul.u32 $0x51EB851F, s2;
	s31 =	sshra.s32 s23, $0x6;
	v16 =	vsel vm3, s1, v16;
	s5 =	sshra.s32 s20, $0x6;
	v17 =	vsel vm1, s3, v17;
	v13 =	vsel vm2, s7, v13  }
0x225: {  	s8 =	sshra.s32 s8, $0x6;
	s11 =	sshrl.u32 s23, $0x1F;
	vm1 =	vcmask $0x2F2C;
	v18 =	vsel vm2, s31, v18;
	v15 =	vsel vm6, s5, v15  }
0x226: {  	s15 =	sshra.s32 s20, $0x1F;
	s0 =	sadd.s32 s0, s13;
	v17 =	vsel vm2, s11, v17;
	v13 =	vsel vm3, s4, v13;
	v18 =	vsel vm3, s8, v18  }
0x227: {  	v15 =	vsel vm1, s15, v15;
	s16 =	sshra.s32 s0, $0x6;
	v17 =	vsel vm3, s6, v17;
	s17 =	sshrl.u32 s0, $0x1F;
	vm1 =	vcmask $0x3734  }
0x228: {  	s18 =	sshrl.u32 s12, $0x1F;
	s0 =	sshra.s32 s0, $0x1F;
	v15 =	vsel vm7, s16, v15;
	v13 =	vcombine.low v17, v13;
	v14 =	vsel vm7, s17, v14  }
0x229: {  	s19 =	sshra.s32 s12, $0x6;
	v16 =	vcombine.low v18, v16;
	v15 =	vsel vm1, s0, v15;
	v14 =	vsel vm0, s18, v14  }
0x22a: {  	v15 =	vsel vm0, s19, v15;
	v13 =	vperm.xlane v13, v6;
	v14 =	vperm.xlane v14, v7  }
0x22b: {  	v16 =	vperm.xlane v16, v6;
	v15 =	vperm.xlane v15, v7;
	_ =	sdelay $0x1  }
0x22c: {  	v13 =	vsel vm9, v14, v13;
	v14 =	vsel vm9, v15, v16  }
0x22d: {  	v13 =	vadd.s32 v13, v14  }
0x22e: {  	v14 =	vmul.u32 $0xFFFFFF38, v13  }
0x22f: {  	v15 =	vsub.s32 $0x0, v12  }
0x230: {  	vm10 =	vlt.s32 v12, $0x1;
	vm11 =	vne.s32 v14, v15  }
0x231: {  	v14 =	vor.u32 s9, v0;
	vm10 =	vmand vm10, vm11  }
0x232: {  	v62 =	vadd.s32 s9, v8;
	v15 =	vsel vm10, $0xFFFFFFFF, v1  }
0x233: {  	v13 =	vadd.s32 v15, v13;
	v15 =	vadd.s32 s9, v9  }
0x234: {  	v63 =	vadd.s32 s9, v10;
	v13 =	vadd.s32 $0x1, v13  }
0x235: {  	v12 =	vshll.u32 v12, $0x2;
	[tilespmem:s10+$0x0] =	vst v13  }
0x236: {  	v13 =	vor.u32 $0x1, v12;
	[tilespmem:v14+s14+$0x0] =	vst.idx.msk $0xffff, v12  }
0x237: {  	[tilespmem:v62+s14+$0x0] =	vst.idx.msk $0xffff, v13;
	v13 =	vor.u32 $0x2, v12  }
0x238: {  	v12 =	vor.u32 $0x3, v12;
	[tilespmem:v15+s14+$0x0] =	vst.idx.msk $0xffff, v13  }
0x239: {  	s21 =	simm.s32 $0x70;
	s22 =	simm.s32 $0xBE40;
	s20 =	rddreg [dreg:$0xb];
	[tilespmem:v63+s14+$0x0] =	vst.idx.msk $0xffff, v12  }
0x23a: {  	[tilespmem:s22], [sflag:$0x1] =	stream.indirect.gather [hbm4b:s20+s21], $0x1, s14, s21, $0xb8;
	[tilespmem:$0xC5B0] =	vst v63  }
0x23b: {  	s23 =	simm.s32 $0xC070;
	s24 =	simm.s32 $0xBEB0  }
0x23c: {  	[tilespmem:s24], [sflag:$0x1] =	stream.indirect.gather [hbm4b:s20+s21], $0x1, s23, s21, $0xb8;
	[tilespmem:$0xC5B0] =	vst v63  }
0x23d: {  	s25 =	simm.s32 $0xC0E0;
	s0 =	simm.s32 $0xBF20  }
0x23e: {  	[tilespmem:s0], [sflag:$0x1] =	stream.indirect.gather [hbm4b:s20+s21], $0x1, s25, s21, $0xb8;
	[tilespmem:$0xC5B0] =	vst v63  }
0x23f: {  	s26 =	simm.s32 $0xC150;
	s28 =	simm.s32 $0xBF90;
	s29 =	simm.s32 $0x1  }
0x240: {  	[tilespmem:s28], [sflag:$0x1] =	stream.indirect.gather [hbm4b:s20+s21], $0x1, s26, s21, $0xb8;
	[tilespmem:$0xC5B0] =	vst v63  }
0x241: {  	_ =	swait.ge [sflag:s29], $0x70  }
0x242: {  	[sflag:s29] =	ssyncset.done $0x0  }
0x243: {  	[sflag:s29] =	ssyncadd.s32 $0xFFFFFF90  }
0x244: {  	_ =	swait.ge [sflag:s29], $0x70  }
0x245: {  	[sflag:s29] =	ssyncset.done $0x0  }
0x246: {  	[sflag:s29] =	ssyncadd.s32 $0xFFFFFF90  }
0x247: {  	_ =	swait.ge [sflag:s29], $0x70  }
0x248: {  	[sflag:s29] =	ssyncset.done $0x0  }
0x249: {  	[sflag:s29] =	ssyncadd.s32 $0xFFFFFF90  }
0x24a: {  	s30 =	simm.s32 $0x0;
	_ =	swait.ge [sflag:s29], $0x70  }
0x24b: {  	v12 =	vmov s30;
	[sflag:s29] =	ssyncset.done $0x0  }
0x24c: {  	v12 =	vshll.u32 v12, $0x3;
	[sflag:s29] =	ssyncadd.s32 $0xFFFFFF90  }
0x24d: {  	v14 =	vor.u32 v11, v12;
	v13 =	vld [tilespmem:s0+$0xFFFFFF20];
	_ =	sdelay $0x3  }
0x24e: {  	s3 =	simm.s32 $0xC1C0  }
0x24f: {  	[tilespmem:v14+s3+$0x0] =	vst.idx.msk $0xffff, v13  }
0x250: {  	v13 =	vor.u32 $0x1, v14;
	v12 =	vld [tilespmem:s0+$0xFFFFFF90];
	_ =	sdelay $0x4  }
0x251: {  	[tilespmem:v13+s3+$0x0] =	vst.idx.msk $0xffff, v12  }
0x252: {  	v13 =	vor.u32 $0x2, v14;
	v12 =	vld [tilespmem:s0+$0x0];
	_ =	sdelay $0x4  }
0x253: {  	[tilespmem:v13+s3+$0x0] =	vst.idx.msk $0xffff, v12  }
0x254: {  	v13 =	vor.u32 $0x3, v14;
	v12 =	vld [tilespmem:s0+$0x70];
	_ =	sdelay $0x4  }
0x255: {  	s1 =	simm.s32 $0xBDC0;
	[tilespmem:v13+s3+$0x0] =	vst.idx.msk $0xffff, v12  }
0x256: {  	v13 =	vor.u32 $0x4, v14;
	v12 =	vld [tilespmem:s1+$0x0];
	_ =	sdelay $0x2  }
0x257: {  	vm12 =	vmmov vm4;
	vm8 =	vmmov vm2;
	vm4 =	vmmov vm3;
	s31 =	simm.s32 $0x10  }
0x258: {  	s2 =	simm.s32 $0x20;
	vm7 =	vmmov vm0;
	vm10 =	vmmov vm12;
	v14 =	vmov s31  }
.LBB2_42:
0x259: {  	p0 =	sne.s32 s2, $0x60;
	v14 =	vshll.u32 v14, $0x3;
	[tilespmem:v13+s3+$0x0] =	vst.idx.msk $0xffff, v12;
	s0 =	sadd.s32 $0x10, s0  }
0x25a: {  	v12 =	vld [tilespmem:s0+$0xFFFFFF20];
	v13 =	vor.u32 v11, v14;
	_ =	sdelay $0x4  }
0x25b: {  	[tilespmem:v13+s3+$0x0] =	vst.idx.msk $0xffff, v12  }
0x25c: {  	v14 =	vor.u32 $0x1, v13;
	v12 =	vld [tilespmem:s0+$0xFFFFFF90];
	_ =	sdelay $0x4  }
0x25d: {  	[tilespmem:v14+s3+$0x0] =	vst.idx.msk $0xffff, v12  }
0x25e: {  	v14 =	vor.u32 $0x2, v13;
	v12 =	vld [tilespmem:s0+$0x0];
	_ =	sdelay $0x4  }
0x25f: {  	[tilespmem:v14+s3+$0x0] =	vst.idx.msk $0xffff, v12  }
0x260: {  	v14 =	vor.u32 $0x3, v13;
	v12 =	vld [tilespmem:s0+$0x70];
	_ =	sdelay $0x4  }
0x261: {  	s1 =	sadd.s32 $0x10, s1;
	[tilespmem:v14+s3+$0x0] =	vst.idx.msk $0xffff, v12  }
.Ltmp30:
0x262: {  	v13 =	vor.u32 $0x4, v13;
	v12 =	vld [tilespmem:s1+$0x0];
	(pc) =	sbr.rel @p0 .LBB2_42-.Ltmp30, $2  }
0x263: {  	_ =	sdelay $0x2  }
0x264: {  	v14 =	vmov s2;
	s2 =	sadd.s32 $0x10, s2  }
0x265: {  	_ =	sdelay $0x3  }
0x266: {  	v14 =	vshll.u32 v14, $0x3;
	[tilespmem:v13+s3+$0x0] =	vst.idx.msk $0xffff, v12;
	s0 =	sadd.s32 $0x10, s0  }
0x267: {  	v12 =	vld [tilespmem:s0+$0xFFFFFF20];
	v60 =	vor.u32 v11, v14;
	_ =	sdelay $0x4  }
0x268: {  	[tilespmem:v60+s3+$0x0] =	vst.idx.msk $0xffff, v12  }
0x269: {  	v14 =	vor.u32 $0x1, v60;
	v12 =	vld [tilespmem:s0+$0xFFFFFF90];
	_ =	sdelay $0x4  }
0x26a: {  	[tilespmem:v14+s3+$0x0] =	vst.idx.msk $0xffff, v12  }
0x26b: {  	v61 =	vor.u32 $0x2, v60;
	v12 =	vld [tilespmem:s0+$0x0];
	_ =	sdelay $0x4  }
0x26c: {  	[tilespmem:v61+s3+$0x0] =	vst.idx.msk $0xffff, v12  }
0x26d: {  	v62 =	vor.u32 $0x3, v60;
	v12 =	vld [tilespmem:s0+$0x70];
	_ =	sdelay $0x4  }
0x26e: {  	s25 =	sadd.s32 $0x10, s1;
	[tilespmem:v62+s3+$0x0] =	vst.idx.msk $0xffff, v12  }
0x26f: {  	v13 =	vor.u32 $0x4, v60;
	v12 =	vld [tilespmem:s25+$0x0];
	_ =	sdelay $0x4  }
0x270: {  	s26 =	rddreg [dreg:$0x1];
	s1 =	simm.s32 $0x0;
	s2 =	simm.s32 $0x2;
	[tilespmem:v13+s3+$0x0] =	vst.idx.msk $0xffff, v12  }
0x271: {  	[hbm4b:s26+s1] =	stream.linear.scatter [tilespmem:s3], [sflag:$0x2], $0x320, $0x38;
	[tilespmem:$0xC5B0] =	vst v63  }
0x272: {  	_ =	swait.ge [sflag:s2], $0x320  }
0x273: {  	[sflag:s2] =	ssyncset.done $0x0  }
0x274: {  	[sflag:s2] =	ssyncadd.s32 $0xFFFFFCE0  }
0x275: {  	s29 =	simm.s32 $0xC540;
	s28 =	rddreg [dreg:$0x2]  }
0x276: {  	[hbm4b:s28+s1] =	stream.linear.scatter [tilespmem:s29], [sflag:$0x2], $0x64, $0x38;
	[tilespmem:$0xC5B0] =	vst v63  }
0x277: {  	_ =	swait.ge [sflag:s2], $0x64  }
0x278: {  	s30 =	rddreg [dreg:$0xd]  }
0x279: {  	s31 =	rddreg [dreg:$0xc];
	s3 =	sadd.s32 $0x1, s30  }
0x27a: {  	v63 =	vld [tilespmem:$0x1FFF0];
	p0 =	sne.s32 s3, s31  }
.Ltmp31:
0x27b: {  	_ = 	snop;
	(pc) =	sbr.rel @p0 .LBB2_2-.Ltmp31, $4  }
.Ltmp32:
0x27c: {  	vm11 =	vcmask $0x1714;
	(pc) =	sbr.rel @!p0 .LBB2_44-.Ltmp32, $4  }
0x27d: {  	s5 =	simm.s32 $0x3E80;
	s6 =	simm.s32 $0x7D10;
	s9 =	simm.s32 $0x40000000;
	vm12 =	vcmask $0x1F1C;
	vm5 =	vcmask $0x2320;
	vm0 =	vmmov vm7  }
0x27e: {  	s10 =	simm.s32 $0xBC20;
	s11 =	simm.s32 $0xBCB0;
	vm13 =	vcmask $0x704;
	vm1 =	vcmask $0xB08;
	vm2 =	vmmov vm8;
	[sflag:s2] =	ssyncset.done $0x0  }
0x27f: {  	s12 =	simm.s32 $0xBBA0;
	s13 =	simm.s32 $0xBD40;
	vm3 =	vmmov vm4;
	vm8 =	vmmov vm10;
	[sflag:s2] =	ssyncadd.s32 $0xFFFFFF9C;
	vm6 =	vnez.u8 v63  }
0x280: {  	_ = 	snop  }
.LBB2_22:
.Ltmp33:
0x281: {  	(pc) =	sbr.rel .LBB2_26-.Ltmp33, $2  }
0x282: {  	_ =	sdelay $0x2  }
0x283: {  	s4 =	simm.s32 $0x0;
	s3 =	simm.s32 $0x0;
	s0 =	simm.s32 $0x7D10  }
.LBB2_24:
.Ltmp34:
0x284: {  	(pc) =	sbr.rel .LBB2_26-.Ltmp34, $2  }
0x285: {  	_ =	sdelay $0x2  }
0x286: {  	s4 =	simm.s32 $0x0;
	s3 =	simm.s32 $0x0;
	s0 =	simm.s32 $0x7D10  }
.LBB2_44:
0x287: {  	_ =	sfence.sel $0x180000  }
0x288: {  	[bflag:$0x0] =	sbarrier.arrive $0xFFFF  }
0x289: {  	_ =	strace $0x9000004A  }
0x28a: {  	s0 =	stileid.u32;
	[bflag:$0x2] =	sbarrier.arrive $0xFFFF  }
0x28b: {  	p0 =	sne.s32 s0, $0x0;
	s0 =	rddreg [dreg:$0x3]  }
0x28c: {  	s0 =	sadd.s32 @!p0 $0x100000, s0  }
0x28d: {  	[sflag:s0] =	ssyncadd.tile.s32 @!p0 $0x1;
	_ =	shalt  }
.Lfunc_end2:
_tile_overlayer_lowered:
.L_overlay_start_2:
0x28e: {  	(tag) =	ssettag $0x2  }
0x28f: {  	s0 =	rddreg [dreg:$0x0];
	s2 =	stileid.u32  }
0x290: {  	s1 =	rddreg [dreg:$0x1];
	p0 =	sne.s32 s2, $0x0  }
0x291: {  	s3 =	rddreg [dreg:$0x2];
	[bflag:$0x3] =	sbarrier.arrive $0xFFFF;
	s2 =	simm.s32 @!p0 $0x1C02  }
0x292: {  	[timem:s3], [sflag:s2] =	dma.local @!p0 [hbm:s0], s1  }
0x293: {  	s0 =	simm.s32 @!p0 $0x2  }
0x294: {  	_ =	swait.ge @!p0 [sflag:s0], s1  }
0x295: {  	s1 =	ssub.s32 @!p0 $0x0, s1;
	[sflag:s0] =	ssyncset.done @!p0 $0x0  }
0x296: {  	[sflag:s0] =	ssyncadd.s32 @!p0 s1  }
0x297: {  	[bflag:$0x3] =	sbarrier.arrive $0xFFFF  }
0x298: {  	_ =	shalt  }

</sc_bundles>
